<compile_context>
chip_gen: v7x
topology: tpu7x:2x2x1
jax: 0.10.2.dev20260603
libtpu: 0.0.44.dev20260713+nightly
codegen_flags: <defaults>
</compile_context>

<pallas_src>
import jax
import jax.numpy as jnp
from jax import lax
from jax.experimental import pallas as pl
from jax.experimental.pallas import tpu as pltpu
from jax.experimental.pallas import tpu_sc as plsc

N = 10000
DIN = 128
DH = 256
DOUT = 128
E0 = 320000

NC = 2
NS = 16
CHUNK = 128
ROWS_PER_TILE = 640
NPAD = NS * ROWS_PER_TILE
EPAD = 32768 * 10
BR = 2048


def _mesh():
    return plsc.VectorSubcoreMesh(core_axis_name="c", subcore_axis_name="s")


def _make_agg(split_edges: bool, idx_blk: int = 40):
    per_core = EPAD // 2 if split_edges else EPAD
    per_tile = per_core // NS
    n_chunks = per_tile // CHUNK
    n_outer = n_chunks // idx_blk
    estarts = (0, EPAD // 2) if split_edges else (0, 0)

    def body(t0, t1, src, dst, i0, i1, out, sidx, didx, bufa, bufb, acc,
             sema, semb, ssa, ssb):
        cid = lax.axis_index("c")
        sid = lax.axis_index("s")

        def work(table, init, estart, core):
            cb = estart // CHUNK + sid * n_chunks
            r0 = sid * ROWS_PER_TILE
            pltpu.sync_copy(init.at[pl.ds(r0, ROWS_PER_TILE)],
                            acc.at[pl.ds(r0, ROWS_PER_TILE)])
            plsc.subcore_barrier()

            for h in range(n_outer):
                pltpu.sync_copy(src.at[pl.ds(cb + h * idx_blk, idx_blk)], sidx)
                pltpu.sync_copy(dst.at[pl.ds(cb + h * idx_blk, idx_blk)], didx)
                pltpu.async_copy(table.at[sidx.at[0]], bufa, sema)

                @pl.loop(0, idx_blk, step=2)
                def _(j):
                    pltpu.make_async_copy(
                        table.at[sidx.at[j]], bufa, sema).wait()
                    pltpu.async_copy(bufa, acc.at[didx.at[j]], ssa, add=True)
                    pltpu.async_copy(table.at[sidx.at[j + 1]], bufb, semb)
                    pltpu.make_async_copy(
                        table.at[sidx.at[j + 1]], bufb, semb).wait()
                    pltpu.async_copy(bufb, acc.at[didx.at[j + 1]], ssb,
                                     add=True)
                    pltpu.make_async_copy(
                        bufa, acc.at[didx.at[j]], ssa).wait()

                    @pl.when(j + 2 < idx_blk)
                    def _():
                        pltpu.async_copy(table.at[sidx.at[j + 2]], bufa, sema)

                    pltpu.make_async_copy(
                        bufb, acc.at[didx.at[j + 1]], ssb).wait()

            plsc.subcore_barrier()
            pltpu.sync_copy(acc.at[pl.ds(r0, ROWS_PER_TILE)],
                            out.at[core, pl.ds(r0, ROWS_PER_TILE)])

        @pl.when(cid == 0)
        def _():
            work(t0, i0, estarts[0], 0)

        @pl.when(cid == 1)
        def _():
            work(t1, i1, estarts[1], 1)

    return pl.kernel(
        body,
        jax.ShapeDtypeStruct((2, NPAD, DIN), jnp.float32),
        mesh=_mesh(),
        scratch_types=[
            pltpu.VMEM((idx_blk, CHUNK), jnp.int32),
            pltpu.VMEM((idx_blk, CHUNK), jnp.int32),
            pltpu.VMEM((CHUNK, DIN), jnp.float32),
            pltpu.VMEM((CHUNK, DIN), jnp.float32),
            pltpu.VMEM_SHARED((NPAD, DIN), jnp.float32),
            pltpu.SemaphoreType.DMA,
            pltpu.SemaphoreType.DMA,
            pltpu.SemaphoreType.DMA,
            pltpu.SemaphoreType.DMA,
        ],
    )


def _make_deg(width: int = DIN):
    per_tile = (EPAD // 2) // NS
    n_chunks = per_tile // CHUNK

    def body(dst, ones, zinit, out, didx, onesbuf, acc, sem):
        cid = lax.axis_index("c")
        sid = lax.axis_index("s")

        def work(estart, core):
            cb = estart // CHUNK + sid * n_chunks
            pltpu.sync_copy(dst.at[pl.ds(cb, n_chunks)], didx)
            pltpu.sync_copy(ones, onesbuf)
            r0 = sid * ROWS_PER_TILE
            pltpu.sync_copy(zinit.at[pl.ds(r0, ROWS_PER_TILE)],
                            acc.at[pl.ds(r0, ROWS_PER_TILE)])
            plsc.subcore_barrier()

            @pl.loop(0, n_chunks)
            def _(j):
                pltpu.sync_copy(onesbuf, acc.at[didx.at[j]], add=True)

            plsc.subcore_barrier()
            pltpu.sync_copy(acc.at[pl.ds(r0, ROWS_PER_TILE)],
                            out.at[core, pl.ds(r0, ROWS_PER_TILE)])

        @pl.when(cid == 0)
        def _():
            work(0, 0)

        @pl.when(cid == 1)
        def _():
            work(EPAD // 2, 1)

    return pl.kernel(
        body,
        jax.ShapeDtypeStruct((2, NPAD, width), jnp.float32),
        mesh=_mesh(),
        scratch_types=[
            pltpu.VMEM((n_chunks, CHUNK), jnp.int32),
            pltpu.VMEM((CHUNK, width), jnp.float32),
            pltpu.VMEM_SHARED((NPAD, width), jnp.float32),
            pltpu.SemaphoreType.DMA,
        ],
    )


_agg_split = _make_agg(True)
_agg_full = _make_agg(False)
_deg = _make_deg()



def _blk(r, c):
    return pl.BlockSpec((r, c), lambda i: (i, 0))


def _full(r, c):
    return pl.BlockSpec((r, c), lambda i: (0, 0))


def _tc_a_body(x, w, b, dv, o):
    h = jax.nn.sigmoid(
        jnp.dot(x[...], w[...], preferred_element_type=jnp.float32) + b[...])
    o[...] = h * dv[...]


_tc_a = pl.pallas_call(
    _tc_a_body,
    out_shape=jax.ShapeDtypeStruct((NPAD, DIN), jnp.float32),
    grid=(NPAD // BR,),
    in_specs=[_blk(BR, DIN), _full(DIN, DIN), _full(1, DIN), _blk(BR, 1)],
    out_specs=_blk(BR, DIN),
)


def _tc_b_body(a0, a1, dv, w, b, o):
    t = (a0[...] + a1[...]) * dv[...]
    h = jnp.maximum(
        jnp.dot(t, w[...], preferred_element_type=jnp.float32) + b[...], 0.0)
    o[...] = h * dv[...]


_tc_b = pl.pallas_call(
    _tc_b_body,
    out_shape=jax.ShapeDtypeStruct((NPAD, DH), jnp.float32),
    grid=(NPAD // BR,),
    in_specs=[_blk(BR, DIN), _blk(BR, DIN), _blk(BR, 1),
              _full(DIN, DH), _full(1, DH)],
    out_specs=_blk(BR, DH),
)


def _tc_c_body(a0, a1, dv, w2a, w2b, b2, w3, o):
    t0 = a0[...] * dv[...]
    t1 = a1[...] * dv[...]
    h = jnp.maximum(
        jnp.dot(t0, w2a[...], preferred_element_type=jnp.float32)
        + jnp.dot(t1, w2b[...], preferred_element_type=jnp.float32)
        + b2[...], 0.0)
    o[...] = jnp.dot(h, w3[...], preferred_element_type=jnp.float32) * dv[...]


_tc_c = pl.pallas_call(
    _tc_c_body,
    out_shape=jax.ShapeDtypeStruct((NPAD, DOUT), jnp.float32),
    grid=(NPAD // BR,),
    in_specs=[_blk(BR, DIN), _blk(BR, DIN), _blk(BR, 1),
              _full(DIN, DH), _full(DIN, DH), _full(1, DH), _full(DH, DOUT)],
    out_specs=_blk(BR, DOUT),
)


def _tc_d_body(a0, a1, dv, b3, wo, bo, o):
    t = (a0[...] + a1[...]) * dv[...]
    h = jnp.maximum(t + b3[...], 0.0)
    o[...] = jnp.maximum(
        jnp.dot(h, wo[...], preferred_element_type=jnp.float32) + bo[...], 0.0)


_tc_d = pl.pallas_call(
    _tc_d_body,
    out_shape=jax.ShapeDtypeStruct((NPAD, DOUT), jnp.float32),
    grid=(NPAD // BR,),
    in_specs=[_blk(BR, DOUT), _blk(BR, DOUT), _blk(BR, 1),
              _full(1, DOUT), _full(DOUT, DOUT), _full(1, DOUT)],
    out_specs=_blk(BR, DOUT),
)


@jax.jit
def kernel(x, edge_index, W_in, b_in, W1, b1, W2, b2, W3, b3, W_out, b_out):
    f32 = jnp.float32
    src = edge_index[0]
    dst = edge_index[1]
    pad = N + (jnp.arange(EPAD - E0, dtype=jnp.int32) % (NPAD - N))
    src2d = jnp.concatenate([src, pad]).reshape(EPAD // CHUNK, CHUNK)
    dst2d = jnp.concatenate([dst, pad]).reshape(EPAD // CHUNK, CHUNK)
    xp = jnp.zeros((NPAD, DIN), f32).at[:N].set(x)
    ones128 = jnp.ones((CHUNK, DIN), f32)
    z128 = jnp.zeros((NPAD, DIN), f32)

    degp = _deg(dst2d, ones128, z128)
    deg = degp[0, :, 0] + degp[1, :, 0] + 1.0
    dv = lax.rsqrt(deg).reshape(NPAD, 1)

    g1 = _tc_a(xp, W_in, b_in.reshape(1, DIN), dv)
    a1 = _agg_split(g1, g1, src2d, dst2d, g1, z128)
    g2 = _tc_b(a1[0], a1[1], dv, W1, b1.reshape(1, DH))
    a2 = _agg_full(g2[:, :DIN], g2[:, DIN:], src2d, dst2d,
                   g2[:, :DIN], g2[:, DIN:])
    g3 = _tc_c(a2[0], a2[1], dv, W2[:DIN], W2[DIN:], b2.reshape(1, DH), W3)
    a3 = _agg_split(g3, g3, src2d, dst2d, g3, z128)
    y = _tc_d(a3[0], a3[1], dv, b3.reshape(1, DOUT), W_out,
              b_out.reshape(1, DOUT))
    return y[:N]

# --- scband reference (transcript-rebuilt; emitter-appended) ---
"""Pipeline reference for scband-graph-custom-21912923144840 (READ-ONLY COPY).

The authoritative reference and input builder live on the scoring server;
editing this copy changes nothing except your own understanding.
"""

import jax, jax.numpy as jnp
import numpy as np

N = 10000
E = 320000
DIN = 128
DH = 256
DOUT = 128


def setup_inputs(seed: int = 0) -> dict:
    key = jax.random.key(seed)
    ks = jax.random.split(key, 12)
    x = jax.random.normal(ks[0], (N, DIN), dtype=jnp.float32)
    edge_index = jax.random.randint(ks[1], (2, E), 0, N, dtype=jnp.int32)
    W_in = jax.random.normal(ks[2], (DIN, DIN), dtype=jnp.float32) * 0.05
    b_in = jnp.zeros((DIN,), dtype=jnp.float32)
    W1 = jax.random.normal(ks[3], (DIN, DH), dtype=jnp.float32) * 0.05
    b1 = jnp.zeros((DH,), dtype=jnp.float32)
    W2 = jax.random.normal(ks[4], (DH, DH), dtype=jnp.float32) * 0.05
    b2 = jnp.zeros((DH,), dtype=jnp.float32)
    W3 = jax.random.normal(ks[5], (DH, DOUT), dtype=jnp.float32) * 0.05
    b3 = jnp.zeros((DOUT,), dtype=jnp.float32)
    W_out = jax.random.normal(ks[6], (DOUT, DOUT), dtype=jnp.float32) * 0.05
    b_out = jnp.zeros((DOUT,), dtype=jnp.float32)
    return {"x": x, "edge_index": edge_index, "W_in": W_in, "b_in": b_in,
            "W1": W1, "b1": b1, "W2": W2, "b2": b2, "W3": W3, "b3": b3,
            "W_out": W_out, "b_out": b_out}


def gcn_layer(h, W, b, src, dst, n):
    # GCNConv with self-loops and symmetric normalization: D^{-1/2} A_hat D^{-1/2} X W + b
    h = h @ W
    sl = jnp.arange(n, dtype=src.dtype)
    s = jnp.concatenate([src, sl])
    d = jnp.concatenate([dst, sl])
    deg = jax.ops.segment_sum(jnp.ones_like(d, dtype=h.dtype), d, num_segments=n)
    dinv = jnp.where(deg > 0, 1.0 / jnp.sqrt(deg), 0.0)
    norm = dinv[s] * dinv[d]
    out = jax.ops.segment_sum(norm[:, None] * h[s], d, num_segments=n)
    return out + b


def reference(x, edge_index, W_in, b_in, W1, b1, W2, b2, W3, b3, W_out, b_out):
    src = edge_index[0]
    dst = edge_index[1]
    # custom input layer (first layer uses sigmoid)
    h = jax.nn.sigmoid(x @ W_in + b_in)
    # graph layers, each followed by relu
    h = jax.nn.relu(gcn_layer(h, W1, b1, src, dst, N))
    h = jax.nn.relu(gcn_layer(h, W2, b2, src, dst, N))
    h = jax.nn.relu(gcn_layer(h, W3, b3, src, dst, N))
    # custom output layer with relu
    h = jax.nn.relu(h @ W_out + b_out)
    return h

if __name__ == "__main__":
    import jax
    _d = setup_inputs()
    print(jax.jit(kernel)(*tuple(_d.values())))

</pallas_src>

<mosaic_0001>
#map = affine_map<(d0, d1) -> (0, 0)>
#map1 = affine_map<(d0, d1) -> (0, 0, 0)>
module attributes {stable_mosaic.version = 14 : i64} {
  func.func @body(%arg0: i32, %arg1: i32, %arg2: memref<10240x128xf32, #tpu.memory_space<hbm>>, %arg3: memref<10240x128xf32, #tpu.memory_space<hbm>>, %arg4: memref<2560x128xi32, #tpu.memory_space<hbm>>, %arg5: memref<2560x128xi32, #tpu.memory_space<hbm>>, %arg6: memref<10240x128xf32, #tpu.memory_space<hbm>>, %arg7: memref<10240x128xf32, #tpu.memory_space<hbm>>, %arg8: memref<2x10240x128xf32, #tpu.memory_space<hbm>>, %arg9: memref<40x128xi32, #tpu.memory_space<vmem>>, %arg10: memref<40x128xi32, #tpu.memory_space<vmem>>, %arg11: memref<128x128xf32, #tpu.memory_space<vmem>>, %arg12: memref<128x128xf32, #tpu.memory_space<vmem>>, %arg13: memref<10240x128xf32, #tpu.memory_space<vmem_shared>>, %arg14: memref<!tpu.dma_semaphore, #tpu.memory_space<semaphore_mem>>, %arg15: memref<!tpu.dma_semaphore, #tpu.memory_space<semaphore_mem>>, %arg16: memref<!tpu.dma_semaphore, #tpu.memory_space<semaphore_mem>>, %arg17: memref<!tpu.dma_semaphore, #tpu.memory_space<semaphore_mem>>) attributes {dimension_semantics = [#tpu.dimension_semantics<core_parallel>, #tpu.dimension_semantics<subcore_parallel>], iteration_bounds = array<i64: 2, 16>, scalar_prefetch = 0 : i64, scratch_operands = 9 : i64, tpu.core_type = #tpu.core_type<sc_vector_subcore>, window_params = [{transform_indices = #map}, {transform_indices = #map}, {transform_indices = #map}, {transform_indices = #map}, {transform_indices = #map}, {transform_indices = #map}, {transform_indices = #map1}]} {
    %eq3A = arith.constant 0 : i32
    %eq3A_0 = arith.cmpi eq, %arg0, %eq3A : i32
    %convert_element_type3A = arith.extui %eq3A_0 : i1 to i32
    %cond3A = arith.constant 0 : i32
    %cond3A_1 = arith.cmpi ne, %convert_element_type3A, %cond3A : i32
    scf.if %cond3A_1 {
      %mul3A = arith.constant 80 : i32
      %mul3A_7 = arith.muli %arg1, %mul3A : i32
      %add3A = arith.constant 0 : i32
      %add3A_8 = arith.addi %add3A, %mul3A_7 : i32
      %mul3A_9 = arith.constant 640 : i32
      %mul3A_10 = arith.muli %arg1, %mul3A_9 : i32
      "tpu.region"() ({
        %run_scoped3A_42 = tpu.sem_alloc : memref<!tpu.dma_semaphore, #tpu.memory_space<semaphore_mem>>
        %dma_start3A_43 = arith.constant 0 : i32
        %dma_start3A_44 = tpu.memref_slice %arg13[%mul3A_10, %dma_start3A_43] : memref<10240x128xf32, #tpu.memory_space<vmem_shared>> -> memref<640x128xf32, #tpu.memory_space<vmem_shared>>
        %dma_start3A_45 = arith.constant 0 : i32
        %dma_start3A_46 = tpu.memref_slice %arg6[%mul3A_10, %dma_start3A_45] : memref<10240x128xf32, #tpu.memory_space<hbm>> -> memref<640x128xf32, #tpu.memory_space<hbm>>
        tpu.enqueue_dma source(%dma_start3A_46 : memref<640x128xf32, #tpu.memory_space<hbm>>) target(%dma_start3A_44 : memref<640x128xf32, #tpu.memory_space<vmem_shared>>) target_semaphore(%run_scoped3A_42 : memref<!tpu.dma_semaphore, #tpu.memory_space<semaphore_mem>>)
        %dma_wait3A = arith.constant 0 : i32
        %dma_wait3A_47 = tpu.memref_slice %arg13[%mul3A_10, %dma_wait3A] : memref<10240x128xf32, #tpu.memory_space<vmem_shared>> -> memref<640x128xf32, #tpu.memory_space<vmem_shared>>
        %dma_wait3A_48 = arith.constant 0 : i32
        %dma_wait3A_49 = tpu.memref_slice %arg6[%mul3A_10, %dma_wait3A_48] : memref<10240x128xf32, #tpu.memory_space<hbm>> -> memref<640x128xf32, #tpu.memory_space<hbm>>
        tpu.wait_dma2 semaphore(%run_scoped3A_42 : memref<!tpu.dma_semaphore, #tpu.memory_space<semaphore_mem>>) src(%dma_wait3A_49 : memref<640x128xf32, #tpu.memory_space<hbm>>) dst(%dma_wait3A_47 : memref<640x128xf32, #tpu.memory_space<vmem_shared>>)
        tpu.yield
      }) : () -> ()
      %barrier3A = arith.constant 0 : index
      tpu.barrier barrier_id(%barrier3A)
      %add3A_11 = arith.constant 0 : i32
      %add3A_12 = arith.addi %add3A_8, %add3A_11 : i32
      "tpu.region"() ({
        %run_scoped3A_42 = tpu.sem_alloc : memref<!tpu.dma_semaphore, #tpu.memory_space<semaphore_mem>>
        %dma_start3A_43 = arith.constant 0 : i32
        %dma_start3A_44 = tpu.memref_slice %arg4[%add3A_12, %dma_start3A_43] : memref<2560x128xi32, #tpu.memory_space<hbm>> -> memref<40x128xi32, #tpu.memory_space<hbm>>
        %dma_start3A_45 = arith.constant 0 : i32
        %dma_start3A_46 = tpu.memref_slice %arg4[%add3A_12, %dma_start3A_45] : memref<2560x128xi32, #tpu.memory_space<hbm>> -> memref<40x128xi32, #tpu.memory_space<hbm>>
        tpu.enqueue_dma source(%dma_start3A_46 : memref<40x128xi32, #tpu.memory_space<hbm>>) target(%arg9 : memref<40x128xi32, #tpu.memory_space<vmem>>) target_semaphore(%run_scoped3A_42 : memref<!tpu.dma_semaphore, #tpu.memory_space<semaphore_mem>>)
        %dma_wait3A = arith.constant 0 : i32
        %dma_wait3A_47 = tpu.memref_slice %arg4[%add3A_12, %dma_wait3A] : memref<2560x128xi32, #tpu.memory_space<hbm>> -> memref<40x128xi32, #tpu.memory_space<hbm>>
        %dma_wait3A_48 = arith.constant 0 : i32
        %dma_wait3A_49 = tpu.memref_slice %arg4[%add3A_12, %dma_wait3A_48] : memref<2560x128xi32, #tpu.memory_space<hbm>> -> memref<40x128xi32, #tpu.memory_space<hbm>>
        tpu.wait_dma2 semaphore(%run_scoped3A_42 : memref<!tpu.dma_semaphore, #tpu.memory_space<semaphore_mem>>) src(%dma_wait3A_49 : memref<40x128xi32, #tpu.memory_space<hbm>>) dst(%arg9 : memref<40x128xi32, #tpu.memory_space<vmem>>)
        tpu.yield
      }) : () -> ()
      %add3A_13 = arith.constant 0 : i32
      %add3A_14 = arith.addi %add3A_8, %add3A_13 : i32
      "tpu.region"() ({
        %run_scoped3A_42 = tpu.sem_alloc : memref<!tpu.dma_semaphore, #tpu.memory_space<semaphore_mem>>
        %dma_start3A_43 = arith.constant 0 : i32
        %dma_start3A_44 = tpu.memref_slice %arg5[%add3A_14, %dma_start3A_43] : memref<2560x128xi32, #tpu.memory_space<hbm>> -> memref<40x128xi32, #tpu.memory_space<hbm>>
        %dma_start3A_45 = arith.constant 0 : i32
        %dma_start3A_46 = tpu.memref_slice %arg5[%add3A_14, %dma_start3A_45] : memref<2560x128xi32, #tpu.memory_space<hbm>> -> memref<40x128xi32, #tpu.memory_space<hbm>>
        tpu.enqueue_dma source(%dma_start3A_46 : memref<40x128xi32, #tpu.memory_space<hbm>>) target(%arg10 : memref<40x128xi32, #tpu.memory_space<vmem>>) target_semaphore(%run_scoped3A_42 : memref<!tpu.dma_semaphore, #tpu.memory_space<semaphore_mem>>)
        %dma_wait3A = arith.constant 0 : i32
        %dma_wait3A_47 = tpu.memref_slice %arg5[%add3A_14, %dma_wait3A] : memref<2560x128xi32, #tpu.memory_space<hbm>> -> memref<40x128xi32, #tpu.memory_space<hbm>>
        %dma_wait3A_48 = arith.constant 0 : i32
        %dma_wait3A_49 = tpu.memref_slice %arg5[%add3A_14, %dma_wait3A_48] : memref<2560x128xi32, #tpu.memory_space<hbm>> -> memref<40x128xi32, #tpu.memory_space<hbm>>
        tpu.wait_dma2 semaphore(%run_scoped3A_42 : memref<!tpu.dma_semaphore, #tpu.memory_space<semaphore_mem>>) src(%dma_wait3A_49 : memref<40x128xi32, #tpu.memory_space<hbm>>) dst(%arg10 : memref<40x128xi32, #tpu.memory_space<vmem>>)
        tpu.yield
      }) : () -> ()
      %dma_start3A = arith.constant 0 : i32
      %dma_start3A_15 = arith.constant 0 : i32
      %dma_start3A_16 = tpu.memref_slice %arg9[%dma_start3A, %dma_start3A_15] : memref<40x128xi32, #tpu.memory_space<vmem>> -> memref<1x128xi32, #tpu.memory_space<vmem>>
      %dma_start3A_17 = tpu.memref_squeeze %dma_start3A_16 : memref<1x128xi32, #tpu.memory_space<vmem>> -> memref<128xi32, #tpu.memory_space<vmem>>
      %dma_start3A_18 = arith.constant 0 : i32
      %dma_start3A_19 = arith.constant 0 : i32
      %dma_start3A_20 = tpu.memref_slice %arg2[%dma_start3A_18, %dma_start3A_19] : memref<10240x128xf32, #tpu.memory_space<hbm>> -> memref<10240x128xf32, #tpu.memory_space<hbm>>
      tpu.enqueue_indirect_dma source(%dma_start3A_20 : memref<10240x128xf32, #tpu.memory_space<hbm>>) target(%arg11 : memref<128x128xf32, #tpu.memory_space<vmem>>) offsets(%dma_start3A_17 : memref<128xi32, #tpu.memory_space<vmem>>) semaphore(%arg14 : memref<!tpu.dma_semaphore, #tpu.memory_space<semaphore_mem>>)
      %scan3A = arith.constant 0 : i32
      %scan3A_21 = arith.constant 20 : i32
      %scan3A_22 = arith.addi %scan3A, %scan3A_21 : i32
      %scan3A_23 = arith.constant 1 : i32
      scf.for %scan3A_42 = %scan3A to %scan3A_22 step %scan3A_23  : i32 {
        %mul3A_43 = arith.constant 2 : i32
        %mul3A_44 = arith.muli %scan3A_42, %mul3A_43 : i32
        %add3A_45 = arith.constant 0 : i32
        %add3A_46 = arith.addi %add3A_45, %mul3A_44 : i32
        %dma_wait3A = arith.constant 0 : i32
        %dma_wait3A_47 = tpu.memref_slice %arg9[%add3A_46, %dma_wait3A] : memref<40x128xi32, #tpu.memory_space<vmem>> -> memref<1x128xi32, #tpu.memory_space<vmem>>
        %dma_wait3A_48 = tpu.memref_squeeze %dma_wait3A_47 : memref<1x128xi32, #tpu.memory_space<vmem>> -> memref<128xi32, #tpu.memory_space<vmem>>
        %dma_wait3A_49 = arith.constant 0 : i32
        %dma_wait3A_50 = arith.constant 0 : i32
        %dma_wait3A_51 = tpu.memref_slice %arg2[%dma_wait3A_49, %dma_wait3A_50] : memref<10240x128xf32, #tpu.memory_space<hbm>> -> memref<10240x128xf32, #tpu.memory_space<hbm>>
        tpu.wait_indirect_dma semaphore(%arg14 : memref<!tpu.dma_semaphore, #tpu.memory_space<semaphore_mem>>) src(%dma_wait3A_51 : memref<10240x128xf32, #tpu.memory_space<hbm>>) dst(%arg11 : memref<128x128xf32, #tpu.memory_space<vmem>>)
        %dma_start3A_52 = arith.constant 0 : i32
        %dma_start3A_53 = tpu.memref_slice %arg10[%add3A_46, %dma_start3A_52] : memref<40x128xi32, #tpu.memory_space<vmem>> -> memref<1x128xi32, #tpu.memory_space<vmem>>
        %dma_start3A_54 = tpu.memref_squeeze %dma_start3A_53 : memref<1x128xi32, #tpu.memory_space<vmem>> -> memref<128xi32, #tpu.memory_space<vmem>>
        %dma_start3A_55 = arith.constant 0 : i32
        %dma_start3A_56 = arith.constant 0 : i32
        %dma_start3A_57 = tpu.memref_slice %arg13[%dma_start3A_55, %dma_start3A_56] : memref<10240x128xf32, #tpu.memory_space<vmem_shared>> -> memref<10240x128xf32, #tpu.memory_space<vmem_shared>>
        tpu.enqueue_indirect_dma source(%arg11 : memref<128x128xf32, #tpu.memory_space<vmem>>) target(%dma_start3A_57 : memref<10240x128xf32, #tpu.memory_space<vmem_shared>>) offsets(%dma_start3A_54 : memref<128xi32, #tpu.memory_space<vmem>>) semaphore(%arg16 : memref<!tpu.dma_semaphore, #tpu.memory_space<semaphore_mem>>) {add = true}
        %add3A_58 = arith.constant 1 : i32
        %add3A_59 = arith.addi %add3A_46, %add3A_58 : i32
        %dma_start3A_60 = arith.constant 0 : i32
        %dma_start3A_61 = tpu.memref_slice %arg9[%add3A_59, %dma_start3A_60] : memref<40x128xi32, #tpu.memory_space<vmem>> -> memref<1x128xi32, #tpu.memory_space<vmem>>
        %dma_start3A_62 = tpu.memref_squeeze %dma_start3A_61 : memref<1x128xi32, #tpu.memory_space<vmem>> -> memref<128xi32, #tpu.memory_space<vmem>>
        %dma_start3A_63 = arith.constant 0 : i32
        %dma_start3A_64 = arith.constant 0 : i32
        %dma_start3A_65 = tpu.memref_slice %arg2[%dma_start3A_63, %dma_start3A_64] : memref<10240x128xf32, #tpu.memory_space<hbm>> -> memref<10240x128xf32, #tpu.memory_space<hbm>>
        tpu.enqueue_indirect_dma source(%dma_start3A_65 : memref<10240x128xf32, #tpu.memory_space<hbm>>) target(%arg12 : memref<128x128xf32, #tpu.memory_space<vmem>>) offsets(%dma_start3A_62 : memref<128xi32, #tpu.memory_space<vmem>>) semaphore(%arg15 : memref<!tpu.dma_semaphore, #tpu.memory_space<semaphore_mem>>)
        %add3A_66 = arith.constant 1 : i32
        %add3A_67 = arith.addi %add3A_46, %add3A_66 : i32
        %dma_wait3A_68 = arith.constant 0 : i32
        %dma_wait3A_69 = tpu.memref_slice %arg9[%add3A_67, %dma_wait3A_68] : memref<40x128xi32, #tpu.memory_space<vmem>> -> memref<1x128xi32, #tpu.memory_space<vmem>>
        %dma_wait3A_70 = tpu.memref_squeeze %dma_wait3A_69 : memref<1x128xi32, #tpu.memory_space<vmem>> -> memref<128xi32, #tpu.memory_space<vmem>>
        %dma_wait3A_71 = arith.constant 0 : i32
        %dma_wait3A_72 = arith.constant 0 : i32
        %dma_wait3A_73 = tpu.memref_slice %arg2[%dma_wait3A_71, %dma_wait3A_72] : memref<10240x128xf32, #tpu.memory_space<hbm>> -> memref<10240x128xf32, #tpu.memory_space<hbm>>
        tpu.wait_indirect_dma semaphore(%arg15 : memref<!tpu.dma_semaphore, #tpu.memory_space<semaphore_mem>>) src(%dma_wait3A_73 : memref<10240x128xf32, #tpu.memory_space<hbm>>) dst(%arg12 : memref<128x128xf32, #tpu.memory_space<vmem>>)
        %add3A_74 = arith.constant 1 : i32
        %add3A_75 = arith.addi %add3A_46, %add3A_74 : i32
        %dma_start3A_76 = arith.constant 0 : i32
        %dma_start3A_77 = tpu.memref_slice %arg10[%add3A_75, %dma_start3A_76] : memref<40x128xi32, #tpu.memory_space<vmem>> -> memref<1x128xi32, #tpu.memory_space<vmem>>
        %dma_start3A_78 = tpu.memref_squeeze %dma_start3A_77 : memref<1x128xi32, #tpu.memory_space<vmem>> -> memref<128xi32, #tpu.memory_space<vmem>>
        %dma_start3A_79 = arith.constant 0 : i32
        %dma_start3A_80 = arith.constant 0 : i32
        %dma_start3A_81 = tpu.memref_slice %arg13[%dma_start3A_79, %dma_start3A_80] : memref<10240x128xf32, #tpu.memory_space<vmem_shared>> -> memref<10240x128xf32, #tpu.memory_space<vmem_shared>>
        tpu.enqueue_indirect_dma source(%arg12 : memref<128x128xf32, #tpu.memory_space<vmem>>) target(%dma_start3A_81 : memref<10240x128xf32, #tpu.memory_space<vmem_shared>>) offsets(%dma_start3A_78 : memref<128xi32, #tpu.memory_space<vmem>>) semaphore(%arg17 : memref<!tpu.dma_semaphore, #tpu.memory_space<semaphore_mem>>) {add = true}
        %dma_wait3A_82 = arith.constant 0 : i32
        %dma_wait3A_83 = tpu.memref_slice %arg10[%add3A_46, %dma_wait3A_82] : memref<40x128xi32, #tpu.memory_space<vmem>> -> memref<1x128xi32, #tpu.memory_space<vmem>>
        %dma_wait3A_84 = tpu.memref_squeeze %dma_wait3A_83 : memref<1x128xi32, #tpu.memory_space<vmem>> -> memref<128xi32, #tpu.memory_space<vmem>>
        %dma_wait3A_85 = arith.constant 0 : i32
        %dma_wait3A_86 = arith.constant 0 : i32
        %dma_wait3A_87 = tpu.memref_slice %arg13[%dma_wait3A_85, %dma_wait3A_86] : memref<10240x128xf32, #tpu.memory_space<vmem_shared>> -> memref<10240x128xf32, #tpu.memory_space<vmem_shared>>
        tpu.wait_indirect_dma semaphore(%arg16 : memref<!tpu.dma_semaphore, #tpu.memory_space<semaphore_mem>>) src(%arg11 : memref<128x128xf32, #tpu.memory_space<vmem>>) dst(%dma_wait3A_87 : memref<10240x128xf32, #tpu.memory_space<vmem_shared>>)
        %add3A_88 = arith.constant 2 : i32
        %add3A_89 = arith.addi %add3A_46, %add3A_88 : i32
        %lt3A = arith.constant 40 : i32
        %lt3A_90 = arith.cmpi slt, %add3A_89, %lt3A : i32
        %convert_element_type3A_91 = arith.extui %lt3A_90 : i1 to i32
        %cond3A_92 = arith.constant 0 : i32
        %cond3A_93 = arith.cmpi ne, %convert_element_type3A_91, %cond3A_92 : i32
        scf.if %cond3A_93 {
          %add3A_102 = arith.constant 2 : i32
          %add3A_103 = arith.addi %add3A_46, %add3A_102 : i32
          %dma_start3A_104 = arith.constant 0 : i32
          %dma_start3A_105 = tpu.memref_slice %arg9[%add3A_103, %dma_start3A_104] : memref<40x128xi32, #tpu.memory_space<vmem>> -> memref<1x128xi32, #tpu.memory_space<vmem>>
          %dma_start3A_106 = tpu.memref_squeeze %dma_start3A_105 : memref<1x128xi32, #tpu.memory_space<vmem>> -> memref<128xi32, #tpu.memory_space<vmem>>
          %dma_start3A_107 = arith.constant 0 : i32
          %dma_start3A_108 = arith.constant 0 : i32
          %dma_start3A_109 = tpu.memref_slice %arg2[%dma_start3A_107, %dma_start3A_108] : memref<10240x128xf32, #tpu.memory_space<hbm>> -> memref<10240x128xf32, #tpu.memory_space<hbm>>
          tpu.enqueue_indirect_dma source(%dma_start3A_109 : memref<10240x128xf32, #tpu.memory_space<hbm>>) target(%arg11 : memref<128x128xf32, #tpu.memory_space<vmem>>) offsets(%dma_start3A_106 : memref<128xi32, #tpu.memory_space<vmem>>) semaphore(%arg14 : memref<!tpu.dma_semaphore, #tpu.memory_space<semaphore_mem>>)
        } else {
        }
        %add3A_94 = arith.constant 1 : i32
        %add3A_95 = arith.addi %add3A_46, %add3A_94 : i32
        %dma_wait3A_96 = arith.constant 0 : i32
        %dma_wait3A_97 = tpu.memref_slice %arg10[%add3A_95, %dma_wait3A_96] : memref<40x128xi32, #tpu.memory_space<vmem>> -> memref<1x128xi32, #tpu.memory_space<vmem>>
        %dma_wait3A_98 = tpu.memref_squeeze %dma_wait3A_97 : memref<1x128xi32, #tpu.memory_space<vmem>> -> memref<128xi32, #tpu.memory_space<vmem>>
        %dma_wait3A_99 = arith.constant 0 : i32
        %dma_wait3A_100 = arith.constant 0 : i32
        %dma_wait3A_101 = tpu.memref_slice %arg13[%dma_wait3A_99, %dma_wait3A_100] : memref<10240x128xf32, #tpu.memory_space<vmem_shared>> -> memref<10240x128xf32, #tpu.memory_space<vmem_shared>>
        tpu.wait_indirect_dma semaphore(%arg17 : memref<!tpu.dma_semaphore, #tpu.memory_space<semaphore_mem>>) src(%arg12 : memref<128x128xf32, #tpu.memory_space<vmem>>) dst(%dma_wait3A_101 : memref<10240x128xf32, #tpu.memory_space<vmem_shared>>)
      }
      %scan3A_24 = arith.constant 20 : i32
      %add3A_25 = arith.constant 40 : i32
      %add3A_26 = arith.addi %add3A_8, %add3A_25 : i32
      "tpu.region"() ({
        %run_scoped3A_42 = tpu.sem_alloc : memref<!tpu.dma_semaphore, #tpu.memory_space<semaphore_mem>>
        %dma_start3A_43 = arith.constant 0 : i32
        %dma_start3A_44 = tpu.memref_slice %arg4[%add3A_26, %dma_start3A_43] : memref<2560x128xi32, #tpu.memory_space<hbm>> -> memref<40x128xi32, #tpu.memory_space<hbm>>
        %dma_start3A_45 = arith.constant 0 : i32
        %dma_start3A_46 = tpu.memref_slice %arg4[%add3A_26, %dma_start3A_45] : memref<2560x128xi32, #tpu.memory_space<hbm>> -> memref<40x128xi32, #tpu.memory_space<hbm>>
        tpu.enqueue_dma source(%dma_start3A_46 : memref<40x128xi32, #tpu.memory_space<hbm>>) target(%arg9 : memref<40x128xi32, #tpu.memory_space<vmem>>) target_semaphore(%run_scoped3A_42 : memref<!tpu.dma_semaphore, #tpu.memory_space<semaphore_mem>>)
        %dma_wait3A = arith.constant 0 : i32
        %dma_wait3A_47 = tpu.memref_slice %arg4[%add3A_26, %dma_wait3A] : memref<2560x128xi32, #tpu.memory_space<hbm>> -> memref<40x128xi32, #tpu.memory_space<hbm>>
        %dma_wait3A_48 = arith.constant 0 : i32
        %dma_wait3A_49 = tpu.memref_slice %arg4[%add3A_26, %dma_wait3A_48] : memref<2560x128xi32, #tpu.memory_space<hbm>> -> memref<40x128xi32, #tpu.memory_space<hbm>>
        tpu.wait_dma2 semaphore(%run_scoped3A_42 : memref<!tpu.dma_semaphore, #tpu.memory_space<semaphore_mem>>) src(%dma_wait3A_49 : memref<40x128xi32, #tpu.memory_space<hbm>>) dst(%arg9 : memref<40x128xi32, #tpu.memory_space<vmem>>)
        tpu.yield
      }) : () -> ()
      %add3A_27 = arith.constant 40 : i32
      %add3A_28 = arith.addi %add3A_8, %add3A_27 : i32
      "tpu.region"() ({
        %run_scoped3A_42 = tpu.sem_alloc : memref<!tpu.dma_semaphore, #tpu.memory_space<semaphore_mem>>
        %dma_start3A_43 = arith.constant 0 : i32
        %dma_start3A_44 = tpu.memref_slice %arg5[%add3A_28, %dma_start3A_43] : memref<2560x128xi32, #tpu.memory_space<hbm>> -> memref<40x128xi32, #tpu.memory_space<hbm>>
        %dma_start3A_45 = arith.constant 0 : i32
        %dma_start3A_46 = tpu.memref_slice %arg5[%add3A_28, %dma_start3A_45] : memref<2560x128xi32, #tpu.memory_space<hbm>> -> memref<40x128xi32, #tpu.memory_space<hbm>>
        tpu.enqueue_dma source(%dma_start3A_46 : memref<40x128xi32, #tpu.memory_space<hbm>>) target(%arg10 : memref<40x128xi32, #tpu.memory_space<vmem>>) target_semaphore(%run_scoped3A_42 : memref<!tpu.dma_semaphore, #tpu.memory_space<semaphore_mem>>)
        %dma_wait3A = arith.constant 0 : i32
        %dma_wait3A_47 = tpu.memref_slice %arg5[%add3A_28, %dma_wait3A] : memref<2560x128xi32, #tpu.memory_space<hbm>> -> memref<40x128xi32, #tpu.memory_space<hbm>>
        %dma_wait3A_48 = arith.constant 0 : i32
        %dma_wait3A_49 = tpu.memref_slice %arg5[%add3A_28, %dma_wait3A_48] : memref<2560x128xi32, #tpu.memory_space<hbm>> -> memref<40x128xi32, #tpu.memory_space<hbm>>
        tpu.wait_dma2 semaphore(%run_scoped3A_42 : memref<!tpu.dma_semaphore, #tpu.memory_space<semaphore_mem>>) src(%dma_wait3A_49 : memref<40x128xi32, #tpu.memory_space<hbm>>) dst(%arg10 : memref<40x128xi32, #tpu.memory_space<vmem>>)
        tpu.yield
      }) : () -> ()
      %dma_start3A_29 = arith.constant 0 : i32
      %dma_start3A_30 = arith.constant 0 : i32
      %dma_start3A_31 = tpu.memref_slice %arg9[%dma_start3A_29, %dma_start3A_30] : memref<40x128xi32, #tpu.memory_space<vmem>> -> memref<1x128xi32, #tpu.memory_space<vmem>>
      %dma_start3A_32 = tpu.memref_squeeze %dma_start3A_31 : memref<1x128xi32, #tpu.memory_space<vmem>> -> memref<128xi32, #tpu.memory_space<vmem>>
      %dma_start3A_33 = arith.constant 0 : i32
      %dma_start3A_34 = arith.constant 0 : i32
      %dma_start3A_35 = tpu.memref_slice %arg2[%dma_start3A_33, %dma_start3A_34] : memref<10240x128xf32, #tpu.memory_space<hbm>> -> memref<10240x128xf32, #tpu.memory_space<hbm>>
      tpu.enqueue_indirect_dma source(%dma_start3A_35 : memref<10240x128xf32, #tpu.memory_space<hbm>>) target(%arg11 : memref<128x128xf32, #tpu.memory_space<vmem>>) offsets(%dma_start3A_32 : memref<128xi32, #tpu.memory_space<vmem>>) semaphore(%arg14 : memref<!tpu.dma_semaphore, #tpu.memory_space<semaphore_mem>>)
      %scan3A_36 = arith.constant 0 : i32
      %scan3A_37 = arith.constant 20 : i32
      %scan3A_38 = arith.addi %scan3A_36, %scan3A_37 : i32
      %scan3A_39 = arith.constant 1 : i32
      scf.for %scan3A_42 = %scan3A_36 to %scan3A_38 step %scan3A_39  : i32 {
        %mul3A_43 = arith.constant 2 : i32
        %mul3A_44 = arith.muli %scan3A_42, %mul3A_43 : i32
        %add3A_45 = arith.constant 0 : i32
        %add3A_46 = arith.addi %add3A_45, %mul3A_44 : i32
        %dma_wait3A = arith.constant 0 : i32
        %dma_wait3A_47 = tpu.memref_slice %arg9[%add3A_46, %dma_wait3A] : memref<40x128xi32, #tpu.memory_space<vmem>> -> memref<1x128xi32, #tpu.memory_space<vmem>>
        %dma_wait3A_48 = tpu.memref_squeeze %dma_wait3A_47 : memref<1x128xi32, #tpu.memory_space<vmem>> -> memref<128xi32, #tpu.memory_space<vmem>>
        %dma_wait3A_49 = arith.constant 0 : i32
        %dma_wait3A_50 = arith.constant 0 : i32
        %dma_wait3A_51 = tpu.memref_slice %arg2[%dma_wait3A_49, %dma_wait3A_50] : memref<10240x128xf32, #tpu.memory_space<hbm>> -> memref<10240x128xf32, #tpu.memory_space<hbm>>
        tpu.wait_indirect_dma semaphore(%arg14 : memref<!tpu.dma_semaphore, #tpu.memory_space<semaphore_mem>>) src(%dma_wait3A_51 : memref<10240x128xf32, #tpu.memory_space<hbm>>) dst(%arg11 : memref<128x128xf32, #tpu.memory_space<vmem>>)
        %dma_start3A_52 = arith.constant 0 : i32
        %dma_start3A_53 = tpu.memref_slice %arg10[%add3A_46, %dma_start3A_52] : memref<40x128xi32, #tpu.memory_space<vmem>> -> memref<1x128xi32, #tpu.memory_space<vmem>>
        %dma_start3A_54 = tpu.memref_squeeze %dma_start3A_53 : memref<1x128xi32, #tpu.memory_space<vmem>> -> memref<128xi32, #tpu.memory_space<vmem>>
        %dma_start3A_55 = arith.constant 0 : i32
        %dma_start3A_56 = arith.constant 0 : i32
        %dma_start3A_57 = tpu.memref_slice %arg13[%dma_start3A_55, %dma_start3A_56] : memref<10240x128xf32, #tpu.memory_space<vmem_shared>> -> memref<10240x128xf32, #tpu.memory_space<vmem_shared>>
        tpu.enqueue_indirect_dma source(%arg11 : memref<128x128xf32, #tpu.memory_space<vmem>>) target(%dma_start3A_57 : memref<10240x128xf32, #tpu.memory_space<vmem_shared>>) offsets(%dma_start3A_54 : memref<128xi32, #tpu.memory_space<vmem>>) semaphore(%arg16 : memref<!tpu.dma_semaphore, #tpu.memory_space<semaphore_mem>>) {add = true}
        %add3A_58 = arith.constant 1 : i32
        %add3A_59 = arith.addi %add3A_46, %add3A_58 : i32
        %dma_start3A_60 = arith.constant 0 : i32
        %dma_start3A_61 = tpu.memref_slice %arg9[%add3A_59, %dma_start3A_60] : memref<40x128xi32, #tpu.memory_space<vmem>> -> memref<1x128xi32, #tpu.memory_space<vmem>>
        %dma_start3A_62 = tpu.memref_squeeze %dma_start3A_61 : memref<1x128xi32, #tpu.memory_space<vmem>> -> memref<128xi32, #tpu.memory_space<vmem>>
        %dma_start3A_63 = arith.constant 0 : i32
        %dma_start3A_64 = arith.constant 0 : i32
        %dma_start3A_65 = tpu.memref_slice %arg2[%dma_start3A_63, %dma_start3A_64] : memref<10240x128xf32, #tpu.memory_space<hbm>> -> memref<10240x128xf32, #tpu.memory_space<hbm>>
        tpu.enqueue_indirect_dma source(%dma_start3A_65 : memref<10240x128xf32, #tpu.memory_space<hbm>>) target(%arg12 : memref<128x128xf32, #tpu.memory_space<vmem>>) offsets(%dma_start3A_62 : memref<128xi32, #tpu.memory_space<vmem>>) semaphore(%arg15 : memref<!tpu.dma_semaphore, #tpu.memory_space<semaphore_mem>>)
        %add3A_66 = arith.constant 1 : i32
        %add3A_67 = arith.addi %add3A_46, %add3A_66 : i32
        %dma_wait3A_68 = arith.constant 0 : i32
        %dma_wait3A_69 = tpu.memref_slice %arg9[%add3A_67, %dma_wait3A_68] : memref<40x128xi32, #tpu.memory_space<vmem>> -> memref<1x128xi32, #tpu.memory_space<vmem>>
        %dma_wait3A_70 = tpu.memref_squeeze %dma_wait3A_69 : memref<1x128xi32, #tpu.memory_space<vmem>> -> memref<128xi32, #tpu.memory_space<vmem>>
        %dma_wait3A_71 = arith.constant 0 : i32
        %dma_wait3A_72 = arith.constant 0 : i32
        %dma_wait3A_73 = tpu.memref_slice %arg2[%dma_wait3A_71, %dma_wait3A_72] : memref<10240x128xf32, #tpu.memory_space<hbm>> -> memref<10240x128xf32, #tpu.memory_space<hbm>>
        tpu.wait_indirect_dma semaphore(%arg15 : memref<!tpu.dma_semaphore, #tpu.memory_space<semaphore_mem>>) src(%dma_wait3A_73 : memref<10240x128xf32, #tpu.memory_space<hbm>>) dst(%arg12 : memref<128x128xf32, #tpu.memory_space<vmem>>)
        %add3A_74 = arith.constant 1 : i32
        %add3A_75 = arith.addi %add3A_46, %add3A_74 : i32
        %dma_start3A_76 = arith.constant 0 : i32
        %dma_start3A_77 = tpu.memref_slice %arg10[%add3A_75, %dma_start3A_76] : memref<40x128xi32, #tpu.memory_space<vmem>> -> memref<1x128xi32, #tpu.memory_space<vmem>>
        %dma_start3A_78 = tpu.memref_squeeze %dma_start3A_77 : memref<1x128xi32, #tpu.memory_space<vmem>> -> memref<128xi32, #tpu.memory_space<vmem>>
        %dma_start3A_79 = arith.constant 0 : i32
        %dma_start3A_80 = arith.constant 0 : i32
        %dma_start3A_81 = tpu.memref_slice %arg13[%dma_start3A_79, %dma_start3A_80] : memref<10240x128xf32, #tpu.memory_space<vmem_shared>> -> memref<10240x128xf32, #tpu.memory_space<vmem_shared>>
        tpu.enqueue_indirect_dma source(%arg12 : memref<128x128xf32, #tpu.memory_space<vmem>>) target(%dma_start3A_81 : memref<10240x128xf32, #tpu.memory_space<vmem_shared>>) offsets(%dma_start3A_78 : memref<128xi32, #tpu.memory_space<vmem>>) semaphore(%arg17 : memref<!tpu.dma_semaphore, #tpu.memory_space<semaphore_mem>>) {add = true}
        %dma_wait3A_82 = arith.constant 0 : i32
        %dma_wait3A_83 = tpu.memref_slice %arg10[%add3A_46, %dma_wait3A_82] : memref<40x128xi32, #tpu.memory_space<vmem>> -> memref<1x128xi32, #tpu.memory_space<vmem>>
        %dma_wait3A_84 = tpu.memref_squeeze %dma_wait3A_83 : memref<1x128xi32, #tpu.memory_space<vmem>> -> memref<128xi32, #tpu.memory_space<vmem>>
        %dma_wait3A_85 = arith.constant 0 : i32
        %dma_wait3A_86 = arith.constant 0 : i32
        %dma_wait3A_87 = tpu.memref_slice %arg13[%dma_wait3A_85, %dma_wait3A_86] : memref<10240x128xf32, #tpu.memory_space<vmem_shared>> -> memref<10240x128xf32, #tpu.memory_space<vmem_shared>>
        tpu.wait_indirect_dma semaphore(%arg16 : memref<!tpu.dma_semaphore, #tpu.memory_space<semaphore_mem>>) src(%arg11 : memref<128x128xf32, #tpu.memory_space<vmem>>) dst(%dma_wait3A_87 : memref<10240x128xf32, #tpu.memory_space<vmem_shared>>)
        %add3A_88 = arith.constant 2 : i32
        %add3A_89 = arith.addi %add3A_46, %add3A_88 : i32
        %lt3A = arith.constant 40 : i32
        %lt3A_90 = arith.cmpi slt, %add3A_89, %lt3A : i32
        %convert_element_type3A_91 = arith.extui %lt3A_90 : i1 to i32
        %cond3A_92 = arith.constant 0 : i32
        %cond3A_93 = arith.cmpi ne, %convert_element_type3A_91, %cond3A_92 : i32
        scf.if %cond3A_93 {
          %add3A_102 = arith.constant 2 : i32
          %add3A_103 = arith.addi %add3A_46, %add3A_102 : i32
          %dma_start3A_104 = arith.constant 0 : i32
          %dma_start3A_105 = tpu.memref_slice %arg9[%add3A_103, %dma_start3A_104] : memref<40x128xi32, #tpu.memory_space<vmem>> -> memref<1x128xi32, #tpu.memory_space<vmem>>
          %dma_start3A_106 = tpu.memref_squeeze %dma_start3A_105 : memref<1x128xi32, #tpu.memory_space<vmem>> -> memref<128xi32, #tpu.memory_space<vmem>>
          %dma_start3A_107 = arith.constant 0 : i32
          %dma_start3A_108 = arith.constant 0 : i32
          %dma_start3A_109 = tpu.memref_slice %arg2[%dma_start3A_107, %dma_start3A_108] : memref<10240x128xf32, #tpu.memory_space<hbm>> -> memref<10240x128xf32, #tpu.memory_space<hbm>>
          tpu.enqueue_indirect_dma source(%dma_start3A_109 : memref<10240x128xf32, #tpu.memory_space<hbm>>) target(%arg11 : memref<128x128xf32, #tpu.memory_space<vmem>>) offsets(%dma_start3A_106 : memref<128xi32, #tpu.memory_space<vmem>>) semaphore(%arg14 : memref<!tpu.dma_semaphore, #tpu.memory_space<semaphore_mem>>)
        } else {
        }
        %add3A_94 = arith.constant 1 : i32
        %add3A_95 = arith.addi %add3A_46, %add3A_94 : i32
        %dma_wait3A_96 = arith.constant 0 : i32
        %dma_wait3A_97 = tpu.memref_slice %arg10[%add3A_95, %dma_wait3A_96] : memref<40x128xi32, #tpu.memory_space<vmem>> -> memref<1x128xi32, #tpu.memory_space<vmem>>
        %dma_wait3A_98 = tpu.memref_squeeze %dma_wait3A_97 : memref<1x128xi32, #tpu.memory_space<vmem>> -> memref<128xi32, #tpu.memory_space<vmem>>
        %dma_wait3A_99 = arith.constant 0 : i32
        %dma_wait3A_100 = arith.constant 0 : i32
        %dma_wait3A_101 = tpu.memref_slice %arg13[%dma_wait3A_99, %dma_wait3A_100] : memref<10240x128xf32, #tpu.memory_space<vmem_shared>> -> memref<10240x128xf32, #tpu.memory_space<vmem_shared>>
        tpu.wait_indirect_dma semaphore(%arg17 : memref<!tpu.dma_semaphore, #tpu.memory_space<semaphore_mem>>) src(%arg12 : memref<128x128xf32, #tpu.memory_space<vmem>>) dst(%dma_wait3A_101 : memref<10240x128xf32, #tpu.memory_space<vmem_shared>>)
      }
      %scan3A_40 = arith.constant 20 : i32
      %barrier3A_41 = arith.constant 0 : index
      tpu.barrier barrier_id(%barrier3A_41)
      %run_scoped3A = arith.constant 0 : i32
      "tpu.region"() ({
        %run_scoped3A_42 = tpu.sem_alloc : memref<!tpu.dma_semaphore, #tpu.memory_space<semaphore_mem>>
        %dma_start3A_43 = arith.constant 0 : i32
        %dma_start3A_44 = tpu.memref_slice %arg8[%run_scoped3A, %mul3A_10, %dma_start3A_43] : memref<2x10240x128xf32, #tpu.memory_space<hbm>> -> memref<1x640x128xf32, #tpu.memory_space<hbm>>
        %dma_start3A_45 = tpu.memref_squeeze %dma_start3A_44 : memref<1x640x128xf32, #tpu.memory_space<hbm>> -> memref<640x128xf32, #tpu.memory_space<hbm>>
        %dma_start3A_46 = arith.constant 0 : i32
        %dma_start3A_47 = tpu.memref_slice %arg13[%mul3A_10, %dma_start3A_46] : memref<10240x128xf32, #tpu.memory_space<vmem_shared>> -> memref<640x128xf32, #tpu.memory_space<vmem_shared>>
        tpu.enqueue_dma source(%dma_start3A_47 : memref<640x128xf32, #tpu.memory_space<vmem_shared>>) target(%dma_start3A_45 : memref<640x128xf32, #tpu.memory_space<hbm>>) target_semaphore(%run_scoped3A_42 : memref<!tpu.dma_semaphore, #tpu.memory_space<semaphore_mem>>)
        %dma_wait3A = arith.constant 0 : i32
        %dma_wait3A_48 = tpu.memref_slice %arg8[%run_scoped3A, %mul3A_10, %dma_wait3A] : memref<2x10240x128xf32, #tpu.memory_space<hbm>> -> memref<1x640x128xf32, #tpu.memory_space<hbm>>
        %dma_wait3A_49 = tpu.memref_squeeze %dma_wait3A_48 : memref<1x640x128xf32, #tpu.memory_space<hbm>> -> memref<640x128xf32, #tpu.memory_space<hbm>>
        %dma_wait3A_50 = arith.constant 0 : i32
        %dma_wait3A_51 = tpu.memref_slice %arg13[%mul3A_10, %dma_wait3A_50] : memref<10240x128xf32, #tpu.memory_space<vmem_shared>> -> memref<640x128xf32, #tpu.memory_space<vmem_shared>>
        tpu.wait_dma2 semaphore(%run_scoped3A_42 : memref<!tpu.dma_semaphore, #tpu.memory_space<semaphore_mem>>) src(%dma_wait3A_51 : memref<640x128xf32, #tpu.memory_space<vmem_shared>>) dst(%dma_wait3A_49 : memref<640x128xf32, #tpu.memory_space<hbm>>)
        tpu.yield
      }) : () -> ()
    } else {
    }
    %eq3A_2 = arith.constant 1 : i32
    %eq3A_3 = arith.cmpi eq, %arg0, %eq3A_2 : i32
    %convert_element_type3A_4 = arith.extui %eq3A_3 : i1 to i32
    %cond3A_5 = arith.constant 0 : i32
    %cond3A_6 = arith.cmpi ne, %convert_element_type3A_4, %cond3A_5 : i32
    scf.if %cond3A_6 {
      %mul3A = arith.constant 80 : i32
      %mul3A_7 = arith.muli %arg1, %mul3A : i32
      %add3A = arith.constant 1280 : i32
      %add3A_8 = arith.addi %add3A, %mul3A_7 : i32
      %mul3A_9 = arith.constant 640 : i32
      %mul3A_10 = arith.muli %arg1, %mul3A_9 : i32
      "tpu.region"() ({
        %run_scoped3A_42 = tpu.sem_alloc : memref<!tpu.dma_semaphore, #tpu.memory_space<semaphore_mem>>
        %dma_start3A_43 = arith.constant 0 : i32
        %dma_start3A_44 = tpu.memref_slice %arg13[%mul3A_10, %dma_start3A_43] : memref<10240x128xf32, #tpu.memory_space<vmem_shared>> -> memref<640x128xf32, #tpu.memory_space<vmem_shared>>
        %dma_start3A_45 = arith.constant 0 : i32
        %dma_start3A_46 = tpu.memref_slice %arg7[%mul3A_10, %dma_start3A_45] : memref<10240x128xf32, #tpu.memory_space<hbm>> -> memref<640x128xf32, #tpu.memory_space<hbm>>
        tpu.enqueue_dma source(%dma_start3A_46 : memref<640x128xf32, #tpu.memory_space<hbm>>) target(%dma_start3A_44 : memref<640x128xf32, #tpu.memory_space<vmem_shared>>) target_semaphore(%run_scoped3A_42 : memref<!tpu.dma_semaphore, #tpu.memory_space<semaphore_mem>>)
        %dma_wait3A = arith.constant 0 : i32
        %dma_wait3A_47 = tpu.memref_slice %arg13[%mul3A_10, %dma_wait3A] : memref<10240x128xf32, #tpu.memory_space<vmem_shared>> -> memref<640x128xf32, #tpu.memory_space<vmem_shared>>
        %dma_wait3A_48 = arith.constant 0 : i32
        %dma_wait3A_49 = tpu.memref_slice %arg7[%mul3A_10, %dma_wait3A_48] : memref<10240x128xf32, #tpu.memory_space<hbm>> -> memref<640x128xf32, #tpu.memory_space<hbm>>
        tpu.wait_dma2 semaphore(%run_scoped3A_42 : memref<!tpu.dma_semaphore, #tpu.memory_space<semaphore_mem>>) src(%dma_wait3A_49 : memref<640x128xf32, #tpu.memory_space<hbm>>) dst(%dma_wait3A_47 : memref<640x128xf32, #tpu.memory_space<vmem_shared>>)
        tpu.yield
      }) : () -> ()
      %barrier3A = arith.constant 0 : index
      tpu.barrier barrier_id(%barrier3A)
      %add3A_11 = arith.constant 0 : i32
      %add3A_12 = arith.addi %add3A_8, %add3A_11 : i32
      "tpu.region"() ({
        %run_scoped3A_42 = tpu.sem_alloc : memref<!tpu.dma_semaphore, #tpu.memory_space<semaphore_mem>>
        %dma_start3A_43 = arith.constant 0 : i32
        %dma_start3A_44 = tpu.memref_slice %arg4[%add3A_12, %dma_start3A_43] : memref<2560x128xi32, #tpu.memory_space<hbm>> -> memref<40x128xi32, #tpu.memory_space<hbm>>
        %dma_start3A_45 = arith.constant 0 : i32
        %dma_start3A_46 = tpu.memref_slice %arg4[%add3A_12, %dma_start3A_45] : memref<2560x128xi32, #tpu.memory_space<hbm>> -> memref<40x128xi32, #tpu.memory_space<hbm>>
        tpu.enqueue_dma source(%dma_start3A_46 : memref<40x128xi32, #tpu.memory_space<hbm>>) target(%arg9 : memref<40x128xi32, #tpu.memory_space<vmem>>) target_semaphore(%run_scoped3A_42 : memref<!tpu.dma_semaphore, #tpu.memory_space<semaphore_mem>>)
        %dma_wait3A = arith.constant 0 : i32
        %dma_wait3A_47 = tpu.memref_slice %arg4[%add3A_12, %dma_wait3A] : memref<2560x128xi32, #tpu.memory_space<hbm>> -> memref<40x128xi32, #tpu.memory_space<hbm>>
        %dma_wait3A_48 = arith.constant 0 : i32
        %dma_wait3A_49 = tpu.memref_slice %arg4[%add3A_12, %dma_wait3A_48] : memref<2560x128xi32, #tpu.memory_space<hbm>> -> memref<40x128xi32, #tpu.memory_space<hbm>>
        tpu.wait_dma2 semaphore(%run_scoped3A_42 : memref<!tpu.dma_semaphore, #tpu.memory_space<semaphore_mem>>) src(%dma_wait3A_49 : memref<40x128xi32, #tpu.memory_space<hbm>>) dst(%arg9 : memref<40x128xi32, #tpu.memory_space<vmem>>)
        tpu.yield
      }) : () -> ()
      %add3A_13 = arith.constant 0 : i32
      %add3A_14 = arith.addi %add3A_8, %add3A_13 : i32
      "tpu.region"() ({
        %run_scoped3A_42 = tpu.sem_alloc : memref<!tpu.dma_semaphore, #tpu.memory_space<semaphore_mem>>
        %dma_start3A_43 = arith.constant 0 : i32
        %dma_start3A_44 = tpu.memref_slice %arg5[%add3A_14, %dma_start3A_43] : memref<2560x128xi32, #tpu.memory_space<hbm>> -> memref<40x128xi32, #tpu.memory_space<hbm>>
        %dma_start3A_45 = arith.constant 0 : i32
        %dma_start3A_46 = tpu.memref_slice %arg5[%add3A_14, %dma_start3A_45] : memref<2560x128xi32, #tpu.memory_space<hbm>> -> memref<40x128xi32, #tpu.memory_space<hbm>>
        tpu.enqueue_dma source(%dma_start3A_46 : memref<40x128xi32, #tpu.memory_space<hbm>>) target(%arg10 : memref<40x128xi32, #tpu.memory_space<vmem>>) target_semaphore(%run_scoped3A_42 : memref<!tpu.dma_semaphore, #tpu.memory_space<semaphore_mem>>)
        %dma_wait3A = arith.constant 0 : i32
        %dma_wait3A_47 = tpu.memref_slice %arg5[%add3A_14, %dma_wait3A] : memref<2560x128xi32, #tpu.memory_space<hbm>> -> memref<40x128xi32, #tpu.memory_space<hbm>>
        %dma_wait3A_48 = arith.constant 0 : i32
        %dma_wait3A_49 = tpu.memref_slice %arg5[%add3A_14, %dma_wait3A_48] : memref<2560x128xi32, #tpu.memory_space<hbm>> -> memref<40x128xi32, #tpu.memory_space<hbm>>
        tpu.wait_dma2 semaphore(%run_scoped3A_42 : memref<!tpu.dma_semaphore, #tpu.memory_space<semaphore_mem>>) src(%dma_wait3A_49 : memref<40x128xi32, #tpu.memory_space<hbm>>) dst(%arg10 : memref<40x128xi32, #tpu.memory_space<vmem>>)
        tpu.yield
      }) : () -> ()
      %dma_start3A = arith.constant 0 : i32
      %dma_start3A_15 = arith.constant 0 : i32
      %dma_start3A_16 = tpu.memref_slice %arg9[%dma_start3A, %dma_start3A_15] : memref<40x128xi32, #tpu.memory_space<vmem>> -> memref<1x128xi32, #tpu.memory_space<vmem>>
      %dma_start3A_17 = tpu.memref_squeeze %dma_start3A_16 : memref<1x128xi32, #tpu.memory_space<vmem>> -> memref<128xi32, #tpu.memory_space<vmem>>
      %dma_start3A_18 = arith.constant 0 : i32
      %dma_start3A_19 = arith.constant 0 : i32
      %dma_start3A_20 = tpu.memref_slice %arg3[%dma_start3A_18, %dma_start3A_19] : memref<10240x128xf32, #tpu.memory_space<hbm>> -> memref<10240x128xf32, #tpu.memory_space<hbm>>
      tpu.enqueue_indirect_dma source(%dma_start3A_20 : memref<10240x128xf32, #tpu.memory_space<hbm>>) target(%arg11 : memref<128x128xf32, #tpu.memory_space<vmem>>) offsets(%dma_start3A_17 : memref<128xi32, #tpu.memory_space<vmem>>) semaphore(%arg14 : memref<!tpu.dma_semaphore, #tpu.memory_space<semaphore_mem>>)
      %scan3A = arith.constant 0 : i32
      %scan3A_21 = arith.constant 20 : i32
      %scan3A_22 = arith.addi %scan3A, %scan3A_21 : i32
      %scan3A_23 = arith.constant 1 : i32
      scf.for %scan3A_42 = %scan3A to %scan3A_22 step %scan3A_23  : i32 {
        %mul3A_43 = arith.constant 2 : i32
        %mul3A_44 = arith.muli %scan3A_42, %mul3A_43 : i32
        %add3A_45 = arith.constant 0 : i32
        %add3A_46 = arith.addi %add3A_45, %mul3A_44 : i32
        %dma_wait3A = arith.constant 0 : i32
        %dma_wait3A_47 = tpu.memref_slice %arg9[%add3A_46, %dma_wait3A] : memref<40x128xi32, #tpu.memory_space<vmem>> -> memref<1x128xi32, #tpu.memory_space<vmem>>
        %dma_wait3A_48 = tpu.memref_squeeze %dma_wait3A_47 : memref<1x128xi32, #tpu.memory_space<vmem>> -> memref<128xi32, #tpu.memory_space<vmem>>
        %dma_wait3A_49 = arith.constant 0 : i32
        %dma_wait3A_50 = arith.constant 0 : i32
        %dma_wait3A_51 = tpu.memref_slice %arg3[%dma_wait3A_49, %dma_wait3A_50] : memref<10240x128xf32, #tpu.memory_space<hbm>> -> memref<10240x128xf32, #tpu.memory_space<hbm>>
        tpu.wait_indirect_dma semaphore(%arg14 : memref<!tpu.dma_semaphore, #tpu.memory_space<semaphore_mem>>) src(%dma_wait3A_51 : memref<10240x128xf32, #tpu.memory_space<hbm>>) dst(%arg11 : memref<128x128xf32, #tpu.memory_space<vmem>>)
        %dma_start3A_52 = arith.constant 0 : i32
        %dma_start3A_53 = tpu.memref_slice %arg10[%add3A_46, %dma_start3A_52] : memref<40x128xi32, #tpu.memory_space<vmem>> -> memref<1x128xi32, #tpu.memory_space<vmem>>
        %dma_start3A_54 = tpu.memref_squeeze %dma_start3A_53 : memref<1x128xi32, #tpu.memory_space<vmem>> -> memref<128xi32, #tpu.memory_space<vmem>>
        %dma_start3A_55 = arith.constant 0 : i32
        %dma_start3A_56 = arith.constant 0 : i32
        %dma_start3A_57 = tpu.memref_slice %arg13[%dma_start3A_55, %dma_start3A_56] : memref<10240x128xf32, #tpu.memory_space<vmem_shared>> -> memref<10240x128xf32, #tpu.memory_space<vmem_shared>>
        tpu.enqueue_indirect_dma source(%arg11 : memref<128x128xf32, #tpu.memory_space<vmem>>) target(%dma_start3A_57 : memref<10240x128xf32, #tpu.memory_space<vmem_shared>>) offsets(%dma_start3A_54 : memref<128xi32, #tpu.memory_space<vmem>>) semaphore(%arg16 : memref<!tpu.dma_semaphore, #tpu.memory_space<semaphore_mem>>) {add = true}
        %add3A_58 = arith.constant 1 : i32
        %add3A_59 = arith.addi %add3A_46, %add3A_58 : i32
        %dma_start3A_60 = arith.constant 0 : i32
        %dma_start3A_61 = tpu.memref_slice %arg9[%add3A_59, %dma_start3A_60] : memref<40x128xi32, #tpu.memory_space<vmem>> -> memref<1x128xi32, #tpu.memory_space<vmem>>
        %dma_start3A_62 = tpu.memref_squeeze %dma_start3A_61 : memref<1x128xi32, #tpu.memory_space<vmem>> -> memref<128xi32, #tpu.memory_space<vmem>>
        %dma_start3A_63 = arith.constant 0 : i32
        %dma_start3A_64 = arith.constant 0 : i32
        %dma_start3A_65 = tpu.memref_slice %arg3[%dma_start3A_63, %dma_start3A_64] : memref<10240x128xf32, #tpu.memory_space<hbm>> -> memref<10240x128xf32, #tpu.memory_space<hbm>>
        tpu.enqueue_indirect_dma source(%dma_start3A_65 : memref<10240x128xf32, #tpu.memory_space<hbm>>) target(%arg12 : memref<128x128xf32, #tpu.memory_space<vmem>>) offsets(%dma_start3A_62 : memref<128xi32, #tpu.memory_space<vmem>>) semaphore(%arg15 : memref<!tpu.dma_semaphore, #tpu.memory_space<semaphore_mem>>)
        %add3A_66 = arith.constant 1 : i32
        %add3A_67 = arith.addi %add3A_46, %add3A_66 : i32
        %dma_wait3A_68 = arith.constant 0 : i32
        %dma_wait3A_69 = tpu.memref_slice %arg9[%add3A_67, %dma_wait3A_68] : memref<40x128xi32, #tpu.memory_space<vmem>> -> memref<1x128xi32, #tpu.memory_space<vmem>>
        %dma_wait3A_70 = tpu.memref_squeeze %dma_wait3A_69 : memref<1x128xi32, #tpu.memory_space<vmem>> -> memref<128xi32, #tpu.memory_space<vmem>>
        %dma_wait3A_71 = arith.constant 0 : i32
        %dma_wait3A_72 = arith.constant 0 : i32
        %dma_wait3A_73 = tpu.memref_slice %arg3[%dma_wait3A_71, %dma_wait3A_72] : memref<10240x128xf32, #tpu.memory_space<hbm>> -> memref<10240x128xf32, #tpu.memory_space<hbm>>
        tpu.wait_indirect_dma semaphore(%arg15 : memref<!tpu.dma_semaphore, #tpu.memory_space<semaphore_mem>>) src(%dma_wait3A_73 : memref<10240x128xf32, #tpu.memory_space<hbm>>) dst(%arg12 : memref<128x128xf32, #tpu.memory_space<vmem>>)
        %add3A_74 = arith.constant 1 : i32
        %add3A_75 = arith.addi %add3A_46, %add3A_74 : i32
        %dma_start3A_76 = arith.constant 0 : i32
        %dma_start3A_77 = tpu.memref_slice %arg10[%add3A_75, %dma_start3A_76] : memref<40x128xi32, #tpu.memory_space<vmem>> -> memref<1x128xi32, #tpu.memory_space<vmem>>
        %dma_start3A_78 = tpu.memref_squeeze %dma_start3A_77 : memref<1x128xi32, #tpu.memory_space<vmem>> -> memref<128xi32, #tpu.memory_space<vmem>>
        %dma_start3A_79 = arith.constant 0 : i32
        %dma_start3A_80 = arith.constant 0 : i32
        %dma_start3A_81 = tpu.memref_slice %arg13[%dma_start3A_79, %dma_start3A_80] : memref<10240x128xf32, #tpu.memory_space<vmem_shared>> -> memref<10240x128xf32, #tpu.memory_space<vmem_shared>>
        tpu.enqueue_indirect_dma source(%arg12 : memref<128x128xf32, #tpu.memory_space<vmem>>) target(%dma_start3A_81 : memref<10240x128xf32, #tpu.memory_space<vmem_shared>>) offsets(%dma_start3A_78 : memref<128xi32, #tpu.memory_space<vmem>>) semaphore(%arg17 : memref<!tpu.dma_semaphore, #tpu.memory_space<semaphore_mem>>) {add = true}
        %dma_wait3A_82 = arith.constant 0 : i32
        %dma_wait3A_83 = tpu.memref_slice %arg10[%add3A_46, %dma_wait3A_82] : memref<40x128xi32, #tpu.memory_space<vmem>> -> memref<1x128xi32, #tpu.memory_space<vmem>>
        %dma_wait3A_84 = tpu.memref_squeeze %dma_wait3A_83 : memref<1x128xi32, #tpu.memory_space<vmem>> -> memref<128xi32, #tpu.memory_space<vmem>>
        %dma_wait3A_85 = arith.constant 0 : i32
        %dma_wait3A_86 = arith.constant 0 : i32
        %dma_wait3A_87 = tpu.memref_slice %arg13[%dma_wait3A_85, %dma_wait3A_86] : memref<10240x128xf32, #tpu.memory_space<vmem_shared>> -> memref<10240x128xf32, #tpu.memory_space<vmem_shared>>
        tpu.wait_indirect_dma semaphore(%arg16 : memref<!tpu.dma_semaphore, #tpu.memory_space<semaphore_mem>>) src(%arg11 : memref<128x128xf32, #tpu.memory_space<vmem>>) dst(%dma_wait3A_87 : memref<10240x128xf32, #tpu.memory_space<vmem_shared>>)
        %add3A_88 = arith.constant 2 : i32
        %add3A_89 = arith.addi %add3A_46, %add3A_88 : i32
        %lt3A = arith.constant 40 : i32
        %lt3A_90 = arith.cmpi slt, %add3A_89, %lt3A : i32
        %convert_element_type3A_91 = arith.extui %lt3A_90 : i1 to i32
        %cond3A_92 = arith.constant 0 : i32
        %cond3A_93 = arith.cmpi ne, %convert_element_type3A_91, %cond3A_92 : i32
        scf.if %cond3A_93 {
          %add3A_102 = arith.constant 2 : i32
          %add3A_103 = arith.addi %add3A_46, %add3A_102 : i32
          %dma_start3A_104 = arith.constant 0 : i32
          %dma_start3A_105 = tpu.memref_slice %arg9[%add3A_103, %dma_start3A_104] : memref<40x128xi32, #tpu.memory_space<vmem>> -> memref<1x128xi32, #tpu.memory_space<vmem>>
          %dma_start3A_106 = tpu.memref_squeeze %dma_start3A_105 : memref<1x128xi32, #tpu.memory_space<vmem>> -> memref<128xi32, #tpu.memory_space<vmem>>
          %dma_start3A_107 = arith.constant 0 : i32
          %dma_start3A_108 = arith.constant 0 : i32
          %dma_start3A_109 = tpu.memref_slice %arg3[%dma_start3A_107, %dma_start3A_108] : memref<10240x128xf32, #tpu.memory_space<hbm>> -> memref<10240x128xf32, #tpu.memory_space<hbm>>
          tpu.enqueue_indirect_dma source(%dma_start3A_109 : memref<10240x128xf32, #tpu.memory_space<hbm>>) target(%arg11 : memref<128x128xf32, #tpu.memory_space<vmem>>) offsets(%dma_start3A_106 : memref<128xi32, #tpu.memory_space<vmem>>) semaphore(%arg14 : memref<!tpu.dma_semaphore, #tpu.memory_space<semaphore_mem>>)
        } else {
        }
        %add3A_94 = arith.constant 1 : i32
        %add3A_95 = arith.addi %add3A_46, %add3A_94 : i32
        %dma_wait3A_96 = arith.constant 0 : i32
        %dma_wait3A_97 = tpu.memref_slice %arg10[%add3A_95, %dma_wait3A_96] : memref<40x128xi32, #tpu.memory_space<vmem>> -> memref<1x128xi32, #tpu.memory_space<vmem>>
        %dma_wait3A_98 = tpu.memref_squeeze %dma_wait3A_97 : memref<1x128xi32, #tpu.memory_space<vmem>> -> memref<128xi32, #tpu.memory_space<vmem>>
        %dma_wait3A_99 = arith.constant 0 : i32
        %dma_wait3A_100 = arith.constant 0 : i32
        %dma_wait3A_101 = tpu.memref_slice %arg13[%dma_wait3A_99, %dma_wait3A_100] : memref<10240x128xf32, #tpu.memory_space<vmem_shared>> -> memref<10240x128xf32, #tpu.memory_space<vmem_shared>>
        tpu.wait_indirect_dma semaphore(%arg17 : memref<!tpu.dma_semaphore, #tpu.memory_space<semaphore_mem>>) src(%arg12 : memref<128x128xf32, #tpu.memory_space<vmem>>) dst(%dma_wait3A_101 : memref<10240x128xf32, #tpu.memory_space<vmem_shared>>)
      }
      %scan3A_24 = arith.constant 20 : i32
      %add3A_25 = arith.constant 40 : i32
      %add3A_26 = arith.addi %add3A_8, %add3A_25 : i32
      "tpu.region"() ({
        %run_scoped3A_42 = tpu.sem_alloc : memref<!tpu.dma_semaphore, #tpu.memory_space<semaphore_mem>>
        %dma_start3A_43 = arith.constant 0 : i32
        %dma_start3A_44 = tpu.memref_slice %arg4[%add3A_26, %dma_start3A_43] : memref<2560x128xi32, #tpu.memory_space<hbm>> -> memref<40x128xi32, #tpu.memory_space<hbm>>
        %dma_start3A_45 = arith.constant 0 : i32
        %dma_start3A_46 = tpu.memref_slice %arg4[%add3A_26, %dma_start3A_45] : memref<2560x128xi32, #tpu.memory_space<hbm>> -> memref<40x128xi32, #tpu.memory_space<hbm>>
        tpu.enqueue_dma source(%dma_start3A_46 : memref<40x128xi32, #tpu.memory_space<hbm>>) target(%arg9 : memref<40x128xi32, #tpu.memory_space<vmem>>) target_semaphore(%run_scoped3A_42 : memref<!tpu.dma_semaphore, #tpu.memory_space<semaphore_mem>>)
        %dma_wait3A = arith.constant 0 : i32
        %dma_wait3A_47 = tpu.memref_slice %arg4[%add3A_26, %dma_wait3A] : memref<2560x128xi32, #tpu.memory_space<hbm>> -> memref<40x128xi32, #tpu.memory_space<hbm>>
        %dma_wait3A_48 = arith.constant 0 : i32
        %dma_wait3A_49 = tpu.memref_slice %arg4[%add3A_26, %dma_wait3A_48] : memref<2560x128xi32, #tpu.memory_space<hbm>> -> memref<40x128xi32, #tpu.memory_space<hbm>>
        tpu.wait_dma2 semaphore(%run_scoped3A_42 : memref<!tpu.dma_semaphore, #tpu.memory_space<semaphore_mem>>) src(%dma_wait3A_49 : memref<40x128xi32, #tpu.memory_space<hbm>>) dst(%arg9 : memref<40x128xi32, #tpu.memory_space<vmem>>)
        tpu.yield
      }) : () -> ()
      %add3A_27 = arith.constant 40 : i32
      %add3A_28 = arith.addi %add3A_8, %add3A_27 : i32
      "tpu.region"() ({
        %run_scoped3A_42 = tpu.sem_alloc : memref<!tpu.dma_semaphore, #tpu.memory_space<semaphore_mem>>
        %dma_start3A_43 = arith.constant 0 : i32
        %dma_start3A_44 = tpu.memref_slice %arg5[%add3A_28, %dma_start3A_43] : memref<2560x128xi32, #tpu.memory_space<hbm>> -> memref<40x128xi32, #tpu.memory_space<hbm>>
        %dma_start3A_45 = arith.constant 0 : i32
        %dma_start3A_46 = tpu.memref_slice %arg5[%add3A_28, %dma_start3A_45] : memref<2560x128xi32, #tpu.memory_space<hbm>> -> memref<40x128xi32, #tpu.memory_space<hbm>>
        tpu.enqueue_dma source(%dma_start3A_46 : memref<40x128xi32, #tpu.memory_space<hbm>>) target(%arg10 : memref<40x128xi32, #tpu.memory_space<vmem>>) target_semaphore(%run_scoped3A_42 : memref<!tpu.dma_semaphore, #tpu.memory_space<semaphore_mem>>)
        %dma_wait3A = arith.constant 0 : i32
        %dma_wait3A_47 = tpu.memref_slice %arg5[%add3A_28, %dma_wait3A] : memref<2560x128xi32, #tpu.memory_space<hbm>> -> memref<40x128xi32, #tpu.memory_space<hbm>>
        %dma_wait3A_48 = arith.constant 0 : i32
        %dma_wait3A_49 = tpu.memref_slice %arg5[%add3A_28, %dma_wait3A_48] : memref<2560x128xi32, #tpu.memory_space<hbm>> -> memref<40x128xi32, #tpu.memory_space<hbm>>
        tpu.wait_dma2 semaphore(%run_scoped3A_42 : memref<!tpu.dma_semaphore, #tpu.memory_space<semaphore_mem>>) src(%dma_wait3A_49 : memref<40x128xi32, #tpu.memory_space<hbm>>) dst(%arg10 : memref<40x128xi32, #tpu.memory_space<vmem>>)
        tpu.yield
      }) : () -> ()
      %dma_start3A_29 = arith.constant 0 : i32
      %dma_start3A_30 = arith.constant 0 : i32
      %dma_start3A_31 = tpu.memref_slice %arg9[%dma_start3A_29, %dma_start3A_30] : memref<40x128xi32, #tpu.memory_space<vmem>> -> memref<1x128xi32, #tpu.memory_space<vmem>>
      %dma_start3A_32 = tpu.memref_squeeze %dma_start3A_31 : memref<1x128xi32, #tpu.memory_space<vmem>> -> memref<128xi32, #tpu.memory_space<vmem>>
      %dma_start3A_33 = arith.constant 0 : i32
      %dma_start3A_34 = arith.constant 0 : i32
      %dma_start3A_35 = tpu.memref_slice %arg3[%dma_start3A_33, %dma_start3A_34] : memref<10240x128xf32, #tpu.memory_space<hbm>> -> memref<10240x128xf32, #tpu.memory_space<hbm>>
      tpu.enqueue_indirect_dma source(%dma_start3A_35 : memref<10240x128xf32, #tpu.memory_space<hbm>>) target(%arg11 : memref<128x128xf32, #tpu.memory_space<vmem>>) offsets(%dma_start3A_32 : memref<128xi32, #tpu.memory_space<vmem>>) semaphore(%arg14 : memref<!tpu.dma_semaphore, #tpu.memory_space<semaphore_mem>>)
      %scan3A_36 = arith.constant 0 : i32
      %scan3A_37 = arith.constant 20 : i32
      %scan3A_38 = arith.addi %scan3A_36, %scan3A_37 : i32
      %scan3A_39 = arith.constant 1 : i32
      scf.for %scan3A_42 = %scan3A_36 to %scan3A_38 step %scan3A_39  : i32 {
        %mul3A_43 = arith.constant 2 : i32
        %mul3A_44 = arith.muli %scan3A_42, %mul3A_43 : i32
        %add3A_45 = arith.constant 0 : i32
        %add3A_46 = arith.addi %add3A_45, %mul3A_44 : i32
        %dma_wait3A = arith.constant 0 : i32
        %dma_wait3A_47 = tpu.memref_slice %arg9[%add3A_46, %dma_wait3A] : memref<40x128xi32, #tpu.memory_space<vmem>> -> memref<1x128xi32, #tpu.memory_space<vmem>>
        %dma_wait3A_48 = tpu.memref_squeeze %dma_wait3A_47 : memref<1x128xi32, #tpu.memory_space<vmem>> -> memref<128xi32, #tpu.memory_space<vmem>>
        %dma_wait3A_49 = arith.constant 0 : i32
        %dma_wait3A_50 = arith.constant 0 : i32
        %dma_wait3A_51 = tpu.memref_slice %arg3[%dma_wait3A_49, %dma_wait3A_50] : memref<10240x128xf32, #tpu.memory_space<hbm>> -> memref<10240x128xf32, #tpu.memory_space<hbm>>
        tpu.wait_indirect_dma semaphore(%arg14 : memref<!tpu.dma_semaphore, #tpu.memory_space<semaphore_mem>>) src(%dma_wait3A_51 : memref<10240x128xf32, #tpu.memory_space<hbm>>) dst(%arg11 : memref<128x128xf32, #tpu.memory_space<vmem>>)
        %dma_start3A_52 = arith.constant 0 : i32
        %dma_start3A_53 = tpu.memref_slice %arg10[%add3A_46, %dma_start3A_52] : memref<40x128xi32, #tpu.memory_space<vmem>> -> memref<1x128xi32, #tpu.memory_space<vmem>>
        %dma_start3A_54 = tpu.memref_squeeze %dma_start3A_53 : memref<1x128xi32, #tpu.memory_space<vmem>> -> memref<128xi32, #tpu.memory_space<vmem>>
        %dma_start3A_55 = arith.constant 0 : i32
        %dma_start3A_56 = arith.constant 0 : i32
        %dma_start3A_57 = tpu.memref_slice %arg13[%dma_start3A_55, %dma_start3A_56] : memref<10240x128xf32, #tpu.memory_space<vmem_shared>> -> memref<10240x128xf32, #tpu.memory_space<vmem_shared>>
        tpu.enqueue_indirect_dma source(%arg11 : memref<128x128xf32, #tpu.memory_space<vmem>>) target(%dma_start3A_57 : memref<10240x128xf32, #tpu.memory_space<vmem_shared>>) offsets(%dma_start3A_54 : memref<128xi32, #tpu.memory_space<vmem>>) semaphore(%arg16 : memref<!tpu.dma_semaphore, #tpu.memory_space<semaphore_mem>>) {add = true}
        %add3A_58 = arith.constant 1 : i32
        %add3A_59 = arith.addi %add3A_46, %add3A_58 : i32
        %dma_start3A_60 = arith.constant 0 : i32
        %dma_start3A_61 = tpu.memref_slice %arg9[%add3A_59, %dma_start3A_60] : memref<40x128xi32, #tpu.memory_space<vmem>> -> memref<1x128xi32, #tpu.memory_space<vmem>>
        %dma_start3A_62 = tpu.memref_squeeze %dma_start3A_61 : memref<1x128xi32, #tpu.memory_space<vmem>> -> memref<128xi32, #tpu.memory_space<vmem>>
        %dma_start3A_63 = arith.constant 0 : i32
        %dma_start3A_64 = arith.constant 0 : i32
        %dma_start3A_65 = tpu.memref_slice %arg3[%dma_start3A_63, %dma_start3A_64] : memref<10240x128xf32, #tpu.memory_space<hbm>> -> memref<10240x128xf32, #tpu.memory_space<hbm>>
        tpu.enqueue_indirect_dma source(%dma_start3A_65 : memref<10240x128xf32, #tpu.memory_space<hbm>>) target(%arg12 : memref<128x128xf32, #tpu.memory_space<vmem>>) offsets(%dma_start3A_62 : memref<128xi32, #tpu.memory_space<vmem>>) semaphore(%arg15 : memref<!tpu.dma_semaphore, #tpu.memory_space<semaphore_mem>>)
        %add3A_66 = arith.constant 1 : i32
        %add3A_67 = arith.addi %add3A_46, %add3A_66 : i32
        %dma_wait3A_68 = arith.constant 0 : i32
        %dma_wait3A_69 = tpu.memref_slice %arg9[%add3A_67, %dma_wait3A_68] : memref<40x128xi32, #tpu.memory_space<vmem>> -> memref<1x128xi32, #tpu.memory_space<vmem>>
        %dma_wait3A_70 = tpu.memref_squeeze %dma_wait3A_69 : memref<1x128xi32, #tpu.memory_space<vmem>> -> memref<128xi32, #tpu.memory_space<vmem>>
        %dma_wait3A_71 = arith.constant 0 : i32
        %dma_wait3A_72 = arith.constant 0 : i32
        %dma_wait3A_73 = tpu.memref_slice %arg3[%dma_wait3A_71, %dma_wait3A_72] : memref<10240x128xf32, #tpu.memory_space<hbm>> -> memref<10240x128xf32, #tpu.memory_space<hbm>>
        tpu.wait_indirect_dma semaphore(%arg15 : memref<!tpu.dma_semaphore, #tpu.memory_space<semaphore_mem>>) src(%dma_wait3A_73 : memref<10240x128xf32, #tpu.memory_space<hbm>>) dst(%arg12 : memref<128x128xf32, #tpu.memory_space<vmem>>)
        %add3A_74 = arith.constant 1 : i32
        %add3A_75 = arith.addi %add3A_46, %add3A_74 : i32
        %dma_start3A_76 = arith.constant 0 : i32
        %dma_start3A_77 = tpu.memref_slice %arg10[%add3A_75, %dma_start3A_76] : memref<40x128xi32, #tpu.memory_space<vmem>> -> memref<1x128xi32, #tpu.memory_space<vmem>>
        %dma_start3A_78 = tpu.memref_squeeze %dma_start3A_77 : memref<1x128xi32, #tpu.memory_space<vmem>> -> memref<128xi32, #tpu.memory_space<vmem>>
        %dma_start3A_79 = arith.constant 0 : i32
        %dma_start3A_80 = arith.constant 0 : i32
        %dma_start3A_81 = tpu.memref_slice %arg13[%dma_start3A_79, %dma_start3A_80] : memref<10240x128xf32, #tpu.memory_space<vmem_shared>> -> memref<10240x128xf32, #tpu.memory_space<vmem_shared>>
        tpu.enqueue_indirect_dma source(%arg12 : memref<128x128xf32, #tpu.memory_space<vmem>>) target(%dma_start3A_81 : memref<10240x128xf32, #tpu.memory_space<vmem_shared>>) offsets(%dma_start3A_78 : memref<128xi32, #tpu.memory_space<vmem>>) semaphore(%arg17 : memref<!tpu.dma_semaphore, #tpu.memory_space<semaphore_mem>>) {add = true}
        %dma_wait3A_82 = arith.constant 0 : i32
        %dma_wait3A_83 = tpu.memref_slice %arg10[%add3A_46, %dma_wait3A_82] : memref<40x128xi32, #tpu.memory_space<vmem>> -> memref<1x128xi32, #tpu.memory_space<vmem>>
        %dma_wait3A_84 = tpu.memref_squeeze %dma_wait3A_83 : memref<1x128xi32, #tpu.memory_space<vmem>> -> memref<128xi32, #tpu.memory_space<vmem>>
        %dma_wait3A_85 = arith.constant 0 : i32
        %dma_wait3A_86 = arith.constant 0 : i32
        %dma_wait3A_87 = tpu.memref_slice %arg13[%dma_wait3A_85, %dma_wait3A_86] : memref<10240x128xf32, #tpu.memory_space<vmem_shared>> -> memref<10240x128xf32, #tpu.memory_space<vmem_shared>>
        tpu.wait_indirect_dma semaphore(%arg16 : memref<!tpu.dma_semaphore, #tpu.memory_space<semaphore_mem>>) src(%arg11 : memref<128x128xf32, #tpu.memory_space<vmem>>) dst(%dma_wait3A_87 : memref<10240x128xf32, #tpu.memory_space<vmem_shared>>)
        %add3A_88 = arith.constant 2 : i32
        %add3A_89 = arith.addi %add3A_46, %add3A_88 : i32
        %lt3A = arith.constant 40 : i32
        %lt3A_90 = arith.cmpi slt, %add3A_89, %lt3A : i32
        %convert_element_type3A_91 = arith.extui %lt3A_90 : i1 to i32
        %cond3A_92 = arith.constant 0 : i32
        %cond3A_93 = arith.cmpi ne, %convert_element_type3A_91, %cond3A_92 : i32
        scf.if %cond3A_93 {
          %add3A_102 = arith.constant 2 : i32
          %add3A_103 = arith.addi %add3A_46, %add3A_102 : i32
          %dma_start3A_104 = arith.constant 0 : i32
          %dma_start3A_105 = tpu.memref_slice %arg9[%add3A_103, %dma_start3A_104] : memref<40x128xi32, #tpu.memory_space<vmem>> -> memref<1x128xi32, #tpu.memory_space<vmem>>
          %dma_start3A_106 = tpu.memref_squeeze %dma_start3A_105 : memref<1x128xi32, #tpu.memory_space<vmem>> -> memref<128xi32, #tpu.memory_space<vmem>>
          %dma_start3A_107 = arith.constant 0 : i32
          %dma_start3A_108 = arith.constant 0 : i32
          %dma_start3A_109 = tpu.memref_slice %arg3[%dma_start3A_107, %dma_start3A_108] : memref<10240x128xf32, #tpu.memory_space<hbm>> -> memref<10240x128xf32, #tpu.memory_space<hbm>>
          tpu.enqueue_indirect_dma source(%dma_start3A_109 : memref<10240x128xf32, #tpu.memory_space<hbm>>) target(%arg11 : memref<128x128xf32, #tpu.memory_space<vmem>>) offsets(%dma_start3A_106 : memref<128xi32, #tpu.memory_space<vmem>>) semaphore(%arg14 : memref<!tpu.dma_semaphore, #tpu.memory_space<semaphore_mem>>)
        } else {
        }
        %add3A_94 = arith.constant 1 : i32
        %add3A_95 = arith.addi %add3A_46, %add3A_94 : i32
        %dma_wait3A_96 = arith.constant 0 : i32
        %dma_wait3A_97 = tpu.memref_slice %arg10[%add3A_95, %dma_wait3A_96] : memref<40x128xi32, #tpu.memory_space<vmem>> -> memref<1x128xi32, #tpu.memory_space<vmem>>
        %dma_wait3A_98 = tpu.memref_squeeze %dma_wait3A_97 : memref<1x128xi32, #tpu.memory_space<vmem>> -> memref<128xi32, #tpu.memory_space<vmem>>
        %dma_wait3A_99 = arith.constant 0 : i32
        %dma_wait3A_100 = arith.constant 0 : i32
        %dma_wait3A_101 = tpu.memref_slice %arg13[%dma_wait3A_99, %dma_wait3A_100] : memref<10240x128xf32, #tpu.memory_space<vmem_shared>> -> memref<10240x128xf32, #tpu.memory_space<vmem_shared>>
        tpu.wait_indirect_dma semaphore(%arg17 : memref<!tpu.dma_semaphore, #tpu.memory_space<semaphore_mem>>) src(%arg12 : memref<128x128xf32, #tpu.memory_space<vmem>>) dst(%dma_wait3A_101 : memref<10240x128xf32, #tpu.memory_space<vmem_shared>>)
      }
      %scan3A_40 = arith.constant 20 : i32
      %barrier3A_41 = arith.constant 0 : index
      tpu.barrier barrier_id(%barrier3A_41)
      %run_scoped3A = arith.constant 1 : i32
      "tpu.region"() ({
        %run_scoped3A_42 = tpu.sem_alloc : memref<!tpu.dma_semaphore, #tpu.memory_space<semaphore_mem>>
        %dma_start3A_43 = arith.constant 0 : i32
        %dma_start3A_44 = tpu.memref_slice %arg8[%run_scoped3A, %mul3A_10, %dma_start3A_43] : memref<2x10240x128xf32, #tpu.memory_space<hbm>> -> memref<1x640x128xf32, #tpu.memory_space<hbm>>
        %dma_start3A_45 = tpu.memref_squeeze %dma_start3A_44 : memref<1x640x128xf32, #tpu.memory_space<hbm>> -> memref<640x128xf32, #tpu.memory_space<hbm>>
        %dma_start3A_46 = arith.constant 0 : i32
        %dma_start3A_47 = tpu.memref_slice %arg13[%mul3A_10, %dma_start3A_46] : memref<10240x128xf32, #tpu.memory_space<vmem_shared>> -> memref<640x128xf32, #tpu.memory_space<vmem_shared>>
        tpu.enqueue_dma source(%dma_start3A_47 : memref<640x128xf32, #tpu.memory_space<vmem_shared>>) target(%dma_start3A_45 : memref<640x128xf32, #tpu.memory_space<hbm>>) target_semaphore(%run_scoped3A_42 : memref<!tpu.dma_semaphore, #tpu.memory_space<semaphore_mem>>)
        %dma_wait3A = arith.constant 0 : i32
        %dma_wait3A_48 = tpu.memref_slice %arg8[%run_scoped3A, %mul3A_10, %dma_wait3A] : memref<2x10240x128xf32, #tpu.memory_space<hbm>> -> memref<1x640x128xf32, #tpu.memory_space<hbm>>
        %dma_wait3A_49 = tpu.memref_squeeze %dma_wait3A_48 : memref<1x640x128xf32, #tpu.memory_space<hbm>> -> memref<640x128xf32, #tpu.memory_space<hbm>>
        %dma_wait3A_50 = arith.constant 0 : i32
        %dma_wait3A_51 = tpu.memref_slice %arg13[%mul3A_10, %dma_wait3A_50] : memref<10240x128xf32, #tpu.memory_space<vmem_shared>> -> memref<640x128xf32, #tpu.memory_space<vmem_shared>>
        tpu.wait_dma2 semaphore(%run_scoped3A_42 : memref<!tpu.dma_semaphore, #tpu.memory_space<semaphore_mem>>) src(%dma_wait3A_51 : memref<640x128xf32, #tpu.memory_space<vmem_shared>>) dst(%dma_wait3A_49 : memref<640x128xf32, #tpu.memory_space<hbm>>)
        tpu.yield
      }) : () -> ()
    } else {
    }
    return
  }
}

#map = affine_map<(d0, d1) -> (0, 0)>
#map1 = affine_map<(d0, d1) -> (0, 0, 0)>
module attributes {stable_mosaic.version = 14 : i64} {
  func.func @body(%arg0: i32, %arg1: i32, %arg2: memref<10240x128xf32, #tpu.memory_space<hbm>>, %arg3: memref<10240x128xf32, #tpu.memory_space<hbm>>, %arg4: memref<2560x128xi32, #tpu.memory_space<hbm>>, %arg5: memref<2560x128xi32, #tpu.memory_space<hbm>>, %arg6: memref<10240x128xf32, #tpu.memory_space<hbm>>, %arg7: memref<10240x128xf32, #tpu.memory_space<hbm>>, %arg8: memref<2x10240x128xf32, #tpu.memory_space<hbm>>, %arg9: memref<40x128xi32, #tpu.memory_space<vmem>>, %arg10: memref<40x128xi32, #tpu.memory_space<vmem>>, %arg11: memref<128x128xf32, #tpu.memory_space<vmem>>, %arg12: memref<128x128xf32, #tpu.memory_space<vmem>>, %arg13: memref<10240x128xf32, #tpu.memory_space<vmem_shared>>, %arg14: memref<!tpu.dma_semaphore, #tpu.memory_space<semaphore_mem>>, %arg15: memref<!tpu.dma_semaphore, #tpu.memory_space<semaphore_mem>>, %arg16: memref<!tpu.dma_semaphore, #tpu.memory_space<semaphore_mem>>, %arg17: memref<!tpu.dma_semaphore, #tpu.memory_space<semaphore_mem>>) attributes {dimension_semantics = [#tpu.dimension_semantics<core_parallel>, #tpu.dimension_semantics<subcore_parallel>], iteration_bounds = array<i64: 2, 16>, scalar_prefetch = 0 : i64, scratch_operands = 9 : i64, tpu.core_type = #tpu.core_type<sc_vector_subcore>, window_params = [{transform_indices = #map}, {transform_indices = #map}, {transform_indices = #map}, {transform_indices = #map}, {transform_indices = #map}, {transform_indices = #map}, {transform_indices = #map1}]} {
    %eq3A = arith.constant 0 : i32
    %eq3A_0 = arith.cmpi eq, %arg0, %eq3A : i32
    %convert_element_type3A = arith.extui %eq3A_0 : i1 to i32
    %cond3A = arith.constant 0 : i32
    %cond3A_1 = arith.cmpi ne, %convert_element_type3A, %cond3A : i32
    scf.if %cond3A_1 {
      %mul3A = arith.constant 80 : i32
      %mul3A_7 = arith.muli %arg1, %mul3A : i32
      %add3A = arith.constant 0 : i32
      %add3A_8 = arith.addi %add3A, %mul3A_7 : i32
      %mul3A_9 = arith.constant 640 : i32
      %mul3A_10 = arith.muli %arg1, %mul3A_9 : i32
      "tpu.region"() ({
        %run_scoped3A_42 = tpu.sem_alloc : memref<!tpu.dma_semaphore, #tpu.memory_space<semaphore_mem>>
        %dma_start3A_43 = arith.constant 0 : i32
        %dma_start3A_44 = tpu.memref_slice %arg13[%mul3A_10, %dma_start3A_43] : memref<10240x128xf32, #tpu.memory_space<vmem_shared>> -> memref<640x128xf32, #tpu.memory_space<vmem_shared>>
        %dma_start3A_45 = arith.constant 0 : i32
        %dma_start3A_46 = tpu.memref_slice %arg6[%mul3A_10, %dma_start3A_45] : memref<10240x128xf32, #tpu.memory_space<hbm>> -> memref<640x128xf32, #tpu.memory_space<hbm>>
        tpu.enqueue_dma source(%dma_start3A_46 : memref<640x128xf32, #tpu.memory_space<hbm>>) target(%dma_start3A_44 : memref<640x128xf32, #tpu.memory_space<vmem_shared>>) target_semaphore(%run_scoped3A_42 : memref<!tpu.dma_semaphore, #tpu.memory_space<semaphore_mem>>)
        %dma_wait3A = arith.constant 0 : i32
        %dma_wait3A_47 = tpu.memref_slice %arg13[%mul3A_10, %dma_wait3A] : memref<10240x128xf32, #tpu.memory_space<vmem_shared>> -> memref<640x128xf32, #tpu.memory_space<vmem_shared>>
        %dma_wait3A_48 = arith.constant 0 : i32
        %dma_wait3A_49 = tpu.memref_slice %arg6[%mul3A_10, %dma_wait3A_48] : memref<10240x128xf32, #tpu.memory_space<hbm>> -> memref<640x128xf32, #tpu.memory_space<hbm>>
        tpu.wait_dma2 semaphore(%run_scoped3A_42 : memref<!tpu.dma_semaphore, #tpu.memory_space<semaphore_mem>>) src(%dma_wait3A_49 : memref<640x128xf32, #tpu.memory_space<hbm>>) dst(%dma_wait3A_47 : memref<640x128xf32, #tpu.memory_space<vmem_shared>>)
        tpu.yield
      }) : () -> ()
      %barrier3A = arith.constant 0 : index
      tpu.barrier barrier_id(%barrier3A)
      %add3A_11 = arith.constant 0 : i32
      %add3A_12 = arith.addi %add3A_8, %add3A_11 : i32
      "tpu.region"() ({
        %run_scoped3A_42 = tpu.sem_alloc : memref<!tpu.dma_semaphore, #tpu.memory_space<semaphore_mem>>
        %dma_start3A_43 = arith.constant 0 : i32
        %dma_start3A_44 = tpu.memref_slice %arg4[%add3A_12, %dma_start3A_43] : memref<2560x128xi32, #tpu.memory_space<hbm>> -> memref<40x128xi32, #tpu.memory_space<hbm>>
        %dma_start3A_45 = arith.constant 0 : i32
        %dma_start3A_46 = tpu.memref_slice %arg4[%add3A_12, %dma_start3A_45] : memref<2560x128xi32, #tpu.memory_space<hbm>> -> memref<40x128xi32, #tpu.memory_space<hbm>>
        tpu.enqueue_dma source(%dma_start3A_46 : memref<40x128xi32, #tpu.memory_space<hbm>>) target(%arg9 : memref<40x128xi32, #tpu.memory_space<vmem>>) target_semaphore(%run_scoped3A_42 : memref<!tpu.dma_semaphore, #tpu.memory_space<semaphore_mem>>)
        %dma_wait3A = arith.constant 0 : i32
        %dma_wait3A_47 = tpu.memref_slice %arg4[%add3A_12, %dma_wait3A] : memref<2560x128xi32, #tpu.memory_space<hbm>> -> memref<40x128xi32, #tpu.memory_space<hbm>>
        %dma_wait3A_48 = arith.constant 0 : i32
        %dma_wait3A_49 = tpu.memref_slice %arg4[%add3A_12, %dma_wait3A_48] : memref<2560x128xi32, #tpu.memory_space<hbm>> -> memref<40x128xi32, #tpu.memory_space<hbm>>
        tpu.wait_dma2 semaphore(%run_scoped3A_42 : memref<!tpu.dma_semaphore, #tpu.memory_space<semaphore_mem>>) src(%dma_wait3A_49 : memref<40x128xi32, #tpu.memory_space<hbm>>) dst(%arg9 : memref<40x128xi32, #tpu.memory_space<vmem>>)
        tpu.yield
      }) : () -> ()
      %add3A_13 = arith.constant 0 : i32
      %add3A_14 = arith.addi %add3A_8, %add3A_13 : i32
      "tpu.region"() ({
        %run_scoped3A_42 = tpu.sem_alloc : memref<!tpu.dma_semaphore, #tpu.memory_space<semaphore_mem>>
        %dma_start3A_43 = arith.constant 0 : i32
        %dma_start3A_44 = tpu.memref_slice %arg5[%add3A_14, %dma_start3A_43] : memref<2560x128xi32, #tpu.memory_space<hbm>> -> memref<40x128xi32, #tpu.memory_space<hbm>>
        %dma_start3A_45 = arith.constant 0 : i32
        %dma_start3A_46 = tpu.memref_slice %arg5[%add3A_14, %dma_start3A_45] : memref<2560x128xi32, #tpu.memory_space<hbm>> -> memref<40x128xi32, #tpu.memory_space<hbm>>
        tpu.enqueue_dma source(%dma_start3A_46 : memref<40x128xi32, #tpu.memory_space<hbm>>) target(%arg10 : memref<40x128xi32, #tpu.memory_space<vmem>>) target_semaphore(%run_scoped3A_42 : memref<!tpu.dma_semaphore, #tpu.memory_space<semaphore_mem>>)
        %dma_wait3A = arith.constant 0 : i32
        %dma_wait3A_47 = tpu.memref_slice %arg5[%add3A_14, %dma_wait3A] : memref<2560x128xi32, #tpu.memory_space<hbm>> -> memref<40x128xi32, #tpu.memory_space<hbm>>
        %dma_wait3A_48 = arith.constant 0 : i32
        %dma_wait3A_49 = tpu.memref_slice %arg5[%add3A_14, %dma_wait3A_48] : memref<2560x128xi32, #tpu.memory_space<hbm>> -> memref<40x128xi32, #tpu.memory_space<hbm>>
        tpu.wait_dma2 semaphore(%run_scoped3A_42 : memref<!tpu.dma_semaphore, #tpu.memory_space<semaphore_mem>>) src(%dma_wait3A_49 : memref<40x128xi32, #tpu.memory_space<hbm>>) dst(%arg10 : memref<40x128xi32, #tpu.memory_space<vmem>>)
        tpu.yield
      }) : () -> ()
      %dma_start3A = arith.constant 0 : i32
      %dma_start3A_15 = arith.constant 0 : i32
      %dma_start3A_16 = tpu.memref_slice %arg9[%dma_start3A, %dma_start3A_15] : memref<40x128xi32, #tpu.memory_space<vmem>> -> memref<1x128xi32, #tpu.memory_space<vmem>>
      %dma_start3A_17 = tpu.memref_squeeze %dma_start3A_16 : memref<1x128xi32, #tpu.memory_space<vmem>> -> memref<128xi32, #tpu.memory_space<vmem>>
      %dma_start3A_18 = arith.constant 0 : i32
      %dma_start3A_19 = arith.constant 0 : i32
      %dma_start3A_20 = tpu.memref_slice %arg2[%dma_start3A_18, %dma_start3A_19] : memref<10240x128xf32, #tpu.memory_space<hbm>> -> memref<10240x128xf32, #tpu.memory_space<hbm>>
      tpu.enqueue_indirect_dma source(%dma_start3A_20 : memref<10240x128xf32, #tpu.memory_space<hbm>>) target(%arg11 : memref<128x128xf32, #tpu.memory_space<vmem>>) offsets(%dma_start3A_17 : memref<128xi32, #tpu.memory_space<vmem>>) semaphore(%arg14 : memref<!tpu.dma_semaphore, #tpu.memory_space<semaphore_mem>>)
      %scan3A = arith.constant 0 : i32
      %scan3A_21 = arith.constant 20 : i32
      %scan3A_22 = arith.addi %scan3A, %scan3A_21 : i32
      %scan3A_23 = arith.constant 1 : i32
      scf.for %scan3A_42 = %scan3A to %scan3A_22 step %scan3A_23  : i32 {
        %mul3A_43 = arith.constant 2 : i32
        %mul3A_44 = arith.muli %scan3A_42, %mul3A_43 : i32
        %add3A_45 = arith.constant 0 : i32
        %add3A_46 = arith.addi %add3A_45, %mul3A_44 : i32
        %dma_wait3A = arith.constant 0 : i32
        %dma_wait3A_47 = tpu.memref_slice %arg9[%add3A_46, %dma_wait3A] : memref<40x128xi32, #tpu.memory_space<vmem>> -> memref<1x128xi32, #tpu.memory_space<vmem>>
        %dma_wait3A_48 = tpu.memref_squeeze %dma_wait3A_47 : memref<1x128xi32, #tpu.memory_space<vmem>> -> memref<128xi32, #tpu.memory_space<vmem>>
        %dma_wait3A_49 = arith.constant 0 : i32
        %dma_wait3A_50 = arith.constant 0 : i32
        %dma_wait3A_51 = tpu.memref_slice %arg2[%dma_wait3A_49, %dma_wait3A_50] : memref<10240x128xf32, #tpu.memory_space<hbm>> -> memref<10240x128xf32, #tpu.memory_space<hbm>>
        tpu.wait_indirect_dma semaphore(%arg14 : memref<!tpu.dma_semaphore, #tpu.memory_space<semaphore_mem>>) src(%dma_wait3A_51 : memref<10240x128xf32, #tpu.memory_space<hbm>>) dst(%arg11 : memref<128x128xf32, #tpu.memory_space<vmem>>)
        %dma_start3A_52 = arith.constant 0 : i32
        %dma_start3A_53 = tpu.memref_slice %arg10[%add3A_46, %dma_start3A_52] : memref<40x128xi32, #tpu.memory_space<vmem>> -> memref<1x128xi32, #tpu.memory_space<vmem>>
        %dma_start3A_54 = tpu.memref_squeeze %dma_start3A_53 : memref<1x128xi32, #tpu.memory_space<vmem>> -> memref<128xi32, #tpu.memory_space<vmem>>
        %dma_start3A_55 = arith.constant 0 : i32
        %dma_start3A_56 = arith.constant 0 : i32
        %dma_start3A_57 = tpu.memref_slice %arg13[%dma_start3A_55, %dma_start3A_56] : memref<10240x128xf32, #tpu.memory_space<vmem_shared>> -> memref<10240x128xf32, #tpu.memory_space<vmem_shared>>
        tpu.enqueue_indirect_dma source(%arg11 : memref<128x128xf32, #tpu.memory_space<vmem>>) target(%dma_start3A_57 : memref<10240x128xf32, #tpu.memory_space<vmem_shared>>) offsets(%dma_start3A_54 : memref<128xi32, #tpu.memory_space<vmem>>) semaphore(%arg16 : memref<!tpu.dma_semaphore, #tpu.memory_space<semaphore_mem>>) {add = true}
        %add3A_58 = arith.constant 1 : i32
        %add3A_59 = arith.addi %add3A_46, %add3A_58 : i32
        %dma_start3A_60 = arith.constant 0 : i32
        %dma_start3A_61 = tpu.memref_slice %arg9[%add3A_59, %dma_start3A_60] : memref<40x128xi32, #tpu.memory_space<vmem>> -> memref<1x128xi32, #tpu.memory_space<vmem>>
        %dma_start3A_62 = tpu.memref_squeeze %dma_start3A_61 : memref<1x128xi32, #tpu.memory_space<vmem>> -> memref<128xi32, #tpu.memory_space<vmem>>
        %dma_start3A_63 = arith.constant 0 : i32
        %dma_start3A_64 = arith.constant 0 : i32
        %dma_start3A_65 = tpu.memref_slice %arg2[%dma_start3A_63, %dma_start3A_64] : memref<10240x128xf32, #tpu.memory_space<hbm>> -> memref<10240x128xf32, #tpu.memory_space<hbm>>
        tpu.enqueue_indirect_dma source(%dma_start3A_65 : memref<10240x128xf32, #tpu.memory_space<hbm>>) target(%arg12 : memref<128x128xf32, #tpu.memory_space<vmem>>) offsets(%dma_start3A_62 : memref<128xi32, #tpu.memory_space<vmem>>) semaphore(%arg15 : memref<!tpu.dma_semaphore, #tpu.memory_space<semaphore_mem>>)
        %add3A_66 = arith.constant 1 : i32
        %add3A_67 = arith.addi %add3A_46, %add3A_66 : i32
        %dma_wait3A_68 = arith.constant 0 : i32
        %dma_wait3A_69 = tpu.memref_slice %arg9[%add3A_67, %dma_wait3A_68] : memref<40x128xi32, #tpu.memory_space<vmem>> -> memref<1x128xi32, #tpu.memory_space<vmem>>
        %dma_wait3A_70 = tpu.memref_squeeze %dma_wait3A_69 : memref<1x128xi32, #tpu.memory_space<vmem>> -> memref<128xi32, #tpu.memory_space<vmem>>
        %dma_wait3A_71 = arith.constant 0 : i32
        %dma_wait3A_72 = arith.constant 0 : i32
        %dma_wait3A_73 = tpu.memref_slice %arg2[%dma_wait3A_71, %dma_wait3A_72] : memref<10240x128xf32, #tpu.memory_space<hbm>> -> memref<10240x128xf32, #tpu.memory_space<hbm>>
        tpu.wait_indirect_dma semaphore(%arg15 : memref<!tpu.dma_semaphore, #tpu.memory_space<semaphore_mem>>) src(%dma_wait3A_73 : memref<10240x128xf32, #tpu.memory_space<hbm>>) dst(%arg12 : memref<128x128xf32, #tpu.memory_space<vmem>>)
        %add3A_74 = arith.constant 1 : i32
        %add3A_75 = arith.addi %add3A_46, %add3A_74 : i32
        %dma_start3A_76 = arith.constant 0 : i32
        %dma_start3A_77 = tpu.memref_slice %arg10[%add3A_75, %dma_start3A_76] : memref<40x128xi32, #tpu.memory_space<vmem>> -> memref<1x128xi32, #tpu.memory_space<vmem>>
        %dma_start3A_78 = tpu.memref_squeeze %dma_start3A_77 : memref<1x128xi32, #tpu.memory_space<vmem>> -> memref<128xi32, #tpu.memory_space<vmem>>
        %dma_start3A_79 = arith.constant 0 : i32
        %dma_start3A_80 = arith.constant 0 : i32
        %dma_start3A_81 = tpu.memref_slice %arg13[%dma_start3A_79, %dma_start3A_80] : memref<10240x128xf32, #tpu.memory_space<vmem_shared>> -> memref<10240x128xf32, #tpu.memory_space<vmem_shared>>
        tpu.enqueue_indirect_dma source(%arg12 : memref<128x128xf32, #tpu.memory_space<vmem>>) target(%dma_start3A_81 : memref<10240x128xf32, #tpu.memory_space<vmem_shared>>) offsets(%dma_start3A_78 : memref<128xi32, #tpu.memory_space<vmem>>) semaphore(%arg17 : memref<!tpu.dma_semaphore, #tpu.memory_space<semaphore_mem>>) {add = true}
        %dma_wait3A_82 = arith.constant 0 : i32
        %dma_wait3A_83 = tpu.memref_slice %arg10[%add3A_46, %dma_wait3A_82] : memref<40x128xi32, #tpu.memory_space<vmem>> -> memref<1x128xi32, #tpu.memory_space<vmem>>
        %dma_wait3A_84 = tpu.memref_squeeze %dma_wait3A_83 : memref<1x128xi32, #tpu.memory_space<vmem>> -> memref<128xi32, #tpu.memory_space<vmem>>
        %dma_wait3A_85 = arith.constant 0 : i32
        %dma_wait3A_86 = arith.constant 0 : i32
        %dma_wait3A_87 = tpu.memref_slice %arg13[%dma_wait3A_85, %dma_wait3A_86] : memref<10240x128xf32, #tpu.memory_space<vmem_shared>> -> memref<10240x128xf32, #tpu.memory_space<vmem_shared>>
        tpu.wait_indirect_dma semaphore(%arg16 : memref<!tpu.dma_semaphore, #tpu.memory_space<semaphore_mem>>) src(%arg11 : memref<128x128xf32, #tpu.memory_space<vmem>>) dst(%dma_wait3A_87 : memref<10240x128xf32, #tpu.memory_space<vmem_shared>>)
        %add3A_88 = arith.constant 2 : i32
        %add3A_89 = arith.addi %add3A_46, %add3A_88 : i32
        %lt3A = arith.constant 40 : i32
        %lt3A_90 = arith.cmpi slt, %add3A_89, %lt3A : i32
        %convert_element_type3A_91 = arith.extui %lt3A_90 : i1 to i32
        %cond3A_92 = arith.constant 0 : i32
        %cond3A_93 = arith.cmpi ne, %convert_element_type3A_91, %cond3A_92 : i32
        scf.if %cond3A_93 {
          %add3A_102 = arith.constant 2 : i32
          %add3A_103 = arith.addi %add3A_46, %add3A_102 : i32
          %dma_start3A_104 = arith.constant 0 : i32
          %dma_start3A_105 = tpu.memref_slice %arg9[%add3A_103, %dma_start3A_104] : memref<40x128xi32, #tpu.memory_space<vmem>> -> memref<1x128xi32, #tpu.memory_space<vmem>>
          %dma_start3A_106 = tpu.memref_squeeze %dma_start3A_105 : memref<1x128xi32, #tpu.memory_space<vmem>> -> memref<128xi32, #tpu.memory_space<vmem>>
          %dma_start3A_107 = arith.constant 0 : i32
          %dma_start3A_108 = arith.constant 0 : i32
          %dma_start3A_109 = tpu.memref_slice %arg2[%dma_start3A_107, %dma_start3A_108] : memref<10240x128xf32, #tpu.memory_space<hbm>> -> memref<10240x128xf32, #tpu.memory_space<hbm>>
          tpu.enqueue_indirect_dma source(%dma_start3A_109 : memref<10240x128xf32, #tpu.memory_space<hbm>>) target(%arg11 : memref<128x128xf32, #tpu.memory_space<vmem>>) offsets(%dma_start3A_106 : memref<128xi32, #tpu.memory_space<vmem>>) semaphore(%arg14 : memref<!tpu.dma_semaphore, #tpu.memory_space<semaphore_mem>>)
        } else {
        }
        %add3A_94 = arith.constant 1 : i32
        %add3A_95 = arith.addi %add3A_46, %add3A_94 : i32
        %dma_wait3A_96 = arith.constant 0 : i32
        %dma_wait3A_97 = tpu.memref_slice %arg10[%add3A_95, %dma_wait3A_96] : memref<40x128xi32, #tpu.memory_space<vmem>> -> memref<1x128xi32, #tpu.memory_space<vmem>>
        %dma_wait3A_98 = tpu.memref_squeeze %dma_wait3A_97 : memref<1x128xi32, #tpu.memory_space<vmem>> -> memref<128xi32, #tpu.memory_space<vmem>>
        %dma_wait3A_99 = arith.constant 0 : i32
        %dma_wait3A_100 = arith.constant 0 : i32
        %dma_wait3A_101 = tpu.memref_slice %arg13[%dma_wait3A_99, %dma_wait3A_100] : memref<10240x128xf32, #tpu.memory_space<vmem_shared>> -> memref<10240x128xf32, #tpu.memory_space<vmem_shared>>
        tpu.wait_indirect_dma semaphore(%arg17 : memref<!tpu.dma_semaphore, #tpu.memory_space<semaphore_mem>>) src(%arg12 : memref<128x128xf32, #tpu.memory_space<vmem>>) dst(%dma_wait3A_101 : memref<10240x128xf32, #tpu.memory_space<vmem_shared>>)
      }
      %scan3A_24 = arith.constant 20 : i32
      %add3A_25 = arith.constant 40 : i32
      %add3A_26 = arith.addi %add3A_8, %add3A_25 : i32
      "tpu.region"() ({
        %run_scoped3A_42 = tpu.sem_alloc : memref<!tpu.dma_semaphore, #tpu.memory_space<semaphore_mem>>
        %dma_start3A_43 = arith.constant 0 : i32
        %dma_start3A_44 = tpu.memref_slice %arg4[%add3A_26, %dma_start3A_43] : memref<2560x128xi32, #tpu.memory_space<hbm>> -> memref<40x128xi32, #tpu.memory_space<hbm>>
        %dma_start3A_45 = arith.constant 0 : i32
        %dma_start3A_46 = tpu.memref_slice %arg4[%add3A_26, %dma_start3A_45] : memref<2560x128xi32, #tpu.memory_space<hbm>> -> memref<40x128xi32, #tpu.memory_space<hbm>>
        tpu.enqueue_dma source(%dma_start3A_46 : memref<40x128xi32, #tpu.memory_space<hbm>>) target(%arg9 : memref<40x128xi32, #tpu.memory_space<vmem>>) target_semaphore(%run_scoped3A_42 : memref<!tpu.dma_semaphore, #tpu.memory_space<semaphore_mem>>)
        %dma_wait3A = arith.constant 0 : i32
        %dma_wait3A_47 = tpu.memref_slice %arg4[%add3A_26, %dma_wait3A] : memref<2560x128xi32, #tpu.memory_space<hbm>> -> memref<40x128xi32, #tpu.memory_space<hbm>>
        %dma_wait3A_48 = arith.constant 0 : i32
        %dma_wait3A_49 = tpu.memref_slice %arg4[%add3A_26, %dma_wait3A_48] : memref<2560x128xi32, #tpu.memory_space<hbm>> -> memref<40x128xi32, #tpu.memory_space<hbm>>
        tpu.wait_dma2 semaphore(%run_scoped3A_42 : memref<!tpu.dma_semaphore, #tpu.memory_space<semaphore_mem>>) src(%dma_wait3A_49 : memref<40x128xi32, #tpu.memory_space<hbm>>) dst(%arg9 : memref<40x128xi32, #tpu.memory_space<vmem>>)
        tpu.yield
      }) : () -> ()
      %add3A_27 = arith.constant 40 : i32
      %add3A_28 = arith.addi %add3A_8, %add3A_27 : i32
      "tpu.region"() ({
        %run_scoped3A_42 = tpu.sem_alloc : memref<!tpu.dma_semaphore, #tpu.memory_space<semaphore_mem>>
        %dma_start3A_43 = arith.constant 0 : i32
        %dma_start3A_44 = tpu.memref_slice %arg5[%add3A_28, %dma_start3A_43] : memref<2560x128xi32, #tpu.memory_space<hbm>> -> memref<40x128xi32, #tpu.memory_space<hbm>>
        %dma_start3A_45 = arith.constant 0 : i32
        %dma_start3A_46 = tpu.memref_slice %arg5[%add3A_28, %dma_start3A_45] : memref<2560x128xi32, #tpu.memory_space<hbm>> -> memref<40x128xi32, #tpu.memory_space<hbm>>
        tpu.enqueue_dma source(%dma_start3A_46 : memref<40x128xi32, #tpu.memory_space<hbm>>) target(%arg10 : memref<40x128xi32, #tpu.memory_space<vmem>>) target_semaphore(%run_scoped3A_42 : memref<!tpu.dma_semaphore, #tpu.memory_space<semaphore_mem>>)
        %dma_wait3A = arith.constant 0 : i32
        %dma_wait3A_47 = tpu.memref_slice %arg5[%add3A_28, %dma_wait3A] : memref<2560x128xi32, #tpu.memory_space<hbm>> -> memref<40x128xi32, #tpu.memory_space<hbm>>
        %dma_wait3A_48 = arith.constant 0 : i32
        %dma_wait3A_49 = tpu.memref_slice %arg5[%add3A_28, %dma_wait3A_48] : memref<2560x128xi32, #tpu.memory_space<hbm>> -> memref<40x128xi32, #tpu.memory_space<hbm>>
        tpu.wait_dma2 semaphore(%run_scoped3A_42 : memref<!tpu.dma_semaphore, #tpu.memory_space<semaphore_mem>>) src(%dma_wait3A_49 : memref<40x128xi32, #tpu.memory_space<hbm>>) dst(%arg10 : memref<40x128xi32, #tpu.memory_space<vmem>>)
        tpu.yield
      }) : () -> ()
      %dma_start3A_29 = arith.constant 0 : i32
      %dma_start3A_30 = arith.constant 0 : i32
      %dma_start3A_31 = tpu.memref_slice %arg9[%dma_start3A_29, %dma_start3A_30] : memref<40x128xi32, #tpu.memory_space<vmem>> -> memref<1x128xi32, #tpu.memory_space<vmem>>
      %dma_start3A_32 = tpu.memref_squeeze %dma_start3A_31 : memref<1x128xi32, #tpu.memory_space<vmem>> -> memref<128xi32, #tpu.memory_space<vmem>>
      %dma_start3A_33 = arith.constant 0 : i32
      %dma_start3A_34 = arith.constant 0 : i32
      %dma_start3A_35 = tpu.memref_slice %arg2[%dma_start3A_33, %dma_start3A_34] : memref<10240x128xf32, #tpu.memory_space<hbm>> -> memref<10240x128xf32, #tpu.memory_space<hbm>>
      tpu.enqueue_indirect_dma source(%dma_start3A_35 : memref<10240x128xf32, #tpu.memory_space<hbm>>) target(%arg11 : memref<128x128xf32, #tpu.memory_space<vmem>>) offsets(%dma_start3A_32 : memref<128xi32, #tpu.memory_space<vmem>>) semaphore(%arg14 : memref<!tpu.dma_semaphore, #tpu.memory_space<semaphore_mem>>)
      %scan3A_36 = arith.constant 0 : i32
      %scan3A_37 = arith.constant 20 : i32
      %scan3A_38 = arith.addi %scan3A_36, %scan3A_37 : i32
      %scan3A_39 = arith.constant 1 : i32
      scf.for %scan3A_42 = %scan3A_36 to %scan3A_38 step %scan3A_39  : i32 {
        %mul3A_43 = arith.constant 2 : i32
        %mul3A_44 = arith.muli %scan3A_42, %mul3A_43 : i32
        %add3A_45 = arith.constant 0 : i32
        %add3A_46 = arith.addi %add3A_45, %mul3A_44 : i32
        %dma_wait3A = arith.constant 0 : i32
        %dma_wait3A_47 = tpu.memref_slice %arg9[%add3A_46, %dma_wait3A] : memref<40x128xi32, #tpu.memory_space<vmem>> -> memref<1x128xi32, #tpu.memory_space<vmem>>
        %dma_wait3A_48 = tpu.memref_squeeze %dma_wait3A_47 : memref<1x128xi32, #tpu.memory_space<vmem>> -> memref<128xi32, #tpu.memory_space<vmem>>
        %dma_wait3A_49 = arith.constant 0 : i32
        %dma_wait3A_50 = arith.constant 0 : i32
        %dma_wait3A_51 = tpu.memref_slice %arg2[%dma_wait3A_49, %dma_wait3A_50] : memref<10240x128xf32, #tpu.memory_space<hbm>> -> memref<10240x128xf32, #tpu.memory_space<hbm>>
        tpu.wait_indirect_dma semaphore(%arg14 : memref<!tpu.dma_semaphore, #tpu.memory_space<semaphore_mem>>) src(%dma_wait3A_51 : memref<10240x128xf32, #tpu.memory_space<hbm>>) dst(%arg11 : memref<128x128xf32, #tpu.memory_space<vmem>>)
        %dma_start3A_52 = arith.constant 0 : i32
        %dma_start3A_53 = tpu.memref_slice %arg10[%add3A_46, %dma_start3A_52] : memref<40x128xi32, #tpu.memory_space<vmem>> -> memref<1x128xi32, #tpu.memory_space<vmem>>
        %dma_start3A_54 = tpu.memref_squeeze %dma_start3A_53 : memref<1x128xi32, #tpu.memory_space<vmem>> -> memref<128xi32, #tpu.memory_space<vmem>>
        %dma_start3A_55 = arith.constant 0 : i32
        %dma_start3A_56 = arith.constant 0 : i32
        %dma_start3A_57 = tpu.memref_slice %arg13[%dma_start3A_55, %dma_start3A_56] : memref<10240x128xf32, #tpu.memory_space<vmem_shared>> -> memref<10240x128xf32, #tpu.memory_space<vmem_shared>>
        tpu.enqueue_indirect_dma source(%arg11 : memref<128x128xf32, #tpu.memory_space<vmem>>) target(%dma_start3A_57 : memref<10240x128xf32, #tpu.memory_space<vmem_shared>>) offsets(%dma_start3A_54 : memref<128xi32, #tpu.memory_space<vmem>>) semaphore(%arg16 : memref<!tpu.dma_semaphore, #tpu.memory_space<semaphore_mem>>) {add = true}
        %add3A_58 = arith.constant 1 : i32
        %add3A_59 = arith.addi %add3A_46, %add3A_58 : i32
        %dma_start3A_60 = arith.constant 0 : i32
        %dma_start3A_61 = tpu.memref_slice %arg9[%add3A_59, %dma_start3A_60] : memref<40x128xi32, #tpu.memory_space<vmem>> -> memref<1x128xi32, #tpu.memory_space<vmem>>
        %dma_start3A_62 = tpu.memref_squeeze %dma_start3A_61 : memref<1x128xi32, #tpu.memory_space<vmem>> -> memref<128xi32, #tpu.memory_space<vmem>>
        %dma_start3A_63 = arith.constant 0 : i32
        %dma_start3A_64 = arith.constant 0 : i32
        %dma_start3A_65 = tpu.memref_slice %arg2[%dma_start3A_63, %dma_start3A_64] : memref<10240x128xf32, #tpu.memory_space<hbm>> -> memref<10240x128xf32, #tpu.memory_space<hbm>>
        tpu.enqueue_indirect_dma source(%dma_start3A_65 : memref<10240x128xf32, #tpu.memory_space<hbm>>) target(%arg12 : memref<128x128xf32, #tpu.memory_space<vmem>>) offsets(%dma_start3A_62 : memref<128xi32, #tpu.memory_space<vmem>>) semaphore(%arg15 : memref<!tpu.dma_semaphore, #tpu.memory_space<semaphore_mem>>)
        %add3A_66 = arith.constant 1 : i32
        %add3A_67 = arith.addi %add3A_46, %add3A_66 : i32
        %dma_wait3A_68 = arith.constant 0 : i32
        %dma_wait3A_69 = tpu.memref_slice %arg9[%add3A_67, %dma_wait3A_68] : memref<40x128xi32, #tpu.memory_space<vmem>> -> memref<1x128xi32, #tpu.memory_space<vmem>>
        %dma_wait3A_70 = tpu.memref_squeeze %dma_wait3A_69 : memref<1x128xi32, #tpu.memory_space<vmem>> -> memref<128xi32, #tpu.memory_space<vmem>>
        %dma_wait3A_71 = arith.constant 0 : i32
        %dma_wait3A_72 = arith.constant 0 : i32
        %dma_wait3A_73 = tpu.memref_slice %arg2[%dma_wait3A_71, %dma_wait3A_72] : memref<10240x128xf32, #tpu.memory_space<hbm>> -> memref<10240x128xf32, #tpu.memory_space<hbm>>
        tpu.wait_indirect_dma semaphore(%arg15 : memref<!tpu.dma_semaphore, #tpu.memory_space<semaphore_mem>>) src(%dma_wait3A_73 : memref<10240x128xf32, #tpu.memory_space<hbm>>) dst(%arg12 : memref<128x128xf32, #tpu.memory_space<vmem>>)
        %add3A_74 = arith.constant 1 : i32
        %add3A_75 = arith.addi %add3A_46, %add3A_74 : i32
        %dma_start3A_76 = arith.constant 0 : i32
        %dma_start3A_77 = tpu.memref_slice %arg10[%add3A_75, %dma_start3A_76] : memref<40x128xi32, #tpu.memory_space<vmem>> -> memref<1x128xi32, #tpu.memory_space<vmem>>
        %dma_start3A_78 = tpu.memref_squeeze %dma_start3A_77 : memref<1x128xi32, #tpu.memory_space<vmem>> -> memref<128xi32, #tpu.memory_space<vmem>>
        %dma_start3A_79 = arith.constant 0 : i32
        %dma_start3A_80 = arith.constant 0 : i32
        %dma_start3A_81 = tpu.memref_slice %arg13[%dma_start3A_79, %dma_start3A_80] : memref<10240x128xf32, #tpu.memory_space<vmem_shared>> -> memref<10240x128xf32, #tpu.memory_space<vmem_shared>>
        tpu.enqueue_indirect_dma source(%arg12 : memref<128x128xf32, #tpu.memory_space<vmem>>) target(%dma_start3A_81 : memref<10240x128xf32, #tpu.memory_space<vmem_shared>>) offsets(%dma_start3A_78 : memref<128xi32, #tpu.memory_space<vmem>>) semaphore(%arg17 : memref<!tpu.dma_semaphore, #tpu.memory_space<semaphore_mem>>) {add = true}
        %dma_wait3A_82 = arith.constant 0 : i32
        %dma_wait3A_83 = tpu.memref_slice %arg10[%add3A_46, %dma_wait3A_82] : memref<40x128xi32, #tpu.memory_space<vmem>> -> memref<1x128xi32, #tpu.memory_space<vmem>>
        %dma_wait3A_84 = tpu.memref_squeeze %dma_wait3A_83 : memref<1x128xi32, #tpu.memory_space<vmem>> -> memref<128xi32, #tpu.memory_space<vmem>>
        %dma_wait3A_85 = arith.constant 0 : i32
        %dma_wait3A_86 = arith.constant 0 : i32
        %dma_wait3A_87 = tpu.memref_slice %arg13[%dma_wait3A_85, %dma_wait3A_86] : memref<10240x128xf32, #tpu.memory_space<vmem_shared>> -> memref<10240x128xf32, #tpu.memory_space<vmem_shared>>
        tpu.wait_indirect_dma semaphore(%arg16 : memref<!tpu.dma_semaphore, #tpu.memory_space<semaphore_mem>>) src(%arg11 : memref<128x128xf32, #tpu.memory_space<vmem>>) dst(%dma_wait3A_87 : memref<10240x128xf32, #tpu.memory_space<vmem_shared>>)
        %add3A_88 = arith.constant 2 : i32
        %add3A_89 = arith.addi %add3A_46, %add3A_88 : i32
        %lt3A = arith.constant 40 : i32
        %lt3A_90 = arith.cmpi slt, %add3A_89, %lt3A : i32
        %convert_element_type3A_91 = arith.extui %lt3A_90 : i1 to i32
        %cond3A_92 = arith.constant 0 : i32
        %cond3A_93 = arith.cmpi ne, %convert_element_type3A_91, %cond3A_92 : i32
        scf.if %cond3A_93 {
          %add3A_102 = arith.constant 2 : i32
          %add3A_103 = arith.addi %add3A_46, %add3A_102 : i32
          %dma_start3A_104 = arith.constant 0 : i32
          %dma_start3A_105 = tpu.memref_slice %arg9[%add3A_103, %dma_start3A_104] : memref<40x128xi32, #tpu.memory_space<vmem>> -> memref<1x128xi32, #tpu.memory_space<vmem>>
          %dma_start3A_106 = tpu.memref_squeeze %dma_start3A_105 : memref<1x128xi32, #tpu.memory_space<vmem>> -> memref<128xi32, #tpu.memory_space<vmem>>
          %dma_start3A_107 = arith.constant 0 : i32
          %dma_start3A_108 = arith.constant 0 : i32
          %dma_start3A_109 = tpu.memref_slice %arg2[%dma_start3A_107, %dma_start3A_108] : memref<10240x128xf32, #tpu.memory_space<hbm>> -> memref<10240x128xf32, #tpu.memory_space<hbm>>
          tpu.enqueue_indirect_dma source(%dma_start3A_109 : memref<10240x128xf32, #tpu.memory_space<hbm>>) target(%arg11 : memref<128x128xf32, #tpu.memory_space<vmem>>) offsets(%dma_start3A_106 : memref<128xi32, #tpu.memory_space<vmem>>) semaphore(%arg14 : memref<!tpu.dma_semaphore, #tpu.memory_space<semaphore_mem>>)
        } else {
        }
        %add3A_94 = arith.constant 1 : i32
        %add3A_95 = arith.addi %add3A_46, %add3A_94 : i32
        %dma_wait3A_96 = arith.constant 0 : i32
        %dma_wait3A_97 = tpu.memref_slice %arg10[%add3A_95, %dma_wait3A_96] : memref<40x128xi32, #tpu.memory_space<vmem>> -> memref<1x128xi32, #tpu.memory_space<vmem>>
        %dma_wait3A_98 = tpu.memref_squeeze %dma_wait3A_97 : memref<1x128xi32, #tpu.memory_space<vmem>> -> memref<128xi32, #tpu.memory_space<vmem>>
        %dma_wait3A_99 = arith.constant 0 : i32
        %dma_wait3A_100 = arith.constant 0 : i32
        %dma_wait3A_101 = tpu.memref_slice %arg13[%dma_wait3A_99, %dma_wait3A_100] : memref<10240x128xf32, #tpu.memory_space<vmem_shared>> -> memref<10240x128xf32, #tpu.memory_space<vmem_shared>>
        tpu.wait_indirect_dma semaphore(%arg17 : memref<!tpu.dma_semaphore, #tpu.memory_space<semaphore_mem>>) src(%arg12 : memref<128x128xf32, #tpu.memory_space<vmem>>) dst(%dma_wait3A_101 : memref<10240x128xf32, #tpu.memory_space<vmem_shared>>)
      }
      %scan3A_40 = arith.constant 20 : i32
      %barrier3A_41 = arith.constant 0 : index
      tpu.barrier barrier_id(%barrier3A_41)
      %run_scoped3A = arith.constant 0 : i32
      "tpu.region"() ({
        %run_scoped3A_42 = tpu.sem_alloc : memref<!tpu.dma_semaphore, #tpu.memory_space<semaphore_mem>>
        %dma_start3A_43 = arith.constant 0 : i32
        %dma_start3A_44 = tpu.memref_slice %arg8[%run_scoped3A, %mul3A_10, %dma_start3A_43] : memref<2x10240x128xf32, #tpu.memory_space<hbm>> -> memref<1x640x128xf32, #tpu.memory_space<hbm>>
        %dma_start3A_45 = tpu.memref_squeeze %dma_start3A_44 : memref<1x640x128xf32, #tpu.memory_space<hbm>> -> memref<640x128xf32, #tpu.memory_space<hbm>>
        %dma_start3A_46 = arith.constant 0 : i32
        %dma_start3A_47 = tpu.memref_slice %arg13[%mul3A_10, %dma_start3A_46] : memref<10240x128xf32, #tpu.memory_space<vmem_shared>> -> memref<640x128xf32, #tpu.memory_space<vmem_shared>>
        tpu.enqueue_dma source(%dma_start3A_47 : memref<640x128xf32, #tpu.memory_space<vmem_shared>>) target(%dma_start3A_45 : memref<640x128xf32, #tpu.memory_space<hbm>>) target_semaphore(%run_scoped3A_42 : memref<!tpu.dma_semaphore, #tpu.memory_space<semaphore_mem>>)
        %dma_wait3A = arith.constant 0 : i32
        %dma_wait3A_48 = tpu.memref_slice %arg8[%run_scoped3A, %mul3A_10, %dma_wait3A] : memref<2x10240x128xf32, #tpu.memory_space<hbm>> -> memref<1x640x128xf32, #tpu.memory_space<hbm>>
        %dma_wait3A_49 = tpu.memref_squeeze %dma_wait3A_48 : memref<1x640x128xf32, #tpu.memory_space<hbm>> -> memref<640x128xf32, #tpu.memory_space<hbm>>
        %dma_wait3A_50 = arith.constant 0 : i32
        %dma_wait3A_51 = tpu.memref_slice %arg13[%mul3A_10, %dma_wait3A_50] : memref<10240x128xf32, #tpu.memory_space<vmem_shared>> -> memref<640x128xf32, #tpu.memory_space<vmem_shared>>
        tpu.wait_dma2 semaphore(%run_scoped3A_42 : memref<!tpu.dma_semaphore, #tpu.memory_space<semaphore_mem>>) src(%dma_wait3A_51 : memref<640x128xf32, #tpu.memory_space<vmem_shared>>) dst(%dma_wait3A_49 : memref<640x128xf32, #tpu.memory_space<hbm>>)
        tpu.yield
      }) : () -> ()
    } else {
    }
    %eq3A_2 = arith.constant 1 : i32
    %eq3A_3 = arith.cmpi eq, %arg0, %eq3A_2 : i32
    %convert_element_type3A_4 = arith.extui %eq3A_3 : i1 to i32
    %cond3A_5 = arith.constant 0 : i32
    %cond3A_6 = arith.cmpi ne, %convert_element_type3A_4, %cond3A_5 : i32
    scf.if %cond3A_6 {
      %mul3A = arith.constant 80 : i32
      %mul3A_7 = arith.muli %arg1, %mul3A : i32
      %add3A = arith.constant 1280 : i32
      %add3A_8 = arith.addi %add3A, %mul3A_7 : i32
      %mul3A_9 = arith.constant 640 : i32
      %mul3A_10 = arith.muli %arg1, %mul3A_9 : i32
      "tpu.region"() ({
        %run_scoped3A_42 = tpu.sem_alloc : memref<!tpu.dma_semaphore, #tpu.memory_space<semaphore_mem>>
        %dma_start3A_43 = arith.constant 0 : i32
        %dma_start3A_44 = tpu.memref_slice %arg13[%mul3A_10, %dma_start3A_43] : memref<10240x128xf32, #tpu.memory_space<vmem_shared>> -> memref<640x128xf32, #tpu.memory_space<vmem_shared>>
        %dma_start3A_45 = arith.constant 0 : i32
        %dma_start3A_46 = tpu.memref_slice %arg7[%mul3A_10, %dma_start3A_45] : memref<10240x128xf32, #tpu.memory_space<hbm>> -> memref<640x128xf32, #tpu.memory_space<hbm>>
        tpu.enqueue_dma source(%dma_start3A_46 : memref<640x128xf32, #tpu.memory_space<hbm>>) target(%dma_start3A_44 : memref<640x128xf32, #tpu.memory_space<vmem_shared>>) target_semaphore(%run_scoped3A_42 : memref<!tpu.dma_semaphore, #tpu.memory_space<semaphore_mem>>)
        %dma_wait3A = arith.constant 0 : i32
        %dma_wait3A_47 = tpu.memref_slice %arg13[%mul3A_10, %dma_wait3A] : memref<10240x128xf32, #tpu.memory_space<vmem_shared>> -> memref<640x128xf32, #tpu.memory_space<vmem_shared>>
        %dma_wait3A_48 = arith.constant 0 : i32
        %dma_wait3A_49 = tpu.memref_slice %arg7[%mul3A_10, %dma_wait3A_48] : memref<10240x128xf32, #tpu.memory_space<hbm>> -> memref<640x128xf32, #tpu.memory_space<hbm>>
        tpu.wait_dma2 semaphore(%run_scoped3A_42 : memref<!tpu.dma_semaphore, #tpu.memory_space<semaphore_mem>>) src(%dma_wait3A_49 : memref<640x128xf32, #tpu.memory_space<hbm>>) dst(%dma_wait3A_47 : memref<640x128xf32, #tpu.memory_space<vmem_shared>>)
        tpu.yield
      }) : () -> ()
      %barrier3A = arith.constant 0 : index
      tpu.barrier barrier_id(%barrier3A)
      %add3A_11 = arith.constant 0 : i32
      %add3A_12 = arith.addi %add3A_8, %add3A_11 : i32
      "tpu.region"() ({
        %run_scoped3A_42 = tpu.sem_alloc : memref<!tpu.dma_semaphore, #tpu.memory_space<semaphore_mem>>
        %dma_start3A_43 = arith.constant 0 : i32
        %dma_start3A_44 = tpu.memref_slice %arg4[%add3A_12, %dma_start3A_43] : memref<2560x128xi32, #tpu.memory_space<hbm>> -> memref<40x128xi32, #tpu.memory_space<hbm>>
        %dma_start3A_45 = arith.constant 0 : i32
        %dma_start3A_46 = tpu.memref_slice %arg4[%add3A_12, %dma_start3A_45] : memref<2560x128xi32, #tpu.memory_space<hbm>> -> memref<40x128xi32, #tpu.memory_space<hbm>>
        tpu.enqueue_dma source(%dma_start3A_46 : memref<40x128xi32, #tpu.memory_space<hbm>>) target(%arg9 : memref<40x128xi32, #tpu.memory_space<vmem>>) target_semaphore(%run_scoped3A_42 : memref<!tpu.dma_semaphore, #tpu.memory_space<semaphore_mem>>)
        %dma_wait3A = arith.constant 0 : i32
        %dma_wait3A_47 = tpu.memref_slice %arg4[%add3A_12, %dma_wait3A] : memref<2560x128xi32, #tpu.memory_space<hbm>> -> memref<40x128xi32, #tpu.memory_space<hbm>>
        %dma_wait3A_48 = arith.constant 0 : i32
        %dma_wait3A_49 = tpu.memref_slice %arg4[%add3A_12, %dma_wait3A_48] : memref<2560x128xi32, #tpu.memory_space<hbm>> -> memref<40x128xi32, #tpu.memory_space<hbm>>
        tpu.wait_dma2 semaphore(%run_scoped3A_42 : memref<!tpu.dma_semaphore, #tpu.memory_space<semaphore_mem>>) src(%dma_wait3A_49 : memref<40x128xi32, #tpu.memory_space<hbm>>) dst(%arg9 : memref<40x128xi32, #tpu.memory_space<vmem>>)
        tpu.yield
      }) : () -> ()
      %add3A_13 = arith.constant 0 : i32
      %add3A_14 = arith.addi %add3A_8, %add3A_13 : i32
      "tpu.region"() ({
        %run_scoped3A_42 = tpu.sem_alloc : memref<!tpu.dma_semaphore, #tpu.memory_space<semaphore_mem>>
        %dma_start3A_43 = arith.constant 0 : i32
        %dma_start3A_44 = tpu.memref_slice %arg5[%add3A_14, %dma_start3A_43] : memref<2560x128xi32, #tpu.memory_space<hbm>> -> memref<40x128xi32, #tpu.memory_space<hbm>>
        %dma_start3A_45 = arith.constant 0 : i32
        %dma_start3A_46 = tpu.memref_slice %arg5[%add3A_14, %dma_start3A_45] : memref<2560x128xi32, #tpu.memory_space<hbm>> -> memref<40x128xi32, #tpu.memory_space<hbm>>
        tpu.enqueue_dma source(%dma_start3A_46 : memref<40x128xi32, #tpu.memory_space<hbm>>) target(%arg10 : memref<40x128xi32, #tpu.memory_space<vmem>>) target_semaphore(%run_scoped3A_42 : memref<!tpu.dma_semaphore, #tpu.memory_space<semaphore_mem>>)
        %dma_wait3A = arith.constant 0 : i32
        %dma_wait3A_47 = tpu.memref_slice %arg5[%add3A_14, %dma_wait3A] : memref<2560x128xi32, #tpu.memory_space<hbm>> -> memref<40x128xi32, #tpu.memory_space<hbm>>
        %dma_wait3A_48 = arith.constant 0 : i32
        %dma_wait3A_49 = tpu.memref_slice %arg5[%add3A_14, %dma_wait3A_48] : memref<2560x128xi32, #tpu.memory_space<hbm>> -> memref<40x128xi32, #tpu.memory_space<hbm>>
        tpu.wait_dma2 semaphore(%run_scoped3A_42 : memref<!tpu.dma_semaphore, #tpu.memory_space<semaphore_mem>>) src(%dma_wait3A_49 : memref<40x128xi32, #tpu.memory_space<hbm>>) dst(%arg10 : memref<40x128xi32, #tpu.memory_space<vmem>>)
        tpu.yield
      }) : () -> ()
      %dma_start3A = arith.constant 0 : i32
      %dma_start3A_15 = arith.constant 0 : i32
      %dma_start3A_16 = tpu.memref_slice %arg9[%dma_start3A, %dma_start3A_15] : memref<40x128xi32, #tpu.memory_space<vmem>> -> memref<1x128xi32, #tpu.memory_space<vmem>>
      %dma_start3A_17 = tpu.memref_squeeze %dma_start3A_16 : memref<1x128xi32, #tpu.memory_space<vmem>> -> memref<128xi32, #tpu.memory_space<vmem>>
      %dma_start3A_18 = arith.constant 0 : i32
      %dma_start3A_19 = arith.constant 0 : i32
      %dma_start3A_20 = tpu.memref_slice %arg3[%dma_start3A_18, %dma_start3A_19] : memref<10240x128xf32, #tpu.memory_space<hbm>> -> memref<10240x128xf32, #tpu.memory_space<hbm>>
      tpu.enqueue_indirect_dma source(%dma_start3A_20 : memref<10240x128xf32, #tpu.memory_space<hbm>>) target(%arg11 : memref<128x128xf32, #tpu.memory_space<vmem>>) offsets(%dma_start3A_17 : memref<128xi32, #tpu.memory_space<vmem>>) semaphore(%arg14 : memref<!tpu.dma_semaphore, #tpu.memory_space<semaphore_mem>>)
      %scan3A = arith.constant 0 : i32
      %scan3A_21 = arith.constant 20 : i32
      %scan3A_22 = arith.addi %scan3A, %scan3A_21 : i32
      %scan3A_23 = arith.constant 1 : i32
      scf.for %scan3A_42 = %scan3A to %scan3A_22 step %scan3A_23  : i32 {
        %mul3A_43 = arith.constant 2 : i32
        %mul3A_44 = arith.muli %scan3A_42, %mul3A_43 : i32
        %add3A_45 = arith.constant 0 : i32
        %add3A_46 = arith.addi %add3A_45, %mul3A_44 : i32
        %dma_wait3A = arith.constant 0 : i32
        %dma_wait3A_47 = tpu.memref_slice %arg9[%add3A_46, %dma_wait3A] : memref<40x128xi32, #tpu.memory_space<vmem>> -> memref<1x128xi32, #tpu.memory_space<vmem>>
        %dma_wait3A_48 = tpu.memref_squeeze %dma_wait3A_47 : memref<1x128xi32, #tpu.memory_space<vmem>> -> memref<128xi32, #tpu.memory_space<vmem>>
        %dma_wait3A_49 = arith.constant 0 : i32
        %dma_wait3A_50 = arith.constant 0 : i32
        %dma_wait3A_51 = tpu.memref_slice %arg3[%dma_wait3A_49, %dma_wait3A_50] : memref<10240x128xf32, #tpu.memory_space<hbm>> -> memref<10240x128xf32, #tpu.memory_space<hbm>>
        tpu.wait_indirect_dma semaphore(%arg14 : memref<!tpu.dma_semaphore, #tpu.memory_space<semaphore_mem>>) src(%dma_wait3A_51 : memref<10240x128xf32, #tpu.memory_space<hbm>>) dst(%arg11 : memref<128x128xf32, #tpu.memory_space<vmem>>)
        %dma_start3A_52 = arith.constant 0 : i32
        %dma_start3A_53 = tpu.memref_slice %arg10[%add3A_46, %dma_start3A_52] : memref<40x128xi32, #tpu.memory_space<vmem>> -> memref<1x128xi32, #tpu.memory_space<vmem>>
        %dma_start3A_54 = tpu.memref_squeeze %dma_start3A_53 : memref<1x128xi32, #tpu.memory_space<vmem>> -> memref<128xi32, #tpu.memory_space<vmem>>
        %dma_start3A_55 = arith.constant 0 : i32
        %dma_start3A_56 = arith.constant 0 : i32
        %dma_start3A_57 = tpu.memref_slice %arg13[%dma_start3A_55, %dma_start3A_56] : memref<10240x128xf32, #tpu.memory_space<vmem_shared>> -> memref<10240x128xf32, #tpu.memory_space<vmem_shared>>
        tpu.enqueue_indirect_dma source(%arg11 : memref<128x128xf32, #tpu.memory_space<vmem>>) target(%dma_start3A_57 : memref<10240x128xf32, #tpu.memory_space<vmem_shared>>) offsets(%dma_start3A_54 : memref<128xi32, #tpu.memory_space<vmem>>) semaphore(%arg16 : memref<!tpu.dma_semaphore, #tpu.memory_space<semaphore_mem>>) {add = true}
        %add3A_58 = arith.constant 1 : i32
        %add3A_59 = arith.addi %add3A_46, %add3A_58 : i32
        %dma_start3A_60 = arith.constant 0 : i32
        %dma_start3A_61 = tpu.memref_slice %arg9[%add3A_59, %dma_start3A_60] : memref<40x128xi32, #tpu.memory_space<vmem>> -> memref<1x128xi32, #tpu.memory_space<vmem>>
        %dma_start3A_62 = tpu.memref_squeeze %dma_start3A_61 : memref<1x128xi32, #tpu.memory_space<vmem>> -> memref<128xi32, #tpu.memory_space<vmem>>
        %dma_start3A_63 = arith.constant 0 : i32
        %dma_start3A_64 = arith.constant 0 : i32
        %dma_start3A_65 = tpu.memref_slice %arg3[%dma_start3A_63, %dma_start3A_64] : memref<10240x128xf32, #tpu.memory_space<hbm>> -> memref<10240x128xf32, #tpu.memory_space<hbm>>
        tpu.enqueue_indirect_dma source(%dma_start3A_65 : memref<10240x128xf32, #tpu.memory_space<hbm>>) target(%arg12 : memref<128x128xf32, #tpu.memory_space<vmem>>) offsets(%dma_start3A_62 : memref<128xi32, #tpu.memory_space<vmem>>) semaphore(%arg15 : memref<!tpu.dma_semaphore, #tpu.memory_space<semaphore_mem>>)
        %add3A_66 = arith.constant 1 : i32
        %add3A_67 = arith.addi %add3A_46, %add3A_66 : i32
        %dma_wait3A_68 = arith.constant 0 : i32
        %dma_wait3A_69 = tpu.memref_slice %arg9[%add3A_67, %dma_wait3A_68] : memref<40x128xi32, #tpu.memory_space<vmem>> -> memref<1x128xi32, #tpu.memory_space<vmem>>
        %dma_wait3A_70 = tpu.memref_squeeze %dma_wait3A_69 : memref<1x128xi32, #tpu.memory_space<vmem>> -> memref<128xi32, #tpu.memory_space<vmem>>
        %dma_wait3A_71 = arith.constant 0 : i32
        %dma_wait3A_72 = arith.constant 0 : i32
        %dma_wait3A_73 = tpu.memref_slice %arg3[%dma_wait3A_71, %dma_wait3A_72] : memref<10240x128xf32, #tpu.memory_space<hbm>> -> memref<10240x128xf32, #tpu.memory_space<hbm>>
        tpu.wait_indirect_dma semaphore(%arg15 : memref<!tpu.dma_semaphore, #tpu.memory_space<semaphore_mem>>) src(%dma_wait3A_73 : memref<10240x128xf32, #tpu.memory_space<hbm>>) dst(%arg12 : memref<128x128xf32, #tpu.memory_space<vmem>>)
        %add3A_74 = arith.constant 1 : i32
        %add3A_75 = arith.addi %add3A_46, %add3A_74 : i32
        %dma_start3A_76 = arith.constant 0 : i32
        %dma_start3A_77 = tpu.memref_slice %arg10[%add3A_75, %dma_start3A_76] : memref<40x128xi32, #tpu.memory_space<vmem>> -> memref<1x128xi32, #tpu.memory_space<vmem>>
        %dma_start3A_78 = tpu.memref_squeeze %dma_start3A_77 : memref<1x128xi32, #tpu.memory_space<vmem>> -> memref<128xi32, #tpu.memory_space<vmem>>
        %dma_start3A_79 = arith.constant 0 : i32
        %dma_start3A_80 = arith.constant 0 : i32
        %dma_start3A_81 = tpu.memref_slice %arg13[%dma_start3A_79, %dma_start3A_80] : memref<10240x128xf32, #tpu.memory_space<vmem_shared>> -> memref<10240x128xf32, #tpu.memory_space<vmem_shared>>
        tpu.enqueue_indirect_dma source(%arg12 : memref<128x128xf32, #tpu.memory_space<vmem>>) target(%dma_start3A_81 : memref<10240x128xf32, #tpu.memory_space<vmem_shared>>) offsets(%dma_start3A_78 : memref<128xi32, #tpu.memory_space<vmem>>) semaphore(%arg17 : memref<!tpu.dma_semaphore, #tpu.memory_space<semaphore_mem>>) {add = true}
        %dma_wait3A_82 = arith.constant 0 : i32
        %dma_wait3A_83 = tpu.memref_slice %arg10[%add3A_46, %dma_wait3A_82] : memref<40x128xi32, #tpu.memory_space<vmem>> -> memref<1x128xi32, #tpu.memory_space<vmem>>
        %dma_wait3A_84 = tpu.memref_squeeze %dma_wait3A_83 : memref<1x128xi32, #tpu.memory_space<vmem>> -> memref<128xi32, #tpu.memory_space<vmem>>
        %dma_wait3A_85 = arith.constant 0 : i32
        %dma_wait3A_86 = arith.constant 0 : i32
        %dma_wait3A_87 = tpu.memref_slice %arg13[%dma_wait3A_85, %dma_wait3A_86] : memref<10240x128xf32, #tpu.memory_space<vmem_shared>> -> memref<10240x128xf32, #tpu.memory_space<vmem_shared>>
        tpu.wait_indirect_dma semaphore(%arg16 : memref<!tpu.dma_semaphore, #tpu.memory_space<semaphore_mem>>) src(%arg11 : memref<128x128xf32, #tpu.memory_space<vmem>>) dst(%dma_wait3A_87 : memref<10240x128xf32, #tpu.memory_space<vmem_shared>>)
        %add3A_88 = arith.constant 2 : i32
        %add3A_89 = arith.addi %add3A_46, %add3A_88 : i32
        %lt3A = arith.constant 40 : i32
        %lt3A_90 = arith.cmpi slt, %add3A_89, %lt3A : i32
        %convert_element_type3A_91 = arith.extui %lt3A_90 : i1 to i32
        %cond3A_92 = arith.constant 0 : i32
        %cond3A_93 = arith.cmpi ne, %convert_element_type3A_91, %cond3A_92 : i32
        scf.if %cond3A_93 {
          %add3A_102 = arith.constant 2 : i32
          %add3A_103 = arith.addi %add3A_46, %add3A_102 : i32
          %dma_start3A_104 = arith.constant 0 : i32
          %dma_start3A_105 = tpu.memref_slice %arg9[%add3A_103, %dma_start3A_104] : memref<40x128xi32, #tpu.memory_space<vmem>> -> memref<1x128xi32, #tpu.memory_space<vmem>>
          %dma_start3A_106 = tpu.memref_squeeze %dma_start3A_105 : memref<1x128xi32, #tpu.memory_space<vmem>> -> memref<128xi32, #tpu.memory_space<vmem>>
          %dma_start3A_107 = arith.constant 0 : i32
          %dma_start3A_108 = arith.constant 0 : i32
          %dma_start3A_109 = tpu.memref_slice %arg3[%dma_start3A_107, %dma_start3A_108] : memref<10240x128xf32, #tpu.memory_space<hbm>> -> memref<10240x128xf32, #tpu.memory_space<hbm>>
          tpu.enqueue_indirect_dma source(%dma_start3A_109 : memref<10240x128xf32, #tpu.memory_space<hbm>>) target(%arg11 : memref<128x128xf32, #tpu.memory_space<vmem>>) offsets(%dma_start3A_106 : memref<128xi32, #tpu.memory_space<vmem>>) semaphore(%arg14 : memref<!tpu.dma_semaphore, #tpu.memory_space<semaphore_mem>>)
        } else {
        }
        %add3A_94 = arith.constant 1 : i32
        %add3A_95 = arith.addi %add3A_46, %add3A_94 : i32
        %dma_wait3A_96 = arith.constant 0 : i32
        %dma_wait3A_97 = tpu.memref_slice %arg10[%add3A_95, %dma_wait3A_96] : memref<40x128xi32, #tpu.memory_space<vmem>> -> memref<1x128xi32, #tpu.memory_space<vmem>>
        %dma_wait3A_98 = tpu.memref_squeeze %dma_wait3A_97 : memref<1x128xi32, #tpu.memory_space<vmem>> -> memref<128xi32, #tpu.memory_space<vmem>>
        %dma_wait3A_99 = arith.constant 0 : i32
        %dma_wait3A_100 = arith.constant 0 : i32
        %dma_wait3A_101 = tpu.memref_slice %arg13[%dma_wait3A_99, %dma_wait3A_100] : memref<10240x128xf32, #tpu.memory_space<vmem_shared>> -> memref<10240x128xf32, #tpu.memory_space<vmem_shared>>
        tpu.wait_indirect_dma semaphore(%arg17 : memref<!tpu.dma_semaphore, #tpu.memory_space<semaphore_mem>>) src(%arg12 : memref<128x128xf32, #tpu.memory_space<vmem>>) dst(%dma_wait3A_101 : memref<10240x128xf32, #tpu.memory_space<vmem_shared>>)
      }
      %scan3A_24 = arith.constant 20 : i32
      %add3A_25 = arith.constant 40 : i32
      %add3A_26 = arith.addi %add3A_8, %add3A_25 : i32
      "tpu.region"() ({
        %run_scoped3A_42 = tpu.sem_alloc : memref<!tpu.dma_semaphore, #tpu.memory_space<semaphore_mem>>
        %dma_start3A_43 = arith.constant 0 : i32
        %dma_start3A_44 = tpu.memref_slice %arg4[%add3A_26, %dma_start3A_43] : memref<2560x128xi32, #tpu.memory_space<hbm>> -> memref<40x128xi32, #tpu.memory_space<hbm>>
        %dma_start3A_45 = arith.constant 0 : i32
        %dma_start3A_46 = tpu.memref_slice %arg4[%add3A_26, %dma_start3A_45] : memref<2560x128xi32, #tpu.memory_space<hbm>> -> memref<40x128xi32, #tpu.memory_space<hbm>>
        tpu.enqueue_dma source(%dma_start3A_46 : memref<40x128xi32, #tpu.memory_space<hbm>>) target(%arg9 : memref<40x128xi32, #tpu.memory_space<vmem>>) target_semaphore(%run_scoped3A_42 : memref<!tpu.dma_semaphore, #tpu.memory_space<semaphore_mem>>)
        %dma_wait3A = arith.constant 0 : i32
        %dma_wait3A_47 = tpu.memref_slice %arg4[%add3A_26, %dma_wait3A] : memref<2560x128xi32, #tpu.memory_space<hbm>> -> memref<40x128xi32, #tpu.memory_space<hbm>>
        %dma_wait3A_48 = arith.constant 0 : i32
        %dma_wait3A_49 = tpu.memref_slice %arg4[%add3A_26, %dma_wait3A_48] : memref<2560x128xi32, #tpu.memory_space<hbm>> -> memref<40x128xi32, #tpu.memory_space<hbm>>
        tpu.wait_dma2 semaphore(%run_scoped3A_42 : memref<!tpu.dma_semaphore, #tpu.memory_space<semaphore_mem>>) src(%dma_wait3A_49 : memref<40x128xi32, #tpu.memory_space<hbm>>) dst(%arg9 : memref<40x128xi32, #tpu.memory_space<vmem>>)
        tpu.yield
      }) : () -> ()
      %add3A_27 = arith.constant 40 : i32
      %add3A_28 = arith.addi %add3A_8, %add3A_27 : i32
      "tpu.region"() ({
        %run_scoped3A_42 = tpu.sem_alloc : memref<!tpu.dma_semaphore, #tpu.memory_space<semaphore_mem>>
        %dma_start3A_43 = arith.constant 0 : i32
        %dma_start3A_44 = tpu.memref_slice %arg5[%add3A_28, %dma_start3A_43] : memref<2560x128xi32, #tpu.memory_space<hbm>> -> memref<40x128xi32, #tpu.memory_space<hbm>>
        %dma_start3A_45 = arith.constant 0 : i32
        %dma_start3A_46 = tpu.memref_slice %arg5[%add3A_28, %dma_start3A_45] : memref<2560x128xi32, #tpu.memory_space<hbm>> -> memref<40x128xi32, #tpu.memory_space<hbm>>
        tpu.enqueue_dma source(%dma_start3A_46 : memref<40x128xi32, #tpu.memory_space<hbm>>) target(%arg10 : memref<40x128xi32, #tpu.memory_space<vmem>>) target_semaphore(%run_scoped3A_42 : memref<!tpu.dma_semaphore, #tpu.memory_space<semaphore_mem>>)
        %dma_wait3A = arith.constant 0 : i32
        %dma_wait3A_47 = tpu.memref_slice %arg5[%add3A_28, %dma_wait3A] : memref<2560x128xi32, #tpu.memory_space<hbm>> -> memref<40x128xi32, #tpu.memory_space<hbm>>
        %dma_wait3A_48 = arith.constant 0 : i32
        %dma_wait3A_49 = tpu.memref_slice %arg5[%add3A_28, %dma_wait3A_48] : memref<2560x128xi32, #tpu.memory_space<hbm>> -> memref<40x128xi32, #tpu.memory_space<hbm>>
        tpu.wait_dma2 semaphore(%run_scoped3A_42 : memref<!tpu.dma_semaphore, #tpu.memory_space<semaphore_mem>>) src(%dma_wait3A_49 : memref<40x128xi32, #tpu.memory_space<hbm>>) dst(%arg10 : memref<40x128xi32, #tpu.memory_space<vmem>>)
        tpu.yield
      }) : () -> ()
      %dma_start3A_29 = arith.constant 0 : i32
      %dma_start3A_30 = arith.constant 0 : i32
      %dma_start3A_31 = tpu.memref_slice %arg9[%dma_start3A_29, %dma_start3A_30] : memref<40x128xi32, #tpu.memory_space<vmem>> -> memref<1x128xi32, #tpu.memory_space<vmem>>
      %dma_start3A_32 = tpu.memref_squeeze %dma_start3A_31 : memref<1x128xi32, #tpu.memory_space<vmem>> -> memref<128xi32, #tpu.memory_space<vmem>>
      %dma_start3A_33 = arith.constant 0 : i32
      %dma_start3A_34 = arith.constant 0 : i32
      %dma_start3A_35 = tpu.memref_slice %arg3[%dma_start3A_33, %dma_start3A_34] : memref<10240x128xf32, #tpu.memory_space<hbm>> -> memref<10240x128xf32, #tpu.memory_space<hbm>>
      tpu.enqueue_indirect_dma source(%dma_start3A_35 : memref<10240x128xf32, #tpu.memory_space<hbm>>) target(%arg11 : memref<128x128xf32, #tpu.memory_space<vmem>>) offsets(%dma_start3A_32 : memref<128xi32, #tpu.memory_space<vmem>>) semaphore(%arg14 : memref<!tpu.dma_semaphore, #tpu.memory_space<semaphore_mem>>)
      %scan3A_36 = arith.constant 0 : i32
      %scan3A_37 = arith.constant 20 : i32
      %scan3A_38 = arith.addi %scan3A_36, %scan3A_37 : i32
      %scan3A_39 = arith.constant 1 : i32
      scf.for %scan3A_42 = %scan3A_36 to %scan3A_38 step %scan3A_39  : i32 {
        %mul3A_43 = arith.constant 2 : i32
        %mul3A_44 = arith.muli %scan3A_42, %mul3A_43 : i32
        %add3A_45 = arith.constant 0 : i32
        %add3A_46 = arith.addi %add3A_45, %mul3A_44 : i32
        %dma_wait3A = arith.constant 0 : i32
        %dma_wait3A_47 = tpu.memref_slice %arg9[%add3A_46, %dma_wait3A] : memref<40x128xi32, #tpu.memory_space<vmem>> -> memref<1x128xi32, #tpu.memory_space<vmem>>
        %dma_wait3A_48 = tpu.memref_squeeze %dma_wait3A_47 : memref<1x128xi32, #tpu.memory_space<vmem>> -> memref<128xi32, #tpu.memory_space<vmem>>
        %dma_wait3A_49 = arith.constant 0 : i32
        %dma_wait3A_50 = arith.constant 0 : i32
        %dma_wait3A_51 = tpu.memref_slice %arg3[%dma_wait3A_49, %dma_wait3A_50] : memref<10240x128xf32, #tpu.memory_space<hbm>> -> memref<10240x128xf32, #tpu.memory_space<hbm>>
        tpu.wait_indirect_dma semaphore(%arg14 : memref<!tpu.dma_semaphore, #tpu.memory_space<semaphore_mem>>) src(%dma_wait3A_51 : memref<10240x128xf32, #tpu.memory_space<hbm>>) dst(%arg11 : memref<128x128xf32, #tpu.memory_space<vmem>>)
        %dma_start3A_52 = arith.constant 0 : i32
        %dma_start3A_53 = tpu.memref_slice %arg10[%add3A_46, %dma_start3A_52] : memref<40x128xi32, #tpu.memory_space<vmem>> -> memref<1x128xi32, #tpu.memory_space<vmem>>
        %dma_start3A_54 = tpu.memref_squeeze %dma_start3A_53 : memref<1x128xi32, #tpu.memory_space<vmem>> -> memref<128xi32, #tpu.memory_space<vmem>>
        %dma_start3A_55 = arith.constant 0 : i32
        %dma_start3A_56 = arith.constant 0 : i32
        %dma_start3A_57 = tpu.memref_slice %arg13[%dma_start3A_55, %dma_start3A_56] : memref<10240x128xf32, #tpu.memory_space<vmem_shared>> -> memref<10240x128xf32, #tpu.memory_space<vmem_shared>>
        tpu.enqueue_indirect_dma source(%arg11 : memref<128x128xf32, #tpu.memory_space<vmem>>) target(%dma_start3A_57 : memref<10240x128xf32, #tpu.memory_space<vmem_shared>>) offsets(%dma_start3A_54 : memref<128xi32, #tpu.memory_space<vmem>>) semaphore(%arg16 : memref<!tpu.dma_semaphore, #tpu.memory_space<semaphore_mem>>) {add = true}
        %add3A_58 = arith.constant 1 : i32
        %add3A_59 = arith.addi %add3A_46, %add3A_58 : i32
        %dma_start3A_60 = arith.constant 0 : i32
        %dma_start3A_61 = tpu.memref_slice %arg9[%add3A_59, %dma_start3A_60] : memref<40x128xi32, #tpu.memory_space<vmem>> -> memref<1x128xi32, #tpu.memory_space<vmem>>
        %dma_start3A_62 = tpu.memref_squeeze %dma_start3A_61 : memref<1x128xi32, #tpu.memory_space<vmem>> -> memref<128xi32, #tpu.memory_space<vmem>>
        %dma_start3A_63 = arith.constant 0 : i32
        %dma_start3A_64 = arith.constant 0 : i32
        %dma_start3A_65 = tpu.memref_slice %arg3[%dma_start3A_63, %dma_start3A_64] : memref<10240x128xf32, #tpu.memory_space<hbm>> -> memref<10240x128xf32, #tpu.memory_space<hbm>>
        tpu.enqueue_indirect_dma source(%dma_start3A_65 : memref<10240x128xf32, #tpu.memory_space<hbm>>) target(%arg12 : memref<128x128xf32, #tpu.memory_space<vmem>>) offsets(%dma_start3A_62 : memref<128xi32, #tpu.memory_space<vmem>>) semaphore(%arg15 : memref<!tpu.dma_semaphore, #tpu.memory_space<semaphore_mem>>)
        %add3A_66 = arith.constant 1 : i32
        %add3A_67 = arith.addi %add3A_46, %add3A_66 : i32
        %dma_wait3A_68 = arith.constant 0 : i32
        %dma_wait3A_69 = tpu.memref_slice %arg9[%add3A_67, %dma_wait3A_68] : memref<40x128xi32, #tpu.memory_space<vmem>> -> memref<1x128xi32, #tpu.memory_space<vmem>>
        %dma_wait3A_70 = tpu.memref_squeeze %dma_wait3A_69 : memref<1x128xi32, #tpu.memory_space<vmem>> -> memref<128xi32, #tpu.memory_space<vmem>>
        %dma_wait3A_71 = arith.constant 0 : i32
        %dma_wait3A_72 = arith.constant 0 : i32
        %dma_wait3A_73 = tpu.memref_slice %arg3[%dma_wait3A_71, %dma_wait3A_72] : memref<10240x128xf32, #tpu.memory_space<hbm>> -> memref<10240x128xf32, #tpu.memory_space<hbm>>
        tpu.wait_indirect_dma semaphore(%arg15 : memref<!tpu.dma_semaphore, #tpu.memory_space<semaphore_mem>>) src(%dma_wait3A_73 : memref<10240x128xf32, #tpu.memory_space<hbm>>) dst(%arg12 : memref<128x128xf32, #tpu.memory_space<vmem>>)
        %add3A_74 = arith.constant 1 : i32
        %add3A_75 = arith.addi %add3A_46, %add3A_74 : i32
        %dma_start3A_76 = arith.constant 0 : i32
        %dma_start3A_77 = tpu.memref_slice %arg10[%add3A_75, %dma_start3A_76] : memref<40x128xi32, #tpu.memory_space<vmem>> -> memref<1x128xi32, #tpu.memory_space<vmem>>
        %dma_start3A_78 = tpu.memref_squeeze %dma_start3A_77 : memref<1x128xi32, #tpu.memory_space<vmem>> -> memref<128xi32, #tpu.memory_space<vmem>>
        %dma_start3A_79 = arith.constant 0 : i32
        %dma_start3A_80 = arith.constant 0 : i32
        %dma_start3A_81 = tpu.memref_slice %arg13[%dma_start3A_79, %dma_start3A_80] : memref<10240x128xf32, #tpu.memory_space<vmem_shared>> -> memref<10240x128xf32, #tpu.memory_space<vmem_shared>>
        tpu.enqueue_indirect_dma source(%arg12 : memref<128x128xf32, #tpu.memory_space<vmem>>) target(%dma_start3A_81 : memref<10240x128xf32, #tpu.memory_space<vmem_shared>>) offsets(%dma_start3A_78 : memref<128xi32, #tpu.memory_space<vmem>>) semaphore(%arg17 : memref<!tpu.dma_semaphore, #tpu.memory_space<semaphore_mem>>) {add = true}
        %dma_wait3A_82 = arith.constant 0 : i32
        %dma_wait3A_83 = tpu.memref_slice %arg10[%add3A_46, %dma_wait3A_82] : memref<40x128xi32, #tpu.memory_space<vmem>> -> memref<1x128xi32, #tpu.memory_space<vmem>>
        %dma_wait3A_84 = tpu.memref_squeeze %dma_wait3A_83 : memref<1x128xi32, #tpu.memory_space<vmem>> -> memref<128xi32, #tpu.memory_space<vmem>>
        %dma_wait3A_85 = arith.constant 0 : i32
        %dma_wait3A_86 = arith.constant 0 : i32
        %dma_wait3A_87 = tpu.memref_slice %arg13[%dma_wait3A_85, %dma_wait3A_86] : memref<10240x128xf32, #tpu.memory_space<vmem_shared>> -> memref<10240x128xf32, #tpu.memory_space<vmem_shared>>
        tpu.wait_indirect_dma semaphore(%arg16 : memref<!tpu.dma_semaphore, #tpu.memory_space<semaphore_mem>>) src(%arg11 : memref<128x128xf32, #tpu.memory_space<vmem>>) dst(%dma_wait3A_87 : memref<10240x128xf32, #tpu.memory_space<vmem_shared>>)
        %add3A_88 = arith.constant 2 : i32
        %add3A_89 = arith.addi %add3A_46, %add3A_88 : i32
        %lt3A = arith.constant 40 : i32
        %lt3A_90 = arith.cmpi slt, %add3A_89, %lt3A : i32
        %convert_element_type3A_91 = arith.extui %lt3A_90 : i1 to i32
        %cond3A_92 = arith.constant 0 : i32
        %cond3A_93 = arith.cmpi ne, %convert_element_type3A_91, %cond3A_92 : i32
        scf.if %cond3A_93 {
          %add3A_102 = arith.constant 2 : i32
          %add3A_103 = arith.addi %add3A_46, %add3A_102 : i32
          %dma_start3A_104 = arith.constant 0 : i32
          %dma_start3A_105 = tpu.memref_slice %arg9[%add3A_103, %dma_start3A_104] : memref<40x128xi32, #tpu.memory_space<vmem>> -> memref<1x128xi32, #tpu.memory_space<vmem>>
          %dma_start3A_106 = tpu.memref_squeeze %dma_start3A_105 : memref<1x128xi32, #tpu.memory_space<vmem>> -> memref<128xi32, #tpu.memory_space<vmem>>
          %dma_start3A_107 = arith.constant 0 : i32
          %dma_start3A_108 = arith.constant 0 : i32
          %dma_start3A_109 = tpu.memref_slice %arg3[%dma_start3A_107, %dma_start3A_108] : memref<10240x128xf32, #tpu.memory_space<hbm>> -> memref<10240x128xf32, #tpu.memory_space<hbm>>
          tpu.enqueue_indirect_dma source(%dma_start3A_109 : memref<10240x128xf32, #tpu.memory_space<hbm>>) target(%arg11 : memref<128x128xf32, #tpu.memory_space<vmem>>) offsets(%dma_start3A_106 : memref<128xi32, #tpu.memory_space<vmem>>) semaphore(%arg14 : memref<!tpu.dma_semaphore, #tpu.memory_space<semaphore_mem>>)
        } else {
        }
        %add3A_94 = arith.constant 1 : i32
        %add3A_95 = arith.addi %add3A_46, %add3A_94 : i32
        %dma_wait3A_96 = arith.constant 0 : i32
        %dma_wait3A_97 = tpu.memref_slice %arg10[%add3A_95, %dma_wait3A_96] : memref<40x128xi32, #tpu.memory_space<vmem>> -> memref<1x128xi32, #tpu.memory_space<vmem>>
        %dma_wait3A_98 = tpu.memref_squeeze %dma_wait3A_97 : memref<1x128xi32, #tpu.memory_space<vmem>> -> memref<128xi32, #tpu.memory_space<vmem>>
        %dma_wait3A_99 = arith.constant 0 : i32
        %dma_wait3A_100 = arith.constant 0 : i32
        %dma_wait3A_101 = tpu.memref_slice %arg13[%dma_wait3A_99, %dma_wait3A_100] : memref<10240x128xf32, #tpu.memory_space<vmem_shared>> -> memref<10240x128xf32, #tpu.memory_space<vmem_shared>>
        tpu.wait_indirect_dma semaphore(%arg17 : memref<!tpu.dma_semaphore, #tpu.memory_space<semaphore_mem>>) src(%arg12 : memref<128x128xf32, #tpu.memory_space<vmem>>) dst(%dma_wait3A_101 : memref<10240x128xf32, #tpu.memory_space<vmem_shared>>)
      }
      %scan3A_40 = arith.constant 20 : i32
      %barrier3A_41 = arith.constant 0 : index
      tpu.barrier barrier_id(%barrier3A_41)
      %run_scoped3A = arith.constant 1 : i32
      "tpu.region"() ({
        %run_scoped3A_42 = tpu.sem_alloc : memref<!tpu.dma_semaphore, #tpu.memory_space<semaphore_mem>>
        %dma_start3A_43 = arith.constant 0 : i32
        %dma_start3A_44 = tpu.memref_slice %arg8[%run_scoped3A, %mul3A_10, %dma_start3A_43] : memref<2x10240x128xf32, #tpu.memory_space<hbm>> -> memref<1x640x128xf32, #tpu.memory_space<hbm>>
        %dma_start3A_45 = tpu.memref_squeeze %dma_start3A_44 : memref<1x640x128xf32, #tpu.memory_space<hbm>> -> memref<640x128xf32, #tpu.memory_space<hbm>>
        %dma_start3A_46 = arith.constant 0 : i32
        %dma_start3A_47 = tpu.memref_slice %arg13[%mul3A_10, %dma_start3A_46] : memref<10240x128xf32, #tpu.memory_space<vmem_shared>> -> memref<640x128xf32, #tpu.memory_space<vmem_shared>>
        tpu.enqueue_dma source(%dma_start3A_47 : memref<640x128xf32, #tpu.memory_space<vmem_shared>>) target(%dma_start3A_45 : memref<640x128xf32, #tpu.memory_space<hbm>>) target_semaphore(%run_scoped3A_42 : memref<!tpu.dma_semaphore, #tpu.memory_space<semaphore_mem>>)
        %dma_wait3A = arith.constant 0 : i32
        %dma_wait3A_48 = tpu.memref_slice %arg8[%run_scoped3A, %mul3A_10, %dma_wait3A] : memref<2x10240x128xf32, #tpu.memory_space<hbm>> -> memref<1x640x128xf32, #tpu.memory_space<hbm>>
        %dma_wait3A_49 = tpu.memref_squeeze %dma_wait3A_48 : memref<1x640x128xf32, #tpu.memory_space<hbm>> -> memref<640x128xf32, #tpu.memory_space<hbm>>
        %dma_wait3A_50 = arith.constant 0 : i32
        %dma_wait3A_51 = tpu.memref_slice %arg13[%mul3A_10, %dma_wait3A_50] : memref<10240x128xf32, #tpu.memory_space<vmem_shared>> -> memref<640x128xf32, #tpu.memory_space<vmem_shared>>
        tpu.wait_dma2 semaphore(%run_scoped3A_42 : memref<!tpu.dma_semaphore, #tpu.memory_space<semaphore_mem>>) src(%dma_wait3A_51 : memref<640x128xf32, #tpu.memory_space<vmem_shared>>) dst(%dma_wait3A_49 : memref<640x128xf32, #tpu.memory_space<hbm>>)
        tpu.yield
      }) : () -> ()
    } else {
    }
    return
  }
}

#map = affine_map<(d0, d1) -> (0, 0)>
#map1 = affine_map<(d0, d1) -> (0, 0, 0)>
module attributes {stable_mosaic.version = 14 : i64} {
  func.func @body(%arg0: i32, %arg1: i32, %arg2: memref<2560x128xi32, #tpu.memory_space<hbm>>, %arg3: memref<128x128xf32, #tpu.memory_space<hbm>>, %arg4: memref<10240x128xf32, #tpu.memory_space<hbm>>, %arg5: memref<2x10240x128xf32, #tpu.memory_space<hbm>>, %arg6: memref<80x128xi32, #tpu.memory_space<vmem>>, %arg7: memref<128x128xf32, #tpu.memory_space<vmem>>, %arg8: memref<10240x128xf32, #tpu.memory_space<vmem_shared>>, %arg9: memref<!tpu.dma_semaphore, #tpu.memory_space<semaphore_mem>>) attributes {dimension_semantics = [#tpu.dimension_semantics<core_parallel>, #tpu.dimension_semantics<subcore_parallel>], iteration_bounds = array<i64: 2, 16>, scalar_prefetch = 0 : i64, scratch_operands = 4 : i64, tpu.core_type = #tpu.core_type<sc_vector_subcore>, window_params = [{transform_indices = #map}, {transform_indices = #map}, {transform_indices = #map}, {transform_indices = #map1}]} {
    %eq3A = arith.constant 0 : i32
    %eq3A_0 = arith.cmpi eq, %arg0, %eq3A : i32
    %convert_element_type3A = arith.extui %eq3A_0 : i1 to i32
    %cond3A = arith.constant 0 : i32
    %cond3A_1 = arith.cmpi ne, %convert_element_type3A, %cond3A : i32
    scf.if %cond3A_1 {
      %mul3A = arith.constant 80 : i32
      %mul3A_7 = arith.muli %arg1, %mul3A : i32
      %add3A = arith.constant 0 : i32
      %add3A_8 = arith.addi %add3A, %mul3A_7 : i32
      "tpu.region"() ({
        %run_scoped3A_16 = tpu.sem_alloc : memref<!tpu.dma_semaphore, #tpu.memory_space<semaphore_mem>>
        %dma_start3A = arith.constant 0 : i32
        %dma_start3A_17 = tpu.memref_slice %arg2[%add3A_8, %dma_start3A] : memref<2560x128xi32, #tpu.memory_space<hbm>> -> memref<80x128xi32, #tpu.memory_space<hbm>>
        %dma_start3A_18 = arith.constant 0 : i32
        %dma_start3A_19 = tpu.memref_slice %arg2[%add3A_8, %dma_start3A_18] : memref<2560x128xi32, #tpu.memory_space<hbm>> -> memref<80x128xi32, #tpu.memory_space<hbm>>
        tpu.enqueue_dma source(%dma_start3A_19 : memref<80x128xi32, #tpu.memory_space<hbm>>) target(%arg6 : memref<80x128xi32, #tpu.memory_space<vmem>>) target_semaphore(%run_scoped3A_16 : memref<!tpu.dma_semaphore, #tpu.memory_space<semaphore_mem>>)
        %dma_wait3A = arith.constant 0 : i32
        %dma_wait3A_20 = tpu.memref_slice %arg2[%add3A_8, %dma_wait3A] : memref<2560x128xi32, #tpu.memory_space<hbm>> -> memref<80x128xi32, #tpu.memory_space<hbm>>
        %dma_wait3A_21 = arith.constant 0 : i32
        %dma_wait3A_22 = tpu.memref_slice %arg2[%add3A_8, %dma_wait3A_21] : memref<2560x128xi32, #tpu.memory_space<hbm>> -> memref<80x128xi32, #tpu.memory_space<hbm>>
        tpu.wait_dma2 semaphore(%run_scoped3A_16 : memref<!tpu.dma_semaphore, #tpu.memory_space<semaphore_mem>>) src(%dma_wait3A_22 : memref<80x128xi32, #tpu.memory_space<hbm>>) dst(%arg6 : memref<80x128xi32, #tpu.memory_space<vmem>>)
        tpu.yield
      }) : () -> ()
      "tpu.region"() ({
        %run_scoped3A_16 = tpu.sem_alloc : memref<!tpu.dma_semaphore, #tpu.memory_space<semaphore_mem>>
        tpu.enqueue_dma source(%arg3 : memref<128x128xf32, #tpu.memory_space<hbm>>) target(%arg7 : memref<128x128xf32, #tpu.memory_space<vmem>>) target_semaphore(%run_scoped3A_16 : memref<!tpu.dma_semaphore, #tpu.memory_space<semaphore_mem>>)
        tpu.wait_dma2 semaphore(%run_scoped3A_16 : memref<!tpu.dma_semaphore, #tpu.memory_space<semaphore_mem>>) src(%arg3 : memref<128x128xf32, #tpu.memory_space<hbm>>) dst(%arg7 : memref<128x128xf32, #tpu.memory_space<vmem>>)
        tpu.yield
      }) : () -> ()
      %mul3A_9 = arith.constant 640 : i32
      %mul3A_10 = arith.muli %arg1, %mul3A_9 : i32
      "tpu.region"() ({
        %run_scoped3A_16 = tpu.sem_alloc : memref<!tpu.dma_semaphore, #tpu.memory_space<semaphore_mem>>
        %dma_start3A = arith.constant 0 : i32
        %dma_start3A_17 = tpu.memref_slice %arg8[%mul3A_10, %dma_start3A] : memref<10240x128xf32, #tpu.memory_space<vmem_shared>> -> memref<640x128xf32, #tpu.memory_space<vmem_shared>>
        %dma_start3A_18 = arith.constant 0 : i32
        %dma_start3A_19 = tpu.memref_slice %arg4[%mul3A_10, %dma_start3A_18] : memref<10240x128xf32, #tpu.memory_space<hbm>> -> memref<640x128xf32, #tpu.memory_space<hbm>>
        tpu.enqueue_dma source(%dma_start3A_19 : memref<640x128xf32, #tpu.memory_space<hbm>>) target(%dma_start3A_17 : memref<640x128xf32, #tpu.memory_space<vmem_shared>>) target_semaphore(%run_scoped3A_16 : memref<!tpu.dma_semaphore, #tpu.memory_space<semaphore_mem>>)
        %dma_wait3A = arith.constant 0 : i32
        %dma_wait3A_20 = tpu.memref_slice %arg8[%mul3A_10, %dma_wait3A] : memref<10240x128xf32, #tpu.memory_space<vmem_shared>> -> memref<640x128xf32, #tpu.memory_space<vmem_shared>>
        %dma_wait3A_21 = arith.constant 0 : i32
        %dma_wait3A_22 = tpu.memref_slice %arg4[%mul3A_10, %dma_wait3A_21] : memref<10240x128xf32, #tpu.memory_space<hbm>> -> memref<640x128xf32, #tpu.memory_space<hbm>>
        tpu.wait_dma2 semaphore(%run_scoped3A_16 : memref<!tpu.dma_semaphore, #tpu.memory_space<semaphore_mem>>) src(%dma_wait3A_22 : memref<640x128xf32, #tpu.memory_space<hbm>>) dst(%dma_wait3A_20 : memref<640x128xf32, #tpu.memory_space<vmem_shared>>)
        tpu.yield
      }) : () -> ()
      %barrier3A = arith.constant 0 : index
      tpu.barrier barrier_id(%barrier3A)
      %scan3A = arith.constant 0 : i32
      %scan3A_11 = arith.constant 80 : i32
      %scan3A_12 = arith.addi %scan3A, %scan3A_11 : i32
      %scan3A_13 = arith.constant 1 : i32
      scf.for %scan3A_16 = %scan3A to %scan3A_12 step %scan3A_13  : i32 {
        %mul3A_17 = arith.constant 1 : i32
        %mul3A_18 = arith.muli %scan3A_16, %mul3A_17 : i32
        %add3A_19 = arith.constant 0 : i32
        %add3A_20 = arith.addi %add3A_19, %mul3A_18 : i32
        "tpu.region"() ({
          %run_scoped3A_21 = tpu.sem_alloc : memref<!tpu.dma_semaphore, #tpu.memory_space<semaphore_mem>>
          %dma_start3A = arith.constant 0 : i32
          %dma_start3A_22 = tpu.memref_slice %arg6[%add3A_20, %dma_start3A] : memref<80x128xi32, #tpu.memory_space<vmem>> -> memref<1x128xi32, #tpu.memory_space<vmem>>
          %dma_start3A_23 = tpu.memref_squeeze %dma_start3A_22 : memref<1x128xi32, #tpu.memory_space<vmem>> -> memref<128xi32, #tpu.memory_space<vmem>>
          %dma_start3A_24 = arith.constant 0 : i32
          %dma_start3A_25 = arith.constant 0 : i32
          %dma_start3A_26 = tpu.memref_slice %arg8[%dma_start3A_24, %dma_start3A_25] : memref<10240x128xf32, #tpu.memory_space<vmem_shared>> -> memref<10240x128xf32, #tpu.memory_space<vmem_shared>>
          tpu.enqueue_indirect_dma source(%arg7 : memref<128x128xf32, #tpu.memory_space<vmem>>) target(%dma_start3A_26 : memref<10240x128xf32, #tpu.memory_space<vmem_shared>>) offsets(%dma_start3A_23 : memref<128xi32, #tpu.memory_space<vmem>>) semaphore(%run_scoped3A_21 : memref<!tpu.dma_semaphore, #tpu.memory_space<semaphore_mem>>) {add = true}
          %dma_wait3A = arith.constant 0 : i32
          %dma_wait3A_27 = tpu.memref_slice %arg6[%add3A_20, %dma_wait3A] : memref<80x128xi32, #tpu.memory_space<vmem>> -> memref<1x128xi32, #tpu.memory_space<vmem>>
          %dma_wait3A_28 = tpu.memref_squeeze %dma_wait3A_27 : memref<1x128xi32, #tpu.memory_space<vmem>> -> memref<128xi32, #tpu.memory_space<vmem>>
          %dma_wait3A_29 = arith.constant 0 : i32
          %dma_wait3A_30 = arith.constant 0 : i32
          %dma_wait3A_31 = tpu.memref_slice %arg8[%dma_wait3A_29, %dma_wait3A_30] : memref<10240x128xf32, #tpu.memory_space<vmem_shared>> -> memref<10240x128xf32, #tpu.memory_space<vmem_shared>>
          tpu.wait_indirect_dma semaphore(%run_scoped3A_21 : memref<!tpu.dma_semaphore, #tpu.memory_space<semaphore_mem>>) src(%arg7 : memref<128x128xf32, #tpu.memory_space<vmem>>) dst(%dma_wait3A_31 : memref<10240x128xf32, #tpu.memory_space<vmem_shared>>)
          tpu.yield
        }) : () -> ()
      }
      %scan3A_14 = arith.constant 80 : i32
      %barrier3A_15 = arith.constant 0 : index
      tpu.barrier barrier_id(%barrier3A_15)
      %run_scoped3A = arith.constant 0 : i32
      "tpu.region"() ({
        %run_scoped3A_16 = tpu.sem_alloc : memref<!tpu.dma_semaphore, #tpu.memory_space<semaphore_mem>>
        %dma_start3A = arith.constant 0 : i32
        %dma_start3A_17 = tpu.memref_slice %arg5[%run_scoped3A, %mul3A_10, %dma_start3A] : memref<2x10240x128xf32, #tpu.memory_space<hbm>> -> memref<1x640x128xf32, #tpu.memory_space<hbm>>
        %dma_start3A_18 = tpu.memref_squeeze %dma_start3A_17 : memref<1x640x128xf32, #tpu.memory_space<hbm>> -> memref<640x128xf32, #tpu.memory_space<hbm>>
        %dma_start3A_19 = arith.constant 0 : i32
        %dma_start3A_20 = tpu.memref_slice %arg8[%mul3A_10, %dma_start3A_19] : memref<10240x128xf32, #tpu.memory_space<vmem_shared>> -> memref<640x128xf32, #tpu.memory_space<vmem_shared>>
        tpu.enqueue_dma source(%dma_start3A_20 : memref<640x128xf32, #tpu.memory_space<vmem_shared>>) target(%dma_start3A_18 : memref<640x128xf32, #tpu.memory_space<hbm>>) target_semaphore(%run_scoped3A_16 : memref<!tpu.dma_semaphore, #tpu.memory_space<semaphore_mem>>)
        %dma_wait3A = arith.constant 0 : i32
        %dma_wait3A_21 = tpu.memref_slice %arg5[%run_scoped3A, %mul3A_10, %dma_wait3A] : memref<2x10240x128xf32, #tpu.memory_space<hbm>> -> memref<1x640x128xf32, #tpu.memory_space<hbm>>
        %dma_wait3A_22 = tpu.memref_squeeze %dma_wait3A_21 : memref<1x640x128xf32, #tpu.memory_space<hbm>> -> memref<640x128xf32, #tpu.memory_space<hbm>>
        %dma_wait3A_23 = arith.constant 0 : i32
        %dma_wait3A_24 = tpu.memref_slice %arg8[%mul3A_10, %dma_wait3A_23] : memref<10240x128xf32, #tpu.memory_space<vmem_shared>> -> memref<640x128xf32, #tpu.memory_space<vmem_shared>>
        tpu.wait_dma2 semaphore(%run_scoped3A_16 : memref<!tpu.dma_semaphore, #tpu.memory_space<semaphore_mem>>) src(%dma_wait3A_24 : memref<640x128xf32, #tpu.memory_space<vmem_shared>>) dst(%dma_wait3A_22 : memref<640x128xf32, #tpu.memory_space<hbm>>)
        tpu.yield
      }) : () -> ()
    } else {
    }
    %eq3A_2 = arith.constant 1 : i32
    %eq3A_3 = arith.cmpi eq, %arg0, %eq3A_2 : i32
    %convert_element_type3A_4 = arith.extui %eq3A_3 : i1 to i32
    %cond3A_5 = arith.constant 0 : i32
    %cond3A_6 = arith.cmpi ne, %convert_element_type3A_4, %cond3A_5 : i32
    scf.if %cond3A_6 {
      %mul3A = arith.constant 80 : i32
      %mul3A_7 = arith.muli %arg1, %mul3A : i32
      %add3A = arith.constant 1280 : i32
      %add3A_8 = arith.addi %add3A, %mul3A_7 : i32
      "tpu.region"() ({
        %run_scoped3A_16 = tpu.sem_alloc : memref<!tpu.dma_semaphore, #tpu.memory_space<semaphore_mem>>
        %dma_start3A = arith.constant 0 : i32
        %dma_start3A_17 = tpu.memref_slice %arg2[%add3A_8, %dma_start3A] : memref<2560x128xi32, #tpu.memory_space<hbm>> -> memref<80x128xi32, #tpu.memory_space<hbm>>
        %dma_start3A_18 = arith.constant 0 : i32
        %dma_start3A_19 = tpu.memref_slice %arg2[%add3A_8, %dma_start3A_18] : memref<2560x128xi32, #tpu.memory_space<hbm>> -> memref<80x128xi32, #tpu.memory_space<hbm>>
        tpu.enqueue_dma source(%dma_start3A_19 : memref<80x128xi32, #tpu.memory_space<hbm>>) target(%arg6 : memref<80x128xi32, #tpu.memory_space<vmem>>) target_semaphore(%run_scoped3A_16 : memref<!tpu.dma_semaphore, #tpu.memory_space<semaphore_mem>>)
        %dma_wait3A = arith.constant 0 : i32
        %dma_wait3A_20 = tpu.memref_slice %arg2[%add3A_8, %dma_wait3A] : memref<2560x128xi32, #tpu.memory_space<hbm>> -> memref<80x128xi32, #tpu.memory_space<hbm>>
        %dma_wait3A_21 = arith.constant 0 : i32
        %dma_wait3A_22 = tpu.memref_slice %arg2[%add3A_8, %dma_wait3A_21] : memref<2560x128xi32, #tpu.memory_space<hbm>> -> memref<80x128xi32, #tpu.memory_space<hbm>>
        tpu.wait_dma2 semaphore(%run_scoped3A_16 : memref<!tpu.dma_semaphore, #tpu.memory_space<semaphore_mem>>) src(%dma_wait3A_22 : memref<80x128xi32, #tpu.memory_space<hbm>>) dst(%arg6 : memref<80x128xi32, #tpu.memory_space<vmem>>)
        tpu.yield
      }) : () -> ()
      "tpu.region"() ({
        %run_scoped3A_16 = tpu.sem_alloc : memref<!tpu.dma_semaphore, #tpu.memory_space<semaphore_mem>>
        tpu.enqueue_dma source(%arg3 : memref<128x128xf32, #tpu.memory_space<hbm>>) target(%arg7 : memref<128x128xf32, #tpu.memory_space<vmem>>) target_semaphore(%run_scoped3A_16 : memref<!tpu.dma_semaphore, #tpu.memory_space<semaphore_mem>>)
        tpu.wait_dma2 semaphore(%run_scoped3A_16 : memref<!tpu.dma_semaphore, #tpu.memory_space<semaphore_mem>>) src(%arg3 : memref<128x128xf32, #tpu.memory_space<hbm>>) dst(%arg7 : memref<128x128xf32, #tpu.memory_space<vmem>>)
        tpu.yield
      }) : () -> ()
      %mul3A_9 = arith.constant 640 : i32
      %mul3A_10 = arith.muli %arg1, %mul3A_9 : i32
      "tpu.region"() ({
        %run_scoped3A_16 = tpu.sem_alloc : memref<!tpu.dma_semaphore, #tpu.memory_space<semaphore_mem>>
        %dma_start3A = arith.constant 0 : i32
        %dma_start3A_17 = tpu.memref_slice %arg8[%mul3A_10, %dma_start3A] : memref<10240x128xf32, #tpu.memory_space<vmem_shared>> -> memref<640x128xf32, #tpu.memory_space<vmem_shared>>
        %dma_start3A_18 = arith.constant 0 : i32
        %dma_start3A_19 = tpu.memref_slice %arg4[%mul3A_10, %dma_start3A_18] : memref<10240x128xf32, #tpu.memory_space<hbm>> -> memref<640x128xf32, #tpu.memory_space<hbm>>
        tpu.enqueue_dma source(%dma_start3A_19 : memref<640x128xf32, #tpu.memory_space<hbm>>) target(%dma_start3A_17 : memref<640x128xf32, #tpu.memory_space<vmem_shared>>) target_semaphore(%run_scoped3A_16 : memref<!tpu.dma_semaphore, #tpu.memory_space<semaphore_mem>>)
        %dma_wait3A = arith.constant 0 : i32
        %dma_wait3A_20 = tpu.memref_slice %arg8[%mul3A_10, %dma_wait3A] : memref<10240x128xf32, #tpu.memory_space<vmem_shared>> -> memref<640x128xf32, #tpu.memory_space<vmem_shared>>
        %dma_wait3A_21 = arith.constant 0 : i32
        %dma_wait3A_22 = tpu.memref_slice %arg4[%mul3A_10, %dma_wait3A_21] : memref<10240x128xf32, #tpu.memory_space<hbm>> -> memref<640x128xf32, #tpu.memory_space<hbm>>
        tpu.wait_dma2 semaphore(%run_scoped3A_16 : memref<!tpu.dma_semaphore, #tpu.memory_space<semaphore_mem>>) src(%dma_wait3A_22 : memref<640x128xf32, #tpu.memory_space<hbm>>) dst(%dma_wait3A_20 : memref<640x128xf32, #tpu.memory_space<vmem_shared>>)
        tpu.yield
      }) : () -> ()
      %barrier3A = arith.constant 0 : index
      tpu.barrier barrier_id(%barrier3A)
      %scan3A = arith.constant 0 : i32
      %scan3A_11 = arith.constant 80 : i32
      %scan3A_12 = arith.addi %scan3A, %scan3A_11 : i32
      %scan3A_13 = arith.constant 1 : i32
      scf.for %scan3A_16 = %scan3A to %scan3A_12 step %scan3A_13  : i32 {
        %mul3A_17 = arith.constant 1 : i32
        %mul3A_18 = arith.muli %scan3A_16, %mul3A_17 : i32
        %add3A_19 = arith.constant 0 : i32
        %add3A_20 = arith.addi %add3A_19, %mul3A_18 : i32
        "tpu.region"() ({
          %run_scoped3A_21 = tpu.sem_alloc : memref<!tpu.dma_semaphore, #tpu.memory_space<semaphore_mem>>
          %dma_start3A = arith.constant 0 : i32
          %dma_start3A_22 = tpu.memref_slice %arg6[%add3A_20, %dma_start3A] : memref<80x128xi32, #tpu.memory_space<vmem>> -> memref<1x128xi32, #tpu.memory_space<vmem>>
          %dma_start3A_23 = tpu.memref_squeeze %dma_start3A_22 : memref<1x128xi32, #tpu.memory_space<vmem>> -> memref<128xi32, #tpu.memory_space<vmem>>
          %dma_start3A_24 = arith.constant 0 : i32
          %dma_start3A_25 = arith.constant 0 : i32
          %dma_start3A_26 = tpu.memref_slice %arg8[%dma_start3A_24, %dma_start3A_25] : memref<10240x128xf32, #tpu.memory_space<vmem_shared>> -> memref<10240x128xf32, #tpu.memory_space<vmem_shared>>
          tpu.enqueue_indirect_dma source(%arg7 : memref<128x128xf32, #tpu.memory_space<vmem>>) target(%dma_start3A_26 : memref<10240x128xf32, #tpu.memory_space<vmem_shared>>) offsets(%dma_start3A_23 : memref<128xi32, #tpu.memory_space<vmem>>) semaphore(%run_scoped3A_21 : memref<!tpu.dma_semaphore, #tpu.memory_space<semaphore_mem>>) {add = true}
          %dma_wait3A = arith.constant 0 : i32
          %dma_wait3A_27 = tpu.memref_slice %arg6[%add3A_20, %dma_wait3A] : memref<80x128xi32, #tpu.memory_space<vmem>> -> memref<1x128xi32, #tpu.memory_space<vmem>>
          %dma_wait3A_28 = tpu.memref_squeeze %dma_wait3A_27 : memref<1x128xi32, #tpu.memory_space<vmem>> -> memref<128xi32, #tpu.memory_space<vmem>>
          %dma_wait3A_29 = arith.constant 0 : i32
          %dma_wait3A_30 = arith.constant 0 : i32
          %dma_wait3A_31 = tpu.memref_slice %arg8[%dma_wait3A_29, %dma_wait3A_30] : memref<10240x128xf32, #tpu.memory_space<vmem_shared>> -> memref<10240x128xf32, #tpu.memory_space<vmem_shared>>
          tpu.wait_indirect_dma semaphore(%run_scoped3A_21 : memref<!tpu.dma_semaphore, #tpu.memory_space<semaphore_mem>>) src(%arg7 : memref<128x128xf32, #tpu.memory_space<vmem>>) dst(%dma_wait3A_31 : memref<10240x128xf32, #tpu.memory_space<vmem_shared>>)
          tpu.yield
        }) : () -> ()
      }
      %scan3A_14 = arith.constant 80 : i32
      %barrier3A_15 = arith.constant 0 : index
      tpu.barrier barrier_id(%barrier3A_15)
      %run_scoped3A = arith.constant 1 : i32
      "tpu.region"() ({
        %run_scoped3A_16 = tpu.sem_alloc : memref<!tpu.dma_semaphore, #tpu.memory_space<semaphore_mem>>
        %dma_start3A = arith.constant 0 : i32
        %dma_start3A_17 = tpu.memref_slice %arg5[%run_scoped3A, %mul3A_10, %dma_start3A] : memref<2x10240x128xf32, #tpu.memory_space<hbm>> -> memref<1x640x128xf32, #tpu.memory_space<hbm>>
        %dma_start3A_18 = tpu.memref_squeeze %dma_start3A_17 : memref<1x640x128xf32, #tpu.memory_space<hbm>> -> memref<640x128xf32, #tpu.memory_space<hbm>>
        %dma_start3A_19 = arith.constant 0 : i32
        %dma_start3A_20 = tpu.memref_slice %arg8[%mul3A_10, %dma_start3A_19] : memref<10240x128xf32, #tpu.memory_space<vmem_shared>> -> memref<640x128xf32, #tpu.memory_space<vmem_shared>>
        tpu.enqueue_dma source(%dma_start3A_20 : memref<640x128xf32, #tpu.memory_space<vmem_shared>>) target(%dma_start3A_18 : memref<640x128xf32, #tpu.memory_space<hbm>>) target_semaphore(%run_scoped3A_16 : memref<!tpu.dma_semaphore, #tpu.memory_space<semaphore_mem>>)
        %dma_wait3A = arith.constant 0 : i32
        %dma_wait3A_21 = tpu.memref_slice %arg5[%run_scoped3A, %mul3A_10, %dma_wait3A] : memref<2x10240x128xf32, #tpu.memory_space<hbm>> -> memref<1x640x128xf32, #tpu.memory_space<hbm>>
        %dma_wait3A_22 = tpu.memref_squeeze %dma_wait3A_21 : memref<1x640x128xf32, #tpu.memory_space<hbm>> -> memref<640x128xf32, #tpu.memory_space<hbm>>
        %dma_wait3A_23 = arith.constant 0 : i32
        %dma_wait3A_24 = tpu.memref_slice %arg8[%mul3A_10, %dma_wait3A_23] : memref<10240x128xf32, #tpu.memory_space<vmem_shared>> -> memref<640x128xf32, #tpu.memory_space<vmem_shared>>
        tpu.wait_dma2 semaphore(%run_scoped3A_16 : memref<!tpu.dma_semaphore, #tpu.memory_space<semaphore_mem>>) src(%dma_wait3A_24 : memref<640x128xf32, #tpu.memory_space<vmem_shared>>) dst(%dma_wait3A_22 : memref<640x128xf32, #tpu.memory_space<hbm>>)
        tpu.yield
      }) : () -> ()
    } else {
    }
    return
  }
}

#map = affine_map<(d0, d1) -> (0, 0)>
#map1 = affine_map<(d0, d1) -> (0, 0, 0)>
module attributes {stable_mosaic.version = 14 : i64} {
  func.func @body(%arg0: i32, %arg1: i32, %arg2: memref<10240x128xf32, #tpu.memory_space<hbm>>, %arg3: memref<10240x128xf32, #tpu.memory_space<hbm>>, %arg4: memref<2560x128xi32, #tpu.memory_space<hbm>>, %arg5: memref<2560x128xi32, #tpu.memory_space<hbm>>, %arg6: memref<10240x128xf32, #tpu.memory_space<hbm>>, %arg7: memref<10240x128xf32, #tpu.memory_space<hbm>>, %arg8: memref<2x10240x128xf32, #tpu.memory_space<hbm>>, %arg9: memref<40x128xi32, #tpu.memory_space<vmem>>, %arg10: memref<40x128xi32, #tpu.memory_space<vmem>>, %arg11: memref<128x128xf32, #tpu.memory_space<vmem>>, %arg12: memref<128x128xf32, #tpu.memory_space<vmem>>, %arg13: memref<10240x128xf32, #tpu.memory_space<vmem_shared>>, %arg14: memref<!tpu.dma_semaphore, #tpu.memory_space<semaphore_mem>>, %arg15: memref<!tpu.dma_semaphore, #tpu.memory_space<semaphore_mem>>, %arg16: memref<!tpu.dma_semaphore, #tpu.memory_space<semaphore_mem>>, %arg17: memref<!tpu.dma_semaphore, #tpu.memory_space<semaphore_mem>>) attributes {dimension_semantics = [#tpu.dimension_semantics<core_parallel>, #tpu.dimension_semantics<subcore_parallel>], iteration_bounds = array<i64: 2, 16>, scalar_prefetch = 0 : i64, scratch_operands = 9 : i64, tpu.core_type = #tpu.core_type<sc_vector_subcore>, window_params = [{transform_indices = #map}, {transform_indices = #map}, {transform_indices = #map}, {transform_indices = #map}, {transform_indices = #map}, {transform_indices = #map}, {transform_indices = #map1}]} {
    %eq3A = arith.constant 0 : i32
    %eq3A_0 = arith.cmpi eq, %arg0, %eq3A : i32
    %convert_element_type3A = arith.extui %eq3A_0 : i1 to i32
    %cond3A = arith.constant 0 : i32
    %cond3A_1 = arith.cmpi ne, %convert_element_type3A, %cond3A : i32
    scf.if %cond3A_1 {
      %mul3A = arith.constant 160 : i32
      %mul3A_7 = arith.muli %arg1, %mul3A : i32
      %add3A = arith.constant 0 : i32
      %add3A_8 = arith.addi %add3A, %mul3A_7 : i32
      %mul3A_9 = arith.constant 640 : i32
      %mul3A_10 = arith.muli %arg1, %mul3A_9 : i32
      "tpu.region"() ({
        %run_scoped3A_74 = tpu.sem_alloc : memref<!tpu.dma_semaphore, #tpu.memory_space<semaphore_mem>>
        %dma_start3A_75 = arith.constant 0 : i32
        %dma_start3A_76 = tpu.memref_slice %arg13[%mul3A_10, %dma_start3A_75] : memref<10240x128xf32, #tpu.memory_space<vmem_shared>> -> memref<640x128xf32, #tpu.memory_space<vmem_shared>>
        %dma_start3A_77 = arith.constant 0 : i32
        %dma_start3A_78 = tpu.memref_slice %arg6[%mul3A_10, %dma_start3A_77] : memref<10240x128xf32, #tpu.memory_space<hbm>> -> memref<640x128xf32, #tpu.memory_space<hbm>>
        tpu.enqueue_dma source(%dma_start3A_78 : memref<640x128xf32, #tpu.memory_space<hbm>>) target(%dma_start3A_76 : memref<640x128xf32, #tpu.memory_space<vmem_shared>>) target_semaphore(%run_scoped3A_74 : memref<!tpu.dma_semaphore, #tpu.memory_space<semaphore_mem>>)
        %dma_wait3A = arith.constant 0 : i32
        %dma_wait3A_79 = tpu.memref_slice %arg13[%mul3A_10, %dma_wait3A] : memref<10240x128xf32, #tpu.memory_space<vmem_shared>> -> memref<640x128xf32, #tpu.memory_space<vmem_shared>>
        %dma_wait3A_80 = arith.constant 0 : i32
        %dma_wait3A_81 = tpu.memref_slice %arg6[%mul3A_10, %dma_wait3A_80] : memref<10240x128xf32, #tpu.memory_space<hbm>> -> memref<640x128xf32, #tpu.memory_space<hbm>>
        tpu.wait_dma2 semaphore(%run_scoped3A_74 : memref<!tpu.dma_semaphore, #tpu.memory_space<semaphore_mem>>) src(%dma_wait3A_81 : memref<640x128xf32, #tpu.memory_space<hbm>>) dst(%dma_wait3A_79 : memref<640x128xf32, #tpu.memory_space<vmem_shared>>)
        tpu.yield
      }) : () -> ()
      %barrier3A = arith.constant 0 : index
      tpu.barrier barrier_id(%barrier3A)
      %add3A_11 = arith.constant 0 : i32
      %add3A_12 = arith.addi %add3A_8, %add3A_11 : i32
      "tpu.region"() ({
        %run_scoped3A_74 = tpu.sem_alloc : memref<!tpu.dma_semaphore, #tpu.memory_space<semaphore_mem>>
        %dma_start3A_75 = arith.constant 0 : i32
        %dma_start3A_76 = tpu.memref_slice %arg4[%add3A_12, %dma_start3A_75] : memref<2560x128xi32, #tpu.memory_space<hbm>> -> memref<40x128xi32, #tpu.memory_space<hbm>>
        %dma_start3A_77 = arith.constant 0 : i32
        %dma_start3A_78 = tpu.memref_slice %arg4[%add3A_12, %dma_start3A_77] : memref<2560x128xi32, #tpu.memory_space<hbm>> -> memref<40x128xi32, #tpu.memory_space<hbm>>
        tpu.enqueue_dma source(%dma_start3A_78 : memref<40x128xi32, #tpu.memory_space<hbm>>) target(%arg9 : memref<40x128xi32, #tpu.memory_space<vmem>>) target_semaphore(%run_scoped3A_74 : memref<!tpu.dma_semaphore, #tpu.memory_space<semaphore_mem>>)
        %dma_wait3A = arith.constant 0 : i32
        %dma_wait3A_79 = tpu.memref_slice %arg4[%add3A_12, %dma_wait3A] : memref<2560x128xi32, #tpu.memory_space<hbm>> -> memref<40x128xi32, #tpu.memory_space<hbm>>
        %dma_wait3A_80 = arith.constant 0 : i32
        %dma_wait3A_81 = tpu.memref_slice %arg4[%add3A_12, %dma_wait3A_80] : memref<2560x128xi32, #tpu.memory_space<hbm>> -> memref<40x128xi32, #tpu.memory_space<hbm>>
        tpu.wait_dma2 semaphore(%run_scoped3A_74 : memref<!tpu.dma_semaphore, #tpu.memory_space<semaphore_mem>>) src(%dma_wait3A_81 : memref<40x128xi32, #tpu.memory_space<hbm>>) dst(%arg9 : memref<40x128xi32, #tpu.memory_space<vmem>>)
        tpu.yield
      }) : () -> ()
      %add3A_13 = arith.constant 0 : i32
      %add3A_14 = arith.addi %add3A_8, %add3A_13 : i32
      "tpu.region"() ({
        %run_scoped3A_74 = tpu.sem_alloc : memref<!tpu.dma_semaphore, #tpu.memory_space<semaphore_mem>>
        %dma_start3A_75 = arith.constant 0 : i32
        %dma_start3A_76 = tpu.memref_slice %arg5[%add3A_14, %dma_start3A_75] : memref<2560x128xi32, #tpu.memory_space<hbm>> -> memref<40x128xi32, #tpu.memory_space<hbm>>
        %dma_start3A_77 = arith.constant 0 : i32
        %dma_start3A_78 = tpu.memref_slice %arg5[%add3A_14, %dma_start3A_77] : memref<2560x128xi32, #tpu.memory_space<hbm>> -> memref<40x128xi32, #tpu.memory_space<hbm>>
        tpu.enqueue_dma source(%dma_start3A_78 : memref<40x128xi32, #tpu.memory_space<hbm>>) target(%arg10 : memref<40x128xi32, #tpu.memory_space<vmem>>) target_semaphore(%run_scoped3A_74 : memref<!tpu.dma_semaphore, #tpu.memory_space<semaphore_mem>>)
        %dma_wait3A = arith.constant 0 : i32
        %dma_wait3A_79 = tpu.memref_slice %arg5[%add3A_14, %dma_wait3A] : memref<2560x128xi32, #tpu.memory_space<hbm>> -> memref<40x128xi32, #tpu.memory_space<hbm>>
        %dma_wait3A_80 = arith.constant 0 : i32
        %dma_wait3A_81 = tpu.memref_slice %arg5[%add3A_14, %dma_wait3A_80] : memref<2560x128xi32, #tpu.memory_space<hbm>> -> memref<40x128xi32, #tpu.memory_space<hbm>>
        tpu.wait_dma2 semaphore(%run_scoped3A_74 : memref<!tpu.dma_semaphore, #tpu.memory_space<semaphore_mem>>) src(%dma_wait3A_81 : memref<40x128xi32, #tpu.memory_space<hbm>>) dst(%arg10 : memref<40x128xi32, #tpu.memory_space<vmem>>)
        tpu.yield
      }) : () -> ()
      %dma_start3A = arith.constant 0 : i32
      %dma_start3A_15 = arith.constant 0 : i32
      %dma_start3A_16 = tpu.memref_slice %arg9[%dma_start3A, %dma_start3A_15] : memref<40x128xi32, #tpu.memory_space<vmem>> -> memref<1x128xi32, #tpu.memory_space<vmem>>
      %dma_start3A_17 = tpu.memref_squeeze %dma_start3A_16 : memref<1x128xi32, #tpu.memory_space<vmem>> -> memref<128xi32, #tpu.memory_space<vmem>>
      %dma_start3A_18 = arith.constant 0 : i32
      %dma_start3A_19 = arith.constant 0 : i32
      %dma_start3A_20 = tpu.memref_slice %arg2[%dma_start3A_18, %dma_start3A_19] : memref<10240x128xf32, #tpu.memory_space<hbm>> -> memref<10240x128xf32, #tpu.memory_space<hbm>>
      tpu.enqueue_indirect_dma source(%dma_start3A_20 : memref<10240x128xf32, #tpu.memory_space<hbm>>) target(%arg11 : memref<128x128xf32, #tpu.memory_space<vmem>>) offsets(%dma_start3A_17 : memref<128xi32, #tpu.memory_space<vmem>>) semaphore(%arg14 : memref<!tpu.dma_semaphore, #tpu.memory_space<semaphore_mem>>)
      %scan3A = arith.constant 0 : i32
      %scan3A_21 = arith.constant 20 : i32
      %scan3A_22 = arith.addi %scan3A, %scan3A_21 : i32
      %scan3A_23 = arith.constant 1 : i32
      scf.for %scan3A_74 = %scan3A to %scan3A_22 step %scan3A_23  : i32 {
        %mul3A_75 = arith.constant 2 : i32
        %mul3A_76 = arith.muli %scan3A_74, %mul3A_75 : i32
        %add3A_77 = arith.constant 0 : i32
        %add3A_78 = arith.addi %add3A_77, %mul3A_76 : i32
        %dma_wait3A = arith.constant 0 : i32
        %dma_wait3A_79 = tpu.memref_slice %arg9[%add3A_78, %dma_wait3A] : memref<40x128xi32, #tpu.memory_space<vmem>> -> memref<1x128xi32, #tpu.memory_space<vmem>>
        %dma_wait3A_80 = tpu.memref_squeeze %dma_wait3A_79 : memref<1x128xi32, #tpu.memory_space<vmem>> -> memref<128xi32, #tpu.memory_space<vmem>>
        %dma_wait3A_81 = arith.constant 0 : i32
        %dma_wait3A_82 = arith.constant 0 : i32
        %dma_wait3A_83 = tpu.memref_slice %arg2[%dma_wait3A_81, %dma_wait3A_82] : memref<10240x128xf32, #tpu.memory_space<hbm>> -> memref<10240x128xf32, #tpu.memory_space<hbm>>
        tpu.wait_indirect_dma semaphore(%arg14 : memref<!tpu.dma_semaphore, #tpu.memory_space<semaphore_mem>>) src(%dma_wait3A_83 : memref<10240x128xf32, #tpu.memory_space<hbm>>) dst(%arg11 : memref<128x128xf32, #tpu.memory_space<vmem>>)
        %dma_start3A_84 = arith.constant 0 : i32
        %dma_start3A_85 = tpu.memref_slice %arg10[%add3A_78, %dma_start3A_84] : memref<40x128xi32, #tpu.memory_space<vmem>> -> memref<1x128xi32, #tpu.memory_space<vmem>>
        %dma_start3A_86 = tpu.memref_squeeze %dma_start3A_85 : memref<1x128xi32, #tpu.memory_space<vmem>> -> memref<128xi32, #tpu.memory_space<vmem>>
        %dma_start3A_87 = arith.constant 0 : i32
        %dma_start3A_88 = arith.constant 0 : i32
        %dma_start3A_89 = tpu.memref_slice %arg13[%dma_start3A_87, %dma_start3A_88] : memref<10240x128xf32, #tpu.memory_space<vmem_shared>> -> memref<10240x128xf32, #tpu.memory_space<vmem_shared>>
        tpu.enqueue_indirect_dma source(%arg11 : memref<128x128xf32, #tpu.memory_space<vmem>>) target(%dma_start3A_89 : memref<10240x128xf32, #tpu.memory_space<vmem_shared>>) offsets(%dma_start3A_86 : memref<128xi32, #tpu.memory_space<vmem>>) semaphore(%arg16 : memref<!tpu.dma_semaphore, #tpu.memory_space<semaphore_mem>>) {add = true}
        %add3A_90 = arith.constant 1 : i32
        %add3A_91 = arith.addi %add3A_78, %add3A_90 : i32
        %dma_start3A_92 = arith.constant 0 : i32
        %dma_start3A_93 = tpu.memref_slice %arg9[%add3A_91, %dma_start3A_92] : memref<40x128xi32, #tpu.memory_space<vmem>> -> memref<1x128xi32, #tpu.memory_space<vmem>>
        %dma_start3A_94 = tpu.memref_squeeze %dma_start3A_93 : memref<1x128xi32, #tpu.memory_space<vmem>> -> memref<128xi32, #tpu.memory_space<vmem>>
        %dma_start3A_95 = arith.constant 0 : i32
        %dma_start3A_96 = arith.constant 0 : i32
        %dma_start3A_97 = tpu.memref_slice %arg2[%dma_start3A_95, %dma_start3A_96] : memref<10240x128xf32, #tpu.memory_space<hbm>> -> memref<10240x128xf32, #tpu.memory_space<hbm>>
        tpu.enqueue_indirect_dma source(%dma_start3A_97 : memref<10240x128xf32, #tpu.memory_space<hbm>>) target(%arg12 : memref<128x128xf32, #tpu.memory_space<vmem>>) offsets(%dma_start3A_94 : memref<128xi32, #tpu.memory_space<vmem>>) semaphore(%arg15 : memref<!tpu.dma_semaphore, #tpu.memory_space<semaphore_mem>>)
        %add3A_98 = arith.constant 1 : i32
        %add3A_99 = arith.addi %add3A_78, %add3A_98 : i32
        %dma_wait3A_100 = arith.constant 0 : i32
        %dma_wait3A_101 = tpu.memref_slice %arg9[%add3A_99, %dma_wait3A_100] : memref<40x128xi32, #tpu.memory_space<vmem>> -> memref<1x128xi32, #tpu.memory_space<vmem>>
        %dma_wait3A_102 = tpu.memref_squeeze %dma_wait3A_101 : memref<1x128xi32, #tpu.memory_space<vmem>> -> memref<128xi32, #tpu.memory_space<vmem>>
        %dma_wait3A_103 = arith.constant 0 : i32
        %dma_wait3A_104 = arith.constant 0 : i32
        %dma_wait3A_105 = tpu.memref_slice %arg2[%dma_wait3A_103, %dma_wait3A_104] : memref<10240x128xf32, #tpu.memory_space<hbm>> -> memref<10240x128xf32, #tpu.memory_space<hbm>>
        tpu.wait_indirect_dma semaphore(%arg15 : memref<!tpu.dma_semaphore, #tpu.memory_space<semaphore_mem>>) src(%dma_wait3A_105 : memref<10240x128xf32, #tpu.memory_space<hbm>>) dst(%arg12 : memref<128x128xf32, #tpu.memory_space<vmem>>)
        %add3A_106 = arith.constant 1 : i32
        %add3A_107 = arith.addi %add3A_78, %add3A_106 : i32
        %dma_start3A_108 = arith.constant 0 : i32
        %dma_start3A_109 = tpu.memref_slice %arg10[%add3A_107, %dma_start3A_108] : memref<40x128xi32, #tpu.memory_space<vmem>> -> memref<1x128xi32, #tpu.memory_space<vmem>>
        %dma_start3A_110 = tpu.memref_squeeze %dma_start3A_109 : memref<1x128xi32, #tpu.memory_space<vmem>> -> memref<128xi32, #tpu.memory_space<vmem>>
        %dma_start3A_111 = arith.constant 0 : i32
        %dma_start3A_112 = arith.constant 0 : i32
        %dma_start3A_113 = tpu.memref_slice %arg13[%dma_start3A_111, %dma_start3A_112] : memref<10240x128xf32, #tpu.memory_space<vmem_shared>> -> memref<10240x128xf32, #tpu.memory_space<vmem_shared>>
        tpu.enqueue_indirect_dma source(%arg12 : memref<128x128xf32, #tpu.memory_space<vmem>>) target(%dma_start3A_113 : memref<10240x128xf32, #tpu.memory_space<vmem_shared>>) offsets(%dma_start3A_110 : memref<128xi32, #tpu.memory_space<vmem>>) semaphore(%arg17 : memref<!tpu.dma_semaphore, #tpu.memory_space<semaphore_mem>>) {add = true}
        %dma_wait3A_114 = arith.constant 0 : i32
        %dma_wait3A_115 = tpu.memref_slice %arg10[%add3A_78, %dma_wait3A_114] : memref<40x128xi32, #tpu.memory_space<vmem>> -> memref<1x128xi32, #tpu.memory_space<vmem>>
        %dma_wait3A_116 = tpu.memref_squeeze %dma_wait3A_115 : memref<1x128xi32, #tpu.memory_space<vmem>> -> memref<128xi32, #tpu.memory_space<vmem>>
        %dma_wait3A_117 = arith.constant 0 : i32
        %dma_wait3A_118 = arith.constant 0 : i32
        %dma_wait3A_119 = tpu.memref_slice %arg13[%dma_wait3A_117, %dma_wait3A_118] : memref<10240x128xf32, #tpu.memory_space<vmem_shared>> -> memref<10240x128xf32, #tpu.memory_space<vmem_shared>>
        tpu.wait_indirect_dma semaphore(%arg16 : memref<!tpu.dma_semaphore, #tpu.memory_space<semaphore_mem>>) src(%arg11 : memref<128x128xf32, #tpu.memory_space<vmem>>) dst(%dma_wait3A_119 : memref<10240x128xf32, #tpu.memory_space<vmem_shared>>)
        %add3A_120 = arith.constant 2 : i32
        %add3A_121 = arith.addi %add3A_78, %add3A_120 : i32
        %lt3A = arith.constant 40 : i32
        %lt3A_122 = arith.cmpi slt, %add3A_121, %lt3A : i32
        %convert_element_type3A_123 = arith.extui %lt3A_122 : i1 to i32
        %cond3A_124 = arith.constant 0 : i32
        %cond3A_125 = arith.cmpi ne, %convert_element_type3A_123, %cond3A_124 : i32
        scf.if %cond3A_125 {
          %add3A_134 = arith.constant 2 : i32
          %add3A_135 = arith.addi %add3A_78, %add3A_134 : i32
          %dma_start3A_136 = arith.constant 0 : i32
          %dma_start3A_137 = tpu.memref_slice %arg9[%add3A_135, %dma_start3A_136] : memref<40x128xi32, #tpu.memory_space<vmem>> -> memref<1x128xi32, #tpu.memory_space<vmem>>
          %dma_start3A_138 = tpu.memref_squeeze %dma_start3A_137 : memref<1x128xi32, #tpu.memory_space<vmem>> -> memref<128xi32, #tpu.memory_space<vmem>>
          %dma_start3A_139 = arith.constant 0 : i32
          %dma_start3A_140 = arith.constant 0 : i32
          %dma_start3A_141 = tpu.memref_slice %arg2[%dma_start3A_139, %dma_start3A_140] : memref<10240x128xf32, #tpu.memory_space<hbm>> -> memref<10240x128xf32, #tpu.memory_space<hbm>>
          tpu.enqueue_indirect_dma source(%dma_start3A_141 : memref<10240x128xf32, #tpu.memory_space<hbm>>) target(%arg11 : memref<128x128xf32, #tpu.memory_space<vmem>>) offsets(%dma_start3A_138 : memref<128xi32, #tpu.memory_space<vmem>>) semaphore(%arg14 : memref<!tpu.dma_semaphore, #tpu.memory_space<semaphore_mem>>)
        } else {
        }
        %add3A_126 = arith.constant 1 : i32
        %add3A_127 = arith.addi %add3A_78, %add3A_126 : i32
        %dma_wait3A_128 = arith.constant 0 : i32
        %dma_wait3A_129 = tpu.memref_slice %arg10[%add3A_127, %dma_wait3A_128] : memref<40x128xi32, #tpu.memory_space<vmem>> -> memref<1x128xi32, #tpu.memory_space<vmem>>
        %dma_wait3A_130 = tpu.memref_squeeze %dma_wait3A_129 : memref<1x128xi32, #tpu.memory_space<vmem>> -> memref<128xi32, #tpu.memory_space<vmem>>
        %dma_wait3A_131 = arith.constant 0 : i32
        %dma_wait3A_132 = arith.constant 0 : i32
        %dma_wait3A_133 = tpu.memref_slice %arg13[%dma_wait3A_131, %dma_wait3A_132] : memref<10240x128xf32, #tpu.memory_space<vmem_shared>> -> memref<10240x128xf32, #tpu.memory_space<vmem_shared>>
        tpu.wait_indirect_dma semaphore(%arg17 : memref<!tpu.dma_semaphore, #tpu.memory_space<semaphore_mem>>) src(%arg12 : memref<128x128xf32, #tpu.memory_space<vmem>>) dst(%dma_wait3A_133 : memref<10240x128xf32, #tpu.memory_space<vmem_shared>>)
      }
      %scan3A_24 = arith.constant 20 : i32
      %add3A_25 = arith.constant 40 : i32
      %add3A_26 = arith.addi %add3A_8, %add3A_25 : i32
      "tpu.region"() ({
        %run_scoped3A_74 = tpu.sem_alloc : memref<!tpu.dma_semaphore, #tpu.memory_space<semaphore_mem>>
        %dma_start3A_75 = arith.constant 0 : i32
        %dma_start3A_76 = tpu.memref_slice %arg4[%add3A_26, %dma_start3A_75] : memref<2560x128xi32, #tpu.memory_space<hbm>> -> memref<40x128xi32, #tpu.memory_space<hbm>>
        %dma_start3A_77 = arith.constant 0 : i32
        %dma_start3A_78 = tpu.memref_slice %arg4[%add3A_26, %dma_start3A_77] : memref<2560x128xi32, #tpu.memory_space<hbm>> -> memref<40x128xi32, #tpu.memory_space<hbm>>
        tpu.enqueue_dma source(%dma_start3A_78 : memref<40x128xi32, #tpu.memory_space<hbm>>) target(%arg9 : memref<40x128xi32, #tpu.memory_space<vmem>>) target_semaphore(%run_scoped3A_74 : memref<!tpu.dma_semaphore, #tpu.memory_space<semaphore_mem>>)
        %dma_wait3A = arith.constant 0 : i32
        %dma_wait3A_79 = tpu.memref_slice %arg4[%add3A_26, %dma_wait3A] : memref<2560x128xi32, #tpu.memory_space<hbm>> -> memref<40x128xi32, #tpu.memory_space<hbm>>
        %dma_wait3A_80 = arith.constant 0 : i32
        %dma_wait3A_81 = tpu.memref_slice %arg4[%add3A_26, %dma_wait3A_80] : memref<2560x128xi32, #tpu.memory_space<hbm>> -> memref<40x128xi32, #tpu.memory_space<hbm>>
        tpu.wait_dma2 semaphore(%run_scoped3A_74 : memref<!tpu.dma_semaphore, #tpu.memory_space<semaphore_mem>>) src(%dma_wait3A_81 : memref<40x128xi32, #tpu.memory_space<hbm>>) dst(%arg9 : memref<40x128xi32, #tpu.memory_space<vmem>>)
        tpu.yield
      }) : () -> ()
      %add3A_27 = arith.constant 40 : i32
      %add3A_28 = arith.addi %add3A_8, %add3A_27 : i32
      "tpu.region"() ({
        %run_scoped3A_74 = tpu.sem_alloc : memref<!tpu.dma_semaphore, #tpu.memory_space<semaphore_mem>>
        %dma_start3A_75 = arith.constant 0 : i32
        %dma_start3A_76 = tpu.memref_slice %arg5[%add3A_28, %dma_start3A_75] : memref<2560x128xi32, #tpu.memory_space<hbm>> -> memref<40x128xi32, #tpu.memory_space<hbm>>
        %dma_start3A_77 = arith.constant 0 : i32
        %dma_start3A_78 = tpu.memref_slice %arg5[%add3A_28, %dma_start3A_77] : memref<2560x128xi32, #tpu.memory_space<hbm>> -> memref<40x128xi32, #tpu.memory_space<hbm>>
        tpu.enqueue_dma source(%dma_start3A_78 : memref<40x128xi32, #tpu.memory_space<hbm>>) target(%arg10 : memref<40x128xi32, #tpu.memory_space<vmem>>) target_semaphore(%run_scoped3A_74 : memref<!tpu.dma_semaphore, #tpu.memory_space<semaphore_mem>>)
        %dma_wait3A = arith.constant 0 : i32
        %dma_wait3A_79 = tpu.memref_slice %arg5[%add3A_28, %dma_wait3A] : memref<2560x128xi32, #tpu.memory_space<hbm>> -> memref<40x128xi32, #tpu.memory_space<hbm>>
        %dma_wait3A_80 = arith.constant 0 : i32
        %dma_wait3A_81 = tpu.memref_slice %arg5[%add3A_28, %dma_wait3A_80] : memref<2560x128xi32, #tpu.memory_space<hbm>> -> memref<40x128xi32, #tpu.memory_space<hbm>>
        tpu.wait_dma2 semaphore(%run_scoped3A_74 : memref<!tpu.dma_semaphore, #tpu.memory_space<semaphore_mem>>) src(%dma_wait3A_81 : memref<40x128xi32, #tpu.memory_space<hbm>>) dst(%arg10 : memref<40x128xi32, #tpu.memory_space<vmem>>)
        tpu.yield
      }) : () -> ()
      %dma_start3A_29 = arith.constant 0 : i32
      %dma_start3A_30 = arith.constant 0 : i32
      %dma_start3A_31 = tpu.memref_slice %arg9[%dma_start3A_29, %dma_start3A_30] : memref<40x128xi32, #tpu.memory_space<vmem>> -> memref<1x128xi32, #tpu.memory_space<vmem>>
      %dma_start3A_32 = tpu.memref_squeeze %dma_start3A_31 : memref<1x128xi32, #tpu.memory_space<vmem>> -> memref<128xi32, #tpu.memory_space<vmem>>
      %dma_start3A_33 = arith.constant 0 : i32
      %dma_start3A_34 = arith.constant 0 : i32
      %dma_start3A_35 = tpu.memref_slice %arg2[%dma_start3A_33, %dma_start3A_34] : memref<10240x128xf32, #tpu.memory_space<hbm>> -> memref<10240x128xf32, #tpu.memory_space<hbm>>
      tpu.enqueue_indirect_dma source(%dma_start3A_35 : memref<10240x128xf32, #tpu.memory_space<hbm>>) target(%arg11 : memref<128x128xf32, #tpu.memory_space<vmem>>) offsets(%dma_start3A_32 : memref<128xi32, #tpu.memory_space<vmem>>) semaphore(%arg14 : memref<!tpu.dma_semaphore, #tpu.memory_space<semaphore_mem>>)
      %scan3A_36 = arith.constant 0 : i32
      %scan3A_37 = arith.constant 20 : i32
      %scan3A_38 = arith.addi %scan3A_36, %scan3A_37 : i32
      %scan3A_39 = arith.constant 1 : i32
      scf.for %scan3A_74 = %scan3A_36 to %scan3A_38 step %scan3A_39  : i32 {
        %mul3A_75 = arith.constant 2 : i32
        %mul3A_76 = arith.muli %scan3A_74, %mul3A_75 : i32
        %add3A_77 = arith.constant 0 : i32
        %add3A_78 = arith.addi %add3A_77, %mul3A_76 : i32
        %dma_wait3A = arith.constant 0 : i32
        %dma_wait3A_79 = tpu.memref_slice %arg9[%add3A_78, %dma_wait3A] : memref<40x128xi32, #tpu.memory_space<vmem>> -> memref<1x128xi32, #tpu.memory_space<vmem>>
        %dma_wait3A_80 = tpu.memref_squeeze %dma_wait3A_79 : memref<1x128xi32, #tpu.memory_space<vmem>> -> memref<128xi32, #tpu.memory_space<vmem>>
        %dma_wait3A_81 = arith.constant 0 : i32
        %dma_wait3A_82 = arith.constant 0 : i32
        %dma_wait3A_83 = tpu.memref_slice %arg2[%dma_wait3A_81, %dma_wait3A_82] : memref<10240x128xf32, #tpu.memory_space<hbm>> -> memref<10240x128xf32, #tpu.memory_space<hbm>>
        tpu.wait_indirect_dma semaphore(%arg14 : memref<!tpu.dma_semaphore, #tpu.memory_space<semaphore_mem>>) src(%dma_wait3A_83 : memref<10240x128xf32, #tpu.memory_space<hbm>>) dst(%arg11 : memref<128x128xf32, #tpu.memory_space<vmem>>)
        %dma_start3A_84 = arith.constant 0 : i32
        %dma_start3A_85 = tpu.memref_slice %arg10[%add3A_78, %dma_start3A_84] : memref<40x128xi32, #tpu.memory_space<vmem>> -> memref<1x128xi32, #tpu.memory_space<vmem>>
        %dma_start3A_86 = tpu.memref_squeeze %dma_start3A_85 : memref<1x128xi32, #tpu.memory_space<vmem>> -> memref<128xi32, #tpu.memory_space<vmem>>
        %dma_start3A_87 = arith.constant 0 : i32
        %dma_start3A_88 = arith.constant 0 : i32
        %dma_start3A_89 = tpu.memref_slice %arg13[%dma_start3A_87, %dma_start3A_88] : memref<10240x128xf32, #tpu.memory_space<vmem_shared>> -> memref<10240x128xf32, #tpu.memory_space<vmem_shared>>
        tpu.enqueue_indirect_dma source(%arg11 : memref<128x128xf32, #tpu.memory_space<vmem>>) target(%dma_start3A_89 : memref<10240x128xf32, #tpu.memory_space<vmem_shared>>) offsets(%dma_start3A_86 : memref<128xi32, #tpu.memory_space<vmem>>) semaphore(%arg16 : memref<!tpu.dma_semaphore, #tpu.memory_space<semaphore_mem>>) {add = true}
        %add3A_90 = arith.constant 1 : i32
        %add3A_91 = arith.addi %add3A_78, %add3A_90 : i32
        %dma_start3A_92 = arith.constant 0 : i32
        %dma_start3A_93 = tpu.memref_slice %arg9[%add3A_91, %dma_start3A_92] : memref<40x128xi32, #tpu.memory_space<vmem>> -> memref<1x128xi32, #tpu.memory_space<vmem>>
        %dma_start3A_94 = tpu.memref_squeeze %dma_start3A_93 : memref<1x128xi32, #tpu.memory_space<vmem>> -> memref<128xi32, #tpu.memory_space<vmem>>
        %dma_start3A_95 = arith.constant 0 : i32
        %dma_start3A_96 = arith.constant 0 : i32
        %dma_start3A_97 = tpu.memref_slice %arg2[%dma_start3A_95, %dma_start3A_96] : memref<10240x128xf32, #tpu.memory_space<hbm>> -> memref<10240x128xf32, #tpu.memory_space<hbm>>
        tpu.enqueue_indirect_dma source(%dma_start3A_97 : memref<10240x128xf32, #tpu.memory_space<hbm>>) target(%arg12 : memref<128x128xf32, #tpu.memory_space<vmem>>) offsets(%dma_start3A_94 : memref<128xi32, #tpu.memory_space<vmem>>) semaphore(%arg15 : memref<!tpu.dma_semaphore, #tpu.memory_space<semaphore_mem>>)
        %add3A_98 = arith.constant 1 : i32
        %add3A_99 = arith.addi %add3A_78, %add3A_98 : i32
        %dma_wait3A_100 = arith.constant 0 : i32
        %dma_wait3A_101 = tpu.memref_slice %arg9[%add3A_99, %dma_wait3A_100] : memref<40x128xi32, #tpu.memory_space<vmem>> -> memref<1x128xi32, #tpu.memory_space<vmem>>
        %dma_wait3A_102 = tpu.memref_squeeze %dma_wait3A_101 : memref<1x128xi32, #tpu.memory_space<vmem>> -> memref<128xi32, #tpu.memory_space<vmem>>
        %dma_wait3A_103 = arith.constant 0 : i32
        %dma_wait3A_104 = arith.constant 0 : i32
        %dma_wait3A_105 = tpu.memref_slice %arg2[%dma_wait3A_103, %dma_wait3A_104] : memref<10240x128xf32, #tpu.memory_space<hbm>> -> memref<10240x128xf32, #tpu.memory_space<hbm>>
        tpu.wait_indirect_dma semaphore(%arg15 : memref<!tpu.dma_semaphore, #tpu.memory_space<semaphore_mem>>) src(%dma_wait3A_105 : memref<10240x128xf32, #tpu.memory_space<hbm>>) dst(%arg12 : memref<128x128xf32, #tpu.memory_space<vmem>>)
        %add3A_106 = arith.constant 1 : i32
        %add3A_107 = arith.addi %add3A_78, %add3A_106 : i32
        %dma_start3A_108 = arith.constant 0 : i32
        %dma_start3A_109 = tpu.memref_slice %arg10[%add3A_107, %dma_start3A_108] : memref<40x128xi32, #tpu.memory_space<vmem>> -> memref<1x128xi32, #tpu.memory_space<vmem>>
        %dma_start3A_110 = tpu.memref_squeeze %dma_start3A_109 : memref<1x128xi32, #tpu.memory_space<vmem>> -> memref<128xi32, #tpu.memory_space<vmem>>
        %dma_start3A_111 = arith.constant 0 : i32
        %dma_start3A_112 = arith.constant 0 : i32
        %dma_start3A_113 = tpu.memref_slice %arg13[%dma_start3A_111, %dma_start3A_112] : memref<10240x128xf32, #tpu.memory_space<vmem_shared>> -> memref<10240x128xf32, #tpu.memory_space<vmem_shared>>
        tpu.enqueue_indirect_dma source(%arg12 : memref<128x128xf32, #tpu.memory_space<vmem>>) target(%dma_start3A_113 : memref<10240x128xf32, #tpu.memory_space<vmem_shared>>) offsets(%dma_start3A_110 : memref<128xi32, #tpu.memory_space<vmem>>) semaphore(%arg17 : memref<!tpu.dma_semaphore, #tpu.memory_space<semaphore_mem>>) {add = true}
        %dma_wait3A_114 = arith.constant 0 : i32
        %dma_wait3A_115 = tpu.memref_slice %arg10[%add3A_78, %dma_wait3A_114] : memref<40x128xi32, #tpu.memory_space<vmem>> -> memref<1x128xi32, #tpu.memory_space<vmem>>
        %dma_wait3A_116 = tpu.memref_squeeze %dma_wait3A_115 : memref<1x128xi32, #tpu.memory_space<vmem>> -> memref<128xi32, #tpu.memory_space<vmem>>
        %dma_wait3A_117 = arith.constant 0 : i32
        %dma_wait3A_118 = arith.constant 0 : i32
        %dma_wait3A_119 = tpu.memref_slice %arg13[%dma_wait3A_117, %dma_wait3A_118] : memref<10240x128xf32, #tpu.memory_space<vmem_shared>> -> memref<10240x128xf32, #tpu.memory_space<vmem_shared>>
        tpu.wait_indirect_dma semaphore(%arg16 : memref<!tpu.dma_semaphore, #tpu.memory_space<semaphore_mem>>) src(%arg11 : memref<128x128xf32, #tpu.memory_space<vmem>>) dst(%dma_wait3A_119 : memref<10240x128xf32, #tpu.memory_space<vmem_shared>>)
        %add3A_120 = arith.constant 2 : i32
        %add3A_121 = arith.addi %add3A_78, %add3A_120 : i32
        %lt3A = arith.constant 40 : i32
        %lt3A_122 = arith.cmpi slt, %add3A_121, %lt3A : i32
        %convert_element_type3A_123 = arith.extui %lt3A_122 : i1 to i32
        %cond3A_124 = arith.constant 0 : i32
        %cond3A_125 = arith.cmpi ne, %convert_element_type3A_123, %cond3A_124 : i32
        scf.if %cond3A_125 {
          %add3A_134 = arith.constant 2 : i32
          %add3A_135 = arith.addi %add3A_78, %add3A_134 : i32
          %dma_start3A_136 = arith.constant 0 : i32
          %dma_start3A_137 = tpu.memref_slice %arg9[%add3A_135, %dma_start3A_136] : memref<40x128xi32, #tpu.memory_space<vmem>> -> memref<1x128xi32, #tpu.memory_space<vmem>>
          %dma_start3A_138 = tpu.memref_squeeze %dma_start3A_137 : memref<1x128xi32, #tpu.memory_space<vmem>> -> memref<128xi32, #tpu.memory_space<vmem>>
          %dma_start3A_139 = arith.constant 0 : i32
          %dma_start3A_140 = arith.constant 0 : i32
          %dma_start3A_141 = tpu.memref_slice %arg2[%dma_start3A_139, %dma_start3A_140] : memref<10240x128xf32, #tpu.memory_space<hbm>> -> memref<10240x128xf32, #tpu.memory_space<hbm>>
          tpu.enqueue_indirect_dma source(%dma_start3A_141 : memref<10240x128xf32, #tpu.memory_space<hbm>>) target(%arg11 : memref<128x128xf32, #tpu.memory_space<vmem>>) offsets(%dma_start3A_138 : memref<128xi32, #tpu.memory_space<vmem>>) semaphore(%arg14 : memref<!tpu.dma_semaphore, #tpu.memory_space<semaphore_mem>>)
        } else {
        }
        %add3A_126 = arith.constant 1 : i32
        %add3A_127 = arith.addi %add3A_78, %add3A_126 : i32
        %dma_wait3A_128 = arith.constant 0 : i32
        %dma_wait3A_129 = tpu.memref_slice %arg10[%add3A_127, %dma_wait3A_128] : memref<40x128xi32, #tpu.memory_space<vmem>> -> memref<1x128xi32, #tpu.memory_space<vmem>>
        %dma_wait3A_130 = tpu.memref_squeeze %dma_wait3A_129 : memref<1x128xi32, #tpu.memory_space<vmem>> -> memref<128xi32, #tpu.memory_space<vmem>>
        %dma_wait3A_131 = arith.constant 0 : i32
        %dma_wait3A_132 = arith.constant 0 : i32
        %dma_wait3A_133 = tpu.memref_slice %arg13[%dma_wait3A_131, %dma_wait3A_132] : memref<10240x128xf32, #tpu.memory_space<vmem_shared>> -> memref<10240x128xf32, #tpu.memory_space<vmem_shared>>
        tpu.wait_indirect_dma semaphore(%arg17 : memref<!tpu.dma_semaphore, #tpu.memory_space<semaphore_mem>>) src(%arg12 : memref<128x128xf32, #tpu.memory_space<vmem>>) dst(%dma_wait3A_133 : memref<10240x128xf32, #tpu.memory_space<vmem_shared>>)
      }
      %scan3A_40 = arith.constant 20 : i32
      %add3A_41 = arith.constant 80 : i32
      %add3A_42 = arith.addi %add3A_8, %add3A_41 : i32
      "tpu.region"() ({
        %run_scoped3A_74 = tpu.sem_alloc : memref<!tpu.dma_semaphore, #tpu.memory_space<semaphore_mem>>
        %dma_start3A_75 = arith.constant 0 : i32
        %dma_start3A_76 = tpu.memref_slice %arg4[%add3A_42, %dma_start3A_75] : memref<2560x128xi32, #tpu.memory_space<hbm>> -> memref<40x128xi32, #tpu.memory_space<hbm>>
        %dma_start3A_77 = arith.constant 0 : i32
        %dma_start3A_78 = tpu.memref_slice %arg4[%add3A_42, %dma_start3A_77] : memref<2560x128xi32, #tpu.memory_space<hbm>> -> memref<40x128xi32, #tpu.memory_space<hbm>>
        tpu.enqueue_dma source(%dma_start3A_78 : memref<40x128xi32, #tpu.memory_space<hbm>>) target(%arg9 : memref<40x128xi32, #tpu.memory_space<vmem>>) target_semaphore(%run_scoped3A_74 : memref<!tpu.dma_semaphore, #tpu.memory_space<semaphore_mem>>)
        %dma_wait3A = arith.constant 0 : i32
        %dma_wait3A_79 = tpu.memref_slice %arg4[%add3A_42, %dma_wait3A] : memref<2560x128xi32, #tpu.memory_space<hbm>> -> memref<40x128xi32, #tpu.memory_space<hbm>>
        %dma_wait3A_80 = arith.constant 0 : i32
        %dma_wait3A_81 = tpu.memref_slice %arg4[%add3A_42, %dma_wait3A_80] : memref<2560x128xi32, #tpu.memory_space<hbm>> -> memref<40x128xi32, #tpu.memory_space<hbm>>
        tpu.wait_dma2 semaphore(%run_scoped3A_74 : memref<!tpu.dma_semaphore, #tpu.memory_space<semaphore_mem>>) src(%dma_wait3A_81 : memref<40x128xi32, #tpu.memory_space<hbm>>) dst(%arg9 : memref<40x128xi32, #tpu.memory_space<vmem>>)
        tpu.yield
      }) : () -> ()
      %add3A_43 = arith.constant 80 : i32
      %add3A_44 = arith.addi %add3A_8, %add3A_43 : i32
      "tpu.region"() ({
        %run_scoped3A_74 = tpu.sem_alloc : memref<!tpu.dma_semaphore, #tpu.memory_space<semaphore_mem>>
        %dma_start3A_75 = arith.constant 0 : i32
        %dma_start3A_76 = tpu.memref_slice %arg5[%add3A_44, %dma_start3A_75] : memref<2560x128xi32, #tpu.memory_space<hbm>> -> memref<40x128xi32, #tpu.memory_space<hbm>>
        %dma_start3A_77 = arith.constant 0 : i32
        %dma_start3A_78 = tpu.memref_slice %arg5[%add3A_44, %dma_start3A_77] : memref<2560x128xi32, #tpu.memory_space<hbm>> -> memref<40x128xi32, #tpu.memory_space<hbm>>
        tpu.enqueue_dma source(%dma_start3A_78 : memref<40x128xi32, #tpu.memory_space<hbm>>) target(%arg10 : memref<40x128xi32, #tpu.memory_space<vmem>>) target_semaphore(%run_scoped3A_74 : memref<!tpu.dma_semaphore, #tpu.memory_space<semaphore_mem>>)
        %dma_wait3A = arith.constant 0 : i32
        %dma_wait3A_79 = tpu.memref_slice %arg5[%add3A_44, %dma_wait3A] : memref<2560x128xi32, #tpu.memory_space<hbm>> -> memref<40x128xi32, #tpu.memory_space<hbm>>
        %dma_wait3A_80 = arith.constant 0 : i32
        %dma_wait3A_81 = tpu.memref_slice %arg5[%add3A_44, %dma_wait3A_80] : memref<2560x128xi32, #tpu.memory_space<hbm>> -> memref<40x128xi32, #tpu.memory_space<hbm>>
        tpu.wait_dma2 semaphore(%run_scoped3A_74 : memref<!tpu.dma_semaphore, #tpu.memory_space<semaphore_mem>>) src(%dma_wait3A_81 : memref<40x128xi32, #tpu.memory_space<hbm>>) dst(%arg10 : memref<40x128xi32, #tpu.memory_space<vmem>>)
        tpu.yield
      }) : () -> ()
      %dma_start3A_45 = arith.constant 0 : i32
      %dma_start3A_46 = arith.constant 0 : i32
      %dma_start3A_47 = tpu.memref_slice %arg9[%dma_start3A_45, %dma_start3A_46] : memref<40x128xi32, #tpu.memory_space<vmem>> -> memref<1x128xi32, #tpu.memory_space<vmem>>
      %dma_start3A_48 = tpu.memref_squeeze %dma_start3A_47 : memref<1x128xi32, #tpu.memory_space<vmem>> -> memref<128xi32, #tpu.memory_space<vmem>>
      %dma_start3A_49 = arith.constant 0 : i32
      %dma_start3A_50 = arith.constant 0 : i32
      %dma_start3A_51 = tpu.memref_slice %arg2[%dma_start3A_49, %dma_start3A_50] : memref<10240x128xf32, #tpu.memory_space<hbm>> -> memref<10240x128xf32, #tpu.memory_space<hbm>>
      tpu.enqueue_indirect_dma source(%dma_start3A_51 : memref<10240x128xf32, #tpu.memory_space<hbm>>) target(%arg11 : memref<128x128xf32, #tpu.memory_space<vmem>>) offsets(%dma_start3A_48 : memref<128xi32, #tpu.memory_space<vmem>>) semaphore(%arg14 : memref<!tpu.dma_semaphore, #tpu.memory_space<semaphore_mem>>)
      %scan3A_52 = arith.constant 0 : i32
      %scan3A_53 = arith.constant 20 : i32
      %scan3A_54 = arith.addi %scan3A_52, %scan3A_53 : i32
      %scan3A_55 = arith.constant 1 : i32
      scf.for %scan3A_74 = %scan3A_52 to %scan3A_54 step %scan3A_55  : i32 {
        %mul3A_75 = arith.constant 2 : i32
        %mul3A_76 = arith.muli %scan3A_74, %mul3A_75 : i32
        %add3A_77 = arith.constant 0 : i32
        %add3A_78 = arith.addi %add3A_77, %mul3A_76 : i32
        %dma_wait3A = arith.constant 0 : i32
        %dma_wait3A_79 = tpu.memref_slice %arg9[%add3A_78, %dma_wait3A] : memref<40x128xi32, #tpu.memory_space<vmem>> -> memref<1x128xi32, #tpu.memory_space<vmem>>
        %dma_wait3A_80 = tpu.memref_squeeze %dma_wait3A_79 : memref<1x128xi32, #tpu.memory_space<vmem>> -> memref<128xi32, #tpu.memory_space<vmem>>
        %dma_wait3A_81 = arith.constant 0 : i32
        %dma_wait3A_82 = arith.constant 0 : i32
        %dma_wait3A_83 = tpu.memref_slice %arg2[%dma_wait3A_81, %dma_wait3A_82] : memref<10240x128xf32, #tpu.memory_space<hbm>> -> memref<10240x128xf32, #tpu.memory_space<hbm>>
        tpu.wait_indirect_dma semaphore(%arg14 : memref<!tpu.dma_semaphore, #tpu.memory_space<semaphore_mem>>) src(%dma_wait3A_83 : memref<10240x128xf32, #tpu.memory_space<hbm>>) dst(%arg11 : memref<128x128xf32, #tpu.memory_space<vmem>>)
        %dma_start3A_84 = arith.constant 0 : i32
        %dma_start3A_85 = tpu.memref_slice %arg10[%add3A_78, %dma_start3A_84] : memref<40x128xi32, #tpu.memory_space<vmem>> -> memref<1x128xi32, #tpu.memory_space<vmem>>
        %dma_start3A_86 = tpu.memref_squeeze %dma_start3A_85 : memref<1x128xi32, #tpu.memory_space<vmem>> -> memref<128xi32, #tpu.memory_space<vmem>>
        %dma_start3A_87 = arith.constant 0 : i32
        %dma_start3A_88 = arith.constant 0 : i32
        %dma_start3A_89 = tpu.memref_slice %arg13[%dma_start3A_87, %dma_start3A_88] : memref<10240x128xf32, #tpu.memory_space<vmem_shared>> -> memref<10240x128xf32, #tpu.memory_space<vmem_shared>>
        tpu.enqueue_indirect_dma source(%arg11 : memref<128x128xf32, #tpu.memory_space<vmem>>) target(%dma_start3A_89 : memref<10240x128xf32, #tpu.memory_space<vmem_shared>>) offsets(%dma_start3A_86 : memref<128xi32, #tpu.memory_space<vmem>>) semaphore(%arg16 : memref<!tpu.dma_semaphore, #tpu.memory_space<semaphore_mem>>) {add = true}
        %add3A_90 = arith.constant 1 : i32
        %add3A_91 = arith.addi %add3A_78, %add3A_90 : i32
        %dma_start3A_92 = arith.constant 0 : i32
        %dma_start3A_93 = tpu.memref_slice %arg9[%add3A_91, %dma_start3A_92] : memref<40x128xi32, #tpu.memory_space<vmem>> -> memref<1x128xi32, #tpu.memory_space<vmem>>
        %dma_start3A_94 = tpu.memref_squeeze %dma_start3A_93 : memref<1x128xi32, #tpu.memory_space<vmem>> -> memref<128xi32, #tpu.memory_space<vmem>>
        %dma_start3A_95 = arith.constant 0 : i32
        %dma_start3A_96 = arith.constant 0 : i32
        %dma_start3A_97 = tpu.memref_slice %arg2[%dma_start3A_95, %dma_start3A_96] : memref<10240x128xf32, #tpu.memory_space<hbm>> -> memref<10240x128xf32, #tpu.memory_space<hbm>>
        tpu.enqueue_indirect_dma source(%dma_start3A_97 : memref<10240x128xf32, #tpu.memory_space<hbm>>) target(%arg12 : memref<128x128xf32, #tpu.memory_space<vmem>>) offsets(%dma_start3A_94 : memref<128xi32, #tpu.memory_space<vmem>>) semaphore(%arg15 : memref<!tpu.dma_semaphore, #tpu.memory_space<semaphore_mem>>)
        %add3A_98 = arith.constant 1 : i32
        %add3A_99 = arith.addi %add3A_78, %add3A_98 : i32
        %dma_wait3A_100 = arith.constant 0 : i32
        %dma_wait3A_101 = tpu.memref_slice %arg9[%add3A_99, %dma_wait3A_100] : memref<40x128xi32, #tpu.memory_space<vmem>> -> memref<1x128xi32, #tpu.memory_space<vmem>>
        %dma_wait3A_102 = tpu.memref_squeeze %dma_wait3A_101 : memref<1x128xi32, #tpu.memory_space<vmem>> -> memref<128xi32, #tpu.memory_space<vmem>>
        %dma_wait3A_103 = arith.constant 0 : i32
        %dma_wait3A_104 = arith.constant 0 : i32
        %dma_wait3A_105 = tpu.memref_slice %arg2[%dma_wait3A_103, %dma_wait3A_104] : memref<10240x128xf32, #tpu.memory_space<hbm>> -> memref<10240x128xf32, #tpu.memory_space<hbm>>
        tpu.wait_indirect_dma semaphore(%arg15 : memref<!tpu.dma_semaphore, #tpu.memory_space<semaphore_mem>>) src(%dma_wait3A_105 : memref<10240x128xf32, #tpu.memory_space<hbm>>) dst(%arg12 : memref<128x128xf32, #tpu.memory_space<vmem>>)
        %add3A_106 = arith.constant 1 : i32
        %add3A_107 = arith.addi %add3A_78, %add3A_106 : i32
        %dma_start3A_108 = arith.constant 0 : i32
        %dma_start3A_109 = tpu.memref_slice %arg10[%add3A_107, %dma_start3A_108] : memref<40x128xi32, #tpu.memory_space<vmem>> -> memref<1x128xi32, #tpu.memory_space<vmem>>
        %dma_start3A_110 = tpu.memref_squeeze %dma_start3A_109 : memref<1x128xi32, #tpu.memory_space<vmem>> -> memref<128xi32, #tpu.memory_space<vmem>>
        %dma_start3A_111 = arith.constant 0 : i32
        %dma_start3A_112 = arith.constant 0 : i32
        %dma_start3A_113 = tpu.memref_slice %arg13[%dma_start3A_111, %dma_start3A_112] : memref<10240x128xf32, #tpu.memory_space<vmem_shared>> -> memref<10240x128xf32, #tpu.memory_space<vmem_shared>>
        tpu.enqueue_indirect_dma source(%arg12 : memref<128x128xf32, #tpu.memory_space<vmem>>) target(%dma_start3A_113 : memref<10240x128xf32, #tpu.memory_space<vmem_shared>>) offsets(%dma_start3A_110 : memref<128xi32, #tpu.memory_space<vmem>>) semaphore(%arg17 : memref<!tpu.dma_semaphore, #tpu.memory_space<semaphore_mem>>) {add = true}
        %dma_wait3A_114 = arith.constant 0 : i32
        %dma_wait3A_115 = tpu.memref_slice %arg10[%add3A_78, %dma_wait3A_114] : memref<40x128xi32, #tpu.memory_space<vmem>> -> memref<1x128xi32, #tpu.memory_space<vmem>>
        %dma_wait3A_116 = tpu.memref_squeeze %dma_wait3A_115 : memref<1x128xi32, #tpu.memory_space<vmem>> -> memref<128xi32, #tpu.memory_space<vmem>>
        %dma_wait3A_117 = arith.constant 0 : i32
        %dma_wait3A_118 = arith.constant 0 : i32
        %dma_wait3A_119 = tpu.memref_slice %arg13[%dma_wait3A_117, %dma_wait3A_118] : memref<10240x128xf32, #tpu.memory_space<vmem_shared>> -> memref<10240x128xf32, #tpu.memory_space<vmem_shared>>
        tpu.wait_indirect_dma semaphore(%arg16 : memref<!tpu.dma_semaphore, #tpu.memory_space<semaphore_mem>>) src(%arg11 : memref<128x128xf32, #tpu.memory_space<vmem>>) dst(%dma_wait3A_119 : memref<10240x128xf32, #tpu.memory_space<vmem_shared>>)
        %add3A_120 = arith.constant 2 : i32
        %add3A_121 = arith.addi %add3A_78, %add3A_120 : i32
        %lt3A = arith.constant 40 : i32
        %lt3A_122 = arith.cmpi slt, %add3A_121, %lt3A : i32
        %convert_element_type3A_123 = arith.extui %lt3A_122 : i1 to i32
        %cond3A_124 = arith.constant 0 : i32
        %cond3A_125 = arith.cmpi ne, %convert_element_type3A_123, %cond3A_124 : i32
        scf.if %cond3A_125 {
          %add3A_134 = arith.constant 2 : i32
          %add3A_135 = arith.addi %add3A_78, %add3A_134 : i32
          %dma_start3A_136 = arith.constant 0 : i32
          %dma_start3A_137 = tpu.memref_slice %arg9[%add3A_135, %dma_start3A_136] : memref<40x128xi32, #tpu.memory_space<vmem>> -> memref<1x128xi32, #tpu.memory_space<vmem>>
          %dma_start3A_138 = tpu.memref_squeeze %dma_start3A_137 : memref<1x128xi32, #tpu.memory_space<vmem>> -> memref<128xi32, #tpu.memory_space<vmem>>
          %dma_start3A_139 = arith.constant 0 : i32
          %dma_start3A_140 = arith.constant 0 : i32
          %dma_start3A_141 = tpu.memref_slice %arg2[%dma_start3A_139, %dma_start3A_140] : memref<10240x128xf32, #tpu.memory_space<hbm>> -> memref<10240x128xf32, #tpu.memory_space<hbm>>
          tpu.enqueue_indirect_dma source(%dma_start3A_141 : memref<10240x128xf32, #tpu.memory_space<hbm>>) target(%arg11 : memref<128x128xf32, #tpu.memory_space<vmem>>) offsets(%dma_start3A_138 : memref<128xi32, #tpu.memory_space<vmem>>) semaphore(%arg14 : memref<!tpu.dma_semaphore, #tpu.memory_space<semaphore_mem>>)
        } else {
        }
        %add3A_126 = arith.constant 1 : i32
        %add3A_127 = arith.addi %add3A_78, %add3A_126 : i32
        %dma_wait3A_128 = arith.constant 0 : i32
        %dma_wait3A_129 = tpu.memref_slice %arg10[%add3A_127, %dma_wait3A_128] : memref<40x128xi32, #tpu.memory_space<vmem>> -> memref<1x128xi32, #tpu.memory_space<vmem>>
        %dma_wait3A_130 = tpu.memref_squeeze %dma_wait3A_129 : memref<1x128xi32, #tpu.memory_space<vmem>> -> memref<128xi32, #tpu.memory_space<vmem>>
        %dma_wait3A_131 = arith.constant 0 : i32
        %dma_wait3A_132 = arith.constant 0 : i32
        %dma_wait3A_133 = tpu.memref_slice %arg13[%dma_wait3A_131, %dma_wait3A_132] : memref<10240x128xf32, #tpu.memory_space<vmem_shared>> -> memref<10240x128xf32, #tpu.memory_space<vmem_shared>>
        tpu.wait_indirect_dma semaphore(%arg17 : memref<!tpu.dma_semaphore, #tpu.memory_space<semaphore_mem>>) src(%arg12 : memref<128x128xf32, #tpu.memory_space<vmem>>) dst(%dma_wait3A_133 : memref<10240x128xf32, #tpu.memory_space<vmem_shared>>)
      }
      %scan3A_56 = arith.constant 20 : i32
      %add3A_57 = arith.constant 120 : i32
      %add3A_58 = arith.addi %add3A_8, %add3A_57 : i32
      "tpu.region"() ({
        %run_scoped3A_74 = tpu.sem_alloc : memref<!tpu.dma_semaphore, #tpu.memory_space<semaphore_mem>>
        %dma_start3A_75 = arith.constant 0 : i32
        %dma_start3A_76 = tpu.memref_slice %arg4[%add3A_58, %dma_start3A_75] : memref<2560x128xi32, #tpu.memory_space<hbm>> -> memref<40x128xi32, #tpu.memory_space<hbm>>
        %dma_start3A_77 = arith.constant 0 : i32
        %dma_start3A_78 = tpu.memref_slice %arg4[%add3A_58, %dma_start3A_77] : memref<2560x128xi32, #tpu.memory_space<hbm>> -> memref<40x128xi32, #tpu.memory_space<hbm>>
        tpu.enqueue_dma source(%dma_start3A_78 : memref<40x128xi32, #tpu.memory_space<hbm>>) target(%arg9 : memref<40x128xi32, #tpu.memory_space<vmem>>) target_semaphore(%run_scoped3A_74 : memref<!tpu.dma_semaphore, #tpu.memory_space<semaphore_mem>>)
        %dma_wait3A = arith.constant 0 : i32
        %dma_wait3A_79 = tpu.memref_slice %arg4[%add3A_58, %dma_wait3A] : memref<2560x128xi32, #tpu.memory_space<hbm>> -> memref<40x128xi32, #tpu.memory_space<hbm>>
        %dma_wait3A_80 = arith.constant 0 : i32
        %dma_wait3A_81 = tpu.memref_slice %arg4[%add3A_58, %dma_wait3A_80] : memref<2560x128xi32, #tpu.memory_space<hbm>> -> memref<40x128xi32, #tpu.memory_space<hbm>>
        tpu.wait_dma2 semaphore(%run_scoped3A_74 : memref<!tpu.dma_semaphore, #tpu.memory_space<semaphore_mem>>) src(%dma_wait3A_81 : memref<40x128xi32, #tpu.memory_space<hbm>>) dst(%arg9 : memref<40x128xi32, #tpu.memory_space<vmem>>)
        tpu.yield
      }) : () -> ()
      %add3A_59 = arith.constant 120 : i32
      %add3A_60 = arith.addi %add3A_8, %add3A_59 : i32
      "tpu.region"() ({
        %run_scoped3A_74 = tpu.sem_alloc : memref<!tpu.dma_semaphore, #tpu.memory_space<semaphore_mem>>
        %dma_start3A_75 = arith.constant 0 : i32
        %dma_start3A_76 = tpu.memref_slice %arg5[%add3A_60, %dma_start3A_75] : memref<2560x128xi32, #tpu.memory_space<hbm>> -> memref<40x128xi32, #tpu.memory_space<hbm>>
        %dma_start3A_77 = arith.constant 0 : i32
        %dma_start3A_78 = tpu.memref_slice %arg5[%add3A_60, %dma_start3A_77] : memref<2560x128xi32, #tpu.memory_space<hbm>> -> memref<40x128xi32, #tpu.memory_space<hbm>>
        tpu.enqueue_dma source(%dma_start3A_78 : memref<40x128xi32, #tpu.memory_space<hbm>>) target(%arg10 : memref<40x128xi32, #tpu.memory_space<vmem>>) target_semaphore(%run_scoped3A_74 : memref<!tpu.dma_semaphore, #tpu.memory_space<semaphore_mem>>)
        %dma_wait3A = arith.constant 0 : i32
        %dma_wait3A_79 = tpu.memref_slice %arg5[%add3A_60, %dma_wait3A] : memref<2560x128xi32, #tpu.memory_space<hbm>> -> memref<40x128xi32, #tpu.memory_space<hbm>>
        %dma_wait3A_80 = arith.constant 0 : i32
        %dma_wait3A_81 = tpu.memref_slice %arg5[%add3A_60, %dma_wait3A_80] : memref<2560x128xi32, #tpu.memory_space<hbm>> -> memref<40x128xi32, #tpu.memory_space<hbm>>
        tpu.wait_dma2 semaphore(%run_scoped3A_74 : memref<!tpu.dma_semaphore, #tpu.memory_space<semaphore_mem>>) src(%dma_wait3A_81 : memref<40x128xi32, #tpu.memory_space<hbm>>) dst(%arg10 : memref<40x128xi32, #tpu.memory_space<vmem>>)
        tpu.yield
      }) : () -> ()
      %dma_start3A_61 = arith.constant 0 : i32
      %dma_start3A_62 = arith.constant 0 : i32
      %dma_start3A_63 = tpu.memref_slice %arg9[%dma_start3A_61, %dma_start3A_62] : memref<40x128xi32, #tpu.memory_space<vmem>> -> memref<1x128xi32, #tpu.memory_space<vmem>>
      %dma_start3A_64 = tpu.memref_squeeze %dma_start3A_63 : memref<1x128xi32, #tpu.memory_space<vmem>> -> memref<128xi32, #tpu.memory_space<vmem>>
      %dma_start3A_65 = arith.constant 0 : i32
      %dma_start3A_66 = arith.constant 0 : i32
      %dma_start3A_67 = tpu.memref_slice %arg2[%dma_start3A_65, %dma_start3A_66] : memref<10240x128xf32, #tpu.memory_space<hbm>> -> memref<10240x128xf32, #tpu.memory_space<hbm>>
      tpu.enqueue_indirect_dma source(%dma_start3A_67 : memref<10240x128xf32, #tpu.memory_space<hbm>>) target(%arg11 : memref<128x128xf32, #tpu.memory_space<vmem>>) offsets(%dma_start3A_64 : memref<128xi32, #tpu.memory_space<vmem>>) semaphore(%arg14 : memref<!tpu.dma_semaphore, #tpu.memory_space<semaphore_mem>>)
      %scan3A_68 = arith.constant 0 : i32
      %scan3A_69 = arith.constant 20 : i32
      %scan3A_70 = arith.addi %scan3A_68, %scan3A_69 : i32
      %scan3A_71 = arith.constant 1 : i32
      scf.for %scan3A_74 = %scan3A_68 to %scan3A_70 step %scan3A_71  : i32 {
        %mul3A_75 = arith.constant 2 : i32
        %mul3A_76 = arith.muli %scan3A_74, %mul3A_75 : i32
        %add3A_77 = arith.constant 0 : i32
        %add3A_78 = arith.addi %add3A_77, %mul3A_76 : i32
        %dma_wait3A = arith.constant 0 : i32
        %dma_wait3A_79 = tpu.memref_slice %arg9[%add3A_78, %dma_wait3A] : memref<40x128xi32, #tpu.memory_space<vmem>> -> memref<1x128xi32, #tpu.memory_space<vmem>>
        %dma_wait3A_80 = tpu.memref_squeeze %dma_wait3A_79 : memref<1x128xi32, #tpu.memory_space<vmem>> -> memref<128xi32, #tpu.memory_space<vmem>>
        %dma_wait3A_81 = arith.constant 0 : i32
        %dma_wait3A_82 = arith.constant 0 : i32
        %dma_wait3A_83 = tpu.memref_slice %arg2[%dma_wait3A_81, %dma_wait3A_82] : memref<10240x128xf32, #tpu.memory_space<hbm>> -> memref<10240x128xf32, #tpu.memory_space<hbm>>
        tpu.wait_indirect_dma semaphore(%arg14 : memref<!tpu.dma_semaphore, #tpu.memory_space<semaphore_mem>>) src(%dma_wait3A_83 : memref<10240x128xf32, #tpu.memory_space<hbm>>) dst(%arg11 : memref<128x128xf32, #tpu.memory_space<vmem>>)
        %dma_start3A_84 = arith.constant 0 : i32
        %dma_start3A_85 = tpu.memref_slice %arg10[%add3A_78, %dma_start3A_84] : memref<40x128xi32, #tpu.memory_space<vmem>> -> memref<1x128xi32, #tpu.memory_space<vmem>>
        %dma_start3A_86 = tpu.memref_squeeze %dma_start3A_85 : memref<1x128xi32, #tpu.memory_space<vmem>> -> memref<128xi32, #tpu.memory_space<vmem>>
        %dma_start3A_87 = arith.constant 0 : i32
        %dma_start3A_88 = arith.constant 0 : i32
        %dma_start3A_89 = tpu.memref_slice %arg13[%dma_start3A_87, %dma_start3A_88] : memref<10240x128xf32, #tpu.memory_space<vmem_shared>> -> memref<10240x128xf32, #tpu.memory_space<vmem_shared>>
        tpu.enqueue_indirect_dma source(%arg11 : memref<128x128xf32, #tpu.memory_space<vmem>>) target(%dma_start3A_89 : memref<10240x128xf32, #tpu.memory_space<vmem_shared>>) offsets(%dma_start3A_86 : memref<128xi32, #tpu.memory_space<vmem>>) semaphore(%arg16 : memref<!tpu.dma_semaphore, #tpu.memory_space<semaphore_mem>>) {add = true}
        %add3A_90 = arith.constant 1 : i32
        %add3A_91 = arith.addi %add3A_78, %add3A_90 : i32
        %dma_start3A_92 = arith.constant 0 : i32
        %dma_start3A_93 = tpu.memref_slice %arg9[%add3A_91, %dma_start3A_92] : memref<40x128xi32, #tpu.memory_space<vmem>> -> memref<1x128xi32, #tpu.memory_space<vmem>>
        %dma_start3A_94 = tpu.memref_squeeze %dma_start3A_93 : memref<1x128xi32, #tpu.memory_space<vmem>> -> memref<128xi32, #tpu.memory_space<vmem>>
        %dma_start3A_95 = arith.constant 0 : i32
        %dma_start3A_96 = arith.constant 0 : i32
        %dma_start3A_97 = tpu.memref_slice %arg2[%dma_start3A_95, %dma_start3A_96] : memref<10240x128xf32, #tpu.memory_space<hbm>> -> memref<10240x128xf32, #tpu.memory_space<hbm>>
        tpu.enqueue_indirect_dma source(%dma_start3A_97 : memref<10240x128xf32, #tpu.memory_space<hbm>>) target(%arg12 : memref<128x128xf32, #tpu.memory_space<vmem>>) offsets(%dma_start3A_94 : memref<128xi32, #tpu.memory_space<vmem>>) semaphore(%arg15 : memref<!tpu.dma_semaphore, #tpu.memory_space<semaphore_mem>>)
        %add3A_98 = arith.constant 1 : i32
        %add3A_99 = arith.addi %add3A_78, %add3A_98 : i32
        %dma_wait3A_100 = arith.constant 0 : i32
        %dma_wait3A_101 = tpu.memref_slice %arg9[%add3A_99, %dma_wait3A_100] : memref<40x128xi32, #tpu.memory_space<vmem>> -> memref<1x128xi32, #tpu.memory_space<vmem>>
        %dma_wait3A_102 = tpu.memref_squeeze %dma_wait3A_101 : memref<1x128xi32, #tpu.memory_space<vmem>> -> memref<128xi32, #tpu.memory_space<vmem>>
        %dma_wait3A_103 = arith.constant 0 : i32
        %dma_wait3A_104 = arith.constant 0 : i32
        %dma_wait3A_105 = tpu.memref_slice %arg2[%dma_wait3A_103, %dma_wait3A_104] : memref<10240x128xf32, #tpu.memory_space<hbm>> -> memref<10240x128xf32, #tpu.memory_space<hbm>>
        tpu.wait_indirect_dma semaphore(%arg15 : memref<!tpu.dma_semaphore, #tpu.memory_space<semaphore_mem>>) src(%dma_wait3A_105 : memref<10240x128xf32, #tpu.memory_space<hbm>>) dst(%arg12 : memref<128x128xf32, #tpu.memory_space<vmem>>)
        %add3A_106 = arith.constant 1 : i32
        %add3A_107 = arith.addi %add3A_78, %add3A_106 : i32
        %dma_start3A_108 = arith.constant 0 : i32
        %dma_start3A_109 = tpu.memref_slice %arg10[%add3A_107, %dma_start3A_108] : memref<40x128xi32, #tpu.memory_space<vmem>> -> memref<1x128xi32, #tpu.memory_space<vmem>>
        %dma_start3A_110 = tpu.memref_squeeze %dma_start3A_109 : memref<1x128xi32, #tpu.memory_space<vmem>> -> memref<128xi32, #tpu.memory_space<vmem>>
        %dma_start3A_111 = arith.constant 0 : i32
        %dma_start3A_112 = arith.constant 0 : i32
        %dma_start3A_113 = tpu.memref_slice %arg13[%dma_start3A_111, %dma_start3A_112] : memref<10240x128xf32, #tpu.memory_space<vmem_shared>> -> memref<10240x128xf32, #tpu.memory_space<vmem_shared>>
        tpu.enqueue_indirect_dma source(%arg12 : memref<128x128xf32, #tpu.memory_space<vmem>>) target(%dma_start3A_113 : memref<10240x128xf32, #tpu.memory_space<vmem_shared>>) offsets(%dma_start3A_110 : memref<128xi32, #tpu.memory_space<vmem>>) semaphore(%arg17 : memref<!tpu.dma_semaphore, #tpu.memory_space<semaphore_mem>>) {add = true}
        %dma_wait3A_114 = arith.constant 0 : i32
        %dma_wait3A_115 = tpu.memref_slice %arg10[%add3A_78, %dma_wait3A_114] : memref<40x128xi32, #tpu.memory_space<vmem>> -> memref<1x128xi32, #tpu.memory_space<vmem>>
        %dma_wait3A_116 = tpu.memref_squeeze %dma_wait3A_115 : memref<1x128xi32, #tpu.memory_space<vmem>> -> memref<128xi32, #tpu.memory_space<vmem>>
        %dma_wait3A_117 = arith.constant 0 : i32
        %dma_wait3A_118 = arith.constant 0 : i32
        %dma_wait3A_119 = tpu.memref_slice %arg13[%dma_wait3A_117, %dma_wait3A_118] : memref<10240x128xf32, #tpu.memory_space<vmem_shared>> -> memref<10240x128xf32, #tpu.memory_space<vmem_shared>>
        tpu.wait_indirect_dma semaphore(%arg16 : memref<!tpu.dma_semaphore, #tpu.memory_space<semaphore_mem>>) src(%arg11 : memref<128x128xf32, #tpu.memory_space<vmem>>) dst(%dma_wait3A_119 : memref<10240x128xf32, #tpu.memory_space<vmem_shared>>)
        %add3A_120 = arith.constant 2 : i32
        %add3A_121 = arith.addi %add3A_78, %add3A_120 : i32
        %lt3A = arith.constant 40 : i32
        %lt3A_122 = arith.cmpi slt, %add3A_121, %lt3A : i32
        %convert_element_type3A_123 = arith.extui %lt3A_122 : i1 to i32
        %cond3A_124 = arith.constant 0 : i32
        %cond3A_125 = arith.cmpi ne, %convert_element_type3A_123, %cond3A_124 : i32
        scf.if %cond3A_125 {
          %add3A_134 = arith.constant 2 : i32
          %add3A_135 = arith.addi %add3A_78, %add3A_134 : i32
          %dma_start3A_136 = arith.constant 0 : i32
          %dma_start3A_137 = tpu.memref_slice %arg9[%add3A_135, %dma_start3A_136] : memref<40x128xi32, #tpu.memory_space<vmem>> -> memref<1x128xi32, #tpu.memory_space<vmem>>
          %dma_start3A_138 = tpu.memref_squeeze %dma_start3A_137 : memref<1x128xi32, #tpu.memory_space<vmem>> -> memref<128xi32, #tpu.memory_space<vmem>>
          %dma_start3A_139 = arith.constant 0 : i32
          %dma_start3A_140 = arith.constant 0 : i32
          %dma_start3A_141 = tpu.memref_slice %arg2[%dma_start3A_139, %dma_start3A_140] : memref<10240x128xf32, #tpu.memory_space<hbm>> -> memref<10240x128xf32, #tpu.memory_space<hbm>>
          tpu.enqueue_indirect_dma source(%dma_start3A_141 : memref<10240x128xf32, #tpu.memory_space<hbm>>) target(%arg11 : memref<128x128xf32, #tpu.memory_space<vmem>>) offsets(%dma_start3A_138 : memref<128xi32, #tpu.memory_space<vmem>>) semaphore(%arg14 : memref<!tpu.dma_semaphore, #tpu.memory_space<semaphore_mem>>)
        } else {
        }
        %add3A_126 = arith.constant 1 : i32
        %add3A_127 = arith.addi %add3A_78, %add3A_126 : i32
        %dma_wait3A_128 = arith.constant 0 : i32
        %dma_wait3A_129 = tpu.memref_slice %arg10[%add3A_127, %dma_wait3A_128] : memref<40x128xi32, #tpu.memory_space<vmem>> -> memref<1x128xi32, #tpu.memory_space<vmem>>
        %dma_wait3A_130 = tpu.memref_squeeze %dma_wait3A_129 : memref<1x128xi32, #tpu.memory_space<vmem>> -> memref<128xi32, #tpu.memory_space<vmem>>
        %dma_wait3A_131 = arith.constant 0 : i32
        %dma_wait3A_132 = arith.constant 0 : i32
        %dma_wait3A_133 = tpu.memref_slice %arg13[%dma_wait3A_131, %dma_wait3A_132] : memref<10240x128xf32, #tpu.memory_space<vmem_shared>> -> memref<10240x128xf32, #tpu.memory_space<vmem_shared>>
        tpu.wait_indirect_dma semaphore(%arg17 : memref<!tpu.dma_semaphore, #tpu.memory_space<semaphore_mem>>) src(%arg12 : memref<128x128xf32, #tpu.memory_space<vmem>>) dst(%dma_wait3A_133 : memref<10240x128xf32, #tpu.memory_space<vmem_shared>>)
      }
      %scan3A_72 = arith.constant 20 : i32
      %barrier3A_73 = arith.constant 0 : index
      tpu.barrier barrier_id(%barrier3A_73)
      %run_scoped3A = arith.constant 0 : i32
      "tpu.region"() ({
        %run_scoped3A_74 = tpu.sem_alloc : memref<!tpu.dma_semaphore, #tpu.memory_space<semaphore_mem>>
        %dma_start3A_75 = arith.constant 0 : i32
        %dma_start3A_76 = tpu.memref_slice %arg8[%run_scoped3A, %mul3A_10, %dma_start3A_75] : memref<2x10240x128xf32, #tpu.memory_space<hbm>> -> memref<1x640x128xf32, #tpu.memory_space<hbm>>
        %dma_start3A_77 = tpu.memref_squeeze %dma_start3A_76 : memref<1x640x128xf32, #tpu.memory_space<hbm>> -> memref<640x128xf32, #tpu.memory_space<hbm>>
        %dma_start3A_78 = arith.constant 0 : i32
        %dma_start3A_79 = tpu.memref_slice %arg13[%mul3A_10, %dma_start3A_78] : memref<10240x128xf32, #tpu.memory_space<vmem_shared>> -> memref<640x128xf32, #tpu.memory_space<vmem_shared>>
        tpu.enqueue_dma source(%dma_start3A_79 : memref<640x128xf32, #tpu.memory_space<vmem_shared>>) target(%dma_start3A_77 : memref<640x128xf32, #tpu.memory_space<hbm>>) target_semaphore(%run_scoped3A_74 : memref<!tpu.dma_semaphore, #tpu.memory_space<semaphore_mem>>)
        %dma_wait3A = arith.constant 0 : i32
        %dma_wait3A_80 = tpu.memref_slice %arg8[%run_scoped3A, %mul3A_10, %dma_wait3A] : memref<2x10240x128xf32, #tpu.memory_space<hbm>> -> memref<1x640x128xf32, #tpu.memory_space<hbm>>
        %dma_wait3A_81 = tpu.memref_squeeze %dma_wait3A_80 : memref<1x640x128xf32, #tpu.memory_space<hbm>> -> memref<640x128xf32, #tpu.memory_space<hbm>>
        %dma_wait3A_82 = arith.constant 0 : i32
        %dma_wait3A_83 = tpu.memref_slice %arg13[%mul3A_10, %dma_wait3A_82] : memref<10240x128xf32, #tpu.memory_space<vmem_shared>> -> memref<640x128xf32, #tpu.memory_space<vmem_shared>>
        tpu.wait_dma2 semaphore(%run_scoped3A_74 : memref<!tpu.dma_semaphore, #tpu.memory_space<semaphore_mem>>) src(%dma_wait3A_83 : memref<640x128xf32, #tpu.memory_space<vmem_shared>>) dst(%dma_wait3A_81 : memref<640x128xf32, #tpu.memory_space<hbm>>)
        tpu.yield
      }) : () -> ()
    } else {
    }
    %eq3A_2 = arith.constant 1 : i32
    %eq3A_3 = arith.cmpi eq, %arg0, %eq3A_2 : i32
    %convert_element_type3A_4 = arith.extui %eq3A_3 : i1 to i32
    %cond3A_5 = arith.constant 0 : i32
    %cond3A_6 = arith.cmpi ne, %convert_element_type3A_4, %cond3A_5 : i32
    scf.if %cond3A_6 {
      %mul3A = arith.constant 160 : i32
      %mul3A_7 = arith.muli %arg1, %mul3A : i32
      %add3A = arith.constant 0 : i32
      %add3A_8 = arith.addi %add3A, %mul3A_7 : i32
      %mul3A_9 = arith.constant 640 : i32
      %mul3A_10 = arith.muli %arg1, %mul3A_9 : i32
      "tpu.region"() ({
        %run_scoped3A_74 = tpu.sem_alloc : memref<!tpu.dma_semaphore, #tpu.memory_space<semaphore_mem>>
        %dma_start3A_75 = arith.constant 0 : i32
        %dma_start3A_76 = tpu.memref_slice %arg13[%mul3A_10, %dma_start3A_75] : memref<10240x128xf32, #tpu.memory_space<vmem_shared>> -> memref<640x128xf32, #tpu.memory_space<vmem_shared>>
        %dma_start3A_77 = arith.constant 0 : i32
        %dma_start3A_78 = tpu.memref_slice %arg7[%mul3A_10, %dma_start3A_77] : memref<10240x128xf32, #tpu.memory_space<hbm>> -> memref<640x128xf32, #tpu.memory_space<hbm>>
        tpu.enqueue_dma source(%dma_start3A_78 : memref<640x128xf32, #tpu.memory_space<hbm>>) target(%dma_start3A_76 : memref<640x128xf32, #tpu.memory_space<vmem_shared>>) target_semaphore(%run_scoped3A_74 : memref<!tpu.dma_semaphore, #tpu.memory_space<semaphore_mem>>)
        %dma_wait3A = arith.constant 0 : i32
        %dma_wait3A_79 = tpu.memref_slice %arg13[%mul3A_10, %dma_wait3A] : memref<10240x128xf32, #tpu.memory_space<vmem_shared>> -> memref<640x128xf32, #tpu.memory_space<vmem_shared>>
        %dma_wait3A_80 = arith.constant 0 : i32
        %dma_wait3A_81 = tpu.memref_slice %arg7[%mul3A_10, %dma_wait3A_80] : memref<10240x128xf32, #tpu.memory_space<hbm>> -> memref<640x128xf32, #tpu.memory_space<hbm>>
        tpu.wait_dma2 semaphore(%run_scoped3A_74 : memref<!tpu.dma_semaphore, #tpu.memory_space<semaphore_mem>>) src(%dma_wait3A_81 : memref<640x128xf32, #tpu.memory_space<hbm>>) dst(%dma_wait3A_79 : memref<640x128xf32, #tpu.memory_space<vmem_shared>>)
        tpu.yield
      }) : () -> ()
      %barrier3A = arith.constant 0 : index
      tpu.barrier barrier_id(%barrier3A)
      %add3A_11 = arith.constant 0 : i32
      %add3A_12 = arith.addi %add3A_8, %add3A_11 : i32
      "tpu.region"() ({
        %run_scoped3A_74 = tpu.sem_alloc : memref<!tpu.dma_semaphore, #tpu.memory_space<semaphore_mem>>
        %dma_start3A_75 = arith.constant 0 : i32
        %dma_start3A_76 = tpu.memref_slice %arg4[%add3A_12, %dma_start3A_75] : memref<2560x128xi32, #tpu.memory_space<hbm>> -> memref<40x128xi32, #tpu.memory_space<hbm>>
        %dma_start3A_77 = arith.constant 0 : i32
        %dma_start3A_78 = tpu.memref_slice %arg4[%add3A_12, %dma_start3A_77] : memref<2560x128xi32, #tpu.memory_space<hbm>> -> memref<40x128xi32, #tpu.memory_space<hbm>>
        tpu.enqueue_dma source(%dma_start3A_78 : memref<40x128xi32, #tpu.memory_space<hbm>>) target(%arg9 : memref<40x128xi32, #tpu.memory_space<vmem>>) target_semaphore(%run_scoped3A_74 : memref<!tpu.dma_semaphore, #tpu.memory_space<semaphore_mem>>)
        %dma_wait3A = arith.constant 0 : i32
        %dma_wait3A_79 = tpu.memref_slice %arg4[%add3A_12, %dma_wait3A] : memref<2560x128xi32, #tpu.memory_space<hbm>> -> memref<40x128xi32, #tpu.memory_space<hbm>>
        %dma_wait3A_80 = arith.constant 0 : i32
        %dma_wait3A_81 = tpu.memref_slice %arg4[%add3A_12, %dma_wait3A_80] : memref<2560x128xi32, #tpu.memory_space<hbm>> -> memref<40x128xi32, #tpu.memory_space<hbm>>
        tpu.wait_dma2 semaphore(%run_scoped3A_74 : memref<!tpu.dma_semaphore, #tpu.memory_space<semaphore_mem>>) src(%dma_wait3A_81 : memref<40x128xi32, #tpu.memory_space<hbm>>) dst(%arg9 : memref<40x128xi32, #tpu.memory_space<vmem>>)
        tpu.yield
      }) : () -> ()
      %add3A_13 = arith.constant 0 : i32
      %add3A_14 = arith.addi %add3A_8, %add3A_13 : i32
      "tpu.region"() ({
        %run_scoped3A_74 = tpu.sem_alloc : memref<!tpu.dma_semaphore, #tpu.memory_space<semaphore_mem>>
        %dma_start3A_75 = arith.constant 0 : i32
        %dma_start3A_76 = tpu.memref_slice %arg5[%add3A_14, %dma_start3A_75] : memref<2560x128xi32, #tpu.memory_space<hbm>> -> memref<40x128xi32, #tpu.memory_space<hbm>>
        %dma_start3A_77 = arith.constant 0 : i32
        %dma_start3A_78 = tpu.memref_slice %arg5[%add3A_14, %dma_start3A_77] : memref<2560x128xi32, #tpu.memory_space<hbm>> -> memref<40x128xi32, #tpu.memory_space<hbm>>
        tpu.enqueue_dma source(%dma_start3A_78 : memref<40x128xi32, #tpu.memory_space<hbm>>) target(%arg10 : memref<40x128xi32, #tpu.memory_space<vmem>>) target_semaphore(%run_scoped3A_74 : memref<!tpu.dma_semaphore, #tpu.memory_space<semaphore_mem>>)
        %dma_wait3A = arith.constant 0 : i32
        %dma_wait3A_79 = tpu.memref_slice %arg5[%add3A_14, %dma_wait3A] : memref<2560x128xi32, #tpu.memory_space<hbm>> -> memref<40x128xi32, #tpu.memory_space<hbm>>
        %dma_wait3A_80 = arith.constant 0 : i32
        %dma_wait3A_81 = tpu.memref_slice %arg5[%add3A_14, %dma_wait3A_80] : memref<2560x128xi32, #tpu.memory_space<hbm>> -> memref<40x128xi32, #tpu.memory_space<hbm>>
        tpu.wait_dma2 semaphore(%run_scoped3A_74 : memref<!tpu.dma_semaphore, #tpu.memory_space<semaphore_mem>>) src(%dma_wait3A_81 : memref<40x128xi32, #tpu.memory_space<hbm>>) dst(%arg10 : memref<40x128xi32, #tpu.memory_space<vmem>>)
        tpu.yield
      }) : () -> ()
      %dma_start3A = arith.constant 0 : i32
      %dma_start3A_15 = arith.constant 0 : i32
      %dma_start3A_16 = tpu.memref_slice %arg9[%dma_start3A, %dma_start3A_15] : memref<40x128xi32, #tpu.memory_space<vmem>> -> memref<1x128xi32, #tpu.memory_space<vmem>>
      %dma_start3A_17 = tpu.memref_squeeze %dma_start3A_16 : memref<1x128xi32, #tpu.memory_space<vmem>> -> memref<128xi32, #tpu.memory_space<vmem>>
      %dma_start3A_18 = arith.constant 0 : i32
      %dma_start3A_19 = arith.constant 0 : i32
      %dma_start3A_20 = tpu.memref_slice %arg3[%dma_start3A_18, %dma_start3A_19] : memref<10240x128xf32, #tpu.memory_space<hbm>> -> memref<10240x128xf32, #tpu.memory_space<hbm>>
      tpu.enqueue_indirect_dma source(%dma_start3A_20 : memref<10240x128xf32, #tpu.memory_space<hbm>>) target(%arg11 : memref<128x128xf32, #tpu.memory_space<vmem>>) offsets(%dma_start3A_17 : memref<128xi32, #tpu.memory_space<vmem>>) semaphore(%arg14 : memref<!tpu.dma_semaphore, #tpu.memory_space<semaphore_mem>>)
      %scan3A = arith.constant 0 : i32
      %scan3A_21 = arith.constant 20 : i32
      %scan3A_22 = arith.addi %scan3A, %scan3A_21 : i32
      %scan3A_23 = arith.constant 1 : i32
      scf.for %scan3A_74 = %scan3A to %scan3A_22 step %scan3A_23  : i32 {
        %mul3A_75 = arith.constant 2 : i32
        %mul3A_76 = arith.muli %scan3A_74, %mul3A_75 : i32
        %add3A_77 = arith.constant 0 : i32
        %add3A_78 = arith.addi %add3A_77, %mul3A_76 : i32
        %dma_wait3A = arith.constant 0 : i32
        %dma_wait3A_79 = tpu.memref_slice %arg9[%add3A_78, %dma_wait3A] : memref<40x128xi32, #tpu.memory_space<vmem>> -> memref<1x128xi32, #tpu.memory_space<vmem>>
        %dma_wait3A_80 = tpu.memref_squeeze %dma_wait3A_79 : memref<1x128xi32, #tpu.memory_space<vmem>> -> memref<128xi32, #tpu.memory_space<vmem>>
        %dma_wait3A_81 = arith.constant 0 : i32
        %dma_wait3A_82 = arith.constant 0 : i32
        %dma_wait3A_83 = tpu.memref_slice %arg3[%dma_wait3A_81, %dma_wait3A_82] : memref<10240x128xf32, #tpu.memory_space<hbm>> -> memref<10240x128xf32, #tpu.memory_space<hbm>>
        tpu.wait_indirect_dma semaphore(%arg14 : memref<!tpu.dma_semaphore, #tpu.memory_space<semaphore_mem>>) src(%dma_wait3A_83 : memref<10240x128xf32, #tpu.memory_space<hbm>>) dst(%arg11 : memref<128x128xf32, #tpu.memory_space<vmem>>)
        %dma_start3A_84 = arith.constant 0 : i32
        %dma_start3A_85 = tpu.memref_slice %arg10[%add3A_78, %dma_start3A_84] : memref<40x128xi32, #tpu.memory_space<vmem>> -> memref<1x128xi32, #tpu.memory_space<vmem>>
        %dma_start3A_86 = tpu.memref_squeeze %dma_start3A_85 : memref<1x128xi32, #tpu.memory_space<vmem>> -> memref<128xi32, #tpu.memory_space<vmem>>
        %dma_start3A_87 = arith.constant 0 : i32
        %dma_start3A_88 = arith.constant 0 : i32
        %dma_start3A_89 = tpu.memref_slice %arg13[%dma_start3A_87, %dma_start3A_88] : memref<10240x128xf32, #tpu.memory_space<vmem_shared>> -> memref<10240x128xf32, #tpu.memory_space<vmem_shared>>
        tpu.enqueue_indirect_dma source(%arg11 : memref<128x128xf32, #tpu.memory_space<vmem>>) target(%dma_start3A_89 : memref<10240x128xf32, #tpu.memory_space<vmem_shared>>) offsets(%dma_start3A_86 : memref<128xi32, #tpu.memory_space<vmem>>) semaphore(%arg16 : memref<!tpu.dma_semaphore, #tpu.memory_space<semaphore_mem>>) {add = true}
        %add3A_90 = arith.constant 1 : i32
        %add3A_91 = arith.addi %add3A_78, %add3A_90 : i32
        %dma_start3A_92 = arith.constant 0 : i32
        %dma_start3A_93 = tpu.memref_slice %arg9[%add3A_91, %dma_start3A_92] : memref<40x128xi32, #tpu.memory_space<vmem>> -> memref<1x128xi32, #tpu.memory_space<vmem>>
        %dma_start3A_94 = tpu.memref_squeeze %dma_start3A_93 : memref<1x128xi32, #tpu.memory_space<vmem>> -> memref<128xi32, #tpu.memory_space<vmem>>
        %dma_start3A_95 = arith.constant 0 : i32
        %dma_start3A_96 = arith.constant 0 : i32
        %dma_start3A_97 = tpu.memref_slice %arg3[%dma_start3A_95, %dma_start3A_96] : memref<10240x128xf32, #tpu.memory_space<hbm>> -> memref<10240x128xf32, #tpu.memory_space<hbm>>
        tpu.enqueue_indirect_dma source(%dma_start3A_97 : memref<10240x128xf32, #tpu.memory_space<hbm>>) target(%arg12 : memref<128x128xf32, #tpu.memory_space<vmem>>) offsets(%dma_start3A_94 : memref<128xi32, #tpu.memory_space<vmem>>) semaphore(%arg15 : memref<!tpu.dma_semaphore, #tpu.memory_space<semaphore_mem>>)
        %add3A_98 = arith.constant 1 : i32
        %add3A_99 = arith.addi %add3A_78, %add3A_98 : i32
        %dma_wait3A_100 = arith.constant 0 : i32
        %dma_wait3A_101 = tpu.memref_slice %arg9[%add3A_99, %dma_wait3A_100] : memref<40x128xi32, #tpu.memory_space<vmem>> -> memref<1x128xi32, #tpu.memory_space<vmem>>
        %dma_wait3A_102 = tpu.memref_squeeze %dma_wait3A_101 : memref<1x128xi32, #tpu.memory_space<vmem>> -> memref<128xi32, #tpu.memory_space<vmem>>
        %dma_wait3A_103 = arith.constant 0 : i32
        %dma_wait3A_104 = arith.constant 0 : i32
        %dma_wait3A_105 = tpu.memref_slice %arg3[%dma_wait3A_103, %dma_wait3A_104] : memref<10240x128xf32, #tpu.memory_space<hbm>> -> memref<10240x128xf32, #tpu.memory_space<hbm>>
        tpu.wait_indirect_dma semaphore(%arg15 : memref<!tpu.dma_semaphore, #tpu.memory_space<semaphore_mem>>) src(%dma_wait3A_105 : memref<10240x128xf32, #tpu.memory_space<hbm>>) dst(%arg12 : memref<128x128xf32, #tpu.memory_space<vmem>>)
        %add3A_106 = arith.constant 1 : i32
        %add3A_107 = arith.addi %add3A_78, %add3A_106 : i32
        %dma_start3A_108 = arith.constant 0 : i32
        %dma_start3A_109 = tpu.memref_slice %arg10[%add3A_107, %dma_start3A_108] : memref<40x128xi32, #tpu.memory_space<vmem>> -> memref<1x128xi32, #tpu.memory_space<vmem>>
        %dma_start3A_110 = tpu.memref_squeeze %dma_start3A_109 : memref<1x128xi32, #tpu.memory_space<vmem>> -> memref<128xi32, #tpu.memory_space<vmem>>
        %dma_start3A_111 = arith.constant 0 : i32
        %dma_start3A_112 = arith.constant 0 : i32
        %dma_start3A_113 = tpu.memref_slice %arg13[%dma_start3A_111, %dma_start3A_112] : memref<10240x128xf32, #tpu.memory_space<vmem_shared>> -> memref<10240x128xf32, #tpu.memory_space<vmem_shared>>
        tpu.enqueue_indirect_dma source(%arg12 : memref<128x128xf32, #tpu.memory_space<vmem>>) target(%dma_start3A_113 : memref<10240x128xf32, #tpu.memory_space<vmem_shared>>) offsets(%dma_start3A_110 : memref<128xi32, #tpu.memory_space<vmem>>) semaphore(%arg17 : memref<!tpu.dma_semaphore, #tpu.memory_space<semaphore_mem>>) {add = true}
        %dma_wait3A_114 = arith.constant 0 : i32
        %dma_wait3A_115 = tpu.memref_slice %arg10[%add3A_78, %dma_wait3A_114] : memref<40x128xi32, #tpu.memory_space<vmem>> -> memref<1x128xi32, #tpu.memory_space<vmem>>
        %dma_wait3A_116 = tpu.memref_squeeze %dma_wait3A_115 : memref<1x128xi32, #tpu.memory_space<vmem>> -> memref<128xi32, #tpu.memory_space<vmem>>
        %dma_wait3A_117 = arith.constant 0 : i32
        %dma_wait3A_118 = arith.constant 0 : i32
        %dma_wait3A_119 = tpu.memref_slice %arg13[%dma_wait3A_117, %dma_wait3A_118] : memref<10240x128xf32, #tpu.memory_space<vmem_shared>> -> memref<10240x128xf32, #tpu.memory_space<vmem_shared>>
        tpu.wait_indirect_dma semaphore(%arg16 : memref<!tpu.dma_semaphore, #tpu.memory_space<semaphore_mem>>) src(%arg11 : memref<128x128xf32, #tpu.memory_space<vmem>>) dst(%dma_wait3A_119 : memref<10240x128xf32, #tpu.memory_space<vmem_shared>>)
        %add3A_120 = arith.constant 2 : i32
        %add3A_121 = arith.addi %add3A_78, %add3A_120 : i32
        %lt3A = arith.constant 40 : i32
        %lt3A_122 = arith.cmpi slt, %add3A_121, %lt3A : i32
        %convert_element_type3A_123 = arith.extui %lt3A_122 : i1 to i32
        %cond3A_124 = arith.constant 0 : i32
        %cond3A_125 = arith.cmpi ne, %convert_element_type3A_123, %cond3A_124 : i32
        scf.if %cond3A_125 {
          %add3A_134 = arith.constant 2 : i32
          %add3A_135 = arith.addi %add3A_78, %add3A_134 : i32
          %dma_start3A_136 = arith.constant 0 : i32
          %dma_start3A_137 = tpu.memref_slice %arg9[%add3A_135, %dma_start3A_136] : memref<40x128xi32, #tpu.memory_space<vmem>> -> memref<1x128xi32, #tpu.memory_space<vmem>>
          %dma_start3A_138 = tpu.memref_squeeze %dma_start3A_137 : memref<1x128xi32, #tpu.memory_space<vmem>> -> memref<128xi32, #tpu.memory_space<vmem>>
          %dma_start3A_139 = arith.constant 0 : i32
          %dma_start3A_140 = arith.constant 0 : i32
          %dma_start3A_141 = tpu.memref_slice %arg3[%dma_start3A_139, %dma_start3A_140] : memref<10240x128xf32, #tpu.memory_space<hbm>> -> memref<10240x128xf32, #tpu.memory_space<hbm>>
          tpu.enqueue_indirect_dma source(%dma_start3A_141 : memref<10240x128xf32, #tpu.memory_space<hbm>>) target(%arg11 : memref<128x128xf32, #tpu.memory_space<vmem>>) offsets(%dma_start3A_138 : memref<128xi32, #tpu.memory_space<vmem>>) semaphore(%arg14 : memref<!tpu.dma_semaphore, #tpu.memory_space<semaphore_mem>>)
        } else {
        }
        %add3A_126 = arith.constant 1 : i32
        %add3A_127 = arith.addi %add3A_78, %add3A_126 : i32
        %dma_wait3A_128 = arith.constant 0 : i32
        %dma_wait3A_129 = tpu.memref_slice %arg10[%add3A_127, %dma_wait3A_128] : memref<40x128xi32, #tpu.memory_space<vmem>> -> memref<1x128xi32, #tpu.memory_space<vmem>>
        %dma_wait3A_130 = tpu.memref_squeeze %dma_wait3A_129 : memref<1x128xi32, #tpu.memory_space<vmem>> -> memref<128xi32, #tpu.memory_space<vmem>>
        %dma_wait3A_131 = arith.constant 0 : i32
        %dma_wait3A_132 = arith.constant 0 : i32
        %dma_wait3A_133 = tpu.memref_slice %arg13[%dma_wait3A_131, %dma_wait3A_132] : memref<10240x128xf32, #tpu.memory_space<vmem_shared>> -> memref<10240x128xf32, #tpu.memory_space<vmem_shared>>
        tpu.wait_indirect_dma semaphore(%arg17 : memref<!tpu.dma_semaphore, #tpu.memory_space<semaphore_mem>>) src(%arg12 : memref<128x128xf32, #tpu.memory_space<vmem>>) dst(%dma_wait3A_133 : memref<10240x128xf32, #tpu.memory_space<vmem_shared>>)
      }
      %scan3A_24 = arith.constant 20 : i32
      %add3A_25 = arith.constant 40 : i32
      %add3A_26 = arith.addi %add3A_8, %add3A_25 : i32
      "tpu.region"() ({
        %run_scoped3A_74 = tpu.sem_alloc : memref<!tpu.dma_semaphore, #tpu.memory_space<semaphore_mem>>
        %dma_start3A_75 = arith.constant 0 : i32
        %dma_start3A_76 = tpu.memref_slice %arg4[%add3A_26, %dma_start3A_75] : memref<2560x128xi32, #tpu.memory_space<hbm>> -> memref<40x128xi32, #tpu.memory_space<hbm>>
        %dma_start3A_77 = arith.constant 0 : i32
        %dma_start3A_78 = tpu.memref_slice %arg4[%add3A_26, %dma_start3A_77] : memref<2560x128xi32, #tpu.memory_space<hbm>> -> memref<40x128xi32, #tpu.memory_space<hbm>>
        tpu.enqueue_dma source(%dma_start3A_78 : memref<40x128xi32, #tpu.memory_space<hbm>>) target(%arg9 : memref<40x128xi32, #tpu.memory_space<vmem>>) target_semaphore(%run_scoped3A_74 : memref<!tpu.dma_semaphore, #tpu.memory_space<semaphore_mem>>)
        %dma_wait3A = arith.constant 0 : i32
        %dma_wait3A_79 = tpu.memref_slice %arg4[%add3A_26, %dma_wait3A] : memref<2560x128xi32, #tpu.memory_space<hbm>> -> memref<40x128xi32, #tpu.memory_space<hbm>>
        %dma_wait3A_80 = arith.constant 0 : i32
        %dma_wait3A_81 = tpu.memref_slice %arg4[%add3A_26, %dma_wait3A_80] : memref<2560x128xi32, #tpu.memory_space<hbm>> -> memref<40x128xi32, #tpu.memory_space<hbm>>
        tpu.wait_dma2 semaphore(%run_scoped3A_74 : memref<!tpu.dma_semaphore, #tpu.memory_space<semaphore_mem>>) src(%dma_wait3A_81 : memref<40x128xi32, #tpu.memory_space<hbm>>) dst(%arg9 : memref<40x128xi32, #tpu.memory_space<vmem>>)
        tpu.yield
      }) : () -> ()
      %add3A_27 = arith.constant 40 : i32
      %add3A_28 = arith.addi %add3A_8, %add3A_27 : i32
      "tpu.region"() ({
        %run_scoped3A_74 = tpu.sem_alloc : memref<!tpu.dma_semaphore, #tpu.memory_space<semaphore_mem>>
        %dma_start3A_75 = arith.constant 0 : i32
        %dma_start3A_76 = tpu.memref_slice %arg5[%add3A_28, %dma_start3A_75] : memref<2560x128xi32, #tpu.memory_space<hbm>> -> memref<40x128xi32, #tpu.memory_space<hbm>>
        %dma_start3A_77 = arith.constant 0 : i32
        %dma_start3A_78 = tpu.memref_slice %arg5[%add3A_28, %dma_start3A_77] : memref<2560x128xi32, #tpu.memory_space<hbm>> -> memref<40x128xi32, #tpu.memory_space<hbm>>
        tpu.enqueue_dma source(%dma_start3A_78 : memref<40x128xi32, #tpu.memory_space<hbm>>) target(%arg10 : memref<40x128xi32, #tpu.memory_space<vmem>>) target_semaphore(%run_scoped3A_74 : memref<!tpu.dma_semaphore, #tpu.memory_space<semaphore_mem>>)
        %dma_wait3A = arith.constant 0 : i32
        %dma_wait3A_79 = tpu.memref_slice %arg5[%add3A_28, %dma_wait3A] : memref<2560x128xi32, #tpu.memory_space<hbm>> -> memref<40x128xi32, #tpu.memory_space<hbm>>
        %dma_wait3A_80 = arith.constant 0 : i32
        %dma_wait3A_81 = tpu.memref_slice %arg5[%add3A_28, %dma_wait3A_80] : memref<2560x128xi32, #tpu.memory_space<hbm>> -> memref<40x128xi32, #tpu.memory_space<hbm>>
        tpu.wait_dma2 semaphore(%run_scoped3A_74 : memref<!tpu.dma_semaphore, #tpu.memory_space<semaphore_mem>>) src(%dma_wait3A_81 : memref<40x128xi32, #tpu.memory_space<hbm>>) dst(%arg10 : memref<40x128xi32, #tpu.memory_space<vmem>>)
        tpu.yield
      }) : () -> ()
      %dma_start3A_29 = arith.constant 0 : i32
      %dma_start3A_30 = arith.constant 0 : i32
      %dma_start3A_31 = tpu.memref_slice %arg9[%dma_start3A_29, %dma_start3A_30] : memref<40x128xi32, #tpu.memory_space<vmem>> -> memref<1x128xi32, #tpu.memory_space<vmem>>
      %dma_start3A_32 = tpu.memref_squeeze %dma_start3A_31 : memref<1x128xi32, #tpu.memory_space<vmem>> -> memref<128xi32, #tpu.memory_space<vmem>>
      %dma_start3A_33 = arith.constant 0 : i32
      %dma_start3A_34 = arith.constant 0 : i32
      %dma_start3A_35 = tpu.memref_slice %arg3[%dma_start3A_33, %dma_start3A_34] : memref<10240x128xf32, #tpu.memory_space<hbm>> -> memref<10240x128xf32, #tpu.memory_space<hbm>>
      tpu.enqueue_indirect_dma source(%dma_start3A_35 : memref<10240x128xf32, #tpu.memory_space<hbm>>) target(%arg11 : memref<128x128xf32, #tpu.memory_space<vmem>>) offsets(%dma_start3A_32 : memref<128xi32, #tpu.memory_space<vmem>>) semaphore(%arg14 : memref<!tpu.dma_semaphore, #tpu.memory_space<semaphore_mem>>)
      %scan3A_36 = arith.constant 0 : i32
      %scan3A_37 = arith.constant 20 : i32
      %scan3A_38 = arith.addi %scan3A_36, %scan3A_37 : i32
      %scan3A_39 = arith.constant 1 : i32
      scf.for %scan3A_74 = %scan3A_36 to %scan3A_38 step %scan3A_39  : i32 {
        %mul3A_75 = arith.constant 2 : i32
        %mul3A_76 = arith.muli %scan3A_74, %mul3A_75 : i32
        %add3A_77 = arith.constant 0 : i32
        %add3A_78 = arith.addi %add3A_77, %mul3A_76 : i32
        %dma_wait3A = arith.constant 0 : i32
        %dma_wait3A_79 = tpu.memref_slice %arg9[%add3A_78, %dma_wait3A] : memref<40x128xi32, #tpu.memory_space<vmem>> -> memref<1x128xi32, #tpu.memory_space<vmem>>
        %dma_wait3A_80 = tpu.memref_squeeze %dma_wait3A_79 : memref<1x128xi32, #tpu.memory_space<vmem>> -> memref<128xi32, #tpu.memory_space<vmem>>
        %dma_wait3A_81 = arith.constant 0 : i32
        %dma_wait3A_82 = arith.constant 0 : i32
        %dma_wait3A_83 = tpu.memref_slice %arg3[%dma_wait3A_81, %dma_wait3A_82] : memref<10240x128xf32, #tpu.memory_space<hbm>> -> memref<10240x128xf32, #tpu.memory_space<hbm>>
        tpu.wait_indirect_dma semaphore(%arg14 : memref<!tpu.dma_semaphore, #tpu.memory_space<semaphore_mem>>) src(%dma_wait3A_83 : memref<10240x128xf32, #tpu.memory_space<hbm>>) dst(%arg11 : memref<128x128xf32, #tpu.memory_space<vmem>>)
        %dma_start3A_84 = arith.constant 0 : i32
        %dma_start3A_85 = tpu.memref_slice %arg10[%add3A_78, %dma_start3A_84] : memref<40x128xi32, #tpu.memory_space<vmem>> -> memref<1x128xi32, #tpu.memory_space<vmem>>
        %dma_start3A_86 = tpu.memref_squeeze %dma_start3A_85 : memref<1x128xi32, #tpu.memory_space<vmem>> -> memref<128xi32, #tpu.memory_space<vmem>>
        %dma_start3A_87 = arith.constant 0 : i32
        %dma_start3A_88 = arith.constant 0 : i32
        %dma_start3A_89 = tpu.memref_slice %arg13[%dma_start3A_87, %dma_start3A_88] : memref<10240x128xf32, #tpu.memory_space<vmem_shared>> -> memref<10240x128xf32, #tpu.memory_space<vmem_shared>>
        tpu.enqueue_indirect_dma source(%arg11 : memref<128x128xf32, #tpu.memory_space<vmem>>) target(%dma_start3A_89 : memref<10240x128xf32, #tpu.memory_space<vmem_shared>>) offsets(%dma_start3A_86 : memref<128xi32, #tpu.memory_space<vmem>>) semaphore(%arg16 : memref<!tpu.dma_semaphore, #tpu.memory_space<semaphore_mem>>) {add = true}
        %add3A_90 = arith.constant 1 : i32
        %add3A_91 = arith.addi %add3A_78, %add3A_90 : i32
        %dma_start3A_92 = arith.constant 0 : i32
        %dma_start3A_93 = tpu.memref_slice %arg9[%add3A_91, %dma_start3A_92] : memref<40x128xi32, #tpu.memory_space<vmem>> -> memref<1x128xi32, #tpu.memory_space<vmem>>
        %dma_start3A_94 = tpu.memref_squeeze %dma_start3A_93 : memref<1x128xi32, #tpu.memory_space<vmem>> -> memref<128xi32, #tpu.memory_space<vmem>>
        %dma_start3A_95 = arith.constant 0 : i32
        %dma_start3A_96 = arith.constant 0 : i32
        %dma_start3A_97 = tpu.memref_slice %arg3[%dma_start3A_95, %dma_start3A_96] : memref<10240x128xf32, #tpu.memory_space<hbm>> -> memref<10240x128xf32, #tpu.memory_space<hbm>>
        tpu.enqueue_indirect_dma source(%dma_start3A_97 : memref<10240x128xf32, #tpu.memory_space<hbm>>) target(%arg12 : memref<128x128xf32, #tpu.memory_space<vmem>>) offsets(%dma_start3A_94 : memref<128xi32, #tpu.memory_space<vmem>>) semaphore(%arg15 : memref<!tpu.dma_semaphore, #tpu.memory_space<semaphore_mem>>)
        %add3A_98 = arith.constant 1 : i32
        %add3A_99 = arith.addi %add3A_78, %add3A_98 : i32
        %dma_wait3A_100 = arith.constant 0 : i32
        %dma_wait3A_101 = tpu.memref_slice %arg9[%add3A_99, %dma_wait3A_100] : memref<40x128xi32, #tpu.memory_space<vmem>> -> memref<1x128xi32, #tpu.memory_space<vmem>>
        %dma_wait3A_102 = tpu.memref_squeeze %dma_wait3A_101 : memref<1x128xi32, #tpu.memory_space<vmem>> -> memref<128xi32, #tpu.memory_space<vmem>>
        %dma_wait3A_103 = arith.constant 0 : i32
        %dma_wait3A_104 = arith.constant 0 : i32
        %dma_wait3A_105 = tpu.memref_slice %arg3[%dma_wait3A_103, %dma_wait3A_104] : memref<10240x128xf32, #tpu.memory_space<hbm>> -> memref<10240x128xf32, #tpu.memory_space<hbm>>
        tpu.wait_indirect_dma semaphore(%arg15 : memref<!tpu.dma_semaphore, #tpu.memory_space<semaphore_mem>>) src(%dma_wait3A_105 : memref<10240x128xf32, #tpu.memory_space<hbm>>) dst(%arg12 : memref<128x128xf32, #tpu.memory_space<vmem>>)
        %add3A_106 = arith.constant 1 : i32
        %add3A_107 = arith.addi %add3A_78, %add3A_106 : i32
        %dma_start3A_108 = arith.constant 0 : i32
        %dma_start3A_109 = tpu.memref_slice %arg10[%add3A_107, %dma_start3A_108] : memref<40x128xi32, #tpu.memory_space<vmem>> -> memref<1x128xi32, #tpu.memory_space<vmem>>
        %dma_start3A_110 = tpu.memref_squeeze %dma_start3A_109 : memref<1x128xi32, #tpu.memory_space<vmem>> -> memref<128xi32, #tpu.memory_space<vmem>>
        %dma_start3A_111 = arith.constant 0 : i32
        %dma_start3A_112 = arith.constant 0 : i32
        %dma_start3A_113 = tpu.memref_slice %arg13[%dma_start3A_111, %dma_start3A_112] : memref<10240x128xf32, #tpu.memory_space<vmem_shared>> -> memref<10240x128xf32, #tpu.memory_space<vmem_shared>>
        tpu.enqueue_indirect_dma source(%arg12 : memref<128x128xf32, #tpu.memory_space<vmem>>) target(%dma_start3A_113 : memref<10240x128xf32, #tpu.memory_space<vmem_shared>>) offsets(%dma_start3A_110 : memref<128xi32, #tpu.memory_space<vmem>>) semaphore(%arg17 : memref<!tpu.dma_semaphore, #tpu.memory_space<semaphore_mem>>) {add = true}
        %dma_wait3A_114 = arith.constant 0 : i32
        %dma_wait3A_115 = tpu.memref_slice %arg10[%add3A_78, %dma_wait3A_114] : memref<40x128xi32, #tpu.memory_space<vmem>> -> memref<1x128xi32, #tpu.memory_space<vmem>>
        %dma_wait3A_116 = tpu.memref_squeeze %dma_wait3A_115 : memref<1x128xi32, #tpu.memory_space<vmem>> -> memref<128xi32, #tpu.memory_space<vmem>>
        %dma_wait3A_117 = arith.constant 0 : i32
        %dma_wait3A_118 = arith.constant 0 : i32
        %dma_wait3A_119 = tpu.memref_slice %arg13[%dma_wait3A_117, %dma_wait3A_118] : memref<10240x128xf32, #tpu.memory_space<vmem_shared>> -> memref<10240x128xf32, #tpu.memory_space<vmem_shared>>
        tpu.wait_indirect_dma semaphore(%arg16 : memref<!tpu.dma_semaphore, #tpu.memory_space<semaphore_mem>>) src(%arg11 : memref<128x128xf32, #tpu.memory_space<vmem>>) dst(%dma_wait3A_119 : memref<10240x128xf32, #tpu.memory_space<vmem_shared>>)
        %add3A_120 = arith.constant 2 : i32
        %add3A_121 = arith.addi %add3A_78, %add3A_120 : i32
        %lt3A = arith.constant 40 : i32
        %lt3A_122 = arith.cmpi slt, %add3A_121, %lt3A : i32
        %convert_element_type3A_123 = arith.extui %lt3A_122 : i1 to i32
        %cond3A_124 = arith.constant 0 : i32
        %cond3A_125 = arith.cmpi ne, %convert_element_type3A_123, %cond3A_124 : i32
        scf.if %cond3A_125 {
          %add3A_134 = arith.constant 2 : i32
          %add3A_135 = arith.addi %add3A_78, %add3A_134 : i32
          %dma_start3A_136 = arith.constant 0 : i32
          %dma_start3A_137 = tpu.memref_slice %arg9[%add3A_135, %dma_start3A_136] : memref<40x128xi32, #tpu.memory_space<vmem>> -> memref<1x128xi32, #tpu.memory_space<vmem>>
          %dma_start3A_138 = tpu.memref_squeeze %dma_start3A_137 : memref<1x128xi32, #tpu.memory_space<vmem>> -> memref<128xi32, #tpu.memory_space<vmem>>
          %dma_start3A_139 = arith.constant 0 : i32
          %dma_start3A_140 = arith.constant 0 : i32
          %dma_start3A_141 = tpu.memref_slice %arg3[%dma_start3A_139, %dma_start3A_140] : memref<10240x128xf32, #tpu.memory_space<hbm>> -> memref<10240x128xf32, #tpu.memory_space<hbm>>
          tpu.enqueue_indirect_dma source(%dma_start3A_141 : memref<10240x128xf32, #tpu.memory_space<hbm>>) target(%arg11 : memref<128x128xf32, #tpu.memory_space<vmem>>) offsets(%dma_start3A_138 : memref<128xi32, #tpu.memory_space<vmem>>) semaphore(%arg14 : memref<!tpu.dma_semaphore, #tpu.memory_space<semaphore_mem>>)
        } else {
        }
        %add3A_126 = arith.constant 1 : i32
        %add3A_127 = arith.addi %add3A_78, %add3A_126 : i32
        %dma_wait3A_128 = arith.constant 0 : i32
        %dma_wait3A_129 = tpu.memref_slice %arg10[%add3A_127, %dma_wait3A_128] : memref<40x128xi32, #tpu.memory_space<vmem>> -> memref<1x128xi32, #tpu.memory_space<vmem>>
        %dma_wait3A_130 = tpu.memref_squeeze %dma_wait3A_129 : memref<1x128xi32, #tpu.memory_space<vmem>> -> memref<128xi32, #tpu.memory_space<vmem>>
        %dma_wait3A_131 = arith.constant 0 : i32
        %dma_wait3A_132 = arith.constant 0 : i32
        %dma_wait3A_133 = tpu.memref_slice %arg13[%dma_wait3A_131, %dma_wait3A_132] : memref<10240x128xf32, #tpu.memory_space<vmem_shared>> -> memref<10240x128xf32, #tpu.memory_space<vmem_shared>>
        tpu.wait_indirect_dma semaphore(%arg17 : memref<!tpu.dma_semaphore, #tpu.memory_space<semaphore_mem>>) src(%arg12 : memref<128x128xf32, #tpu.memory_space<vmem>>) dst(%dma_wait3A_133 : memref<10240x128xf32, #tpu.memory_space<vmem_shared>>)
      }
      %scan3A_40 = arith.constant 20 : i32
      %add3A_41 = arith.constant 80 : i32
      %add3A_42 = arith.addi %add3A_8, %add3A_41 : i32
      "tpu.region"() ({
        %run_scoped3A_74 = tpu.sem_alloc : memref<!tpu.dma_semaphore, #tpu.memory_space<semaphore_mem>>
        %dma_start3A_75 = arith.constant 0 : i32
        %dma_start3A_76 = tpu.memref_slice %arg4[%add3A_42, %dma_start3A_75] : memref<2560x128xi32, #tpu.memory_space<hbm>> -> memref<40x128xi32, #tpu.memory_space<hbm>>
        %dma_start3A_77 = arith.constant 0 : i32
        %dma_start3A_78 = tpu.memref_slice %arg4[%add3A_42, %dma_start3A_77] : memref<2560x128xi32, #tpu.memory_space<hbm>> -> memref<40x128xi32, #tpu.memory_space<hbm>>
        tpu.enqueue_dma source(%dma_start3A_78 : memref<40x128xi32, #tpu.memory_space<hbm>>) target(%arg9 : memref<40x128xi32, #tpu.memory_space<vmem>>) target_semaphore(%run_scoped3A_74 : memref<!tpu.dma_semaphore, #tpu.memory_space<semaphore_mem>>)
        %dma_wait3A = arith.constant 0 : i32
        %dma_wait3A_79 = tpu.memref_slice %arg4[%add3A_42, %dma_wait3A] : memref<2560x128xi32, #tpu.memory_space<hbm>> -> memref<40x128xi32, #tpu.memory_space<hbm>>
        %dma_wait3A_80 = arith.constant 0 : i32
        %dma_wait3A_81 = tpu.memref_slice %arg4[%add3A_42, %dma_wait3A_80] : memref<2560x128xi32, #tpu.memory_space<hbm>> -> memref<40x128xi32, #tpu.memory_space<hbm>>
        tpu.wait_dma2 semaphore(%run_scoped3A_74 : memref<!tpu.dma_semaphore, #tpu.memory_space<semaphore_mem>>) src(%dma_wait3A_81 : memref<40x128xi32, #tpu.memory_space<hbm>>) dst(%arg9 : memref<40x128xi32, #tpu.memory_space<vmem>>)
        tpu.yield
      }) : () -> ()
      %add3A_43 = arith.constant 80 : i32
      %add3A_44 = arith.addi %add3A_8, %add3A_43 : i32
      "tpu.region"() ({
        %run_scoped3A_74 = tpu.sem_alloc : memref<!tpu.dma_semaphore, #tpu.memory_space<semaphore_mem>>
        %dma_start3A_75 = arith.constant 0 : i32
        %dma_start3A_76 = tpu.memref_slice %arg5[%add3A_44, %dma_start3A_75] : memref<2560x128xi32, #tpu.memory_space<hbm>> -> memref<40x128xi32, #tpu.memory_space<hbm>>
        %dma_start3A_77 = arith.constant 0 : i32
        %dma_start3A_78 = tpu.memref_slice %arg5[%add3A_44, %dma_start3A_77] : memref<2560x128xi32, #tpu.memory_space<hbm>> -> memref<40x128xi32, #tpu.memory_space<hbm>>
        tpu.enqueue_dma source(%dma_start3A_78 : memref<40x128xi32, #tpu.memory_space<hbm>>) target(%arg10 : memref<40x128xi32, #tpu.memory_space<vmem>>) target_semaphore(%run_scoped3A_74 : memref<!tpu.dma_semaphore, #tpu.memory_space<semaphore_mem>>)
        %dma_wait3A = arith.constant 0 : i32
        %dma_wait3A_79 = tpu.memref_slice %arg5[%add3A_44, %dma_wait3A] : memref<2560x128xi32, #tpu.memory_space<hbm>> -> memref<40x128xi32, #tpu.memory_space<hbm>>
        %dma_wait3A_80 = arith.constant 0 : i32
        %dma_wait3A_81 = tpu.memref_slice %arg5[%add3A_44, %dma_wait3A_80] : memref<2560x128xi32, #tpu.memory_space<hbm>> -> memref<40x128xi32, #tpu.memory_space<hbm>>
        tpu.wait_dma2 semaphore(%run_scoped3A_74 : memref<!tpu.dma_semaphore, #tpu.memory_space<semaphore_mem>>) src(%dma_wait3A_81 : memref<40x128xi32, #tpu.memory_space<hbm>>) dst(%arg10 : memref<40x128xi32, #tpu.memory_space<vmem>>)
        tpu.yield
      }) : () -> ()
      %dma_start3A_45 = arith.constant 0 : i32
      %dma_start3A_46 = arith.constant 0 : i32
      %dma_start3A_47 = tpu.memref_slice %arg9[%dma_start3A_45, %dma_start3A_46] : memref<40x128xi32, #tpu.memory_space<vmem>> -> memref<1x128xi32, #tpu.memory_space<vmem>>
      %dma_start3A_48 = tpu.memref_squeeze %dma_start3A_47 : memref<1x128xi32, #tpu.memory_space<vmem>> -> memref<128xi32, #tpu.memory_space<vmem>>
      %dma_start3A_49 = arith.constant 0 : i32
      %dma_start3A_50 = arith.constant 0 : i32
      %dma_start3A_51 = tpu.memref_slice %arg3[%dma_start3A_49, %dma_start3A_50] : memref<10240x128xf32, #tpu.memory_space<hbm>> -> memref<10240x128xf32, #tpu.memory_space<hbm>>
      tpu.enqueue_indirect_dma source(%dma_start3A_51 : memref<10240x128xf32, #tpu.memory_space<hbm>>) target(%arg11 : memref<128x128xf32, #tpu.memory_space<vmem>>) offsets(%dma_start3A_48 : memref<128xi32, #tpu.memory_space<vmem>>) semaphore(%arg14 : memref<!tpu.dma_semaphore, #tpu.memory_space<semaphore_mem>>)
      %scan3A_52 = arith.constant 0 : i32
      %scan3A_53 = arith.constant 20 : i32
      %scan3A_54 = arith.addi %scan3A_52, %scan3A_53 : i32
      %scan3A_55 = arith.constant 1 : i32
      scf.for %scan3A_74 = %scan3A_52 to %scan3A_54 step %scan3A_55  : i32 {
        %mul3A_75 = arith.constant 2 : i32
        %mul3A_76 = arith.muli %scan3A_74, %mul3A_75 : i32
        %add3A_77 = arith.constant 0 : i32
        %add3A_78 = arith.addi %add3A_77, %mul3A_76 : i32
        %dma_wait3A = arith.constant 0 : i32
        %dma_wait3A_79 = tpu.memref_slice %arg9[%add3A_78, %dma_wait3A] : memref<40x128xi32, #tpu.memory_space<vmem>> -> memref<1x128xi32, #tpu.memory_space<vmem>>
        %dma_wait3A_80 = tpu.memref_squeeze %dma_wait3A_79 : memref<1x128xi32, #tpu.memory_space<vmem>> -> memref<128xi32, #tpu.memory_space<vmem>>
        %dma_wait3A_81 = arith.constant 0 : i32
        %dma_wait3A_82 = arith.constant 0 : i32
        %dma_wait3A_83 = tpu.memref_slice %arg3[%dma_wait3A_81, %dma_wait3A_82] : memref<10240x128xf32, #tpu.memory_space<hbm>> -> memref<10240x128xf32, #tpu.memory_space<hbm>>
        tpu.wait_indirect_dma semaphore(%arg14 : memref<!tpu.dma_semaphore, #tpu.memory_space<semaphore_mem>>) src(%dma_wait3A_83 : memref<10240x128xf32, #tpu.memory_space<hbm>>) dst(%arg11 : memref<128x128xf32, #tpu.memory_space<vmem>>)
        %dma_start3A_84 = arith.constant 0 : i32
        %dma_start3A_85 = tpu.memref_slice %arg10[%add3A_78, %dma_start3A_84] : memref<40x128xi32, #tpu.memory_space<vmem>> -> memref<1x128xi32, #tpu.memory_space<vmem>>
        %dma_start3A_86 = tpu.memref_squeeze %dma_start3A_85 : memref<1x128xi32, #tpu.memory_space<vmem>> -> memref<128xi32, #tpu.memory_space<vmem>>
        %dma_start3A_87 = arith.constant 0 : i32
        %dma_start3A_88 = arith.constant 0 : i32
        %dma_start3A_89 = tpu.memref_slice %arg13[%dma_start3A_87, %dma_start3A_88] : memref<10240x128xf32, #tpu.memory_space<vmem_shared>> -> memref<10240x128xf32, #tpu.memory_space<vmem_shared>>
        tpu.enqueue_indirect_dma source(%arg11 : memref<128x128xf32, #tpu.memory_space<vmem>>) target(%dma_start3A_89 : memref<10240x128xf32, #tpu.memory_space<vmem_shared>>) offsets(%dma_start3A_86 : memref<128xi32, #tpu.memory_space<vmem>>) semaphore(%arg16 : memref<!tpu.dma_semaphore, #tpu.memory_space<semaphore_mem>>) {add = true}
        %add3A_90 = arith.constant 1 : i32
        %add3A_91 = arith.addi %add3A_78, %add3A_90 : i32
        %dma_start3A_92 = arith.constant 0 : i32
        %dma_start3A_93 = tpu.memref_slice %arg9[%add3A_91, %dma_start3A_92] : memref<40x128xi32, #tpu.memory_space<vmem>> -> memref<1x128xi32, #tpu.memory_space<vmem>>
        %dma_start3A_94 = tpu.memref_squeeze %dma_start3A_93 : memref<1x128xi32, #tpu.memory_space<vmem>> -> memref<128xi32, #tpu.memory_space<vmem>>
        %dma_start3A_95 = arith.constant 0 : i32
        %dma_start3A_96 = arith.constant 0 : i32
        %dma_start3A_97 = tpu.memref_slice %arg3[%dma_start3A_95, %dma_start3A_96] : memref<10240x128xf32, #tpu.memory_space<hbm>> -> memref<10240x128xf32, #tpu.memory_space<hbm>>
        tpu.enqueue_indirect_dma source(%dma_start3A_97 : memref<10240x128xf32, #tpu.memory_space<hbm>>) target(%arg12 : memref<128x128xf32, #tpu.memory_space<vmem>>) offsets(%dma_start3A_94 : memref<128xi32, #tpu.memory_space<vmem>>) semaphore(%arg15 : memref<!tpu.dma_semaphore, #tpu.memory_space<semaphore_mem>>)
        %add3A_98 = arith.constant 1 : i32
        %add3A_99 = arith.addi %add3A_78, %add3A_98 : i32
        %dma_wait3A_100 = arith.constant 0 : i32
        %dma_wait3A_101 = tpu.memref_slice %arg9[%add3A_99, %dma_wait3A_100] : memref<40x128xi32, #tpu.memory_space<vmem>> -> memref<1x128xi32, #tpu.memory_space<vmem>>
        %dma_wait3A_102 = tpu.memref_squeeze %dma_wait3A_101 : memref<1x128xi32, #tpu.memory_space<vmem>> -> memref<128xi32, #tpu.memory_space<vmem>>
        %dma_wait3A_103 = arith.constant 0 : i32
        %dma_wait3A_104 = arith.constant 0 : i32
        %dma_wait3A_105 = tpu.memref_slice %arg3[%dma_wait3A_103, %dma_wait3A_104] : memref<10240x128xf32, #tpu.memory_space<hbm>> -> memref<10240x128xf32, #tpu.memory_space<hbm>>
        tpu.wait_indirect_dma semaphore(%arg15 : memref<!tpu.dma_semaphore, #tpu.memory_space<semaphore_mem>>) src(%dma_wait3A_105 : memref<10240x128xf32, #tpu.memory_space<hbm>>) dst(%arg12 : memref<128x128xf32, #tpu.memory_space<vmem>>)
        %add3A_106 = arith.constant 1 : i32
        %add3A_107 = arith.addi %add3A_78, %add3A_106 : i32
        %dma_start3A_108 = arith.constant 0 : i32
        %dma_start3A_109 = tpu.memref_slice %arg10[%add3A_107, %dma_start3A_108] : memref<40x128xi32, #tpu.memory_space<vmem>> -> memref<1x128xi32, #tpu.memory_space<vmem>>
        %dma_start3A_110 = tpu.memref_squeeze %dma_start3A_109 : memref<1x128xi32, #tpu.memory_space<vmem>> -> memref<128xi32, #tpu.memory_space<vmem>>
        %dma_start3A_111 = arith.constant 0 : i32
        %dma_start3A_112 = arith.constant 0 : i32
        %dma_start3A_113 = tpu.memref_slice %arg13[%dma_start3A_111, %dma_start3A_112] : memref<10240x128xf32, #tpu.memory_space<vmem_shared>> -> memref<10240x128xf32, #tpu.memory_space<vmem_shared>>
        tpu.enqueue_indirect_dma source(%arg12 : memref<128x128xf32, #tpu.memory_space<vmem>>) target(%dma_start3A_113 : memref<10240x128xf32, #tpu.memory_space<vmem_shared>>) offsets(%dma_start3A_110 : memref<128xi32, #tpu.memory_space<vmem>>) semaphore(%arg17 : memref<!tpu.dma_semaphore, #tpu.memory_space<semaphore_mem>>) {add = true}
        %dma_wait3A_114 = arith.constant 0 : i32
        %dma_wait3A_115 = tpu.memref_slice %arg10[%add3A_78, %dma_wait3A_114] : memref<40x128xi32, #tpu.memory_space<vmem>> -> memref<1x128xi32, #tpu.memory_space<vmem>>
        %dma_wait3A_116 = tpu.memref_squeeze %dma_wait3A_115 : memref<1x128xi32, #tpu.memory_space<vmem>> -> memref<128xi32, #tpu.memory_space<vmem>>
        %dma_wait3A_117 = arith.constant 0 : i32
        %dma_wait3A_118 = arith.constant 0 : i32
        %dma_wait3A_119 = tpu.memref_slice %arg13[%dma_wait3A_117, %dma_wait3A_118] : memref<10240x128xf32, #tpu.memory_space<vmem_shared>> -> memref<10240x128xf32, #tpu.memory_space<vmem_shared>>
        tpu.wait_indirect_dma semaphore(%arg16 : memref<!tpu.dma_semaphore, #tpu.memory_space<semaphore_mem>>) src(%arg11 : memref<128x128xf32, #tpu.memory_space<vmem>>) dst(%dma_wait3A_119 : memref<10240x128xf32, #tpu.memory_space<vmem_shared>>)
        %add3A_120 = arith.constant 2 : i32
        %add3A_121 = arith.addi %add3A_78, %add3A_120 : i32
        %lt3A = arith.constant 40 : i32
        %lt3A_122 = arith.cmpi slt, %add3A_121, %lt3A : i32
        %convert_element_type3A_123 = arith.extui %lt3A_122 : i1 to i32
        %cond3A_124 = arith.constant 0 : i32
        %cond3A_125 = arith.cmpi ne, %convert_element_type3A_123, %cond3A_124 : i32
        scf.if %cond3A_125 {
          %add3A_134 = arith.constant 2 : i32
          %add3A_135 = arith.addi %add3A_78, %add3A_134 : i32
          %dma_start3A_136 = arith.constant 0 : i32
          %dma_start3A_137 = tpu.memref_slice %arg9[%add3A_135, %dma_start3A_136] : memref<40x128xi32, #tpu.memory_space<vmem>> -> memref<1x128xi32, #tpu.memory_space<vmem>>
          %dma_start3A_138 = tpu.memref_squeeze %dma_start3A_137 : memref<1x128xi32, #tpu.memory_space<vmem>> -> memref<128xi32, #tpu.memory_space<vmem>>
          %dma_start3A_139 = arith.constant 0 : i32
          %dma_start3A_140 = arith.constant 0 : i32
          %dma_start3A_141 = tpu.memref_slice %arg3[%dma_start3A_139, %dma_start3A_140] : memref<10240x128xf32, #tpu.memory_space<hbm>> -> memref<10240x128xf32, #tpu.memory_space<hbm>>
          tpu.enqueue_indirect_dma source(%dma_start3A_141 : memref<10240x128xf32, #tpu.memory_space<hbm>>) target(%arg11 : memref<128x128xf32, #tpu.memory_space<vmem>>) offsets(%dma_start3A_138 : memref<128xi32, #tpu.memory_space<vmem>>) semaphore(%arg14 : memref<!tpu.dma_semaphore, #tpu.memory_space<semaphore_mem>>)
        } else {
        }
        %add3A_126 = arith.constant 1 : i32
        %add3A_127 = arith.addi %add3A_78, %add3A_126 : i32
        %dma_wait3A_128 = arith.constant 0 : i32
        %dma_wait3A_129 = tpu.memref_slice %arg10[%add3A_127, %dma_wait3A_128] : memref<40x128xi32, #tpu.memory_space<vmem>> -> memref<1x128xi32, #tpu.memory_space<vmem>>
        %dma_wait3A_130 = tpu.memref_squeeze %dma_wait3A_129 : memref<1x128xi32, #tpu.memory_space<vmem>> -> memref<128xi32, #tpu.memory_space<vmem>>
        %dma_wait3A_131 = arith.constant 0 : i32
        %dma_wait3A_132 = arith.constant 0 : i32
        %dma_wait3A_133 = tpu.memref_slice %arg13[%dma_wait3A_131, %dma_wait3A_132] : memref<10240x128xf32, #tpu.memory_space<vmem_shared>> -> memref<10240x128xf32, #tpu.memory_space<vmem_shared>>
        tpu.wait_indirect_dma semaphore(%arg17 : memref<!tpu.dma_semaphore, #tpu.memory_space<semaphore_mem>>) src(%arg12 : memref<128x128xf32, #tpu.memory_space<vmem>>) dst(%dma_wait3A_133 : memref<10240x128xf32, #tpu.memory_space<vmem_shared>>)
      }
      %scan3A_56 = arith.constant 20 : i32
      %add3A_57 = arith.constant 120 : i32
      %add3A_58 = arith.addi %add3A_8, %add3A_57 : i32
      "tpu.region"() ({
        %run_scoped3A_74 = tpu.sem_alloc : memref<!tpu.dma_semaphore, #tpu.memory_space<semaphore_mem>>
        %dma_start3A_75 = arith.constant 0 : i32
        %dma_start3A_76 = tpu.memref_slice %arg4[%add3A_58, %dma_start3A_75] : memref<2560x128xi32, #tpu.memory_space<hbm>> -> memref<40x128xi32, #tpu.memory_space<hbm>>
        %dma_start3A_77 = arith.constant 0 : i32
        %dma_start3A_78 = tpu.memref_slice %arg4[%add3A_58, %dma_start3A_77] : memref<2560x128xi32, #tpu.memory_space<hbm>> -> memref<40x128xi32, #tpu.memory_space<hbm>>
        tpu.enqueue_dma source(%dma_start3A_78 : memref<40x128xi32, #tpu.memory_space<hbm>>) target(%arg9 : memref<40x128xi32, #tpu.memory_space<vmem>>) target_semaphore(%run_scoped3A_74 : memref<!tpu.dma_semaphore, #tpu.memory_space<semaphore_mem>>)
        %dma_wait3A = arith.constant 0 : i32
        %dma_wait3A_79 = tpu.memref_slice %arg4[%add3A_58, %dma_wait3A] : memref<2560x128xi32, #tpu.memory_space<hbm>> -> memref<40x128xi32, #tpu.memory_space<hbm>>
        %dma_wait3A_80 = arith.constant 0 : i32
        %dma_wait3A_81 = tpu.memref_slice %arg4[%add3A_58, %dma_wait3A_80] : memref<2560x128xi32, #tpu.memory_space<hbm>> -> memref<40x128xi32, #tpu.memory_space<hbm>>
        tpu.wait_dma2 semaphore(%run_scoped3A_74 : memref<!tpu.dma_semaphore, #tpu.memory_space<semaphore_mem>>) src(%dma_wait3A_81 : memref<40x128xi32, #tpu.memory_space<hbm>>) dst(%arg9 : memref<40x128xi32, #tpu.memory_space<vmem>>)
        tpu.yield
      }) : () -> ()
      %add3A_59 = arith.constant 120 : i32
      %add3A_60 = arith.addi %add3A_8, %add3A_59 : i32
      "tpu.region"() ({
        %run_scoped3A_74 = tpu.sem_alloc : memref<!tpu.dma_semaphore, #tpu.memory_space<semaphore_mem>>
        %dma_start3A_75 = arith.constant 0 : i32
        %dma_start3A_76 = tpu.memref_slice %arg5[%add3A_60, %dma_start3A_75] : memref<2560x128xi32, #tpu.memory_space<hbm>> -> memref<40x128xi32, #tpu.memory_space<hbm>>
        %dma_start3A_77 = arith.constant 0 : i32
        %dma_start3A_78 = tpu.memref_slice %arg5[%add3A_60, %dma_start3A_77] : memref<2560x128xi32, #tpu.memory_space<hbm>> -> memref<40x128xi32, #tpu.memory_space<hbm>>
        tpu.enqueue_dma source(%dma_start3A_78 : memref<40x128xi32, #tpu.memory_space<hbm>>) target(%arg10 : memref<40x128xi32, #tpu.memory_space<vmem>>) target_semaphore(%run_scoped3A_74 : memref<!tpu.dma_semaphore, #tpu.memory_space<semaphore_mem>>)
        %dma_wait3A = arith.constant 0 : i32
        %dma_wait3A_79 = tpu.memref_slice %arg5[%add3A_60, %dma_wait3A] : memref<2560x128xi32, #tpu.memory_space<hbm>> -> memref<40x128xi32, #tpu.memory_space<hbm>>
        %dma_wait3A_80 = arith.constant 0 : i32
        %dma_wait3A_81 = tpu.memref_slice %arg5[%add3A_60, %dma_wait3A_80] : memref<2560x128xi32, #tpu.memory_space<hbm>> -> memref<40x128xi32, #tpu.memory_space<hbm>>
        tpu.wait_dma2 semaphore(%run_scoped3A_74 : memref<!tpu.dma_semaphore, #tpu.memory_space<semaphore_mem>>) src(%dma_wait3A_81 : memref<40x128xi32, #tpu.memory_space<hbm>>) dst(%arg10 : memref<40x128xi32, #tpu.memory_space<vmem>>)
        tpu.yield
      }) : () -> ()
      %dma_start3A_61 = arith.constant 0 : i32
      %dma_start3A_62 = arith.constant 0 : i32
      %dma_start3A_63 = tpu.memref_slice %arg9[%dma_start3A_61, %dma_start3A_62] : memref<40x128xi32, #tpu.memory_space<vmem>> -> memref<1x128xi32, #tpu.memory_space<vmem>>
      %dma_start3A_64 = tpu.memref_squeeze %dma_start3A_63 : memref<1x128xi32, #tpu.memory_space<vmem>> -> memref<128xi32, #tpu.memory_space<vmem>>
      %dma_start3A_65 = arith.constant 0 : i32
      %dma_start3A_66 = arith.constant 0 : i32
      %dma_start3A_67 = tpu.memref_slice %arg3[%dma_start3A_65, %dma_start3A_66] : memref<10240x128xf32, #tpu.memory_space<hbm>> -> memref<10240x128xf32, #tpu.memory_space<hbm>>
      tpu.enqueue_indirect_dma source(%dma_start3A_67 : memref<10240x128xf32, #tpu.memory_space<hbm>>) target(%arg11 : memref<128x128xf32, #tpu.memory_space<vmem>>) offsets(%dma_start3A_64 : memref<128xi32, #tpu.memory_space<vmem>>) semaphore(%arg14 : memref<!tpu.dma_semaphore, #tpu.memory_space<semaphore_mem>>)
      %scan3A_68 = arith.constant 0 : i32
      %scan3A_69 = arith.constant 20 : i32
      %scan3A_70 = arith.addi %scan3A_68, %scan3A_69 : i32
      %scan3A_71 = arith.constant 1 : i32
      scf.for %scan3A_74 = %scan3A_68 to %scan3A_70 step %scan3A_71  : i32 {
        %mul3A_75 = arith.constant 2 : i32
        %mul3A_76 = arith.muli %scan3A_74, %mul3A_75 : i32
        %add3A_77 = arith.constant 0 : i32
        %add3A_78 = arith.addi %add3A_77, %mul3A_76 : i32
        %dma_wait3A = arith.constant 0 : i32
        %dma_wait3A_79 = tpu.memref_slice %arg9[%add3A_78, %dma_wait3A] : memref<40x128xi32, #tpu.memory_space<vmem>> -> memref<1x128xi32, #tpu.memory_space<vmem>>
        %dma_wait3A_80 = tpu.memref_squeeze %dma_wait3A_79 : memref<1x128xi32, #tpu.memory_space<vmem>> -> memref<128xi32, #tpu.memory_space<vmem>>
        %dma_wait3A_81 = arith.constant 0 : i32
        %dma_wait3A_82 = arith.constant 0 : i32
        %dma_wait3A_83 = tpu.memref_slice %arg3[%dma_wait3A_81, %dma_wait3A_82] : memref<10240x128xf32, #tpu.memory_space<hbm>> -> memref<10240x128xf32, #tpu.memory_space<hbm>>
        tpu.wait_indirect_dma semaphore(%arg14 : memref<!tpu.dma_semaphore, #tpu.memory_space<semaphore_mem>>) src(%dma_wait3A_83 : memref<10240x128xf32, #tpu.memory_space<hbm>>) dst(%arg11 : memref<128x128xf32, #tpu.memory_space<vmem>>)
        %dma_start3A_84 = arith.constant 0 : i32
        %dma_start3A_85 = tpu.memref_slice %arg10[%add3A_78, %dma_start3A_84] : memref<40x128xi32, #tpu.memory_space<vmem>> -> memref<1x128xi32, #tpu.memory_space<vmem>>
        %dma_start3A_86 = tpu.memref_squeeze %dma_start3A_85 : memref<1x128xi32, #tpu.memory_space<vmem>> -> memref<128xi32, #tpu.memory_space<vmem>>
        %dma_start3A_87 = arith.constant 0 : i32
        %dma_start3A_88 = arith.constant 0 : i32
        %dma_start3A_89 = tpu.memref_slice %arg13[%dma_start3A_87, %dma_start3A_88] : memref<10240x128xf32, #tpu.memory_space<vmem_shared>> -> memref<10240x128xf32, #tpu.memory_space<vmem_shared>>
        tpu.enqueue_indirect_dma source(%arg11 : memref<128x128xf32, #tpu.memory_space<vmem>>) target(%dma_start3A_89 : memref<10240x128xf32, #tpu.memory_space<vmem_shared>>) offsets(%dma_start3A_86 : memref<128xi32, #tpu.memory_space<vmem>>) semaphore(%arg16 : memref<!tpu.dma_semaphore, #tpu.memory_space<semaphore_mem>>) {add = true}
        %add3A_90 = arith.constant 1 : i32
        %add3A_91 = arith.addi %add3A_78, %add3A_90 : i32
        %dma_start3A_92 = arith.constant 0 : i32
        %dma_start3A_93 = tpu.memref_slice %arg9[%add3A_91, %dma_start3A_92] : memref<40x128xi32, #tpu.memory_space<vmem>> -> memref<1x128xi32, #tpu.memory_space<vmem>>
        %dma_start3A_94 = tpu.memref_squeeze %dma_start3A_93 : memref<1x128xi32, #tpu.memory_space<vmem>> -> memref<128xi32, #tpu.memory_space<vmem>>
        %dma_start3A_95 = arith.constant 0 : i32
        %dma_start3A_96 = arith.constant 0 : i32
        %dma_start3A_97 = tpu.memref_slice %arg3[%dma_start3A_95, %dma_start3A_96] : memref<10240x128xf32, #tpu.memory_space<hbm>> -> memref<10240x128xf32, #tpu.memory_space<hbm>>
        tpu.enqueue_indirect_dma source(%dma_start3A_97 : memref<10240x128xf32, #tpu.memory_space<hbm>>) target(%arg12 : memref<128x128xf32, #tpu.memory_space<vmem>>) offsets(%dma_start3A_94 : memref<128xi32, #tpu.memory_space<vmem>>) semaphore(%arg15 : memref<!tpu.dma_semaphore, #tpu.memory_space<semaphore_mem>>)
        %add3A_98 = arith.constant 1 : i32
        %add3A_99 = arith.addi %add3A_78, %add3A_98 : i32
        %dma_wait3A_100 = arith.constant 0 : i32
        %dma_wait3A_101 = tpu.memref_slice %arg9[%add3A_99, %dma_wait3A_100] : memref<40x128xi32, #tpu.memory_space<vmem>> -> memref<1x128xi32, #tpu.memory_space<vmem>>
        %dma_wait3A_102 = tpu.memref_squeeze %dma_wait3A_101 : memref<1x128xi32, #tpu.memory_space<vmem>> -> memref<128xi32, #tpu.memory_space<vmem>>
        %dma_wait3A_103 = arith.constant 0 : i32
        %dma_wait3A_104 = arith.constant 0 : i32
        %dma_wait3A_105 = tpu.memref_slice %arg3[%dma_wait3A_103, %dma_wait3A_104] : memref<10240x128xf32, #tpu.memory_space<hbm>> -> memref<10240x128xf32, #tpu.memory_space<hbm>>
        tpu.wait_indirect_dma semaphore(%arg15 : memref<!tpu.dma_semaphore, #tpu.memory_space<semaphore_mem>>) src(%dma_wait3A_105 : memref<10240x128xf32, #tpu.memory_space<hbm>>) dst(%arg12 : memref<128x128xf32, #tpu.memory_space<vmem>>)
        %add3A_106 = arith.constant 1 : i32
        %add3A_107 = arith.addi %add3A_78, %add3A_106 : i32
        %dma_start3A_108 = arith.constant 0 : i32
        %dma_start3A_109 = tpu.memref_slice %arg10[%add3A_107, %dma_start3A_108] : memref<40x128xi32, #tpu.memory_space<vmem>> -> memref<1x128xi32, #tpu.memory_space<vmem>>
        %dma_start3A_110 = tpu.memref_squeeze %dma_start3A_109 : memref<1x128xi32, #tpu.memory_space<vmem>> -> memref<128xi32, #tpu.memory_space<vmem>>
        %dma_start3A_111 = arith.constant 0 : i32
        %dma_start3A_112 = arith.constant 0 : i32
        %dma_start3A_113 = tpu.memref_slice %arg13[%dma_start3A_111, %dma_start3A_112] : memref<10240x128xf32, #tpu.memory_space<vmem_shared>> -> memref<10240x128xf32, #tpu.memory_space<vmem_shared>>
        tpu.enqueue_indirect_dma source(%arg12 : memref<128x128xf32, #tpu.memory_space<vmem>>) target(%dma_start3A_113 : memref<10240x128xf32, #tpu.memory_space<vmem_shared>>) offsets(%dma_start3A_110 : memref<128xi32, #tpu.memory_space<vmem>>) semaphore(%arg17 : memref<!tpu.dma_semaphore, #tpu.memory_space<semaphore_mem>>) {add = true}
        %dma_wait3A_114 = arith.constant 0 : i32
        %dma_wait3A_115 = tpu.memref_slice %arg10[%add3A_78, %dma_wait3A_114] : memref<40x128xi32, #tpu.memory_space<vmem>> -> memref<1x128xi32, #tpu.memory_space<vmem>>
        %dma_wait3A_116 = tpu.memref_squeeze %dma_wait3A_115 : memref<1x128xi32, #tpu.memory_space<vmem>> -> memref<128xi32, #tpu.memory_space<vmem>>
        %dma_wait3A_117 = arith.constant 0 : i32
        %dma_wait3A_118 = arith.constant 0 : i32
        %dma_wait3A_119 = tpu.memref_slice %arg13[%dma_wait3A_117, %dma_wait3A_118] : memref<10240x128xf32, #tpu.memory_space<vmem_shared>> -> memref<10240x128xf32, #tpu.memory_space<vmem_shared>>
        tpu.wait_indirect_dma semaphore(%arg16 : memref<!tpu.dma_semaphore, #tpu.memory_space<semaphore_mem>>) src(%arg11 : memref<128x128xf32, #tpu.memory_space<vmem>>) dst(%dma_wait3A_119 : memref<10240x128xf32, #tpu.memory_space<vmem_shared>>)
        %add3A_120 = arith.constant 2 : i32
        %add3A_121 = arith.addi %add3A_78, %add3A_120 : i32
        %lt3A = arith.constant 40 : i32
        %lt3A_122 = arith.cmpi slt, %add3A_121, %lt3A : i32
        %convert_element_type3A_123 = arith.extui %lt3A_122 : i1 to i32
        %cond3A_124 = arith.constant 0 : i32
        %cond3A_125 = arith.cmpi ne, %convert_element_type3A_123, %cond3A_124 : i32
        scf.if %cond3A_125 {
          %add3A_134 = arith.constant 2 : i32
          %add3A_135 = arith.addi %add3A_78, %add3A_134 : i32
          %dma_start3A_136 = arith.constant 0 : i32
          %dma_start3A_137 = tpu.memref_slice %arg9[%add3A_135, %dma_start3A_136] : memref<40x128xi32, #tpu.memory_space<vmem>> -> memref<1x128xi32, #tpu.memory_space<vmem>>
          %dma_start3A_138 = tpu.memref_squeeze %dma_start3A_137 : memref<1x128xi32, #tpu.memory_space<vmem>> -> memref<128xi32, #tpu.memory_space<vmem>>
          %dma_start3A_139 = arith.constant 0 : i32
          %dma_start3A_140 = arith.constant 0 : i32
          %dma_start3A_141 = tpu.memref_slice %arg3[%dma_start3A_139, %dma_start3A_140] : memref<10240x128xf32, #tpu.memory_space<hbm>> -> memref<10240x128xf32, #tpu.memory_space<hbm>>
          tpu.enqueue_indirect_dma source(%dma_start3A_141 : memref<10240x128xf32, #tpu.memory_space<hbm>>) target(%arg11 : memref<128x128xf32, #tpu.memory_space<vmem>>) offsets(%dma_start3A_138 : memref<128xi32, #tpu.memory_space<vmem>>) semaphore(%arg14 : memref<!tpu.dma_semaphore, #tpu.memory_space<semaphore_mem>>)
        } else {
        }
        %add3A_126 = arith.constant 1 : i32
        %add3A_127 = arith.addi %add3A_78, %add3A_126 : i32
        %dma_wait3A_128 = arith.constant 0 : i32
        %dma_wait3A_129 = tpu.memref_slice %arg10[%add3A_127, %dma_wait3A_128] : memref<40x128xi32, #tpu.memory_space<vmem>> -> memref<1x128xi32, #tpu.memory_space<vmem>>
        %dma_wait3A_130 = tpu.memref_squeeze %dma_wait3A_129 : memref<1x128xi32, #tpu.memory_space<vmem>> -> memref<128xi32, #tpu.memory_space<vmem>>
        %dma_wait3A_131 = arith.constant 0 : i32
        %dma_wait3A_132 = arith.constant 0 : i32
        %dma_wait3A_133 = tpu.memref_slice %arg13[%dma_wait3A_131, %dma_wait3A_132] : memref<10240x128xf32, #tpu.memory_space<vmem_shared>> -> memref<10240x128xf32, #tpu.memory_space<vmem_shared>>
        tpu.wait_indirect_dma semaphore(%arg17 : memref<!tpu.dma_semaphore, #tpu.memory_space<semaphore_mem>>) src(%arg12 : memref<128x128xf32, #tpu.memory_space<vmem>>) dst(%dma_wait3A_133 : memref<10240x128xf32, #tpu.memory_space<vmem_shared>>)
      }
      %scan3A_72 = arith.constant 20 : i32
      %barrier3A_73 = arith.constant 0 : index
      tpu.barrier barrier_id(%barrier3A_73)
      %run_scoped3A = arith.constant 1 : i32
      "tpu.region"() ({
        %run_scoped3A_74 = tpu.sem_alloc : memref<!tpu.dma_semaphore, #tpu.memory_space<semaphore_mem>>
        %dma_start3A_75 = arith.constant 0 : i32
        %dma_start3A_76 = tpu.memref_slice %arg8[%run_scoped3A, %mul3A_10, %dma_start3A_75] : memref<2x10240x128xf32, #tpu.memory_space<hbm>> -> memref<1x640x128xf32, #tpu.memory_space<hbm>>
        %dma_start3A_77 = tpu.memref_squeeze %dma_start3A_76 : memref<1x640x128xf32, #tpu.memory_space<hbm>> -> memref<640x128xf32, #tpu.memory_space<hbm>>
        %dma_start3A_78 = arith.constant 0 : i32
        %dma_start3A_79 = tpu.memref_slice %arg13[%mul3A_10, %dma_start3A_78] : memref<10240x128xf32, #tpu.memory_space<vmem_shared>> -> memref<640x128xf32, #tpu.memory_space<vmem_shared>>
        tpu.enqueue_dma source(%dma_start3A_79 : memref<640x128xf32, #tpu.memory_space<vmem_shared>>) target(%dma_start3A_77 : memref<640x128xf32, #tpu.memory_space<hbm>>) target_semaphore(%run_scoped3A_74 : memref<!tpu.dma_semaphore, #tpu.memory_space<semaphore_mem>>)
        %dma_wait3A = arith.constant 0 : i32
        %dma_wait3A_80 = tpu.memref_slice %arg8[%run_scoped3A, %mul3A_10, %dma_wait3A] : memref<2x10240x128xf32, #tpu.memory_space<hbm>> -> memref<1x640x128xf32, #tpu.memory_space<hbm>>
        %dma_wait3A_81 = tpu.memref_squeeze %dma_wait3A_80 : memref<1x640x128xf32, #tpu.memory_space<hbm>> -> memref<640x128xf32, #tpu.memory_space<hbm>>
        %dma_wait3A_82 = arith.constant 0 : i32
        %dma_wait3A_83 = tpu.memref_slice %arg13[%mul3A_10, %dma_wait3A_82] : memref<10240x128xf32, #tpu.memory_space<vmem_shared>> -> memref<640x128xf32, #tpu.memory_space<vmem_shared>>
        tpu.wait_dma2 semaphore(%run_scoped3A_74 : memref<!tpu.dma_semaphore, #tpu.memory_space<semaphore_mem>>) src(%dma_wait3A_83 : memref<640x128xf32, #tpu.memory_space<vmem_shared>>) dst(%dma_wait3A_81 : memref<640x128xf32, #tpu.memory_space<hbm>>)
        tpu.yield
      }) : () -> ()
    } else {
    }
    return
  }
}

module attributes {stable_mosaic.version = 14 : i64} {
  func.func @_tc_a_body(%arg0: i32, %arg1: memref<2048x128xf32, #tpu.memory_space<vmem>>, %arg2: memref<128x128xf32, #tpu.memory_space<vmem>>, %arg3: memref<1x128xf32, #tpu.memory_space<vmem>>, %arg4: memref<2048x1xf32, #tpu.memory_space<vmem>>, %arg5: memref<2048x128xf32, #tpu.memory_space<vmem>>) attributes {dimension_semantics = [#tpu.dimension_semantics<arbitrary>], iteration_bounds = array<i64: 5>, scalar_prefetch = 0 : i64, scratch_operands = 0 : i64, tpu.core_type = #tpu.core_type<tc>, window_params = [{transform_indices = @transform_0, window_bounds = array<i64: 2048, 128>}, {pipeline_mode = #tpu.pipeline_mode<synchronous>, transform_indices = @transform_1, window_bounds = array<i64: 128, 128>}, {pipeline_mode = #tpu.pipeline_mode<synchronous>, transform_indices = @transform_2, window_bounds = array<i64: 1, 128>}, {transform_indices = @transform_3, window_bounds = array<i64: 2048, 1>}, {transform_indices = @transform_4, window_bounds = array<i64: 2048, 128>}]} {
    %get3A = arith.constant 0 : index
    %get3A_0 = arith.constant 0 : index
    %get3A_1 = vector.load %arg1[%get3A, %get3A_0] : memref<2048x128xf32, #tpu.memory_space<vmem>>, vector<2048x128xf32>
    %get3A_2 = arith.constant 0 : index
    %get3A_3 = arith.constant 0 : index
    %get3A_4 = vector.load %arg2[%get3A_2, %get3A_3] : memref<128x128xf32, #tpu.memory_space<vmem>>, vector<128x128xf32>
    %dot_general3A = arith.constant dense<0.000000e+00> : vector<2048x128xf32>
    %dot_general3A_5 = tpu.matmul %get3A_1, %get3A_4, %dot_general3A {dimension_numbers = #tpu.dot_dimension_numbers<[1], [0], [0], [1], [0, 0, 1, 1], [], []>, transpose_lhs_hint = false} : vector<2048x128xf32>, vector<128x128xf32>, vector<2048x128xf32> -> vector<2048x128xf32>
    %get3A_6 = arith.constant 0 : index
    %get3A_7 = arith.constant 0 : index
    %get3A_8 = vector.load %arg3[%get3A_6, %get3A_7] : memref<1x128xf32, #tpu.memory_space<vmem>>, vector<1x128xf32>
    %add3A = vector.broadcast %get3A_8 : vector<1x128xf32> to vector<2048x128xf32>
    %add3A_9 = arith.addf %dot_general3A_5, %add3A : vector<2048x128xf32>
    %logistic3A = arith.negf %add3A_9 : vector<2048x128xf32>
    %logistic3A_10 = math.exp %logistic3A : vector<2048x128xf32>
    %logistic3A_11 = arith.constant 1.000000e+00 : f32
    %logistic3A_12 = vector.broadcast %logistic3A_11 : f32 to vector<2048x128xf32>
    %logistic3A_13 = arith.addf %logistic3A_12, %logistic3A_10 : vector<2048x128xf32>
    %logistic3A_14 = arith.divf %logistic3A_12, %logistic3A_13 : vector<2048x128xf32>
    %get3A_15 = arith.constant 0 : index
    %get3A_16 = arith.constant 0 : index
    %get3A_17 = vector.load %arg4[%get3A_15, %get3A_16] : memref<2048x1xf32, #tpu.memory_space<vmem>>, vector<2048x1xf32>
    %mul3A = vector.broadcast %get3A_17 : vector<2048x1xf32> to vector<2048x128xf32>
    %mul3A_18 = arith.mulf %logistic3A_14, %mul3A : vector<2048x128xf32>
    %swap3A = arith.constant 0 : index
    %swap3A_19 = arith.constant 0 : index
    %swap3A_20 = vector.load %arg5[%swap3A, %swap3A_19] : memref<2048x128xf32, #tpu.memory_space<vmem>>, vector<2048x128xf32>
    tpu.vector_store %arg5[%swap3A, %swap3A_19], %mul3A_18 {strides = array<i32>} : memref<2048x128xf32, #tpu.memory_space<vmem>>, vector<2048x128xf32>,
    return
  }
  func.func @transform_0(%arg0: i32) -> (i32, i32) {
    %c0_i32 = arith.constant 0 : i32
    %c0_i32_0 = arith.constant 0 : i32
    return %arg0, %c0_i32 : i32, i32
  }
  func.func @transform_1(%arg0: i32) -> (i32, i32) {
    %c0_i32 = arith.constant 0 : i32
    %c0_i32_0 = arith.constant 0 : i32
    %c0_i32_1 = arith.constant 0 : i32
    return %c0_i32, %c0_i32_0 : i32, i32
  }
  func.func @transform_2(%arg0: i32) -> (i32, i32) {
    %c0_i32 = arith.constant 0 : i32
    %c0_i32_0 = arith.constant 0 : i32
    %c0_i32_1 = arith.constant 0 : i32
    return %c0_i32, %c0_i32_0 : i32, i32
  }
  func.func @transform_3(%arg0: i32) -> (i32, i32) {
    %c0_i32 = arith.constant 0 : i32
    %c0_i32_0 = arith.constant 0 : i32
    return %arg0, %c0_i32 : i32, i32
  }
  func.func @transform_4(%arg0: i32) -> (i32, i32) {
    %c0_i32 = arith.constant 0 : i32
    %c0_i32_0 = arith.constant 0 : i32
    return %arg0, %c0_i32 : i32, i32
  }
}

module attributes {stable_mosaic.version = 14 : i64} {
  func.func @_tc_b_body(%arg0: i32, %arg1: memref<2048x128xf32, #tpu.memory_space<vmem>>, %arg2: memref<2048x128xf32, #tpu.memory_space<vmem>>, %arg3: memref<2048x1xf32, #tpu.memory_space<vmem>>, %arg4: memref<128x256xf32, #tpu.memory_space<vmem>>, %arg5: memref<1x256xf32, #tpu.memory_space<vmem>>, %arg6: memref<2048x256xf32, #tpu.memory_space<vmem>>) attributes {dimension_semantics = [#tpu.dimension_semantics<arbitrary>], iteration_bounds = array<i64: 5>, scalar_prefetch = 0 : i64, scratch_operands = 0 : i64, tpu.core_type = #tpu.core_type<tc>, window_params = [{transform_indices = @transform_0, window_bounds = array<i64: 2048, 128>}, {transform_indices = @transform_1, window_bounds = array<i64: 2048, 128>}, {transform_indices = @transform_2, window_bounds = array<i64: 2048, 1>}, {pipeline_mode = #tpu.pipeline_mode<synchronous>, transform_indices = @transform_3, window_bounds = array<i64: 128, 256>}, {pipeline_mode = #tpu.pipeline_mode<synchronous>, transform_indices = @transform_4, window_bounds = array<i64: 1, 256>}, {transform_indices = @transform_5, window_bounds = array<i64: 2048, 256>}]} {
    %get3A = arith.constant 0 : index
    %get3A_0 = arith.constant 0 : index
    %get3A_1 = vector.load %arg1[%get3A, %get3A_0] : memref<2048x128xf32, #tpu.memory_space<vmem>>, vector<2048x128xf32>
    %get3A_2 = arith.constant 0 : index
    %get3A_3 = arith.constant 0 : index
    %get3A_4 = vector.load %arg2[%get3A_2, %get3A_3] : memref<2048x128xf32, #tpu.memory_space<vmem>>, vector<2048x128xf32>
    %add3A = arith.addf %get3A_1, %get3A_4 : vector<2048x128xf32>
    %get3A_5 = arith.constant 0 : index
    %get3A_6 = arith.constant 0 : index
    %get3A_7 = vector.load %arg3[%get3A_5, %get3A_6] : memref<2048x1xf32, #tpu.memory_space<vmem>>, vector<2048x1xf32>
    %mul3A = vector.broadcast %get3A_7 : vector<2048x1xf32> to vector<2048x128xf32>
    %mul3A_8 = arith.mulf %add3A, %mul3A : vector<2048x128xf32>
    %get3A_9 = arith.constant 0 : index
    %get3A_10 = arith.constant 0 : index
    %get3A_11 = vector.load %arg4[%get3A_9, %get3A_10] : memref<128x256xf32, #tpu.memory_space<vmem>>, vector<128x256xf32>
    %dot_general3A = arith.constant dense<0.000000e+00> : vector<2048x256xf32>
    %dot_general3A_12 = tpu.matmul %mul3A_8, %get3A_11, %dot_general3A {dimension_numbers = #tpu.dot_dimension_numbers<[1], [0], [0], [1], [0, 0, 1, 1], [], []>, transpose_lhs_hint = false} : vector<2048x128xf32>, vector<128x256xf32>, vector<2048x256xf32> -> vector<2048x256xf32>
    %get3A_13 = arith.constant 0 : index
    %get3A_14 = arith.constant 0 : index
    %get3A_15 = vector.load %arg5[%get3A_13, %get3A_14] : memref<1x256xf32, #tpu.memory_space<vmem>>, vector<1x256xf32>
    %add3A_16 = vector.broadcast %get3A_15 : vector<1x256xf32> to vector<2048x256xf32>
    %add3A_17 = arith.addf %dot_general3A_12, %add3A_16 : vector<2048x256xf32>
    %max3A = arith.constant 0.000000e+00 : f32
    %max3A_18 = vector.broadcast %max3A : f32 to vector<2048x256xf32>
    %max3A_19 = arith.maximumf %add3A_17, %max3A_18 : vector<2048x256xf32>
    %get3A_20 = arith.constant 0 : index
    %get3A_21 = arith.constant 0 : index
    %get3A_22 = vector.load %arg3[%get3A_20, %get3A_21] : memref<2048x1xf32, #tpu.memory_space<vmem>>, vector<2048x1xf32>
    %mul3A_23 = vector.broadcast %get3A_22 : vector<2048x1xf32> to vector<2048x256xf32>
    %mul3A_24 = arith.mulf %max3A_19, %mul3A_23 : vector<2048x256xf32>
    %swap3A = arith.constant 0 : index
    %swap3A_25 = arith.constant 0 : index
    %swap3A_26 = vector.load %arg6[%swap3A, %swap3A_25] : memref<2048x256xf32, #tpu.memory_space<vmem>>, vector<2048x256xf32>
    tpu.vector_store %arg6[%swap3A, %swap3A_25], %mul3A_24 {strides = array<i32>} : memref<2048x256xf32, #tpu.memory_space<vmem>>, vector<2048x256xf32>,
    return
  }
  func.func @transform_0(%arg0: i32) -> (i32, i32) {
    %c0_i32 = arith.constant 0 : i32
    %c0_i32_0 = arith.constant 0 : i32
    return %arg0, %c0_i32 : i32, i32
  }
  func.func @transform_1(%arg0: i32) -> (i32, i32) {
    %c0_i32 = arith.constant 0 : i32
    %c0_i32_0 = arith.constant 0 : i32
    return %arg0, %c0_i32 : i32, i32
  }
  func.func @transform_2(%arg0: i32) -> (i32, i32) {
    %c0_i32 = arith.constant 0 : i32
    %c0_i32_0 = arith.constant 0 : i32
    return %arg0, %c0_i32 : i32, i32
  }
  func.func @transform_3(%arg0: i32) -> (i32, i32) {
    %c0_i32 = arith.constant 0 : i32
    %c0_i32_0 = arith.constant 0 : i32
    %c0_i32_1 = arith.constant 0 : i32
    return %c0_i32, %c0_i32_0 : i32, i32
  }
  func.func @transform_4(%arg0: i32) -> (i32, i32) {
    %c0_i32 = arith.constant 0 : i32
    %c0_i32_0 = arith.constant 0 : i32
    %c0_i32_1 = arith.constant 0 : i32
    return %c0_i32, %c0_i32_0 : i32, i32
  }
  func.func @transform_5(%arg0: i32) -> (i32, i32) {
    %c0_i32 = arith.constant 0 : i32
    %c0_i32_0 = arith.constant 0 : i32
    return %arg0, %c0_i32 : i32, i32
  }
}

module attributes {stable_mosaic.version = 14 : i64} {
  func.func @_tc_c_body(%arg0: i32, %arg1: memref<2048x128xf32, #tpu.memory_space<vmem>>, %arg2: memref<2048x128xf32, #tpu.memory_space<vmem>>, %arg3: memref<2048x1xf32, #tpu.memory_space<vmem>>, %arg4: memref<128x256xf32, #tpu.memory_space<vmem>>, %arg5: memref<128x256xf32, #tpu.memory_space<vmem>>, %arg6: memref<1x256xf32, #tpu.memory_space<vmem>>, %arg7: memref<256x128xf32, #tpu.memory_space<vmem>>, %arg8: memref<2048x128xf32, #tpu.memory_space<vmem>>) attributes {dimension_semantics = [#tpu.dimension_semantics<arbitrary>], iteration_bounds = array<i64: 5>, scalar_prefetch = 0 : i64, scratch_operands = 0 : i64, tpu.core_type = #tpu.core_type<tc>, window_params = [{transform_indices = @transform_0, window_bounds = array<i64: 2048, 128>}, {transform_indices = @transform_1, window_bounds = array<i64: 2048, 128>}, {transform_indices = @transform_2, window_bounds = array<i64: 2048, 1>}, {pipeline_mode = #tpu.pipeline_mode<synchronous>, transform_indices = @transform_3, window_bounds = array<i64: 128, 256>}, {pipeline_mode = #tpu.pipeline_mode<synchronous>, transform_indices = @transform_4, window_bounds = array<i64: 128, 256>}, {pipeline_mode = #tpu.pipeline_mode<synchronous>, transform_indices = @transform_5, window_bounds = array<i64: 1, 256>}, {pipeline_mode = #tpu.pipeline_mode<synchronous>, transform_indices = @transform_6, window_bounds = array<i64: 256, 128>}, {transform_indices = @transform_7, window_bounds = array<i64: 2048, 128>}]} {
    %get3A = arith.constant 0 : index
    %get3A_0 = arith.constant 0 : index
    %get3A_1 = vector.load %arg1[%get3A, %get3A_0] : memref<2048x128xf32, #tpu.memory_space<vmem>>, vector<2048x128xf32>
    %get3A_2 = arith.constant 0 : index
    %get3A_3 = arith.constant 0 : index
    %get3A_4 = vector.load %arg3[%get3A_2, %get3A_3] : memref<2048x1xf32, #tpu.memory_space<vmem>>, vector<2048x1xf32>
    %mul3A = vector.broadcast %get3A_4 : vector<2048x1xf32> to vector<2048x128xf32>
    %mul3A_5 = arith.mulf %get3A_1, %mul3A : vector<2048x128xf32>
    %get3A_6 = arith.constant 0 : index
    %get3A_7 = arith.constant 0 : index
    %get3A_8 = vector.load %arg2[%get3A_6, %get3A_7] : memref<2048x128xf32, #tpu.memory_space<vmem>>, vector<2048x128xf32>
    %get3A_9 = arith.constant 0 : index
    %get3A_10 = arith.constant 0 : index
    %get3A_11 = vector.load %arg3[%get3A_9, %get3A_10] : memref<2048x1xf32, #tpu.memory_space<vmem>>, vector<2048x1xf32>
    %mul3A_12 = vector.broadcast %get3A_11 : vector<2048x1xf32> to vector<2048x128xf32>
    %mul3A_13 = arith.mulf %get3A_8, %mul3A_12 : vector<2048x128xf32>
    %get3A_14 = arith.constant 0 : index
    %get3A_15 = arith.constant 0 : index
    %get3A_16 = vector.load %arg4[%get3A_14, %get3A_15] : memref<128x256xf32, #tpu.memory_space<vmem>>, vector<128x256xf32>
    %dot_general3A = arith.constant dense<0.000000e+00> : vector<2048x256xf32>
    %dot_general3A_17 = tpu.matmul %mul3A_5, %get3A_16, %dot_general3A {dimension_numbers = #tpu.dot_dimension_numbers<[1], [0], [0], [1], [0, 0, 1, 1], [], []>, transpose_lhs_hint = false} : vector<2048x128xf32>, vector<128x256xf32>, vector<2048x256xf32> -> vector<2048x256xf32>
    %get3A_18 = arith.constant 0 : index
    %get3A_19 = arith.constant 0 : index
    %get3A_20 = vector.load %arg5[%get3A_18, %get3A_19] : memref<128x256xf32, #tpu.memory_space<vmem>>, vector<128x256xf32>
    %dot_general3A_21 = arith.constant dense<0.000000e+00> : vector<2048x256xf32>
    %dot_general3A_22 = tpu.matmul %mul3A_13, %get3A_20, %dot_general3A_21 {dimension_numbers = #tpu.dot_dimension_numbers<[1], [0], [0], [1], [0, 0, 1, 1], [], []>, transpose_lhs_hint = false} : vector<2048x128xf32>, vector<128x256xf32>, vector<2048x256xf32> -> vector<2048x256xf32>
    %add3A = arith.addf %dot_general3A_17, %dot_general3A_22 : vector<2048x256xf32>
    %get3A_23 = arith.constant 0 : index
    %get3A_24 = arith.constant 0 : index
    %get3A_25 = vector.load %arg6[%get3A_23, %get3A_24] : memref<1x256xf32, #tpu.memory_space<vmem>>, vector<1x256xf32>
    %add3A_26 = vector.broadcast %get3A_25 : vector<1x256xf32> to vector<2048x256xf32>
    %add3A_27 = arith.addf %add3A, %add3A_26 : vector<2048x256xf32>
    %max3A = arith.constant 0.000000e+00 : f32
    %max3A_28 = vector.broadcast %max3A : f32 to vector<2048x256xf32>
    %max3A_29 = arith.maximumf %add3A_27, %max3A_28 : vector<2048x256xf32>
    %get3A_30 = arith.constant 0 : index
    %get3A_31 = arith.constant 0 : index
    %get3A_32 = vector.load %arg7[%get3A_30, %get3A_31] : memref<256x128xf32, #tpu.memory_space<vmem>>, vector<256x128xf32>
    %dot_general3A_33 = arith.constant dense<0.000000e+00> : vector<2048x128xf32>
    %dot_general3A_34 = tpu.matmul %max3A_29, %get3A_32, %dot_general3A_33 {dimension_numbers = #tpu.dot_dimension_numbers<[1], [0], [0], [1], [0, 0, 1, 1], [], []>, transpose_lhs_hint = false} : vector<2048x256xf32>, vector<256x128xf32>, vector<2048x128xf32> -> vector<2048x128xf32>
    %get3A_35 = arith.constant 0 : index
    %get3A_36 = arith.constant 0 : index
    %get3A_37 = vector.load %arg3[%get3A_35, %get3A_36] : memref<2048x1xf32, #tpu.memory_space<vmem>>, vector<2048x1xf32>
    %mul3A_38 = vector.broadcast %get3A_37 : vector<2048x1xf32> to vector<2048x128xf32>
    %mul3A_39 = arith.mulf %dot_general3A_34, %mul3A_38 : vector<2048x128xf32>
    %swap3A = arith.constant 0 : index
    %swap3A_40 = arith.constant 0 : index
    %swap3A_41 = vector.load %arg8[%swap3A, %swap3A_40] : memref<2048x128xf32, #tpu.memory_space<vmem>>, vector<2048x128xf32>
    tpu.vector_store %arg8[%swap3A, %swap3A_40], %mul3A_39 {strides = array<i32>} : memref<2048x128xf32, #tpu.memory_space<vmem>>, vector<2048x128xf32>,
    return
  }
  func.func @transform_0(%arg0: i32) -> (i32, i32) {
    %c0_i32 = arith.constant 0 : i32
    %c0_i32_0 = arith.constant 0 : i32
    return %arg0, %c0_i32 : i32, i32
  }
  func.func @transform_1(%arg0: i32) -> (i32, i32) {
    %c0_i32 = arith.constant 0 : i32
    %c0_i32_0 = arith.constant 0 : i32
    return %arg0, %c0_i32 : i32, i32
  }
  func.func @transform_2(%arg0: i32) -> (i32, i32) {
    %c0_i32 = arith.constant 0 : i32
    %c0_i32_0 = arith.constant 0 : i32
    return %arg0, %c0_i32 : i32, i32
  }
  func.func @transform_3(%arg0: i32) -> (i32, i32) {
    %c0_i32 = arith.constant 0 : i32
    %c0_i32_0 = arith.constant 0 : i32
    %c0_i32_1 = arith.constant 0 : i32
    return %c0_i32, %c0_i32_0 : i32, i32
  }
  func.func @transform_4(%arg0: i32) -> (i32, i32) {
    %c0_i32 = arith.constant 0 : i32
    %c0_i32_0 = arith.constant 0 : i32
    %c0_i32_1 = arith.constant 0 : i32
    return %c0_i32, %c0_i32_0 : i32, i32
  }
  func.func @transform_5(%arg0: i32) -> (i32, i32) {
    %c0_i32 = arith.constant 0 : i32
    %c0_i32_0 = arith.constant 0 : i32
    %c0_i32_1 = arith.constant 0 : i32
    return %c0_i32, %c0_i32_0 : i32, i32
  }
  func.func @transform_6(%arg0: i32) -> (i32, i32) {
    %c0_i32 = arith.constant 0 : i32
    %c0_i32_0 = arith.constant 0 : i32
    %c0_i32_1 = arith.constant 0 : i32
    return %c0_i32, %c0_i32_0 : i32, i32
  }
  func.func @transform_7(%arg0: i32) -> (i32, i32) {
    %c0_i32 = arith.constant 0 : i32
    %c0_i32_0 = arith.constant 0 : i32
    return %arg0, %c0_i32 : i32, i32
  }
}

module attributes {stable_mosaic.version = 14 : i64} {
  func.func @_tc_d_body(%arg0: i32, %arg1: memref<2048x128xf32, #tpu.memory_space<vmem>>, %arg2: memref<2048x128xf32, #tpu.memory_space<vmem>>, %arg3: memref<2048x1xf32, #tpu.memory_space<vmem>>, %arg4: memref<1x128xf32, #tpu.memory_space<vmem>>, %arg5: memref<128x128xf32, #tpu.memory_space<vmem>>, %arg6: memref<1x128xf32, #tpu.memory_space<vmem>>, %arg7: memref<2048x128xf32, #tpu.memory_space<vmem>>) attributes {dimension_semantics = [#tpu.dimension_semantics<arbitrary>], iteration_bounds = array<i64: 5>, scalar_prefetch = 0 : i64, scratch_operands = 0 : i64, tpu.core_type = #tpu.core_type<tc>, window_params = [{transform_indices = @transform_0, window_bounds = array<i64: 2048, 128>}, {transform_indices = @transform_1, window_bounds = array<i64: 2048, 128>}, {transform_indices = @transform_2, window_bounds = array<i64: 2048, 1>}, {pipeline_mode = #tpu.pipeline_mode<synchronous>, transform_indices = @transform_3, window_bounds = array<i64: 1, 128>}, {pipeline_mode = #tpu.pipeline_mode<synchronous>, transform_indices = @transform_4, window_bounds = array<i64: 128, 128>}, {pipeline_mode = #tpu.pipeline_mode<synchronous>, transform_indices = @transform_5, window_bounds = array<i64: 1, 128>}, {transform_indices = @transform_6, window_bounds = array<i64: 2048, 128>}]} {
    %get3A = arith.constant 0 : index
    %get3A_0 = arith.constant 0 : index
    %get3A_1 = vector.load %arg1[%get3A, %get3A_0] : memref<2048x128xf32, #tpu.memory_space<vmem>>, vector<2048x128xf32>
    %get3A_2 = arith.constant 0 : index
    %get3A_3 = arith.constant 0 : index
    %get3A_4 = vector.load %arg2[%get3A_2, %get3A_3] : memref<2048x128xf32, #tpu.memory_space<vmem>>, vector<2048x128xf32>
    %add3A = arith.addf %get3A_1, %get3A_4 : vector<2048x128xf32>
    %get3A_5 = arith.constant 0 : index
    %get3A_6 = arith.constant 0 : index
    %get3A_7 = vector.load %arg3[%get3A_5, %get3A_6] : memref<2048x1xf32, #tpu.memory_space<vmem>>, vector<2048x1xf32>
    %mul3A = vector.broadcast %get3A_7 : vector<2048x1xf32> to vector<2048x128xf32>
    %mul3A_8 = arith.mulf %add3A, %mul3A : vector<2048x128xf32>
    %get3A_9 = arith.constant 0 : index
    %get3A_10 = arith.constant 0 : index
    %get3A_11 = vector.load %arg4[%get3A_9, %get3A_10] : memref<1x128xf32, #tpu.memory_space<vmem>>, vector<1x128xf32>
    %add3A_12 = vector.broadcast %get3A_11 : vector<1x128xf32> to vector<2048x128xf32>
    %add3A_13 = arith.addf %mul3A_8, %add3A_12 : vector<2048x128xf32>
    %max3A = arith.constant 0.000000e+00 : f32
    %max3A_14 = vector.broadcast %max3A : f32 to vector<2048x128xf32>
    %max3A_15 = arith.maximumf %add3A_13, %max3A_14 : vector<2048x128xf32>
    %get3A_16 = arith.constant 0 : index
    %get3A_17 = arith.constant 0 : index
    %get3A_18 = vector.load %arg5[%get3A_16, %get3A_17] : memref<128x128xf32, #tpu.memory_space<vmem>>, vector<128x128xf32>
    %dot_general3A = arith.constant dense<0.000000e+00> : vector<2048x128xf32>
    %dot_general3A_19 = tpu.matmul %max3A_15, %get3A_18, %dot_general3A {dimension_numbers = #tpu.dot_dimension_numbers<[1], [0], [0], [1], [0, 0, 1, 1], [], []>, transpose_lhs_hint = false} : vector<2048x128xf32>, vector<128x128xf32>, vector<2048x128xf32> -> vector<2048x128xf32>
    %get3A_20 = arith.constant 0 : index
    %get3A_21 = arith.constant 0 : index
    %get3A_22 = vector.load %arg6[%get3A_20, %get3A_21] : memref<1x128xf32, #tpu.memory_space<vmem>>, vector<1x128xf32>
    %add3A_23 = vector.broadcast %get3A_22 : vector<1x128xf32> to vector<2048x128xf32>
    %add3A_24 = arith.addf %dot_general3A_19, %add3A_23 : vector<2048x128xf32>
    %max3A_25 = arith.constant 0.000000e+00 : f32
    %max3A_26 = vector.broadcast %max3A_25 : f32 to vector<2048x128xf32>
    %max3A_27 = arith.maximumf %add3A_24, %max3A_26 : vector<2048x128xf32>
    %swap3A = arith.constant 0 : index
    %swap3A_28 = arith.constant 0 : index
    %swap3A_29 = vector.load %arg7[%swap3A, %swap3A_28] : memref<2048x128xf32, #tpu.memory_space<vmem>>, vector<2048x128xf32>
    tpu.vector_store %arg7[%swap3A, %swap3A_28], %max3A_27 {strides = array<i32>} : memref<2048x128xf32, #tpu.memory_space<vmem>>, vector<2048x128xf32>,
    return
  }
  func.func @transform_0(%arg0: i32) -> (i32, i32) {
    %c0_i32 = arith.constant 0 : i32
    %c0_i32_0 = arith.constant 0 : i32
    return %arg0, %c0_i32 : i32, i32
  }
  func.func @transform_1(%arg0: i32) -> (i32, i32) {
    %c0_i32 = arith.constant 0 : i32
    %c0_i32_0 = arith.constant 0 : i32
    return %arg0, %c0_i32 : i32, i32
  }
  func.func @transform_2(%arg0: i32) -> (i32, i32) {
    %c0_i32 = arith.constant 0 : i32
    %c0_i32_0 = arith.constant 0 : i32
    return %arg0, %c0_i32 : i32, i32
  }
  func.func @transform_3(%arg0: i32) -> (i32, i32) {
    %c0_i32 = arith.constant 0 : i32
    %c0_i32_0 = arith.constant 0 : i32
    %c0_i32_1 = arith.constant 0 : i32
    return %c0_i32, %c0_i32_0 : i32, i32
  }
  func.func @transform_4(%arg0: i32) -> (i32, i32) {
    %c0_i32 = arith.constant 0 : i32
    %c0_i32_0 = arith.constant 0 : i32
    %c0_i32_1 = arith.constant 0 : i32
    return %c0_i32, %c0_i32_0 : i32, i32
  }
  func.func @transform_5(%arg0: i32) -> (i32, i32) {
    %c0_i32 = arith.constant 0 : i32
    %c0_i32_0 = arith.constant 0 : i32
    %c0_i32_1 = arith.constant 0 : i32
    return %c0_i32, %c0_i32_0 : i32, i32
  }
  func.func @transform_6(%arg0: i32) -> (i32, i32) {
    %c0_i32 = arith.constant 0 : i32
    %c0_i32_0 = arith.constant 0 : i32
    return %arg0, %c0_i32 : i32, i32
  }
}

</mosaic_0001>

<sc_bundles>
// kernel: kernel.10.cloned.1.call-start
scs
__scs_entry_jumppad:
0x0: {  	(pc) =	sbr.rel $0x88, $3  }
0x1: {  	(tag) =	ssettag $0x0;
	lr =	simm.s32 $0x1  }
0x2: {  	[smem:$0x3F95] =	sst lr;
	_ =	strace $0xD0000000  }
0x3: {  	_ = 	snop  }
0x4: {  	_ = 	snop  }
0x5: {  	_ = 	snop  }
0x6: {  	_ = 	snop  }
0x7: {  	_ = 	snop  }
__scs_overlays_trampoline_lowered:
0x8: {  	[smem:$0x3FA4] =	sst s0  }
0x9: {  	[smem:$0x3FA5] =	sst s1  }
0xa: {  	[smem:$0x3FA6] =	sst s2  }
0xb: {  	[smem:$0x3FA7] =	sst s3  }
0xc: {  	[smem:$0x3FA8] =	sst s4  }
0xd: {  	[smem:$0x3FA9] =	sst s5  }
0xe: {  	[smem:$0x3FAA] =	sst s6  }
0xf: {  	[smem:$0x3FAB] =	sst s7  }
0x10: {  	[smem:$0x3FAC] =	sst s8  }
0x11: {  	[smem:$0x3FAD] =	sst s9;
	s0 =	simm.s32 @!p0 $0x0  }
0x12: {  	s1 =	sld [smem:$0x3F93];
	s0 =	simm.s32 @p0 $0x1  }
0x13: {  	[smem:$0x3FAE] =	sst s0;
	s0 =	simm.s32 @!p1 $0x0  }
0x14: {  	s2 =	sld [smem:$0x3F92];
	s0 =	simm.s32 @p1 $0x1  }
0x15: {  	[smem:$0x3FAF] =	sst s0;
	s0 =	simm.s32 @!p2 $0x0  }
0x16: {  	s3 =	sld [smem:$0x3FDB];
	s0 =	simm.s32 @p2 $0x1  }
0x17: {  	s4 =	simm.s32 $0x1BF5;
	[smem:$0x3FB1] =	sst s0  }
0x18: {  	s0 =	sld [smem:$0x3F94];
	_ =	swait.ge [sflag:s4], $0x0  }
0x19: {  	s7 =	sld [smem:$0x3F95]  }
0x1a: {  	s8 =	sadd.s32 $0xFFFFE003, lr  }
0x1b: {  	s9 =	sadd.s32 $0xFFFFFEF7, lr;
	s5 =	simm.s32 $0xFFFFFFFF;
	p2 =	slt.u32 s8, $0xFFFFF086  }
0x1c: {  	p1 =	slt.u32 s9, $0xF7A;
	s5 =	simm.s32 @!p2 $0x0  }
0x1d: {  	s5 =	simm.s32 @p1 $0x1;
	p0 =	seq.s32 s7, s2  }
0x1e: {  	s7 =	smul.u32 @!p0 $0xF7A, s2;
	p2 =	seq.s32 @!p0 s5, $0x0  }
0x1f: {  	s9 =	smul.u32 $0xF7A, s1;
	s8 =	simm.s32 @!p0 $0x1BF5;
	p2 =	por !p2, p0  }
0x20: {  	[sflag:s8] =	ssyncset.s32 @!p0 $0xFFFFF086;
	s6 =	sadd.s32 @!p0 s3, s7;
	s7 =	simm.s32 @!p0 $0x108  }
0x21: {  	s3 =	sadd.s32 s3, s9;
	s6 =	sadd.s32 @!p0 $0x88, s6;
	s7 =	simm.s32 @p2 $0x1082  }
0x22: {  	[simem:s7], [sflag:s8] =	dma.local @!p0 [hbm:s6], $0xF7A  }
0x23: {  	s9 =	sor.u32 $0xD0000000, s2;
	s6 =	simm.s32 $0x108;
	_ =	swait.ge @!p0 [sflag:s8], $0x0  }
0x24: {  	s3 =	sadd.s32 $0x88, s3;
	s6 =	simm.s32 @!p1 $0x1082;
	[sflag:s4] =	ssyncset.s32 $0xFFFFF086  }
0x25: {  	[simem:s6], [sflag:s4] =	dma.local [hbm:s3], $0xF7A  }
0x26: {  	[smem:$0x3F95] =	sst s1;
	(tag) =	ssettag s2;
	_ =	strace s9  }
0x27: {  	s1 =	sld [smem:$0x3FA5]  }
0x28: {  	s2 =	sld [smem:$0x3FA6]  }
0x29: {  	s4 =	sld [smem:$0x3FA8]  }
0x2a: {  	p0 =	seq.s32 s5, $0x0;
	s5 =	sld [smem:$0x3FA9]  }
0x2b: {  	s6 =	sld [smem:$0x3FAA]  }
0x2c: {  	s7 =	sld [smem:$0x3FAB]  }
0x2d: {  	s3 =	simm.s32 $0x108;
	s8 =	sld [smem:$0x3FAC]  }
0x2e: {  	s3 =	simm.s32 @!p0 $0x1082;
	s9 =	sld [smem:$0x3FAD]  }
0x2f: {  	lr =	sadd.s32 s0, s3;
	s0 =	sld [smem:$0x3FA4]  }
0x30: {  	s3 =	sld [smem:$0x3FA7]  }
0x31: {  	[smem:$0x3FB0] =	sst s10  }
0x32: {  	s10 =	sld [smem:$0x3FAE];
	_ =	sdelay $0x3  }
0x33: {  	p0 =	seq.s32 s10, $0x1;
	s10 =	sld [smem:$0x3FB0];
	_ =	sdelay $0x3  }
0x34: {  	[smem:$0x3FB0] =	sst s10  }
0x35: {  	s10 =	sld [smem:$0x3FAF];
	_ =	sdelay $0x3  }
0x36: {  	p1 =	seq.s32 s10, $0x1;
	s10 =	sld [smem:$0x3FB0];
	_ =	sdelay $0x3  }
0x37: {  	[smem:$0x3FB0] =	sst s10  }
0x38: {  	s10 =	sld [smem:$0x3FB1]  }
0x39: {  	_ = 	snop;
	(pc) =	sbr.ind lr, $3  }
0x3a: {  	_ = 	snop  }
0x3b: {  	_ = 	snop  }
0x3c: {  	p2 =	seq.s32 s10, $0x1;
	s10 =	sld [smem:$0x3FB0]  }
0x3d: {  	_ =	shalt  }
0x3e: {  	_ =	shalt  }
0x3f: {  	_ =	shalt  }
0x40: {  	_ =	shalt  }
0x41: {  	_ =	shalt  }
0x42: {  	_ =	shalt  }
0x43: {  	_ =	shalt  }
0x44: {  	_ =	shalt  }
0x45: {  	_ =	shalt  }
0x46: {  	_ =	shalt  }
0x47: {  	_ =	shalt  }
0x48: {  	_ =	shalt  }
0x49: {  	_ =	shalt  }
0x4a: {  	_ =	shalt  }
0x4b: {  	_ =	shalt  }
0x4c: {  	_ =	shalt  }
0x4d: {  	_ =	shalt  }
0x4e: {  	_ =	shalt  }
0x4f: {  	_ =	shalt  }
0x50: {  	_ =	shalt  }
0x51: {  	_ =	shalt  }
0x52: {  	_ =	shalt  }
0x53: {  	_ =	shalt  }
0x54: {  	_ =	shalt  }
0x55: {  	_ =	shalt  }
0x56: {  	_ =	shalt  }
0x57: {  	_ =	shalt  }
0x58: {  	_ =	shalt  }
0x59: {  	_ =	shalt  }
0x5a: {  	_ =	shalt  }
0x5b: {  	_ =	shalt  }
0x5c: {  	_ =	shalt  }
0x5d: {  	_ =	shalt  }
0x5e: {  	_ =	shalt  }
0x5f: {  	_ =	shalt  }
0x60: {  	_ =	shalt  }
0x61: {  	_ =	shalt  }
0x62: {  	_ =	shalt  }
0x63: {  	_ =	shalt  }
0x64: {  	_ =	shalt  }
0x65: {  	_ =	shalt  }
0x66: {  	_ =	shalt  }
0x67: {  	_ =	shalt  }
0x68: {  	_ =	shalt  }
0x69: {  	_ =	shalt  }
0x6a: {  	_ =	shalt  }
0x6b: {  	_ =	shalt  }
0x6c: {  	_ =	shalt  }
0x6d: {  	_ =	shalt  }
0x6e: {  	_ =	shalt  }
0x6f: {  	_ =	shalt  }
0x70: {  	_ =	shalt  }
0x71: {  	_ =	shalt  }
0x72: {  	_ =	shalt  }
0x73: {  	_ =	shalt  }
0x74: {  	_ =	shalt  }
0x75: {  	_ =	shalt  }
0x76: {  	_ =	shalt  }
0x77: {  	_ =	shalt  }
0x78: {  	_ =	shalt  }
0x79: {  	_ =	shalt  }
0x7a: {  	_ =	shalt  }
0x7b: {  	_ =	shalt  }
0x7c: {  	_ =	shalt  }
0x7d: {  	_ =	shalt  }
0x7e: {  	_ =	shalt  }
0x7f: {  	_ =	shalt  }
0x80: {  	_ =	shalt  }
0x81: {  	_ =	shalt  }
0x82: {  	_ =	shalt  }
0x83: {  	_ =	shalt  }
0x84: {  	_ =	shalt  }
0x85: {  	_ =	shalt  }
0x86: {  	_ =	shalt  }
0x87: {  	_ =	shalt  }
.Lfunc_end0:
.L_simem_size_0:
called_computation_lowered:
.L_overlay_start_0:
0x88: {  	s2 =	sld [smem:$0x3FD9]  }
0x89: {  	s3 =	sld [smem:$0x3FFE];
	_ =	sdelay $0x1  }
0x8a: {  	s1 =	srdreg.scid  }
0x8b: {  	s0 =	sand.u32 $0x1, s1  }
0x8c: {  	s16 =	sshll.u32 s0, $0xA;
	s2 =	sadd.s32 s3, s2  }
0x8d: {  	s2 =	sadd.s32 s2, s16  }
0x8e: {  	[smem:$0x3FBC] =	sst s2  }
0x8f: {  	_ = 	snop  }
0x90: {  	(tm) =	ssettm $0x1  }
0x91: {  	s17 =	sld [smem:$0x3FFB];
	_ =	sdelay $0x3  }
0x92: {  	_ =	strace s17  }
0x93: {  	s2 =	sld [smem:$0x3FFC];
	_ =	sdelay $0x3  }
0x94: {  	_ =	strace s2  }
0x95: {  	s2 =	sld [smem:$0x3FFD];
	_ =	sdelay $0x3  }
0x96: {  	_ =	strace s2  }
0x97: {  	_ =	strace $0x8FFFFFFF  }
0x98: {  	s18 =	sld [smem:$0x3FDB];
	_ =	sdelay $0x1  }
0x99: {  	s19 =	simm.s32 $_scs_section_size  }
0x9a: {  	s4 =	simm.s32 $_size__tile_overlayer_lowered;
	s5 =	simm.s32 $_tile_overlayer_lowered  }
0x9b: {  	s22 =	simm.s32 $0x1BFF;
	s21 =	sshll.u32 s5, $0x1;
	s2 =	sadd.s32 s19, s18  }
0x9c: {  	s6 =	simm.s32 $0x0;
	s20 =	sshll.u32 s4, $0x1;
	s4 =	sadd.s32 s21, s2  }
0x9d: {  	[timem:s6], [sflag:s22] =	dma.local [hbm:s4], s20  }
0x9e: {  	_ =	swait.ge [sflag:s22], s20  }
0x9f: {  	s3 =	ssub.s32 $0x0, s20;
	[sflag:s22] =	ssyncset.done $0x0  }
0xa0: {  	[sflag:s22] =	ssyncadd.s32 s3;
	_ =	sdelay $0x1  }
0xa1: {  	s23 =	simm.s32 $0x1B8B  }
0xa2: {  	_ =	swait.ge [sflag:s23], $0x1  }
0xa3: {  	[sflag:s23] =	ssyncset.done $0x0  }
0xa4: {  	s25 =	simm.s32 $0x1B8E;
	s24 =	sld [smem:$0x3FFE];
	[sflag:s23] =	ssyncadd.s32 $0xFFFFFFFF  }
0xa5: {  	s26 =	simm.s32 $execute0_lowered;
	[smem:$0x3FD2] =	sst s25  }
0xa6: {  	s4 =	sshll.u32 s26, $0x1;
	_ =	strace $0x80000046;
	[dreg:$0x1] =	wrdreg $0xFFFFFFFF  }
0xa7: {  	s28 =	simm.s32 $_size_execute0_lowered;
	s2 =	sadd.s32 s2, s4;
	[dreg:$0x0] =	wrdreg $0x0  }
0xa8: {  	s4 =	sshll.u32 s28, $0x1;
	[dreg:$0x2] =	wrdreg s2  }
0xa9: {  	[dreg:$0x3] =	wrdreg s4  }
0xaa: {  	[dreg:$0x4] =	wrdreg $0xC0  }
0xab: {  	_ =	task [dreg:s6], $0x5FFFF  }
0xac: {  	[dreg:$0x1] =	wrdreg $0xFFFFFFFF  }
0xad: {  	[dreg:$0x0] =	wrdreg $0x60  }
0xae: {  	[dreg:$0x2] =	wrdreg s24  }
0xaf: {  	[dreg:$0x3] =	wrdreg $0x68000  }
0xb0: {  	[dreg:$0x4] =	wrdreg $0x9  }
0xb1: {  	_ =	task.clear_ibuf [dreg:s6], $0x5FFFF;
	_ =	strace $0x90000046  }
0xb2: {  	s29 =	simm.s32 $0x9;
	_ =	strace $0x80000048  }
0xb3: {  	_ =	swait.ge [sflag:s29], $0x1  }
0xb4: {  	[sflag:s29] =	ssyncadd.s32 $0xFFFFFFFF  }
0xb5: {  	_ =	strace $0x90000048  }
0xb6: {  	_ =	sfence  }
0xb7: {  	s30 =	sld [smem:$0x0];
	_ =	sdelay $0x2  }
0xb8: {  	s31 =	sshll.u32 s1, $0xD;
	s1 =	sshrl.u32 s1, $0x2  }
0xb9: {  	s3 =	sand.u32 $0x4000, s31;
	s1 =	sadd.s32 s1, s30  }
0xba: {  	s0 =	sor.u32 s3, s0;
	s1 =	sshll.u32 s1, $0x11  }
0xbb: {  	s0 =	sor.u32 s1, s0  }
0xbc: {  	s0 =	sadd.s32 $0x8F2B, s0  }
0xbd: {  	[sflag:s0] =	ssyncadd.remote.s32 $0x1  }
0xbe: {  	_ =	sfence.sel $0xFFFF  }
0xbf: {  	[dreg:$0x0] =	wrdreg $0xFFFFFFFF;
	(pc) =	sbr.abs _section_cstart, $3  }
0xc0: {  	[dreg:$0x1] =	wrdreg $0xFFFFFFFF  }
0xc1: {  	_ =	task.clear_ibuf [dreg:s6], $0x2FFFF;
	_ =	strace $0x9FFFFFFF  }
0xc2: {  	(tm) =	ssettm $0x7FFFFFFF  }
0xc3: {  	_ =	shalt  }
tec
execute0_lowered:
.L_overlay_start_1:
0x0: {  	(tag) =	ssettag $0x1  }
0x1: {  	s5 =	rddreg [dreg:$0x0]  }
0x2: {  	s1 =	rddreg [dreg:$0x1]  }
0x3: {  	s0 =	rddreg [dreg:$0x2]  }
0x4: {  	s2 =	simm.s32 $0x0;
	s6 =	srdreg.scid;
	s3 =	stileid.u32  }
0x5: {  	s14 =	simm.s32 $0x2800;
	s17 =	simm.s32 $0x80;
	s11 =	smul.u32 $0x50000, s3  }
0x6: {  	[smem:$0x7FF] =	sst s2;
	s7 =	sand.u32 $0x1, s6;
	s6 =	smul.u32 $0x2800, s3  }
0x7: {  	s8 =	sadd.s32 $0x3400, s5;
	s4 =	sadd.s32 $0x35400, s5;
	s26 =	smul.u32 $0x500, s3  }
0x8: {  	s10 =	sadd.s32 $0xD400, s5;
	s5 =	sadd.s32 $0x35C00, s5;
	s13 =	smul.u32 $0x14000, s3  }
0x9: {  	s15 =	sshll.u32 s3, $0x6;
	_ =	strace $0x80000047;
	s9 =	ssub.s32 $0x2, s7  }
0xa: {  	p0 =	seq.s32 s7, $0x1;
	s15 =	sor.u32 $0x1C01, s15;
	s12 =	sshrl.u32 s9, $0x1  }
.Ltmp0:
0xb: {  	s28 =	sshrl.u32 s11, $0x2;
	s29 =	sshrl.u32 s6, $0x3;
	(pc) =	sbr.rel .LBB2_1-.Ltmp0, $4  }
0xc: {  	s7 =	sadd.s32 s8, s26;
	s31 =	sshrl.u32 s13, $0x3;
	s13 =	simm.s32 $0x1  }
0xd: {  	s12 =	ssub.s32 s9, s12;
	s16 =	sadd.s32 s28, s1;
	s30 =	sadd.s32 s8, s29  }
0xe: {  	s8 =	sadd.s32 s10, s6;
	s10 =	sadd.s32 s10, s31;
	s11 =	sadd.s32 $0x28000, s31  }
0xf: {  	s9 =	sadd.s32 $0x5000, s30;
	s12 =	smax.u32 s12, $0x1;
	s16 =	sshrl.u32 s16, $0x3  }
.LBB2_7:
0x10: {  	[sflag:s13] =	ssyncadd.s32 $0xFFFFC000;
	s18 =	smov.u32 s11  }
.LBB2_8:
0x11: {  	s2 =	sadd.s32 $0x1, s2  }
0x12: {  	p1 =	sne.s32 s2, s12  }
.Ltmp1:
0x13: {  	s18 =	sadd.s32 s5, s18;
	[bflag:$0x0] =	sbarrier.arrive $0xFFFF;
	(pc) =	sbr.rel @!p1 .LBB2_9-.Ltmp1, $4  }
0x14: {  	[hbm:s18], [sflag:s15] =	dma.local [spmem:s16], $0x2800  }
0x15: {  	_ =	swait.ge [sflag:s13], $0x2800  }
0x16: {  	[sflag:s13] =	ssyncset.done $0x0  }
0x17: {  	[sflag:s13] =	ssyncadd.s32 $0xFFFFD800  }
.LBB2_1:
.Ltmp2:
0x18: {  	(pc) =	sbr.rel @!p0 .LBB2_2-.Ltmp2, $2  }
0x19: {  	_ =	sdelay $0x2  }
0x1a: {  	s18 =	simm.s32 $0x0  }
0x1b: {  	[tilespmem:s18], [sflag:$0x1] =	stream.linear.gather [hbm4b:s9+s18], $0x2800, $0x38;
	[tilespmem:$0x1A800] =	vst v63  }
0x1c: {  	_ =	swait.ge [sflag:s13], $0x2800  }
0x1d: {  	[sflag:s13] =	ssyncset.done $0x0  }
0x1e: {  	[sflag:s13] =	ssyncadd.s32 $0xFFFFD800  }
0x1f: {  	[tilespmem:s14], [sflag:$0x1] =	stream.linear.gather [hbm4b:s4+s18], $0x4000, $0x38;
	[tilespmem:$0x1A800] =	vst v63  }
0x20: {  	_ =	swait.ge [sflag:s13], $0x4000  }
0x21: {  	[sflag:s13] =	ssyncset.done $0x0  }
0x22: {  	[sflag:s13] =	ssyncadd.s32 $0xFFFFC000  }
0x23: {  	[spmem:s16], [sflag:s15] =	dma.local [hbm:s10], $0x2800  }
0x24: {  	_ =	swait.ge [sflag:s13], $0x2800  }
0x25: {  	[sflag:s13] =	ssyncset.done $0x0  }
0x26: {  	[sflag:s13] =	ssyncadd.s32 $0xFFFFD800  }
0x27: {  	s31 =	simm.s32 $0x0;
	[bflag:$0x0] =	sbarrier.arrive $0xFFFF  }
0x28: {  	[spmem:s1] =	stream.indirect.scatter.add.f32 [tilespmem:s14], [sflag:$0x1], $0x80, s31, s17, $0xb8;
	[tilespmem:$0x1A800] =	vst v63  }
0x29: {  	_ =	swait.ge [sflag:s13], $0x4000  }
0x2a: {  	s18 =	simm.s32 $0x200;
	[sflag:s13] =	ssyncset.done $0x0  }
.LBB2_6:
0x2b: {  	s19 =	sshra.s32 s18, $0x2;
	[sflag:s13] =	ssyncadd.s32 $0xFFFFC000;
	p1 =	sne.s32 s18, $0x9E00  }
0x2c: {  	[spmem:s1] =	stream.indirect.scatter.add.f32 [tilespmem:s14], [sflag:$0x1], $0x80, s19, s17, $0xb8;
	[tilespmem:$0x1A800] =	vst v63  }
.Ltmp3:
0x2d: {  	_ = 	snop;
	(pc) =	sbr.rel @p1 .LBB2_6-.Ltmp3, $4  }
0x2e: {  	_ = 	snop  }
0x2f: {  	s18 =	sadd.s32 $0x200, s18  }
0x30: {  	_ =	swait.ge [sflag:s13], $0x4000  }
0x31: {  	[sflag:s13] =	ssyncset.done $0x0  }
.Ltmp4:
0x32: {  	_ = 	snop;
	(pc) =	sbr.rel .LBB2_7-.Ltmp4, $1  }
0x33: {  	_ =	sdelay $0x3  }
.LBB2_2:
0x34: {  	[tilespmem:s18], [sflag:$0x1] =	stream.linear.gather [hbm4b:s7+s18], $0x2800, $0x38;
	[tilespmem:$0x1A800] =	vst v63  }
0x35: {  	_ =	swait.ge [sflag:s13], $0x2800  }
0x36: {  	[sflag:s13] =	ssyncset.done $0x0  }
0x37: {  	[sflag:s13] =	ssyncadd.s32 $0xFFFFD800  }
0x38: {  	[tilespmem:s14], [sflag:$0x1] =	stream.linear.gather [hbm4b:s4+s18], $0x4000, $0x38;
	[tilespmem:$0x1A800] =	vst v63  }
0x39: {  	_ =	swait.ge [sflag:s13], $0x4000  }
0x3a: {  	[sflag:s13] =	ssyncset.done $0x0  }
0x3b: {  	[sflag:s13] =	ssyncadd.s32 $0xFFFFC000  }
0x3c: {  	[spmem:s16], [sflag:s15] =	dma.local [hbm:s8], $0x2800  }
0x3d: {  	_ =	swait.ge [sflag:s13], $0x2800  }
0x3e: {  	[sflag:s13] =	ssyncset.done $0x0  }
0x3f: {  	[sflag:s13] =	ssyncadd.s32 $0xFFFFD800  }
0x40: {  	s31 =	simm.s32 $0x0;
	[bflag:$0x0] =	sbarrier.arrive $0xFFFF  }
0x41: {  	[spmem:s1] =	stream.indirect.scatter.add.f32 [tilespmem:s14], [sflag:$0x1], $0x80, s31, s17, $0xb8;
	[tilespmem:$0x1A800] =	vst v63  }
0x42: {  	_ =	swait.ge [sflag:s13], $0x4000  }
0x43: {  	s18 =	simm.s32 $0x200;
	[sflag:s13] =	ssyncset.done $0x0  }
.LBB2_3:
0x44: {  	s19 =	sshra.s32 s18, $0x2;
	[sflag:s13] =	ssyncadd.s32 $0xFFFFC000;
	p1 =	seq.s32 s18, $0x9E00  }
0x45: {  	[spmem:s1] =	stream.indirect.scatter.add.f32 [tilespmem:s14], [sflag:$0x1], $0x80, s19, s17, $0xb8;
	[tilespmem:$0x1A800] =	vst v63  }
.Ltmp5:
0x46: {  	_ = 	snop;
	(pc) =	sbr.rel @!p1 .LBB2_3-.Ltmp5, $4  }
0x47: {  	_ = 	snop  }
0x48: {  	s18 =	sadd.s32 $0x200, s18  }
0x49: {  	_ =	swait.ge [sflag:s13], $0x4000  }
0x4a: {  	[sflag:s13] =	ssyncset.done $0x0  }
.Ltmp6:
0x4b: {  	(pc) =	sbr.rel .LBB2_8-.Ltmp6, $2  }
0x4c: {  	_ =	sdelay $0x2  }
0x4d: {  	[sflag:s13] =	ssyncadd.s32 $0xFFFFC000;
	s18 =	smov.u32 s6  }
.LBB2_9:
0x4e: {  	_ =	sfence.sel $0x180000  }
0x4f: {  	[bflag:$0x0] =	sbarrier.arrive $0xFFFF  }
0x50: {  	p0 =	sne.s32 s3, $0x0;
	_ =	strace $0x90000047  }
0x51: {  	s0 =	sadd.s32 @!p0 $0x100000, s0;
	[bflag:$0x2] =	sbarrier.arrive $0xFFFF  }
0x52: {  	[sflag:s0] =	ssyncadd.tile.s32 @!p0 $0x1;
	_ =	shalt  }
.Lfunc_end2:
_tile_overlayer_lowered:
.L_overlay_start_2:
0x53: {  	(tag) =	ssettag $0x2  }
0x54: {  	s0 =	rddreg [dreg:$0x0];
	s2 =	stileid.u32  }
0x55: {  	s1 =	rddreg [dreg:$0x1];
	p0 =	sne.s32 s2, $0x0  }
0x56: {  	s3 =	rddreg [dreg:$0x2];
	[bflag:$0x3] =	sbarrier.arrive $0xFFFF;
	s2 =	simm.s32 @!p0 $0x1C01  }
0x57: {  	[timem:s3], [sflag:s2] =	dma.local @!p0 [hbm:s0], s1  }
0x58: {  	s0 =	simm.s32 @!p0 $0x1  }
0x59: {  	_ =	swait.ge @!p0 [sflag:s0], s1  }
0x5a: {  	s1 =	ssub.s32 @!p0 $0x0, s1;
	[sflag:s0] =	ssyncset.done @!p0 $0x0  }
0x5b: {  	[sflag:s0] =	ssyncadd.s32 @!p0 s1  }
0x5c: {  	[bflag:$0x3] =	sbarrier.arrive $0xFFFF  }
0x5d: {  	_ =	shalt  }

// kernel: kernel.13.cloned.1.call-start
scs
__scs_entry_jumppad:
0x0: {  	(pc) =	sbr.rel $0x88, $3  }
0x1: {  	(tag) =	ssettag $0x0;
	lr =	simm.s32 $0x1  }
0x2: {  	[smem:$0x3F95] =	sst lr;
	_ =	strace $0xD0000000  }
0x3: {  	_ = 	snop  }
0x4: {  	_ = 	snop  }
0x5: {  	_ = 	snop  }
0x6: {  	_ = 	snop  }
0x7: {  	_ = 	snop  }
__scs_overlays_trampoline_lowered:
0x8: {  	[smem:$0x3FA4] =	sst s0  }
0x9: {  	[smem:$0x3FA5] =	sst s1  }
0xa: {  	[smem:$0x3FA6] =	sst s2  }
0xb: {  	[smem:$0x3FA7] =	sst s3  }
0xc: {  	[smem:$0x3FA8] =	sst s4  }
0xd: {  	[smem:$0x3FA9] =	sst s5  }
0xe: {  	[smem:$0x3FAA] =	sst s6  }
0xf: {  	[smem:$0x3FAB] =	sst s7  }
0x10: {  	[smem:$0x3FAC] =	sst s8  }
0x11: {  	[smem:$0x3FAD] =	sst s9;
	s0 =	simm.s32 @!p0 $0x0  }
0x12: {  	s1 =	sld [smem:$0x3F93];
	s0 =	simm.s32 @p0 $0x1  }
0x13: {  	[smem:$0x3FAE] =	sst s0;
	s0 =	simm.s32 @!p1 $0x0  }
0x14: {  	s2 =	sld [smem:$0x3F92];
	s0 =	simm.s32 @p1 $0x1  }
0x15: {  	[smem:$0x3FAF] =	sst s0;
	s0 =	simm.s32 @!p2 $0x0  }
0x16: {  	s3 =	sld [smem:$0x3FDB];
	s0 =	simm.s32 @p2 $0x1  }
0x17: {  	s4 =	simm.s32 $0x1BF5;
	[smem:$0x3FB1] =	sst s0  }
0x18: {  	s0 =	sld [smem:$0x3F94];
	_ =	swait.ge [sflag:s4], $0x0  }
0x19: {  	s7 =	sld [smem:$0x3F95]  }
0x1a: {  	s8 =	sadd.s32 $0xFFFFE003, lr  }
0x1b: {  	s9 =	sadd.s32 $0xFFFFFEF7, lr;
	s5 =	simm.s32 $0xFFFFFFFF;
	p2 =	slt.u32 s8, $0xFFFFF086  }
0x1c: {  	p1 =	slt.u32 s9, $0xF7A;
	s5 =	simm.s32 @!p2 $0x0  }
0x1d: {  	s5 =	simm.s32 @p1 $0x1;
	p0 =	seq.s32 s7, s2  }
0x1e: {  	s7 =	smul.u32 @!p0 $0xF7A, s2;
	p2 =	seq.s32 @!p0 s5, $0x0  }
0x1f: {  	s9 =	smul.u32 $0xF7A, s1;
	s8 =	simm.s32 @!p0 $0x1BF5;
	p2 =	por !p2, p0  }
0x20: {  	[sflag:s8] =	ssyncset.s32 @!p0 $0xFFFFF086;
	s6 =	sadd.s32 @!p0 s3, s7;
	s7 =	simm.s32 @!p0 $0x108  }
0x21: {  	s3 =	sadd.s32 s3, s9;
	s6 =	sadd.s32 @!p0 $0x88, s6;
	s7 =	simm.s32 @p2 $0x1082  }
0x22: {  	[simem:s7], [sflag:s8] =	dma.local @!p0 [hbm:s6], $0xF7A  }
0x23: {  	s9 =	sor.u32 $0xD0000000, s2;
	s6 =	simm.s32 $0x108;
	_ =	swait.ge @!p0 [sflag:s8], $0x0  }
0x24: {  	s3 =	sadd.s32 $0x88, s3;
	s6 =	simm.s32 @!p1 $0x1082;
	[sflag:s4] =	ssyncset.s32 $0xFFFFF086  }
0x25: {  	[simem:s6], [sflag:s4] =	dma.local [hbm:s3], $0xF7A  }
0x26: {  	[smem:$0x3F95] =	sst s1;
	(tag) =	ssettag s2;
	_ =	strace s9  }
0x27: {  	s1 =	sld [smem:$0x3FA5]  }
0x28: {  	s2 =	sld [smem:$0x3FA6]  }
0x29: {  	s4 =	sld [smem:$0x3FA8]  }
0x2a: {  	p0 =	seq.s32 s5, $0x0;
	s5 =	sld [smem:$0x3FA9]  }
0x2b: {  	s6 =	sld [smem:$0x3FAA]  }
0x2c: {  	s7 =	sld [smem:$0x3FAB]  }
0x2d: {  	s3 =	simm.s32 $0x108;
	s8 =	sld [smem:$0x3FAC]  }
0x2e: {  	s3 =	simm.s32 @!p0 $0x1082;
	s9 =	sld [smem:$0x3FAD]  }
0x2f: {  	lr =	sadd.s32 s0, s3;
	s0 =	sld [smem:$0x3FA4]  }
0x30: {  	s3 =	sld [smem:$0x3FA7]  }
0x31: {  	[smem:$0x3FB0] =	sst s10  }
0x32: {  	s10 =	sld [smem:$0x3FAE];
	_ =	sdelay $0x3  }
0x33: {  	p0 =	seq.s32 s10, $0x1;
	s10 =	sld [smem:$0x3FB0];
	_ =	sdelay $0x3  }
0x34: {  	[smem:$0x3FB0] =	sst s10  }
0x35: {  	s10 =	sld [smem:$0x3FAF];
	_ =	sdelay $0x3  }
0x36: {  	p1 =	seq.s32 s10, $0x1;
	s10 =	sld [smem:$0x3FB0];
	_ =	sdelay $0x3  }
0x37: {  	[smem:$0x3FB0] =	sst s10  }
0x38: {  	s10 =	sld [smem:$0x3FB1]  }
0x39: {  	_ = 	snop;
	(pc) =	sbr.ind lr, $3  }
0x3a: {  	_ = 	snop  }
0x3b: {  	_ = 	snop  }
0x3c: {  	p2 =	seq.s32 s10, $0x1;
	s10 =	sld [smem:$0x3FB0]  }
0x3d: {  	_ =	shalt  }
0x3e: {  	_ =	shalt  }
0x3f: {  	_ =	shalt  }
0x40: {  	_ =	shalt  }
0x41: {  	_ =	shalt  }
0x42: {  	_ =	shalt  }
0x43: {  	_ =	shalt  }
0x44: {  	_ =	shalt  }
0x45: {  	_ =	shalt  }
0x46: {  	_ =	shalt  }
0x47: {  	_ =	shalt  }
0x48: {  	_ =	shalt  }
0x49: {  	_ =	shalt  }
0x4a: {  	_ =	shalt  }
0x4b: {  	_ =	shalt  }
0x4c: {  	_ =	shalt  }
0x4d: {  	_ =	shalt  }
0x4e: {  	_ =	shalt  }
0x4f: {  	_ =	shalt  }
0x50: {  	_ =	shalt  }
0x51: {  	_ =	shalt  }
0x52: {  	_ =	shalt  }
0x53: {  	_ =	shalt  }
0x54: {  	_ =	shalt  }
0x55: {  	_ =	shalt  }
0x56: {  	_ =	shalt  }
0x57: {  	_ =	shalt  }
0x58: {  	_ =	shalt  }
0x59: {  	_ =	shalt  }
0x5a: {  	_ =	shalt  }
0x5b: {  	_ =	shalt  }
0x5c: {  	_ =	shalt  }
0x5d: {  	_ =	shalt  }
0x5e: {  	_ =	shalt  }
0x5f: {  	_ =	shalt  }
0x60: {  	_ =	shalt  }
0x61: {  	_ =	shalt  }
0x62: {  	_ =	shalt  }
0x63: {  	_ =	shalt  }
0x64: {  	_ =	shalt  }
0x65: {  	_ =	shalt  }
0x66: {  	_ =	shalt  }
0x67: {  	_ =	shalt  }
0x68: {  	_ =	shalt  }
0x69: {  	_ =	shalt  }
0x6a: {  	_ =	shalt  }
0x6b: {  	_ =	shalt  }
0x6c: {  	_ =	shalt  }
0x6d: {  	_ =	shalt  }
0x6e: {  	_ =	shalt  }
0x6f: {  	_ =	shalt  }
0x70: {  	_ =	shalt  }
0x71: {  	_ =	shalt  }
0x72: {  	_ =	shalt  }
0x73: {  	_ =	shalt  }
0x74: {  	_ =	shalt  }
0x75: {  	_ =	shalt  }
0x76: {  	_ =	shalt  }
0x77: {  	_ =	shalt  }
0x78: {  	_ =	shalt  }
0x79: {  	_ =	shalt  }
0x7a: {  	_ =	shalt  }
0x7b: {  	_ =	shalt  }
0x7c: {  	_ =	shalt  }
0x7d: {  	_ =	shalt  }
0x7e: {  	_ =	shalt  }
0x7f: {  	_ =	shalt  }
0x80: {  	_ =	shalt  }
0x81: {  	_ =	shalt  }
0x82: {  	_ =	shalt  }
0x83: {  	_ =	shalt  }
0x84: {  	_ =	shalt  }
0x85: {  	_ =	shalt  }
0x86: {  	_ =	shalt  }
0x87: {  	_ =	shalt  }
.Lfunc_end0:
.L_simem_size_0:
called_computation.1_lowered:
.L_overlay_start_0:
0x88: {  	s2 =	sld [smem:$0x3FD9]  }
0x89: {  	s3 =	sld [smem:$0x3FFE];
	_ =	sdelay $0x1  }
0x8a: {  	s1 =	srdreg.scid  }
0x8b: {  	s0 =	sand.u32 $0x1, s1  }
0x8c: {  	s17 =	sshll.u32 s0, $0xA;
	s2 =	sadd.s32 s3, s2  }
0x8d: {  	s2 =	sadd.s32 s2, s17  }
0x8e: {  	[smem:$0x3FBC] =	sst s2  }
0x8f: {  	_ = 	snop  }
0x90: {  	s2 =	sld [smem:$0x3FD0];
	(tm) =	ssettm $0x1  }
0x91: {  	s18 =	sld [smem:$0x3FFB];
	_ =	sdelay $0x3  }
0x92: {  	_ =	strace s18  }
0x93: {  	s3 =	sld [smem:$0x3FFC];
	_ =	sdelay $0x3  }
0x94: {  	_ =	strace s3  }
0x95: {  	s3 =	sld [smem:$0x3FFD];
	_ =	sdelay $0x3  }
0x96: {  	_ =	strace s3  }
0x97: {  	_ =	strace $0x8FFFFFFF  }
0x98: {  	s19 =	sld [smem:$0x3FDB];
	_ =	sdelay $0x1  }
0x99: {  	s4 =	simm.s32 $_scs_section_size  }
0x9a: {  	s5 =	simm.s32 $_size__tile_overlayer_lowered;
	s6 =	simm.s32 $_tile_overlayer_lowered  }
0x9b: {  	s22 =	simm.s32 $0x1BFF;
	s21 =	sshll.u32 s6, $0x1;
	s3 =	sadd.s32 s4, s19  }
0x9c: {  	s7 =	simm.s32 $0x0;
	s20 =	sshll.u32 s5, $0x1;
	s5 =	sadd.s32 s21, s3  }
0x9d: {  	[timem:s7], [sflag:s22] =	dma.local [hbm:s5], s20  }
0x9e: {  	_ =	swait.ge [sflag:s22], s20  }
0x9f: {  	s4 =	ssub.s32 $0x0, s20;
	[sflag:s22] =	ssyncset.done $0x0  }
0xa0: {  	[sflag:s22] =	ssyncadd.s32 s4;
	_ =	sdelay $0x1  }
0xa1: {  	s23 =	simm.s32 $0x1B8B  }
0xa2: {  	_ =	swait.ge [sflag:s23], $0x1  }
0xa3: {  	[sflag:s23] =	ssyncset.done $0x0  }
0xa4: {  	s25 =	simm.s32 $0x1B8E;
	s24 =	sld [smem:$0x3FFE];
	[sflag:s23] =	ssyncadd.s32 $0xFFFFFFFF  }
0xa5: {  	s26 =	simm.s32 $execute0_lowered;
	[smem:$0x3FD2] =	sst s25  }
0xa6: {  	s5 =	sshll.u32 s26, $0x1;
	_ =	strace $0x80000049;
	[dreg:$0x1] =	wrdreg $0xFFFFFFFF  }
0xa7: {  	s28 =	simm.s32 $_size_execute0_lowered;
	s3 =	sadd.s32 s3, s5;
	[dreg:$0x0] =	wrdreg $0x0  }
0xa8: {  	s5 =	sshll.u32 s28, $0x1;
	[dreg:$0x2] =	wrdreg s3  }
0xa9: {  	[dreg:$0x3] =	wrdreg s5  }
0xaa: {  	[dreg:$0x4] =	wrdreg $0xC0  }
0xab: {  	_ =	task [dreg:s7], $0x5FFFF  }
0xac: {  	[dreg:$0x1] =	wrdreg $0xFFFFFFFF  }
0xad: {  	[dreg:$0x0] =	wrdreg $0x60  }
0xae: {  	[dreg:$0x2] =	wrdreg s24  }
0xaf: {  	[dreg:$0x3] =	wrdreg s2  }
0xb0: {  	[dreg:$0x4] =	wrdreg $0xA8000  }
0xb1: {  	[dreg:$0x5] =	wrdreg $0x9  }
0xb2: {  	_ =	task.clear_ibuf [dreg:s7], $0x6FFFF;
	_ =	strace $0x90000049  }
0xb3: {  	s29 =	simm.s32 $0x9;
	_ =	strace $0x8000004B  }
0xb4: {  	_ =	swait.ge [sflag:s29], $0x1  }
0xb5: {  	[sflag:s29] =	ssyncadd.s32 $0xFFFFFFFF  }
0xb6: {  	_ =	strace $0x9000004B  }
0xb7: {  	_ =	sfence  }
0xb8: {  	s30 =	sld [smem:$0x0];
	_ =	sdelay $0x2  }
0xb9: {  	s31 =	sshll.u32 s1, $0xD;
	s1 =	sshrl.u32 s1, $0x2  }
0xba: {  	s3 =	sand.u32 $0x4000, s31;
	s1 =	sadd.s32 s1, s30  }
0xbb: {  	s0 =	sor.u32 s3, s0;
	s1 =	sshll.u32 s1, $0x11  }
0xbc: {  	s0 =	sor.u32 s1, s0  }
0xbd: {  	s0 =	sadd.s32 $0x8F2B, s0  }
0xbe: {  	[sflag:s0] =	ssyncadd.remote.s32 $0x1  }
0xbf: {  	_ =	sfence.sel $0xFFFF  }
0xc0: {  	[dreg:$0x0] =	wrdreg $0xFFFFFFFF;
	(pc) =	sbr.abs _section_cstart, $3  }
0xc1: {  	[dreg:$0x1] =	wrdreg $0xFFFFFFFF  }
0xc2: {  	_ =	task.clear_ibuf [dreg:s7], $0x2FFFF;
	_ =	strace $0x9FFFFFFF  }
0xc3: {  	(tm) =	ssettm $0x7FFFFFFF  }
tec
execute0_lowered:
.L_overlay_start_1:
0x0: {  	(tag) =	ssettag $0x1  }
0x1: {  	s0 =	rddreg [dreg:$0x0]  }
0x2: {  	s8 =	rddreg [dreg:$0x1]  }
0x3: {  	s2 =	rddreg [dreg:$0x2];
	s3 =	simm.s32 $0x0  }
0x4: {  	s1 =	stileid.u32;
	s6 =	srdreg.scid;
	s28 =	simm.s32 $0x3  }
0x5: {  	s29 =	simm.s32 $0x4;
	s30 =	simm.s32 $0x2700;
	s5 =	smul.u32 $0x14000, s1  }
0x6: {  	s31 =	simm.s32 $0x1380;
	[smem:$0x7FF] =	sst s3;
	s12 =	smul.u32 $0x50000, s1  }
0x7: {  	s4 =	sadd.s32 $0x35400, s0;
	s7 =	sand.u32 $0x1, s6;
	s6 =	smul.u32 $0x2800, s1  }
0x8: {  	s9 =	sadd.s32 $0x3400, s0;
	s20 =	smul.u32 $0x500, s1;
	_ =	strace $0x8000004A  }
0x9: {  	s11 =	ssub.s32 $0x2, s7;
	p0 =	seq.s32 s7, $0x1;
	s10 =	sshrl.u32 s5, $0x3  }
0xa: {  	s5 =	sadd.s32 $0x5D400, s0;
	s18 =	sshrl.u32 s11, $0x1;
	s19 =	sshrl.u32 s12, $0x2  }
0xb: {  	s14 =	sshrl.u32 s6, $0x3;
	s21 =	sadd.s32 s4, s6;
	s22 =	sadd.s32 s8, s20  }
0xc: {  	s23 =	sadd.s32 s9, s20;
	s20 =	simm.s32 $0x5;
	[dreg:$0x4] =	wrdreg s21  }
0xd: {  	s13 =	sadd.s32 s10, s0;
	s0 =	ssub.s32 s11, s18;
	[dreg:$0x5] =	wrdreg s22  }
0xe: {  	s7 =	sadd.s32 s19, s2;
	s15 =	sadd.s32 $0x280, s14;
	[dreg:$0x6] =	wrdreg s23  }
0xf: {  	s26 =	sadd.s32 $0x5000, s14;
	s17 =	sadd.s32 $0x5280, s14;
	s18 =	sadd.s32 $0x28000, s10  }
0x10: {  	s21 =	simm.s32 $0x1400;
	s22 =	simm.s32 $0x80;
	s23 =	simm.s32 $0x2800  }
.Ltmp0:
0x11: {  	s24 =	sadd.s32 s8, s15;
	s25 =	sadd.s32 s9, s15;
	(pc) =	sbr.rel .LBB2_1-.Ltmp0, $4  }
0x12: {  	s13 =	sadd.s32 $0xD400, s13;
	s14 =	sadd.s32 s8, s26;
	s15 =	sadd.s32 s9, s26  }
0x13: {  	s16 =	sadd.s32 s8, s17;
	s17 =	sadd.s32 s9, s17;
	s19 =	smax.u32 s0, $0x1  }
0x14: {  	s26 =	simm.s32 $0x2;
	s0 =	simm.s32 $0x2780;
	[dreg:$0x7] =	wrdreg s24  }
0x15: {  	[dreg:$0x8] =	wrdreg s25;
	s24 =	simm.s32 $0x1;
	s25 =	simm.s32 $0x6800  }
.LBB2_11:
0x16: {  	[sflag:s29] =	ssyncadd.s32 $0xFFFFC000;
	s10 =	smov.u32 s18  }
.LBB2_12:
0x17: {  	_ =	swait.ge [sflag:s24], $0x4000  }
0x18: {  	[sflag:s24] =	ssyncset.done $0x0  }
0x19: {  	[sflag:s24] =	ssyncadd.s32 $0xFFFFC000  }
0x1a: {  	[spmem:s2] =	stream.indirect.scatter.add.f32 [tilespmem:s23], [sflag:$0x3], $0x80, s30, s22, $0xb8;
	[tilespmem:$0x1E800] =	vst v63  }
0x1b: {  	_ = 	snop  }
0x1c: {  	[tilespmem:s25], [sflag:$0x2] =	stream.indirect.gather [hbm4b:s4+s22], $0x80, s31, s22, $0xb8;
	[tilespmem:$0x1E800] =	vst v63  }
0x1d: {  	_ =	swait.ge [sflag:s26], $0x4000  }
0x1e: {  	[sflag:s26] =	ssyncset.done $0x0  }
0x1f: {  	[sflag:s26] =	ssyncadd.s32 $0xFFFFC000  }
0x20: {  	[spmem:s2] =	stream.indirect.scatter.add.f32 [tilespmem:s25], [sflag:$0x4], $0x80, s0, s22, $0xb8;
	[tilespmem:$0x1E800] =	vst v63  }
0x21: {  	_ =	swait.ge [sflag:s28], $0x4000  }
0x22: {  	[sflag:s28] =	ssyncset.done $0x0  }
0x23: {  	[sflag:s28] =	ssyncadd.s32 $0xFFFFC000  }
0x24: {  	_ =	swait.ge [sflag:s29], $0x4000  }
0x25: {  	s3 =	sadd.s32 $0x1, s3;
	[sflag:s29] =	ssyncset.done $0x0  }
0x26: {  	p1 =	sne.s32 s3, s19;
	[sflag:s29] =	ssyncadd.s32 $0xFFFFC000  }
.Ltmp1:
0x27: {  	s10 =	sadd.s32 s5, s10;
	[bflag:$0x0] =	sbarrier.arrive $0xFFFF;
	(pc) =	sbr.rel @!p1 .LBB2_13-.Ltmp1, $4  }
0x28: {  	[hbm:s10], [sflag:s9] =	dma.local [spmem:s8], $0x2800  }
0x29: {  	_ =	swait.ge [sflag:s20], $0x2800  }
0x2a: {  	[sflag:s20] =	ssyncset.done $0x0  }
0x2b: {  	[sflag:s20] =	ssyncadd.s32 $0xFFFFD800  }
.LBB2_1:
.Ltmp2:
0x2c: {  	(pc) =	sbr.rel @!p0 .LBB2_2-.Ltmp2, $3  }
0x2d: {  	_ =	sdelay $0x1  }
0x2e: {  	s10 =	sshll.u32 s1, $0x6  }
0x2f: {  	s8 =	sshrl.u32 s7, $0x3;
	s9 =	sor.u32 $0x1C05, s10  }
0x30: {  	s9 =	sor.u32 $0x1C05, s10  }
0x31: {  	[spmem:s8], [sflag:s9] =	dma.local [hbm:s13], $0x2800  }
0x32: {  	_ =	swait.ge [sflag:s20], $0x2800  }
0x33: {  	[sflag:s20] =	ssyncset.done $0x0  }
0x34: {  	[sflag:s20] =	ssyncadd.s32 $0xFFFFD800  }
0x35: {  	s12 =	simm.s32 $0x0;
	[bflag:$0x0] =	sbarrier.arrive $0xFFFF  }
0x36: {  	[tilespmem:s12], [sflag:$0x5] =	stream.linear.gather [hbm4b:s14+s12], $0x1400, $0x38;
	[tilespmem:$0x1E800] =	vst v63  }
0x37: {  	_ =	swait.ge [sflag:s20], $0x1400  }
0x38: {  	[sflag:s20] =	ssyncset.done $0x0  }
0x39: {  	[sflag:s20] =	ssyncadd.s32 $0xFFFFEC00  }
0x3a: {  	[tilespmem:s21], [sflag:$0x5] =	stream.linear.gather [hbm4b:s15+s12], $0x1400, $0x38;
	[tilespmem:$0x1E800] =	vst v63  }
0x3b: {  	_ =	swait.ge [sflag:s20], $0x1400  }
0x3c: {  	[sflag:s20] =	ssyncset.done $0x0  }
0x3d: {  	[sflag:s20] =	ssyncadd.s32 $0xFFFFEC00  }
0x3e: {  	[tilespmem:s23], [sflag:$0x1] =	stream.indirect.gather [hbm4b:s4+s22], $0x80, s12, s22, $0xb8;
	[tilespmem:$0x1E800] =	vst v63  }
0x3f: {  	_ =	swait.ge [sflag:s24], $0x4000  }
0x40: {  	[sflag:s24] =	ssyncset.done $0x0  }
0x41: {  	s11 =	simm.s32 $0x1400;
	[sflag:s24] =	ssyncadd.s32 $0xFFFFC000  }
0x42: {  	[spmem:s2] =	stream.indirect.scatter.add.f32 [tilespmem:s23], [sflag:$0x3], $0x80, s11, s22, $0xb8;
	[tilespmem:$0x1E800] =	vst v63  }
0x43: {  	s12 =	simm.s32 $0x80  }
0x44: {  	[tilespmem:s25], [sflag:$0x2] =	stream.indirect.gather [hbm4b:s4+s22], $0x80, s12, s22, $0xb8;
	[tilespmem:$0x1E800] =	vst v63  }
0x45: {  	_ =	swait.ge [sflag:s26], $0x4000  }
0x46: {  	[sflag:s26] =	ssyncset.done $0x0  }
0x47: {  	s11 =	simm.s32 $0x1480;
	[sflag:s26] =	ssyncadd.s32 $0xFFFFC000  }
0x48: {  	[spmem:s2] =	stream.indirect.scatter.add.f32 [tilespmem:s25], [sflag:$0x4], $0x80, s11, s22, $0xb8;
	[tilespmem:$0x1E800] =	vst v63  }
0x49: {  	_ =	swait.ge [sflag:s28], $0x4000  }
0x4a: {  	[sflag:s28] =	ssyncset.done $0x0  }
0x4b: {  	s12 =	simm.s32 $0x100;
	[sflag:s28] =	ssyncadd.s32 $0xFFFFC000  }
0x4c: {  	[tilespmem:s23], [sflag:$0x1] =	stream.indirect.gather [hbm4b:s4+s22], $0x80, s12, s22, $0xb8;
	[tilespmem:$0x1E800] =	vst v63  }
0x4d: {  	_ =	swait.ge [sflag:s29], $0x4000  }
0x4e: {  	s10 =	simm.s32 $0x400;
	[sflag:s29] =	ssyncset.done $0x0  }
.LBB2_8:
0x4f: {  	p1 =	sne.s32 s10, $0x4800  }
0x50: {  	[sflag:s29] =	ssyncadd.s32 $0xFFFFC000;
	s11 =	smov.u32 s10;
	s10 =	sadd.s32 $0x400, s10  }
0x51: {  	_ =	swait.ge [sflag:s24], $0x4000  }
0x52: {  	s11 =	sshra.s32 s11, $0x2;
	[sflag:s24] =	ssyncset.done $0x0  }
0x53: {  	s12 =	sadd.s32 $0x1400, s11;
	[sflag:s24] =	ssyncadd.s32 $0xFFFFC000  }
0x54: {  	[spmem:s2] =	stream.indirect.scatter.add.f32 [tilespmem:s23], [sflag:$0x3], $0x80, s12, s22, $0xb8;
	[tilespmem:$0x1E800] =	vst v63  }
0x55: {  	s12 =	sadd.s32 $0x80, s11  }
0x56: {  	[tilespmem:s25], [sflag:$0x2] =	stream.indirect.gather [hbm4b:s4+s22], $0x80, s12, s22, $0xb8;
	[tilespmem:$0x1E800] =	vst v63  }
0x57: {  	_ =	swait.ge [sflag:s26], $0x4000  }
0x58: {  	[sflag:s26] =	ssyncset.done $0x0  }
0x59: {  	s12 =	sadd.s32 $0x1480, s11;
	[sflag:s26] =	ssyncadd.s32 $0xFFFFC000  }
0x5a: {  	[spmem:s2] =	stream.indirect.scatter.add.f32 [tilespmem:s25], [sflag:$0x4], $0x80, s12, s22, $0xb8;
	[tilespmem:$0x1E800] =	vst v63  }
0x5b: {  	_ =	swait.ge [sflag:s28], $0x4000  }
.Ltmp3:
0x5c: {  	[sflag:s28] =	ssyncset.done $0x0;
	(pc) =	sbr.rel @p1 .LBB2_8-.Ltmp3, $4  }
0x5d: {  	s11 =	sadd.s32 $0x100, s11;
	[sflag:s28] =	ssyncadd.s32 $0xFFFFC000  }
0x5e: {  	[tilespmem:s23], [sflag:$0x1] =	stream.indirect.gather [hbm4b:s4+s22], $0x80, s11, s22, $0xb8;
	[tilespmem:$0x1E800] =	vst v63  }
0x5f: {  	_ =	swait.ge [sflag:s29], $0x4000  }
0x60: {  	[sflag:s29] =	ssyncset.done $0x0  }
0x61: {  	[sflag:s29] =	ssyncadd.s32 $0xFFFFC000  }
0x62: {  	_ =	swait.ge [sflag:s24], $0x4000  }
0x63: {  	[sflag:s24] =	ssyncset.done $0x0  }
0x64: {  	[sflag:s24] =	ssyncadd.s32 $0xFFFFC000  }
0x65: {  	[spmem:s2] =	stream.indirect.scatter.add.f32 [tilespmem:s23], [sflag:$0x3], $0x80, s30, s22, $0xb8;
	[tilespmem:$0x1E800] =	vst v63  }
0x66: {  	_ = 	snop  }
0x67: {  	[tilespmem:s25], [sflag:$0x2] =	stream.indirect.gather [hbm4b:s4+s22], $0x80, s31, s22, $0xb8;
	[tilespmem:$0x1E800] =	vst v63  }
0x68: {  	_ =	swait.ge [sflag:s26], $0x4000  }
0x69: {  	[sflag:s26] =	ssyncset.done $0x0  }
0x6a: {  	[sflag:s26] =	ssyncadd.s32 $0xFFFFC000  }
0x6b: {  	[spmem:s2] =	stream.indirect.scatter.add.f32 [tilespmem:s25], [sflag:$0x4], $0x80, s0, s22, $0xb8;
	[tilespmem:$0x1E800] =	vst v63  }
0x6c: {  	_ =	swait.ge [sflag:s28], $0x4000  }
0x6d: {  	[sflag:s28] =	ssyncset.done $0x0  }
0x6e: {  	[sflag:s28] =	ssyncadd.s32 $0xFFFFC000  }
0x6f: {  	_ =	swait.ge [sflag:s29], $0x4000  }
0x70: {  	[sflag:s29] =	ssyncset.done $0x0  }
0x71: {  	s10 =	simm.s32 $0x0;
	[sflag:s29] =	ssyncadd.s32 $0xFFFFC000  }
0x72: {  	[tilespmem:s10], [sflag:$0x5] =	stream.linear.gather [hbm4b:s16+s10], $0x1400, $0x38;
	[tilespmem:$0x1E800] =	vst v63  }
0x73: {  	_ =	swait.ge [sflag:s20], $0x1400  }
0x74: {  	[sflag:s20] =	ssyncset.done $0x0  }
0x75: {  	[sflag:s20] =	ssyncadd.s32 $0xFFFFEC00  }
0x76: {  	[tilespmem:s21], [sflag:$0x5] =	stream.linear.gather [hbm4b:s17+s10], $0x1400, $0x38;
	[tilespmem:$0x1E800] =	vst v63  }
0x77: {  	_ =	swait.ge [sflag:s20], $0x1400  }
0x78: {  	[sflag:s20] =	ssyncset.done $0x0  }
0x79: {  	[sflag:s20] =	ssyncadd.s32 $0xFFFFEC00  }
0x7a: {  	[tilespmem:s23], [sflag:$0x1] =	stream.indirect.gather [hbm4b:s4+s22], $0x80, s10, s22, $0xb8;
	[tilespmem:$0x1E800] =	vst v63  }
0x7b: {  	_ =	swait.ge [sflag:s24], $0x4000  }
0x7c: {  	[sflag:s24] =	ssyncset.done $0x0  }
0x7d: {  	s11 =	simm.s32 $0x1400;
	[sflag:s24] =	ssyncadd.s32 $0xFFFFC000  }
0x7e: {  	[spmem:s2] =	stream.indirect.scatter.add.f32 [tilespmem:s23], [sflag:$0x3], $0x80, s11, s22, $0xb8;
	[tilespmem:$0x1E800] =	vst v63  }
0x7f: {  	s12 =	simm.s32 $0x80  }
0x80: {  	[tilespmem:s25], [sflag:$0x2] =	stream.indirect.gather [hbm4b:s4+s22], $0x80, s12, s22, $0xb8;
	[tilespmem:$0x1E800] =	vst v63  }
0x81: {  	_ =	swait.ge [sflag:s26], $0x4000  }
0x82: {  	[sflag:s26] =	ssyncset.done $0x0  }
0x83: {  	s11 =	simm.s32 $0x1480;
	[sflag:s26] =	ssyncadd.s32 $0xFFFFC000  }
0x84: {  	[spmem:s2] =	stream.indirect.scatter.add.f32 [tilespmem:s25], [sflag:$0x4], $0x80, s11, s22, $0xb8;
	[tilespmem:$0x1E800] =	vst v63  }
0x85: {  	_ =	swait.ge [sflag:s28], $0x4000  }
0x86: {  	[sflag:s28] =	ssyncset.done $0x0  }
0x87: {  	s12 =	simm.s32 $0x100;
	[sflag:s28] =	ssyncadd.s32 $0xFFFFC000  }
0x88: {  	[tilespmem:s23], [sflag:$0x1] =	stream.indirect.gather [hbm4b:s4+s22], $0x80, s12, s22, $0xb8;
	[tilespmem:$0x1E800] =	vst v63  }
0x89: {  	_ =	swait.ge [sflag:s29], $0x4000  }
0x8a: {  	s10 =	simm.s32 $0x400;
	[sflag:s29] =	ssyncset.done $0x0  }
.LBB2_10:
0x8b: {  	p1 =	sne.s32 s10, $0x4800  }
0x8c: {  	[sflag:s29] =	ssyncadd.s32 $0xFFFFC000;
	s11 =	smov.u32 s10;
	s10 =	sadd.s32 $0x400, s10  }
0x8d: {  	_ =	swait.ge [sflag:s24], $0x4000  }
0x8e: {  	s11 =	sshra.s32 s11, $0x2;
	[sflag:s24] =	ssyncset.done $0x0  }
0x8f: {  	s12 =	sadd.s32 $0x1400, s11;
	[sflag:s24] =	ssyncadd.s32 $0xFFFFC000  }
0x90: {  	[spmem:s2] =	stream.indirect.scatter.add.f32 [tilespmem:s23], [sflag:$0x3], $0x80, s12, s22, $0xb8;
	[tilespmem:$0x1E800] =	vst v63  }
0x91: {  	s12 =	sadd.s32 $0x80, s11  }
0x92: {  	[tilespmem:s25], [sflag:$0x2] =	stream.indirect.gather [hbm4b:s4+s22], $0x80, s12, s22, $0xb8;
	[tilespmem:$0x1E800] =	vst v63  }
0x93: {  	_ =	swait.ge [sflag:s26], $0x4000  }
0x94: {  	[sflag:s26] =	ssyncset.done $0x0  }
0x95: {  	s12 =	sadd.s32 $0x1480, s11;
	[sflag:s26] =	ssyncadd.s32 $0xFFFFC000  }
0x96: {  	[spmem:s2] =	stream.indirect.scatter.add.f32 [tilespmem:s25], [sflag:$0x4], $0x80, s12, s22, $0xb8;
	[tilespmem:$0x1E800] =	vst v63  }
0x97: {  	_ =	swait.ge [sflag:s28], $0x4000  }
.Ltmp4:
0x98: {  	[sflag:s28] =	ssyncset.done $0x0;
	(pc) =	sbr.rel @p1 .LBB2_10-.Ltmp4, $4  }
0x99: {  	s11 =	sadd.s32 $0x100, s11;
	[sflag:s28] =	ssyncadd.s32 $0xFFFFC000  }
0x9a: {  	[tilespmem:s23], [sflag:$0x1] =	stream.indirect.gather [hbm4b:s4+s22], $0x80, s11, s22, $0xb8;
	[tilespmem:$0x1E800] =	vst v63  }
0x9b: {  	_ =	swait.ge [sflag:s29], $0x4000  }
0x9c: {  	[sflag:s29] =	ssyncset.done $0x0  }
.Ltmp5:
0x9d: {  	_ = 	snop;
	(pc) =	sbr.rel .LBB2_11-.Ltmp5, $1  }
0x9e: {  	_ =	sdelay $0x3  }
.LBB2_2:
0x9f: {  	s10 =	rddreg [dreg:$0x4]  }
0xa0: {  	[spmem:s8], [sflag:s9] =	dma.local [hbm:s10], $0x2800  }
0xa1: {  	_ =	swait.ge [sflag:s20], $0x2800  }
0xa2: {  	[sflag:s20] =	ssyncset.done $0x0  }
0xa3: {  	[sflag:s20] =	ssyncadd.s32 $0xFFFFD800  }
0xa4: {  	[bflag:$0x0] =	sbarrier.arrive $0xFFFF  }
0xa5: {  	s10 =	simm.s32 $0x0;
	s11 =	rddreg [dreg:$0x5]  }
0xa6: {  	[tilespmem:s10], [sflag:$0x5] =	stream.linear.gather [hbm4b:s11+s10], $0x1400, $0x38;
	[tilespmem:$0x1E800] =	vst v63  }
0xa7: {  	_ =	swait.ge [sflag:s20], $0x1400  }
0xa8: {  	[sflag:s20] =	ssyncset.done $0x0  }
0xa9: {  	s12 =	rddreg [dreg:$0x6];
	[sflag:s20] =	ssyncadd.s32 $0xFFFFEC00  }
0xaa: {  	[tilespmem:s21], [sflag:$0x5] =	stream.linear.gather [hbm4b:s12+s10], $0x1400, $0x38;
	[tilespmem:$0x1E800] =	vst v63  }
0xab: {  	_ =	swait.ge [sflag:s20], $0x1400  }
0xac: {  	[sflag:s20] =	ssyncset.done $0x0  }
0xad: {  	[sflag:s20] =	ssyncadd.s32 $0xFFFFEC00  }
0xae: {  	[tilespmem:s23], [sflag:$0x1] =	stream.indirect.gather [hbm4b:s4+s22], $0x80, s10, s22, $0xb8;
	[tilespmem:$0x1E800] =	vst v63  }
0xaf: {  	_ =	swait.ge [sflag:s24], $0x4000  }
0xb0: {  	[sflag:s24] =	ssyncset.done $0x0  }
0xb1: {  	s11 =	simm.s32 $0x1400;
	[sflag:s24] =	ssyncadd.s32 $0xFFFFC000  }
0xb2: {  	[spmem:s2] =	stream.indirect.scatter.add.f32 [tilespmem:s23], [sflag:$0x3], $0x80, s11, s22, $0xb8;
	[tilespmem:$0x1E800] =	vst v63  }
0xb3: {  	s12 =	simm.s32 $0x80  }
0xb4: {  	[tilespmem:s25], [sflag:$0x2] =	stream.indirect.gather [hbm4b:s4+s22], $0x80, s12, s22, $0xb8;
	[tilespmem:$0x1E800] =	vst v63  }
0xb5: {  	_ =	swait.ge [sflag:s26], $0x4000  }
0xb6: {  	[sflag:s26] =	ssyncset.done $0x0  }
0xb7: {  	s11 =	simm.s32 $0x1480;
	[sflag:s26] =	ssyncadd.s32 $0xFFFFC000  }
0xb8: {  	[spmem:s2] =	stream.indirect.scatter.add.f32 [tilespmem:s25], [sflag:$0x4], $0x80, s11, s22, $0xb8;
	[tilespmem:$0x1E800] =	vst v63  }
0xb9: {  	_ =	swait.ge [sflag:s28], $0x4000  }
0xba: {  	[sflag:s28] =	ssyncset.done $0x0  }
0xbb: {  	s12 =	simm.s32 $0x100;
	[sflag:s28] =	ssyncadd.s32 $0xFFFFC000  }
0xbc: {  	[tilespmem:s23], [sflag:$0x1] =	stream.indirect.gather [hbm4b:s4+s22], $0x80, s12, s22, $0xb8;
	[tilespmem:$0x1E800] =	vst v63  }
0xbd: {  	_ =	swait.ge [sflag:s29], $0x4000  }
0xbe: {  	s10 =	simm.s32 $0x400;
	[sflag:s29] =	ssyncset.done $0x0  }
.LBB2_3:
0xbf: {  	p1 =	sne.s32 s10, $0x4800  }
0xc0: {  	[sflag:s29] =	ssyncadd.s32 $0xFFFFC000;
	s11 =	smov.u32 s10;
	s10 =	sadd.s32 $0x400, s10  }
0xc1: {  	_ =	swait.ge [sflag:s24], $0x4000  }
0xc2: {  	s11 =	sshra.s32 s11, $0x2;
	[sflag:s24] =	ssyncset.done $0x0  }
0xc3: {  	s12 =	sadd.s32 $0x1400, s11;
	[sflag:s24] =	ssyncadd.s32 $0xFFFFC000  }
0xc4: {  	[spmem:s2] =	stream.indirect.scatter.add.f32 [tilespmem:s23], [sflag:$0x3], $0x80, s12, s22, $0xb8;
	[tilespmem:$0x1E800] =	vst v63  }
0xc5: {  	s12 =	sadd.s32 $0x80, s11  }
0xc6: {  	[tilespmem:s25], [sflag:$0x2] =	stream.indirect.gather [hbm4b:s4+s22], $0x80, s12, s22, $0xb8;
	[tilespmem:$0x1E800] =	vst v63  }
0xc7: {  	_ =	swait.ge [sflag:s26], $0x4000  }
0xc8: {  	[sflag:s26] =	ssyncset.done $0x0  }
0xc9: {  	s12 =	sadd.s32 $0x1480, s11;
	[sflag:s26] =	ssyncadd.s32 $0xFFFFC000  }
0xca: {  	[spmem:s2] =	stream.indirect.scatter.add.f32 [tilespmem:s25], [sflag:$0x4], $0x80, s12, s22, $0xb8;
	[tilespmem:$0x1E800] =	vst v63  }
0xcb: {  	_ =	swait.ge [sflag:s28], $0x4000  }
.Ltmp6:
0xcc: {  	[sflag:s28] =	ssyncset.done $0x0;
	(pc) =	sbr.rel @p1 .LBB2_3-.Ltmp6, $4  }
0xcd: {  	s11 =	sadd.s32 $0x100, s11;
	[sflag:s28] =	ssyncadd.s32 $0xFFFFC000  }
0xce: {  	[tilespmem:s23], [sflag:$0x1] =	stream.indirect.gather [hbm4b:s4+s22], $0x80, s11, s22, $0xb8;
	[tilespmem:$0x1E800] =	vst v63  }
0xcf: {  	_ =	swait.ge [sflag:s29], $0x4000  }
0xd0: {  	[sflag:s29] =	ssyncset.done $0x0  }
0xd1: {  	[sflag:s29] =	ssyncadd.s32 $0xFFFFC000  }
0xd2: {  	_ =	swait.ge [sflag:s24], $0x4000  }
0xd3: {  	[sflag:s24] =	ssyncset.done $0x0  }
0xd4: {  	[sflag:s24] =	ssyncadd.s32 $0xFFFFC000  }
0xd5: {  	[spmem:s2] =	stream.indirect.scatter.add.f32 [tilespmem:s23], [sflag:$0x3], $0x80, s30, s22, $0xb8;
	[tilespmem:$0x1E800] =	vst v63  }
0xd6: {  	_ = 	snop  }
0xd7: {  	[tilespmem:s25], [sflag:$0x2] =	stream.indirect.gather [hbm4b:s4+s22], $0x80, s31, s22, $0xb8;
	[tilespmem:$0x1E800] =	vst v63  }
0xd8: {  	_ =	swait.ge [sflag:s26], $0x4000  }
0xd9: {  	[sflag:s26] =	ssyncset.done $0x0  }
0xda: {  	[sflag:s26] =	ssyncadd.s32 $0xFFFFC000  }
0xdb: {  	[spmem:s2] =	stream.indirect.scatter.add.f32 [tilespmem:s25], [sflag:$0x4], $0x80, s0, s22, $0xb8;
	[tilespmem:$0x1E800] =	vst v63  }
0xdc: {  	_ =	swait.ge [sflag:s28], $0x4000  }
0xdd: {  	[sflag:s28] =	ssyncset.done $0x0  }
0xde: {  	[sflag:s28] =	ssyncadd.s32 $0xFFFFC000  }
0xdf: {  	_ =	swait.ge [sflag:s29], $0x4000  }
0xe0: {  	[sflag:s29] =	ssyncset.done $0x0  }
0xe1: {  	s10 =	simm.s32 $0x0;
	s11 =	rddreg [dreg:$0x7];
	[sflag:s29] =	ssyncadd.s32 $0xFFFFC000  }
0xe2: {  	[tilespmem:s10], [sflag:$0x5] =	stream.linear.gather [hbm4b:s11+s10], $0x1400, $0x38;
	[tilespmem:$0x1E800] =	vst v63  }
0xe3: {  	_ =	swait.ge [sflag:s20], $0x1400  }
0xe4: {  	[sflag:s20] =	ssyncset.done $0x0  }
0xe5: {  	s12 =	rddreg [dreg:$0x8];
	[sflag:s20] =	ssyncadd.s32 $0xFFFFEC00  }
0xe6: {  	[tilespmem:s21], [sflag:$0x5] =	stream.linear.gather [hbm4b:s12+s10], $0x1400, $0x38;
	[tilespmem:$0x1E800] =	vst v63  }
0xe7: {  	_ =	swait.ge [sflag:s20], $0x1400  }
0xe8: {  	[sflag:s20] =	ssyncset.done $0x0  }
0xe9: {  	[sflag:s20] =	ssyncadd.s32 $0xFFFFEC00  }
0xea: {  	[tilespmem:s23], [sflag:$0x1] =	stream.indirect.gather [hbm4b:s4+s22], $0x80, s10, s22, $0xb8;
	[tilespmem:$0x1E800] =	vst v63  }
0xeb: {  	_ =	swait.ge [sflag:s24], $0x4000  }
0xec: {  	[sflag:s24] =	ssyncset.done $0x0  }
0xed: {  	s11 =	simm.s32 $0x1400;
	[sflag:s24] =	ssyncadd.s32 $0xFFFFC000  }
0xee: {  	[spmem:s2] =	stream.indirect.scatter.add.f32 [tilespmem:s23], [sflag:$0x3], $0x80, s11, s22, $0xb8;
	[tilespmem:$0x1E800] =	vst v63  }
0xef: {  	s12 =	simm.s32 $0x80  }
0xf0: {  	[tilespmem:s25], [sflag:$0x2] =	stream.indirect.gather [hbm4b:s4+s22], $0x80, s12, s22, $0xb8;
	[tilespmem:$0x1E800] =	vst v63  }
0xf1: {  	_ =	swait.ge [sflag:s26], $0x4000  }
0xf2: {  	[sflag:s26] =	ssyncset.done $0x0  }
0xf3: {  	s11 =	simm.s32 $0x1480;
	[sflag:s26] =	ssyncadd.s32 $0xFFFFC000  }
0xf4: {  	[spmem:s2] =	stream.indirect.scatter.add.f32 [tilespmem:s25], [sflag:$0x4], $0x80, s11, s22, $0xb8;
	[tilespmem:$0x1E800] =	vst v63  }
0xf5: {  	_ =	swait.ge [sflag:s28], $0x4000  }
0xf6: {  	[sflag:s28] =	ssyncset.done $0x0  }
0xf7: {  	s12 =	simm.s32 $0x100;
	[sflag:s28] =	ssyncadd.s32 $0xFFFFC000  }
0xf8: {  	[tilespmem:s23], [sflag:$0x1] =	stream.indirect.gather [hbm4b:s4+s22], $0x80, s12, s22, $0xb8;
	[tilespmem:$0x1E800] =	vst v63  }
0xf9: {  	_ =	swait.ge [sflag:s29], $0x4000  }
0xfa: {  	s10 =	simm.s32 $0x400;
	[sflag:s29] =	ssyncset.done $0x0  }
.LBB2_5:
0xfb: {  	p1 =	seq.s32 s10, $0x4800  }
0xfc: {  	[sflag:s29] =	ssyncadd.s32 $0xFFFFC000;
	s11 =	smov.u32 s10;
	s10 =	sadd.s32 $0x400, s10  }
0xfd: {  	_ =	swait.ge [sflag:s24], $0x4000  }
0xfe: {  	s11 =	sshra.s32 s11, $0x2;
	[sflag:s24] =	ssyncset.done $0x0  }
0xff: {  	s12 =	sadd.s32 $0x1400, s11;
	[sflag:s24] =	ssyncadd.s32 $0xFFFFC000  }
0x100: {  	[spmem:s2] =	stream.indirect.scatter.add.f32 [tilespmem:s23], [sflag:$0x3], $0x80, s12, s22, $0xb8;
	[tilespmem:$0x1E800] =	vst v63  }
0x101: {  	s12 =	sadd.s32 $0x80, s11  }
0x102: {  	[tilespmem:s25], [sflag:$0x2] =	stream.indirect.gather [hbm4b:s4+s22], $0x80, s12, s22, $0xb8;
	[tilespmem:$0x1E800] =	vst v63  }
0x103: {  	_ =	swait.ge [sflag:s26], $0x4000  }
0x104: {  	[sflag:s26] =	ssyncset.done $0x0  }
0x105: {  	s12 =	sadd.s32 $0x1480, s11;
	[sflag:s26] =	ssyncadd.s32 $0xFFFFC000  }
0x106: {  	[spmem:s2] =	stream.indirect.scatter.add.f32 [tilespmem:s25], [sflag:$0x4], $0x80, s12, s22, $0xb8;
	[tilespmem:$0x1E800] =	vst v63  }
0x107: {  	_ =	swait.ge [sflag:s28], $0x4000  }
.Ltmp7:
0x108: {  	[sflag:s28] =	ssyncset.done $0x0;
	(pc) =	sbr.rel @!p1 .LBB2_5-.Ltmp7, $4  }
0x109: {  	s11 =	sadd.s32 $0x100, s11;
	[sflag:s28] =	ssyncadd.s32 $0xFFFFC000  }
0x10a: {  	[tilespmem:s23], [sflag:$0x1] =	stream.indirect.gather [hbm4b:s4+s22], $0x80, s11, s22, $0xb8;
	[tilespmem:$0x1E800] =	vst v63  }
0x10b: {  	_ =	swait.ge [sflag:s29], $0x4000  }
0x10c: {  	[sflag:s29] =	ssyncset.done $0x0  }
.Ltmp8:
0x10d: {  	(pc) =	sbr.rel .LBB2_12-.Ltmp8, $2  }
0x10e: {  	_ =	sdelay $0x2  }
0x10f: {  	[sflag:s29] =	ssyncadd.s32 $0xFFFFC000;
	s10 =	smov.u32 s6  }
.LBB2_13:
0x110: {  	_ =	sfence.sel $0x180000  }
0x111: {  	[bflag:$0x0] =	sbarrier.arrive $0xFFFF  }
0x112: {  	_ =	strace $0x9000004A  }
0x113: {  	[bflag:$0x2] =	sbarrier.arrive $0xFFFF  }
0x114: {  	p0 =	sne.s32 s1, $0x0;
	s0 =	rddreg [dreg:$0x3]  }
0x115: {  	s0 =	sadd.s32 @!p0 $0x100000, s0  }
0x116: {  	[sflag:s0] =	ssyncadd.tile.s32 @!p0 $0x1;
	_ =	shalt  }
.Lfunc_end2:
_tile_overlayer_lowered:
.L_overlay_start_2:
0x117: {  	(tag) =	ssettag $0x2  }
0x118: {  	s0 =	rddreg [dreg:$0x0];
	s2 =	stileid.u32  }
0x119: {  	s1 =	rddreg [dreg:$0x1];
	p0 =	sne.s32 s2, $0x0  }
0x11a: {  	s3 =	rddreg [dreg:$0x2];
	[bflag:$0x3] =	sbarrier.arrive $0xFFFF;
	s2 =	simm.s32 @!p0 $0x1C05  }
0x11b: {  	[timem:s3], [sflag:s2] =	dma.local @!p0 [hbm:s0], s1  }
0x11c: {  	s0 =	simm.s32 @!p0 $0x5  }
0x11d: {  	_ =	swait.ge @!p0 [sflag:s0], s1  }
0x11e: {  	s1 =	ssub.s32 @!p0 $0x0, s1;
	[sflag:s0] =	ssyncset.done @!p0 $0x0  }
0x11f: {  	[sflag:s0] =	ssyncadd.s32 @!p0 s1  }
0x120: {  	[bflag:$0x3] =	sbarrier.arrive $0xFFFF  }
0x121: {  	_ =	shalt  }

// kernel: kernel.16.cloned.1.call-start
scs
__scs_entry_jumppad:
0x0: {  	(pc) =	sbr.rel $0x88, $3  }
0x1: {  	(tag) =	ssettag $0x0;
	lr =	simm.s32 $0x1  }
0x2: {  	[smem:$0x3F95] =	sst lr;
	_ =	strace $0xD0000000  }
0x3: {  	_ = 	snop  }
0x4: {  	_ = 	snop  }
0x5: {  	_ = 	snop  }
0x6: {  	_ = 	snop  }
0x7: {  	_ = 	snop  }
__scs_overlays_trampoline_lowered:
0x8: {  	[smem:$0x3FA4] =	sst s0  }
0x9: {  	[smem:$0x3FA5] =	sst s1  }
0xa: {  	[smem:$0x3FA6] =	sst s2  }
0xb: {  	[smem:$0x3FA7] =	sst s3  }
0xc: {  	[smem:$0x3FA8] =	sst s4  }
0xd: {  	[smem:$0x3FA9] =	sst s5  }
0xe: {  	[smem:$0x3FAA] =	sst s6  }
0xf: {  	[smem:$0x3FAB] =	sst s7  }
0x10: {  	[smem:$0x3FAC] =	sst s8  }
0x11: {  	[smem:$0x3FAD] =	sst s9;
	s0 =	simm.s32 @!p0 $0x0  }
0x12: {  	s1 =	sld [smem:$0x3F93];
	s0 =	simm.s32 @p0 $0x1  }
0x13: {  	[smem:$0x3FAE] =	sst s0;
	s0 =	simm.s32 @!p1 $0x0  }
0x14: {  	s2 =	sld [smem:$0x3F92];
	s0 =	simm.s32 @p1 $0x1  }
0x15: {  	[smem:$0x3FAF] =	sst s0;
	s0 =	simm.s32 @!p2 $0x0  }
0x16: {  	s3 =	sld [smem:$0x3FDB];
	s0 =	simm.s32 @p2 $0x1  }
0x17: {  	s4 =	simm.s32 $0x1BF5;
	[smem:$0x3FB1] =	sst s0  }
0x18: {  	s0 =	sld [smem:$0x3F94];
	_ =	swait.ge [sflag:s4], $0x0  }
0x19: {  	s7 =	sld [smem:$0x3F95]  }
0x1a: {  	s8 =	sadd.s32 $0xFFFFE003, lr  }
0x1b: {  	s9 =	sadd.s32 $0xFFFFFEF7, lr;
	s5 =	simm.s32 $0xFFFFFFFF;
	p2 =	slt.u32 s8, $0xFFFFF086  }
0x1c: {  	p1 =	slt.u32 s9, $0xF7A;
	s5 =	simm.s32 @!p2 $0x0  }
0x1d: {  	s5 =	simm.s32 @p1 $0x1;
	p0 =	seq.s32 s7, s2  }
0x1e: {  	s7 =	smul.u32 @!p0 $0xF7A, s2;
	p2 =	seq.s32 @!p0 s5, $0x0  }
0x1f: {  	s9 =	smul.u32 $0xF7A, s1;
	s8 =	simm.s32 @!p0 $0x1BF5;
	p2 =	por !p2, p0  }
0x20: {  	[sflag:s8] =	ssyncset.s32 @!p0 $0xFFFFF086;
	s6 =	sadd.s32 @!p0 s3, s7;
	s7 =	simm.s32 @!p0 $0x108  }
0x21: {  	s3 =	sadd.s32 s3, s9;
	s6 =	sadd.s32 @!p0 $0x88, s6;
	s7 =	simm.s32 @p2 $0x1082  }
0x22: {  	[simem:s7], [sflag:s8] =	dma.local @!p0 [hbm:s6], $0xF7A  }
0x23: {  	s9 =	sor.u32 $0xD0000000, s2;
	s6 =	simm.s32 $0x108;
	_ =	swait.ge @!p0 [sflag:s8], $0x0  }
0x24: {  	s3 =	sadd.s32 $0x88, s3;
	s6 =	simm.s32 @!p1 $0x1082;
	[sflag:s4] =	ssyncset.s32 $0xFFFFF086  }
0x25: {  	[simem:s6], [sflag:s4] =	dma.local [hbm:s3], $0xF7A  }
0x26: {  	[smem:$0x3F95] =	sst s1;
	(tag) =	ssettag s2;
	_ =	strace s9  }
0x27: {  	s1 =	sld [smem:$0x3FA5]  }
0x28: {  	s2 =	sld [smem:$0x3FA6]  }
0x29: {  	s4 =	sld [smem:$0x3FA8]  }
0x2a: {  	p0 =	seq.s32 s5, $0x0;
	s5 =	sld [smem:$0x3FA9]  }
0x2b: {  	s6 =	sld [smem:$0x3FAA]  }
0x2c: {  	s7 =	sld [smem:$0x3FAB]  }
0x2d: {  	s3 =	simm.s32 $0x108;
	s8 =	sld [smem:$0x3FAC]  }
0x2e: {  	s3 =	simm.s32 @!p0 $0x1082;
	s9 =	sld [smem:$0x3FAD]  }
0x2f: {  	lr =	sadd.s32 s0, s3;
	s0 =	sld [smem:$0x3FA4]  }
0x30: {  	s3 =	sld [smem:$0x3FA7]  }
0x31: {  	[smem:$0x3FB0] =	sst s10  }
0x32: {  	s10 =	sld [smem:$0x3FAE];
	_ =	sdelay $0x3  }
0x33: {  	p0 =	seq.s32 s10, $0x1;
	s10 =	sld [smem:$0x3FB0];
	_ =	sdelay $0x3  }
0x34: {  	[smem:$0x3FB0] =	sst s10  }
0x35: {  	s10 =	sld [smem:$0x3FAF];
	_ =	sdelay $0x3  }
0x36: {  	p1 =	seq.s32 s10, $0x1;
	s10 =	sld [smem:$0x3FB0];
	_ =	sdelay $0x3  }
0x37: {  	[smem:$0x3FB0] =	sst s10  }
0x38: {  	s10 =	sld [smem:$0x3FB1]  }
0x39: {  	_ = 	snop;
	(pc) =	sbr.ind lr, $3  }
0x3a: {  	_ = 	snop  }
0x3b: {  	_ = 	snop  }
0x3c: {  	p2 =	seq.s32 s10, $0x1;
	s10 =	sld [smem:$0x3FB0]  }
0x3d: {  	_ =	shalt  }
0x3e: {  	_ =	shalt  }
0x3f: {  	_ =	shalt  }
0x40: {  	_ =	shalt  }
0x41: {  	_ =	shalt  }
0x42: {  	_ =	shalt  }
0x43: {  	_ =	shalt  }
0x44: {  	_ =	shalt  }
0x45: {  	_ =	shalt  }
0x46: {  	_ =	shalt  }
0x47: {  	_ =	shalt  }
0x48: {  	_ =	shalt  }
0x49: {  	_ =	shalt  }
0x4a: {  	_ =	shalt  }
0x4b: {  	_ =	shalt  }
0x4c: {  	_ =	shalt  }
0x4d: {  	_ =	shalt  }
0x4e: {  	_ =	shalt  }
0x4f: {  	_ =	shalt  }
0x50: {  	_ =	shalt  }
0x51: {  	_ =	shalt  }
0x52: {  	_ =	shalt  }
0x53: {  	_ =	shalt  }
0x54: {  	_ =	shalt  }
0x55: {  	_ =	shalt  }
0x56: {  	_ =	shalt  }
0x57: {  	_ =	shalt  }
0x58: {  	_ =	shalt  }
0x59: {  	_ =	shalt  }
0x5a: {  	_ =	shalt  }
0x5b: {  	_ =	shalt  }
0x5c: {  	_ =	shalt  }
0x5d: {  	_ =	shalt  }
0x5e: {  	_ =	shalt  }
0x5f: {  	_ =	shalt  }
0x60: {  	_ =	shalt  }
0x61: {  	_ =	shalt  }
0x62: {  	_ =	shalt  }
0x63: {  	_ =	shalt  }
0x64: {  	_ =	shalt  }
0x65: {  	_ =	shalt  }
0x66: {  	_ =	shalt  }
0x67: {  	_ =	shalt  }
0x68: {  	_ =	shalt  }
0x69: {  	_ =	shalt  }
0x6a: {  	_ =	shalt  }
0x6b: {  	_ =	shalt  }
0x6c: {  	_ =	shalt  }
0x6d: {  	_ =	shalt  }
0x6e: {  	_ =	shalt  }
0x6f: {  	_ =	shalt  }
0x70: {  	_ =	shalt  }
0x71: {  	_ =	shalt  }
0x72: {  	_ =	shalt  }
0x73: {  	_ =	shalt  }
0x74: {  	_ =	shalt  }
0x75: {  	_ =	shalt  }
0x76: {  	_ =	shalt  }
0x77: {  	_ =	shalt  }
0x78: {  	_ =	shalt  }
0x79: {  	_ =	shalt  }
0x7a: {  	_ =	shalt  }
0x7b: {  	_ =	shalt  }
0x7c: {  	_ =	shalt  }
0x7d: {  	_ =	shalt  }
0x7e: {  	_ =	shalt  }
0x7f: {  	_ =	shalt  }
0x80: {  	_ =	shalt  }
0x81: {  	_ =	shalt  }
0x82: {  	_ =	shalt  }
0x83: {  	_ =	shalt  }
0x84: {  	_ =	shalt  }
0x85: {  	_ =	shalt  }
0x86: {  	_ =	shalt  }
0x87: {  	_ =	shalt  }
.Lfunc_end0:
.L_simem_size_0:
called_computation.2_lowered:
.L_overlay_start_0:
0x88: {  	s2 =	sld [smem:$0x3FD9]  }
0x89: {  	s3 =	sld [smem:$0x3FFE];
	_ =	sdelay $0x1  }
0x8a: {  	s1 =	srdreg.scid  }
0x8b: {  	s0 =	sand.u32 $0x1, s1  }
0x8c: {  	s17 =	sshll.u32 s0, $0xA;
	s2 =	sadd.s32 s3, s2  }
0x8d: {  	s2 =	sadd.s32 s2, s17  }
0x8e: {  	[smem:$0x3FBC] =	sst s2  }
0x8f: {  	_ = 	snop  }
0x90: {  	s2 =	sld [smem:$0x3FD0];
	(tm) =	ssettm $0x1  }
0x91: {  	s18 =	sld [smem:$0x3FFB];
	_ =	sdelay $0x3  }
0x92: {  	_ =	strace s18  }
0x93: {  	s3 =	sld [smem:$0x3FFC];
	_ =	sdelay $0x3  }
0x94: {  	_ =	strace s3  }
0x95: {  	s3 =	sld [smem:$0x3FFD];
	_ =	sdelay $0x3  }
0x96: {  	_ =	strace s3  }
0x97: {  	_ =	strace $0x8FFFFFFF  }
0x98: {  	s19 =	sld [smem:$0x3FDB];
	_ =	sdelay $0x1  }
0x99: {  	s4 =	simm.s32 $_scs_section_size  }
0x9a: {  	s5 =	simm.s32 $_size__tile_overlayer_lowered;
	s6 =	simm.s32 $_tile_overlayer_lowered  }
0x9b: {  	s22 =	simm.s32 $0x1BFF;
	s21 =	sshll.u32 s6, $0x1;
	s3 =	sadd.s32 s4, s19  }
0x9c: {  	s7 =	simm.s32 $0x0;
	s20 =	sshll.u32 s5, $0x1;
	s5 =	sadd.s32 s21, s3  }
0x9d: {  	[timem:s7], [sflag:s22] =	dma.local [hbm:s5], s20  }
0x9e: {  	_ =	swait.ge [sflag:s22], s20  }
0x9f: {  	s4 =	ssub.s32 $0x0, s20;
	[sflag:s22] =	ssyncset.done $0x0  }
0xa0: {  	[sflag:s22] =	ssyncadd.s32 s4;
	_ =	sdelay $0x1  }
0xa1: {  	s23 =	simm.s32 $0x1B8B  }
0xa2: {  	_ =	swait.ge [sflag:s23], $0x1  }
0xa3: {  	[sflag:s23] =	ssyncset.done $0x0  }
0xa4: {  	s25 =	simm.s32 $0x1B8E;
	s24 =	sld [smem:$0x3FFE];
	[sflag:s23] =	ssyncadd.s32 $0xFFFFFFFF  }
0xa5: {  	s26 =	simm.s32 $execute0_lowered;
	[smem:$0x3FD2] =	sst s25  }
0xa6: {  	s5 =	sshll.u32 s26, $0x1;
	_ =	strace $0x8000004C;
	[dreg:$0x1] =	wrdreg $0xFFFFFFFF  }
0xa7: {  	s28 =	simm.s32 $_size_execute0_lowered;
	s3 =	sadd.s32 s3, s5;
	[dreg:$0x0] =	wrdreg $0x0  }
0xa8: {  	s5 =	sshll.u32 s28, $0x1;
	[dreg:$0x2] =	wrdreg s3  }
0xa9: {  	[dreg:$0x3] =	wrdreg s5  }
0xaa: {  	[dreg:$0x4] =	wrdreg $0xC0  }
0xab: {  	_ =	task [dreg:s7], $0x5FFFF  }
0xac: {  	[dreg:$0x1] =	wrdreg $0xFFFFFFFF  }
0xad: {  	[dreg:$0x0] =	wrdreg $0x60  }
0xae: {  	[dreg:$0x2] =	wrdreg s24  }
0xaf: {  	[dreg:$0x3] =	wrdreg s2  }
0xb0: {  	[dreg:$0x4] =	wrdreg $0xA8000  }
0xb1: {  	[dreg:$0x5] =	wrdreg $0x9  }
0xb2: {  	_ =	task.clear_ibuf [dreg:s7], $0x6FFFF;
	_ =	strace $0x9000004C  }
0xb3: {  	s29 =	simm.s32 $0x9;
	_ =	strace $0x8000004E  }
0xb4: {  	_ =	swait.ge [sflag:s29], $0x1  }
0xb5: {  	[sflag:s29] =	ssyncadd.s32 $0xFFFFFFFF  }
0xb6: {  	_ =	strace $0x9000004E  }
0xb7: {  	_ =	sfence  }
0xb8: {  	s30 =	sld [smem:$0x0];
	_ =	sdelay $0x2  }
0xb9: {  	s31 =	sshll.u32 s1, $0xD;
	s1 =	sshrl.u32 s1, $0x2  }
0xba: {  	s3 =	sand.u32 $0x4000, s31;
	s1 =	sadd.s32 s1, s30  }
0xbb: {  	s0 =	sor.u32 s3, s0;
	s1 =	sshll.u32 s1, $0x11  }
0xbc: {  	s0 =	sor.u32 s1, s0  }
0xbd: {  	s0 =	sadd.s32 $0x8F2B, s0  }
0xbe: {  	[sflag:s0] =	ssyncadd.remote.s32 $0x1  }
0xbf: {  	_ =	sfence.sel $0xFFFF  }
0xc0: {  	[dreg:$0x0] =	wrdreg $0xFFFFFFFF;
	(pc) =	sbr.abs _section_cstart, $3  }
0xc1: {  	[dreg:$0x1] =	wrdreg $0xFFFFFFFF  }
0xc2: {  	_ =	task.clear_ibuf [dreg:s7], $0x2FFFF;
	_ =	strace $0x9FFFFFFF  }
0xc3: {  	(tm) =	ssettm $0x7FFFFFFF  }
tec
execute0_lowered:
.L_overlay_start_1:
0x0: {  	(tag) =	ssettag $0x1  }
0x1: {  	s0 =	rddreg [dreg:$0x0]  }
0x2: {  	s7 =	rddreg [dreg:$0x1]  }
0x3: {  	s1 =	rddreg [dreg:$0x2];
	s2 =	simm.s32 $0x0;
	s6 =	srdreg.scid  }
0x4: {  	s3 =	stileid.u32;
	s28 =	simm.s32 $0x2;
	s29 =	simm.s32 $0x3  }
0x5: {  	s30 =	simm.s32 $0x4;
	s31 =	simm.s32 $0x2700;
	s11 =	smul.u32 $0x50000, s3  }
0x6: {  	[smem:$0x7FF] =	sst s2;
	s4 =	sadd.s32 $0xAD400, s0;
	s12 =	smul.u32 $0x5000, s3  }
0x7: {  	s5 =	sadd.s32 $0x85400, s0;
	s8 =	sand.u32 $0x1, s6;
	s21 =	smul.u32 $0x2800, s3  }
0x8: {  	s9 =	sadd.s32 $0x3400, s0;
	s0 =	sadd.s32 $0x35400, s0;
	s23 =	smul.u32 $0xA00, s3  }
0x9: {  	s18 =	smul.u32 $0x14000, s3;
	_ =	strace $0x8000004D;
	s10 =	ssub.s32 $0x2, s8  }
0xa: {  	[dreg:$0x4] =	wrdreg s0;
	p0 =	seq.s32 s8, $0x1;
	s20 =	sshrl.u32 s10, $0x1  }
0xb: {  	s22 =	sshrl.u32 s11, $0x2;
	s16 =	sshrl.u32 s12, $0x3;
	[dreg:$0x5] =	wrdreg s21  }
0xc: {  	s6 =	sadd.s32 s4, s21;
	s11 =	sadd.s32 s9, s23;
	s24 =	sshrl.u32 s18, $0x3  }
0xd: {  	s21 =	simm.s32 $0x5;
	s0 =	ssub.s32 s10, s20;
	s8 =	sadd.s32 s22, s1  }
0xe: {  	[dreg:$0x6] =	wrdreg s6;
	s13 =	sadd.s32 $0x280, s16;
	s10 =	sadd.s32 s7, s23  }
0xf: {  	s15 =	sadd.s32 $0x500, s16;
	s17 =	sadd.s32 $0x780, s16;
	s25 =	sadd.s32 s5, s24  }
0x10: {  	s26 =	sadd.s32 $0x28000, s24;
	s22 =	simm.s32 $0x1400;
	s23 =	simm.s32 $0x80  }
.Ltmp0:
0x11: {  	s24 =	simm.s32 $0x2800;
	s12 =	sadd.s32 s7, s13;
	(pc) =	sbr.rel .LBB2_1-.Ltmp0, $4  }
0x12: {  	s13 =	sadd.s32 s9, s13;
	s14 =	sadd.s32 s7, s15;
	s15 =	sadd.s32 s9, s15  }
0x13: {  	s16 =	sadd.s32 s7, s17;
	s17 =	sadd.s32 s9, s17;
	[dreg:$0x7] =	wrdreg s25  }
0x14: {  	[dreg:$0x8] =	wrdreg s26;
	s20 =	smax.u32 s0, $0x1;
	s25 =	simm.s32 $0x1  }
0x15: {  	s26 =	simm.s32 $0x6800;
	s0 =	simm.s32 $0x1380;
	s9 =	simm.s32 $0x2780  }
.LBB2_19:
0x16: {  	[sflag:s30] =	ssyncadd.s32 $0xFFFFC000  }
0x17: {  	_ =	swait.ge [sflag:s25], $0x4000  }
0x18: {  	[sflag:s25] =	ssyncset.done $0x0  }
0x19: {  	[sflag:s25] =	ssyncadd.s32 $0xFFFFC000  }
0x1a: {  	[spmem:s1] =	stream.indirect.scatter.add.f32 [tilespmem:s24], [sflag:$0x3], $0x80, s31, s23, $0xb8;
	[tilespmem:$0x1E800] =	vst v63  }
0x1b: {  	s7 =	rddreg [dreg:$0x8]  }
0x1c: {  	[tilespmem:s26], [sflag:$0x2] =	stream.indirect.gather [hbm4b:s5+s23], $0x80, s0, s23, $0xb8;
	[tilespmem:$0x1E800] =	vst v63  }
.LBB2_20:
0x1d: {  	_ =	swait.ge [sflag:s28], $0x4000  }
0x1e: {  	[sflag:s28] =	ssyncset.done $0x0  }
0x1f: {  	[sflag:s28] =	ssyncadd.s32 $0xFFFFC000  }
0x20: {  	[spmem:s1] =	stream.indirect.scatter.add.f32 [tilespmem:s26], [sflag:$0x4], $0x80, s9, s23, $0xb8;
	[tilespmem:$0x1E800] =	vst v63  }
0x21: {  	_ =	swait.ge [sflag:s29], $0x4000  }
0x22: {  	[sflag:s29] =	ssyncset.done $0x0  }
0x23: {  	[sflag:s29] =	ssyncadd.s32 $0xFFFFC000  }
0x24: {  	_ =	swait.ge [sflag:s30], $0x4000  }
0x25: {  	s2 =	sadd.s32 $0x1, s2;
	[sflag:s30] =	ssyncset.done $0x0  }
0x26: {  	p1 =	sne.s32 s2, s20;
	s3 =	rddreg [dreg:$0x4];
	[sflag:s30] =	ssyncadd.s32 $0xFFFFC000  }
.Ltmp1:
0x27: {  	s3 =	sadd.s32 s3, s7;
	[bflag:$0x0] =	sbarrier.arrive $0xFFFF;
	(pc) =	sbr.rel @!p1 .LBB2_21-.Ltmp1, $4  }
0x28: {  	[hbm:s3], [sflag:s19] =	dma.local [spmem:s18], $0x2800  }
0x29: {  	_ =	swait.ge [sflag:s21], $0x2800  }
0x2a: {  	[sflag:s21] =	ssyncset.done $0x0  }
0x2b: {  	[sflag:s21] =	ssyncadd.s32 $0xFFFFD800  }
.LBB2_1:
.Ltmp2:
0x2c: {  	(pc) =	sbr.rel @!p0 .LBB2_2-.Ltmp2, $4  }
0x2d: {  	_ = 	snop  }
0x2e: {  	s3 =	stileid.u32  }
0x2f: {  	s7 =	sshll.u32 s3, $0x6  }
0x30: {  	s18 =	sshrl.u32 s8, $0x3;
	s19 =	sor.u32 $0x1C05, s7  }
0x31: {  	s19 =	sor.u32 $0x1C05, s7;
	s3 =	rddreg [dreg:$0x7]  }
0x32: {  	[spmem:s18], [sflag:s19] =	dma.local [hbm:s3], $0x2800  }
0x33: {  	_ =	swait.ge [sflag:s21], $0x2800  }
0x34: {  	[sflag:s21] =	ssyncset.done $0x0  }
0x35: {  	[sflag:s21] =	ssyncadd.s32 $0xFFFFD800  }
0x36: {  	s7 =	simm.s32 $0x0;
	[bflag:$0x0] =	sbarrier.arrive $0xFFFF  }
0x37: {  	[tilespmem:s7], [sflag:$0x5] =	stream.linear.gather [hbm4b:s10+s7], $0x1400, $0x38;
	[tilespmem:$0x1E800] =	vst v63  }
0x38: {  	_ =	swait.ge [sflag:s21], $0x1400  }
0x39: {  	[sflag:s21] =	ssyncset.done $0x0  }
0x3a: {  	[sflag:s21] =	ssyncadd.s32 $0xFFFFEC00  }
0x3b: {  	[tilespmem:s22], [sflag:$0x5] =	stream.linear.gather [hbm4b:s11+s7], $0x1400, $0x38;
	[tilespmem:$0x1E800] =	vst v63  }
0x3c: {  	_ =	swait.ge [sflag:s21], $0x1400  }
0x3d: {  	[sflag:s21] =	ssyncset.done $0x0  }
0x3e: {  	[sflag:s21] =	ssyncadd.s32 $0xFFFFEC00  }
0x3f: {  	[tilespmem:s24], [sflag:$0x1] =	stream.indirect.gather [hbm4b:s5+s23], $0x80, s7, s23, $0xb8;
	[tilespmem:$0x1E800] =	vst v63  }
0x40: {  	_ =	swait.ge [sflag:s25], $0x4000  }
0x41: {  	[sflag:s25] =	ssyncset.done $0x0  }
0x42: {  	s6 =	simm.s32 $0x1400;
	[sflag:s25] =	ssyncadd.s32 $0xFFFFC000  }
0x43: {  	[spmem:s1] =	stream.indirect.scatter.add.f32 [tilespmem:s24], [sflag:$0x3], $0x80, s6, s23, $0xb8;
	[tilespmem:$0x1E800] =	vst v63  }
0x44: {  	s7 =	simm.s32 $0x80  }
0x45: {  	[tilespmem:s26], [sflag:$0x2] =	stream.indirect.gather [hbm4b:s5+s23], $0x80, s7, s23, $0xb8;
	[tilespmem:$0x1E800] =	vst v63  }
0x46: {  	_ =	swait.ge [sflag:s28], $0x4000  }
0x47: {  	[sflag:s28] =	ssyncset.done $0x0  }
0x48: {  	s6 =	simm.s32 $0x1480;
	[sflag:s28] =	ssyncadd.s32 $0xFFFFC000  }
0x49: {  	[spmem:s1] =	stream.indirect.scatter.add.f32 [tilespmem:s26], [sflag:$0x4], $0x80, s6, s23, $0xb8;
	[tilespmem:$0x1E800] =	vst v63  }
0x4a: {  	_ =	swait.ge [sflag:s29], $0x4000  }
0x4b: {  	[sflag:s29] =	ssyncset.done $0x0  }
0x4c: {  	s7 =	simm.s32 $0x100;
	[sflag:s29] =	ssyncadd.s32 $0xFFFFC000  }
0x4d: {  	[tilespmem:s24], [sflag:$0x1] =	stream.indirect.gather [hbm4b:s5+s23], $0x80, s7, s23, $0xb8;
	[tilespmem:$0x1E800] =	vst v63  }
0x4e: {  	_ =	swait.ge [sflag:s30], $0x4000  }
0x4f: {  	s7 =	simm.s32 $0x400;
	[sflag:s30] =	ssyncset.done $0x0  }
.LBB2_12:
0x50: {  	p1 =	sne.s32 s7, $0x4800  }
0x51: {  	[sflag:s30] =	ssyncadd.s32 $0xFFFFC000;
	s3 =	smov.u32 s7;
	s7 =	sadd.s32 $0x400, s7  }
0x52: {  	_ =	swait.ge [sflag:s25], $0x4000  }
0x53: {  	s3 =	sshra.s32 s3, $0x2;
	[sflag:s25] =	ssyncset.done $0x0  }
0x54: {  	s6 =	sadd.s32 $0x1400, s3;
	[sflag:s25] =	ssyncadd.s32 $0xFFFFC000  }
0x55: {  	[spmem:s1] =	stream.indirect.scatter.add.f32 [tilespmem:s24], [sflag:$0x3], $0x80, s6, s23, $0xb8;
	[tilespmem:$0x1E800] =	vst v63  }
0x56: {  	s6 =	sadd.s32 $0x80, s3  }
0x57: {  	[tilespmem:s26], [sflag:$0x2] =	stream.indirect.gather [hbm4b:s5+s23], $0x80, s6, s23, $0xb8;
	[tilespmem:$0x1E800] =	vst v63  }
0x58: {  	_ =	swait.ge [sflag:s28], $0x4000  }
0x59: {  	[sflag:s28] =	ssyncset.done $0x0  }
0x5a: {  	s6 =	sadd.s32 $0x1480, s3;
	[sflag:s28] =	ssyncadd.s32 $0xFFFFC000  }
0x5b: {  	[spmem:s1] =	stream.indirect.scatter.add.f32 [tilespmem:s26], [sflag:$0x4], $0x80, s6, s23, $0xb8;
	[tilespmem:$0x1E800] =	vst v63  }
0x5c: {  	_ =	swait.ge [sflag:s29], $0x4000  }
.Ltmp3:
0x5d: {  	[sflag:s29] =	ssyncset.done $0x0;
	(pc) =	sbr.rel @p1 .LBB2_12-.Ltmp3, $4  }
0x5e: {  	s3 =	sadd.s32 $0x100, s3;
	[sflag:s29] =	ssyncadd.s32 $0xFFFFC000  }
0x5f: {  	[tilespmem:s24], [sflag:$0x1] =	stream.indirect.gather [hbm4b:s5+s23], $0x80, s3, s23, $0xb8;
	[tilespmem:$0x1E800] =	vst v63  }
0x60: {  	_ =	swait.ge [sflag:s30], $0x4000  }
0x61: {  	[sflag:s30] =	ssyncset.done $0x0  }
0x62: {  	[sflag:s30] =	ssyncadd.s32 $0xFFFFC000  }
0x63: {  	_ =	swait.ge [sflag:s25], $0x4000  }
0x64: {  	[sflag:s25] =	ssyncset.done $0x0  }
0x65: {  	[sflag:s25] =	ssyncadd.s32 $0xFFFFC000  }
0x66: {  	[spmem:s1] =	stream.indirect.scatter.add.f32 [tilespmem:s24], [sflag:$0x3], $0x80, s31, s23, $0xb8;
	[tilespmem:$0x1E800] =	vst v63  }
0x67: {  	_ = 	snop  }
0x68: {  	[tilespmem:s26], [sflag:$0x2] =	stream.indirect.gather [hbm4b:s5+s23], $0x80, s0, s23, $0xb8;
	[tilespmem:$0x1E800] =	vst v63  }
0x69: {  	_ =	swait.ge [sflag:s28], $0x4000  }
0x6a: {  	[sflag:s28] =	ssyncset.done $0x0  }
0x6b: {  	[sflag:s28] =	ssyncadd.s32 $0xFFFFC000  }
0x6c: {  	[spmem:s1] =	stream.indirect.scatter.add.f32 [tilespmem:s26], [sflag:$0x4], $0x80, s9, s23, $0xb8;
	[tilespmem:$0x1E800] =	vst v63  }
0x6d: {  	_ =	swait.ge [sflag:s29], $0x4000  }
0x6e: {  	[sflag:s29] =	ssyncset.done $0x0  }
0x6f: {  	[sflag:s29] =	ssyncadd.s32 $0xFFFFC000  }
0x70: {  	_ =	swait.ge [sflag:s30], $0x4000  }
0x71: {  	[sflag:s30] =	ssyncset.done $0x0  }
0x72: {  	s3 =	simm.s32 $0x0;
	[sflag:s30] =	ssyncadd.s32 $0xFFFFC000  }
0x73: {  	[tilespmem:s3], [sflag:$0x5] =	stream.linear.gather [hbm4b:s12+s3], $0x1400, $0x38;
	[tilespmem:$0x1E800] =	vst v63  }
0x74: {  	_ =	swait.ge [sflag:s21], $0x1400  }
0x75: {  	[sflag:s21] =	ssyncset.done $0x0  }
0x76: {  	[sflag:s21] =	ssyncadd.s32 $0xFFFFEC00  }
0x77: {  	[tilespmem:s22], [sflag:$0x5] =	stream.linear.gather [hbm4b:s13+s3], $0x1400, $0x38;
	[tilespmem:$0x1E800] =	vst v63  }
0x78: {  	_ =	swait.ge [sflag:s21], $0x1400  }
0x79: {  	[sflag:s21] =	ssyncset.done $0x0  }
0x7a: {  	[sflag:s21] =	ssyncadd.s32 $0xFFFFEC00  }
0x7b: {  	[tilespmem:s24], [sflag:$0x1] =	stream.indirect.gather [hbm4b:s5+s23], $0x80, s3, s23, $0xb8;
	[tilespmem:$0x1E800] =	vst v63  }
0x7c: {  	_ =	swait.ge [sflag:s25], $0x4000  }
0x7d: {  	[sflag:s25] =	ssyncset.done $0x0  }
0x7e: {  	s6 =	simm.s32 $0x1400;
	[sflag:s25] =	ssyncadd.s32 $0xFFFFC000  }
0x7f: {  	[spmem:s1] =	stream.indirect.scatter.add.f32 [tilespmem:s24], [sflag:$0x3], $0x80, s6, s23, $0xb8;
	[tilespmem:$0x1E800] =	vst v63  }
0x80: {  	s7 =	simm.s32 $0x80  }
0x81: {  	[tilespmem:s26], [sflag:$0x2] =	stream.indirect.gather [hbm4b:s5+s23], $0x80, s7, s23, $0xb8;
	[tilespmem:$0x1E800] =	vst v63  }
0x82: {  	_ =	swait.ge [sflag:s28], $0x4000  }
0x83: {  	[sflag:s28] =	ssyncset.done $0x0  }
0x84: {  	s6 =	simm.s32 $0x1480;
	[sflag:s28] =	ssyncadd.s32 $0xFFFFC000  }
0x85: {  	[spmem:s1] =	stream.indirect.scatter.add.f32 [tilespmem:s26], [sflag:$0x4], $0x80, s6, s23, $0xb8;
	[tilespmem:$0x1E800] =	vst v63  }
0x86: {  	_ =	swait.ge [sflag:s29], $0x4000  }
0x87: {  	[sflag:s29] =	ssyncset.done $0x0  }
0x88: {  	s7 =	simm.s32 $0x100;
	[sflag:s29] =	ssyncadd.s32 $0xFFFFC000  }
0x89: {  	[tilespmem:s24], [sflag:$0x1] =	stream.indirect.gather [hbm4b:s5+s23], $0x80, s7, s23, $0xb8;
	[tilespmem:$0x1E800] =	vst v63  }
0x8a: {  	_ =	swait.ge [sflag:s30], $0x4000  }
0x8b: {  	s7 =	simm.s32 $0x400;
	[sflag:s30] =	ssyncset.done $0x0  }
.LBB2_14:
0x8c: {  	p1 =	sne.s32 s7, $0x4800  }
0x8d: {  	[sflag:s30] =	ssyncadd.s32 $0xFFFFC000;
	s3 =	smov.u32 s7;
	s7 =	sadd.s32 $0x400, s7  }
0x8e: {  	_ =	swait.ge [sflag:s25], $0x4000  }
0x8f: {  	s3 =	sshra.s32 s3, $0x2;
	[sflag:s25] =	ssyncset.done $0x0  }
0x90: {  	s6 =	sadd.s32 $0x1400, s3;
	[sflag:s25] =	ssyncadd.s32 $0xFFFFC000  }
0x91: {  	[spmem:s1] =	stream.indirect.scatter.add.f32 [tilespmem:s24], [sflag:$0x3], $0x80, s6, s23, $0xb8;
	[tilespmem:$0x1E800] =	vst v63  }
0x92: {  	s6 =	sadd.s32 $0x80, s3  }
0x93: {  	[tilespmem:s26], [sflag:$0x2] =	stream.indirect.gather [hbm4b:s5+s23], $0x80, s6, s23, $0xb8;
	[tilespmem:$0x1E800] =	vst v63  }
0x94: {  	_ =	swait.ge [sflag:s28], $0x4000  }
0x95: {  	[sflag:s28] =	ssyncset.done $0x0  }
0x96: {  	s6 =	sadd.s32 $0x1480, s3;
	[sflag:s28] =	ssyncadd.s32 $0xFFFFC000  }
0x97: {  	[spmem:s1] =	stream.indirect.scatter.add.f32 [tilespmem:s26], [sflag:$0x4], $0x80, s6, s23, $0xb8;
	[tilespmem:$0x1E800] =	vst v63  }
0x98: {  	_ =	swait.ge [sflag:s29], $0x4000  }
.Ltmp4:
0x99: {  	[sflag:s29] =	ssyncset.done $0x0;
	(pc) =	sbr.rel @p1 .LBB2_14-.Ltmp4, $4  }
0x9a: {  	s3 =	sadd.s32 $0x100, s3;
	[sflag:s29] =	ssyncadd.s32 $0xFFFFC000  }
0x9b: {  	[tilespmem:s24], [sflag:$0x1] =	stream.indirect.gather [hbm4b:s5+s23], $0x80, s3, s23, $0xb8;
	[tilespmem:$0x1E800] =	vst v63  }
0x9c: {  	_ =	swait.ge [sflag:s30], $0x4000  }
0x9d: {  	[sflag:s30] =	ssyncset.done $0x0  }
0x9e: {  	[sflag:s30] =	ssyncadd.s32 $0xFFFFC000  }
0x9f: {  	_ =	swait.ge [sflag:s25], $0x4000  }
0xa0: {  	[sflag:s25] =	ssyncset.done $0x0  }
0xa1: {  	[sflag:s25] =	ssyncadd.s32 $0xFFFFC000  }
0xa2: {  	[spmem:s1] =	stream.indirect.scatter.add.f32 [tilespmem:s24], [sflag:$0x3], $0x80, s31, s23, $0xb8;
	[tilespmem:$0x1E800] =	vst v63  }
0xa3: {  	_ = 	snop  }
0xa4: {  	[tilespmem:s26], [sflag:$0x2] =	stream.indirect.gather [hbm4b:s5+s23], $0x80, s0, s23, $0xb8;
	[tilespmem:$0x1E800] =	vst v63  }
0xa5: {  	_ =	swait.ge [sflag:s28], $0x4000  }
0xa6: {  	[sflag:s28] =	ssyncset.done $0x0  }
0xa7: {  	[sflag:s28] =	ssyncadd.s32 $0xFFFFC000  }
0xa8: {  	[spmem:s1] =	stream.indirect.scatter.add.f32 [tilespmem:s26], [sflag:$0x4], $0x80, s9, s23, $0xb8;
	[tilespmem:$0x1E800] =	vst v63  }
0xa9: {  	_ =	swait.ge [sflag:s29], $0x4000  }
0xaa: {  	[sflag:s29] =	ssyncset.done $0x0  }
0xab: {  	[sflag:s29] =	ssyncadd.s32 $0xFFFFC000  }
0xac: {  	_ =	swait.ge [sflag:s30], $0x4000  }
0xad: {  	[sflag:s30] =	ssyncset.done $0x0  }
0xae: {  	s3 =	simm.s32 $0x0;
	[sflag:s30] =	ssyncadd.s32 $0xFFFFC000  }
0xaf: {  	[tilespmem:s3], [sflag:$0x5] =	stream.linear.gather [hbm4b:s14+s3], $0x1400, $0x38;
	[tilespmem:$0x1E800] =	vst v63  }
0xb0: {  	_ =	swait.ge [sflag:s21], $0x1400  }
0xb1: {  	[sflag:s21] =	ssyncset.done $0x0  }
0xb2: {  	[sflag:s21] =	ssyncadd.s32 $0xFFFFEC00  }
0xb3: {  	[tilespmem:s22], [sflag:$0x5] =	stream.linear.gather [hbm4b:s15+s3], $0x1400, $0x38;
	[tilespmem:$0x1E800] =	vst v63  }
0xb4: {  	_ =	swait.ge [sflag:s21], $0x1400  }
0xb5: {  	[sflag:s21] =	ssyncset.done $0x0  }
0xb6: {  	[sflag:s21] =	ssyncadd.s32 $0xFFFFEC00  }
0xb7: {  	[tilespmem:s24], [sflag:$0x1] =	stream.indirect.gather [hbm4b:s5+s23], $0x80, s3, s23, $0xb8;
	[tilespmem:$0x1E800] =	vst v63  }
0xb8: {  	_ =	swait.ge [sflag:s25], $0x4000  }
0xb9: {  	[sflag:s25] =	ssyncset.done $0x0  }
0xba: {  	s6 =	simm.s32 $0x1400;
	[sflag:s25] =	ssyncadd.s32 $0xFFFFC000  }
0xbb: {  	[spmem:s1] =	stream.indirect.scatter.add.f32 [tilespmem:s24], [sflag:$0x3], $0x80, s6, s23, $0xb8;
	[tilespmem:$0x1E800] =	vst v63  }
0xbc: {  	s7 =	simm.s32 $0x80  }
0xbd: {  	[tilespmem:s26], [sflag:$0x2] =	stream.indirect.gather [hbm4b:s5+s23], $0x80, s7, s23, $0xb8;
	[tilespmem:$0x1E800] =	vst v63  }
0xbe: {  	_ =	swait.ge [sflag:s28], $0x4000  }
0xbf: {  	[sflag:s28] =	ssyncset.done $0x0  }
0xc0: {  	s6 =	simm.s32 $0x1480;
	[sflag:s28] =	ssyncadd.s32 $0xFFFFC000  }
0xc1: {  	[spmem:s1] =	stream.indirect.scatter.add.f32 [tilespmem:s26], [sflag:$0x4], $0x80, s6, s23, $0xb8;
	[tilespmem:$0x1E800] =	vst v63  }
0xc2: {  	_ =	swait.ge [sflag:s29], $0x4000  }
0xc3: {  	[sflag:s29] =	ssyncset.done $0x0  }
0xc4: {  	s7 =	simm.s32 $0x100;
	[sflag:s29] =	ssyncadd.s32 $0xFFFFC000  }
0xc5: {  	[tilespmem:s24], [sflag:$0x1] =	stream.indirect.gather [hbm4b:s5+s23], $0x80, s7, s23, $0xb8;
	[tilespmem:$0x1E800] =	vst v63  }
0xc6: {  	_ =	swait.ge [sflag:s30], $0x4000  }
0xc7: {  	s7 =	simm.s32 $0x400;
	[sflag:s30] =	ssyncset.done $0x0  }
.LBB2_16:
0xc8: {  	p1 =	sne.s32 s7, $0x4800  }
0xc9: {  	[sflag:s30] =	ssyncadd.s32 $0xFFFFC000;
	s3 =	smov.u32 s7;
	s7 =	sadd.s32 $0x400, s7  }
0xca: {  	_ =	swait.ge [sflag:s25], $0x4000  }
0xcb: {  	s3 =	sshra.s32 s3, $0x2;
	[sflag:s25] =	ssyncset.done $0x0  }
0xcc: {  	s6 =	sadd.s32 $0x1400, s3;
	[sflag:s25] =	ssyncadd.s32 $0xFFFFC000  }
0xcd: {  	[spmem:s1] =	stream.indirect.scatter.add.f32 [tilespmem:s24], [sflag:$0x3], $0x80, s6, s23, $0xb8;
	[tilespmem:$0x1E800] =	vst v63  }
0xce: {  	s6 =	sadd.s32 $0x80, s3  }
0xcf: {  	[tilespmem:s26], [sflag:$0x2] =	stream.indirect.gather [hbm4b:s5+s23], $0x80, s6, s23, $0xb8;
	[tilespmem:$0x1E800] =	vst v63  }
0xd0: {  	_ =	swait.ge [sflag:s28], $0x4000  }
0xd1: {  	[sflag:s28] =	ssyncset.done $0x0  }
0xd2: {  	s6 =	sadd.s32 $0x1480, s3;
	[sflag:s28] =	ssyncadd.s32 $0xFFFFC000  }
0xd3: {  	[spmem:s1] =	stream.indirect.scatter.add.f32 [tilespmem:s26], [sflag:$0x4], $0x80, s6, s23, $0xb8;
	[tilespmem:$0x1E800] =	vst v63  }
0xd4: {  	_ =	swait.ge [sflag:s29], $0x4000  }
.Ltmp5:
0xd5: {  	[sflag:s29] =	ssyncset.done $0x0;
	(pc) =	sbr.rel @p1 .LBB2_16-.Ltmp5, $4  }
0xd6: {  	s3 =	sadd.s32 $0x100, s3;
	[sflag:s29] =	ssyncadd.s32 $0xFFFFC000  }
0xd7: {  	[tilespmem:s24], [sflag:$0x1] =	stream.indirect.gather [hbm4b:s5+s23], $0x80, s3, s23, $0xb8;
	[tilespmem:$0x1E800] =	vst v63  }
0xd8: {  	_ =	swait.ge [sflag:s30], $0x4000  }
0xd9: {  	[sflag:s30] =	ssyncset.done $0x0  }
0xda: {  	[sflag:s30] =	ssyncadd.s32 $0xFFFFC000  }
0xdb: {  	_ =	swait.ge [sflag:s25], $0x4000  }
0xdc: {  	[sflag:s25] =	ssyncset.done $0x0  }
0xdd: {  	[sflag:s25] =	ssyncadd.s32 $0xFFFFC000  }
0xde: {  	[spmem:s1] =	stream.indirect.scatter.add.f32 [tilespmem:s24], [sflag:$0x3], $0x80, s31, s23, $0xb8;
	[tilespmem:$0x1E800] =	vst v63  }
0xdf: {  	_ = 	snop  }
0xe0: {  	[tilespmem:s26], [sflag:$0x2] =	stream.indirect.gather [hbm4b:s5+s23], $0x80, s0, s23, $0xb8;
	[tilespmem:$0x1E800] =	vst v63  }
0xe1: {  	_ =	swait.ge [sflag:s28], $0x4000  }
0xe2: {  	[sflag:s28] =	ssyncset.done $0x0  }
0xe3: {  	[sflag:s28] =	ssyncadd.s32 $0xFFFFC000  }
0xe4: {  	[spmem:s1] =	stream.indirect.scatter.add.f32 [tilespmem:s26], [sflag:$0x4], $0x80, s9, s23, $0xb8;
	[tilespmem:$0x1E800] =	vst v63  }
0xe5: {  	_ =	swait.ge [sflag:s29], $0x4000  }
0xe6: {  	[sflag:s29] =	ssyncset.done $0x0  }
0xe7: {  	[sflag:s29] =	ssyncadd.s32 $0xFFFFC000  }
0xe8: {  	_ =	swait.ge [sflag:s30], $0x4000  }
0xe9: {  	[sflag:s30] =	ssyncset.done $0x0  }
0xea: {  	s3 =	simm.s32 $0x0;
	[sflag:s30] =	ssyncadd.s32 $0xFFFFC000  }
0xeb: {  	[tilespmem:s3], [sflag:$0x5] =	stream.linear.gather [hbm4b:s16+s3], $0x1400, $0x38;
	[tilespmem:$0x1E800] =	vst v63  }
0xec: {  	_ =	swait.ge [sflag:s21], $0x1400  }
0xed: {  	[sflag:s21] =	ssyncset.done $0x0  }
0xee: {  	[sflag:s21] =	ssyncadd.s32 $0xFFFFEC00  }
0xef: {  	[tilespmem:s22], [sflag:$0x5] =	stream.linear.gather [hbm4b:s17+s3], $0x1400, $0x38;
	[tilespmem:$0x1E800] =	vst v63  }
0xf0: {  	_ =	swait.ge [sflag:s21], $0x1400  }
0xf1: {  	[sflag:s21] =	ssyncset.done $0x0  }
0xf2: {  	[sflag:s21] =	ssyncadd.s32 $0xFFFFEC00  }
0xf3: {  	[tilespmem:s24], [sflag:$0x1] =	stream.indirect.gather [hbm4b:s5+s23], $0x80, s3, s23, $0xb8;
	[tilespmem:$0x1E800] =	vst v63  }
0xf4: {  	_ =	swait.ge [sflag:s25], $0x4000  }
0xf5: {  	[sflag:s25] =	ssyncset.done $0x0  }
0xf6: {  	s6 =	simm.s32 $0x1400;
	[sflag:s25] =	ssyncadd.s32 $0xFFFFC000  }
0xf7: {  	[spmem:s1] =	stream.indirect.scatter.add.f32 [tilespmem:s24], [sflag:$0x3], $0x80, s6, s23, $0xb8;
	[tilespmem:$0x1E800] =	vst v63  }
0xf8: {  	s7 =	simm.s32 $0x80  }
0xf9: {  	[tilespmem:s26], [sflag:$0x2] =	stream.indirect.gather [hbm4b:s5+s23], $0x80, s7, s23, $0xb8;
	[tilespmem:$0x1E800] =	vst v63  }
0xfa: {  	_ =	swait.ge [sflag:s28], $0x4000  }
0xfb: {  	[sflag:s28] =	ssyncset.done $0x0  }
0xfc: {  	s6 =	simm.s32 $0x1480;
	[sflag:s28] =	ssyncadd.s32 $0xFFFFC000  }
0xfd: {  	[spmem:s1] =	stream.indirect.scatter.add.f32 [tilespmem:s26], [sflag:$0x4], $0x80, s6, s23, $0xb8;
	[tilespmem:$0x1E800] =	vst v63  }
0xfe: {  	_ =	swait.ge [sflag:s29], $0x4000  }
0xff: {  	[sflag:s29] =	ssyncset.done $0x0  }
0x100: {  	s7 =	simm.s32 $0x100;
	[sflag:s29] =	ssyncadd.s32 $0xFFFFC000  }
0x101: {  	[tilespmem:s24], [sflag:$0x1] =	stream.indirect.gather [hbm4b:s5+s23], $0x80, s7, s23, $0xb8;
	[tilespmem:$0x1E800] =	vst v63  }
0x102: {  	_ =	swait.ge [sflag:s30], $0x4000  }
0x103: {  	s7 =	simm.s32 $0x400;
	[sflag:s30] =	ssyncset.done $0x0  }
.LBB2_18:
0x104: {  	p1 =	sne.s32 s7, $0x4800  }
0x105: {  	[sflag:s30] =	ssyncadd.s32 $0xFFFFC000;
	s3 =	smov.u32 s7;
	s7 =	sadd.s32 $0x400, s7  }
0x106: {  	_ =	swait.ge [sflag:s25], $0x4000  }
0x107: {  	s3 =	sshra.s32 s3, $0x2;
	[sflag:s25] =	ssyncset.done $0x0  }
0x108: {  	s6 =	sadd.s32 $0x1400, s3;
	[sflag:s25] =	ssyncadd.s32 $0xFFFFC000  }
0x109: {  	[spmem:s1] =	stream.indirect.scatter.add.f32 [tilespmem:s24], [sflag:$0x3], $0x80, s6, s23, $0xb8;
	[tilespmem:$0x1E800] =	vst v63  }
0x10a: {  	s6 =	sadd.s32 $0x80, s3  }
0x10b: {  	[tilespmem:s26], [sflag:$0x2] =	stream.indirect.gather [hbm4b:s5+s23], $0x80, s6, s23, $0xb8;
	[tilespmem:$0x1E800] =	vst v63  }
0x10c: {  	_ =	swait.ge [sflag:s28], $0x4000  }
0x10d: {  	[sflag:s28] =	ssyncset.done $0x0  }
0x10e: {  	s6 =	sadd.s32 $0x1480, s3;
	[sflag:s28] =	ssyncadd.s32 $0xFFFFC000  }
0x10f: {  	[spmem:s1] =	stream.indirect.scatter.add.f32 [tilespmem:s26], [sflag:$0x4], $0x80, s6, s23, $0xb8;
	[tilespmem:$0x1E800] =	vst v63  }
0x110: {  	_ =	swait.ge [sflag:s29], $0x4000  }
.Ltmp6:
0x111: {  	[sflag:s29] =	ssyncset.done $0x0;
	(pc) =	sbr.rel @p1 .LBB2_18-.Ltmp6, $4  }
0x112: {  	s3 =	sadd.s32 $0x100, s3;
	[sflag:s29] =	ssyncadd.s32 $0xFFFFC000  }
0x113: {  	[tilespmem:s24], [sflag:$0x1] =	stream.indirect.gather [hbm4b:s5+s23], $0x80, s3, s23, $0xb8;
	[tilespmem:$0x1E800] =	vst v63  }
0x114: {  	_ =	swait.ge [sflag:s30], $0x4000  }
0x115: {  	[sflag:s30] =	ssyncset.done $0x0  }
.Ltmp7:
0x116: {  	_ = 	snop;
	(pc) =	sbr.rel .LBB2_19-.Ltmp7, $1  }
0x117: {  	_ =	sdelay $0x3  }
.LBB2_2:
0x118: {  	s3 =	rddreg [dreg:$0x6]  }
0x119: {  	[spmem:s18], [sflag:s19] =	dma.local [hbm:s3], $0x2800  }
0x11a: {  	_ =	swait.ge [sflag:s21], $0x2800  }
0x11b: {  	[sflag:s21] =	ssyncset.done $0x0  }
0x11c: {  	[sflag:s21] =	ssyncadd.s32 $0xFFFFD800  }
0x11d: {  	s7 =	simm.s32 $0x0;
	[bflag:$0x0] =	sbarrier.arrive $0xFFFF  }
0x11e: {  	[tilespmem:s7], [sflag:$0x5] =	stream.linear.gather [hbm4b:s10+s7], $0x1400, $0x38;
	[tilespmem:$0x1E800] =	vst v63  }
0x11f: {  	_ =	swait.ge [sflag:s21], $0x1400  }
0x120: {  	[sflag:s21] =	ssyncset.done $0x0  }
0x121: {  	[sflag:s21] =	ssyncadd.s32 $0xFFFFEC00  }
0x122: {  	[tilespmem:s22], [sflag:$0x5] =	stream.linear.gather [hbm4b:s11+s7], $0x1400, $0x38;
	[tilespmem:$0x1E800] =	vst v63  }
0x123: {  	_ =	swait.ge [sflag:s21], $0x1400  }
0x124: {  	[sflag:s21] =	ssyncset.done $0x0  }
0x125: {  	[sflag:s21] =	ssyncadd.s32 $0xFFFFEC00  }
0x126: {  	[tilespmem:s24], [sflag:$0x1] =	stream.indirect.gather [hbm4b:s4+s23], $0x80, s7, s23, $0xb8;
	[tilespmem:$0x1E800] =	vst v63  }
0x127: {  	_ =	swait.ge [sflag:s25], $0x4000  }
0x128: {  	[sflag:s25] =	ssyncset.done $0x0  }
0x129: {  	s3 =	simm.s32 $0x1400;
	[sflag:s25] =	ssyncadd.s32 $0xFFFFC000  }
0x12a: {  	[spmem:s1] =	stream.indirect.scatter.add.f32 [tilespmem:s24], [sflag:$0x3], $0x80, s3, s23, $0xb8;
	[tilespmem:$0x1E800] =	vst v63  }
0x12b: {  	s6 =	simm.s32 $0x80  }
0x12c: {  	[tilespmem:s26], [sflag:$0x2] =	stream.indirect.gather [hbm4b:s4+s23], $0x80, s6, s23, $0xb8;
	[tilespmem:$0x1E800] =	vst v63  }
0x12d: {  	_ =	swait.ge [sflag:s28], $0x4000  }
0x12e: {  	[sflag:s28] =	ssyncset.done $0x0  }
0x12f: {  	s3 =	simm.s32 $0x1480;
	[sflag:s28] =	ssyncadd.s32 $0xFFFFC000  }
0x130: {  	[spmem:s1] =	stream.indirect.scatter.add.f32 [tilespmem:s26], [sflag:$0x4], $0x80, s3, s23, $0xb8;
	[tilespmem:$0x1E800] =	vst v63  }
0x131: {  	_ =	swait.ge [sflag:s29], $0x4000  }
0x132: {  	[sflag:s29] =	ssyncset.done $0x0  }
0x133: {  	s6 =	simm.s32 $0x100;
	[sflag:s29] =	ssyncadd.s32 $0xFFFFC000  }
0x134: {  	[tilespmem:s24], [sflag:$0x1] =	stream.indirect.gather [hbm4b:s4+s23], $0x80, s6, s23, $0xb8;
	[tilespmem:$0x1E800] =	vst v63  }
0x135: {  	_ =	swait.ge [sflag:s30], $0x4000  }
0x136: {  	s7 =	simm.s32 $0x400;
	[sflag:s30] =	ssyncset.done $0x0  }
.LBB2_3:
0x137: {  	p1 =	sne.s32 s7, $0x4800  }
0x138: {  	[sflag:s30] =	ssyncadd.s32 $0xFFFFC000;
	s3 =	smov.u32 s7;
	s7 =	sadd.s32 $0x400, s7  }
0x139: {  	_ =	swait.ge [sflag:s25], $0x4000  }
0x13a: {  	s3 =	sshra.s32 s3, $0x2;
	[sflag:s25] =	ssyncset.done $0x0  }
0x13b: {  	s6 =	sadd.s32 $0x1400, s3;
	[sflag:s25] =	ssyncadd.s32 $0xFFFFC000  }
0x13c: {  	[spmem:s1] =	stream.indirect.scatter.add.f32 [tilespmem:s24], [sflag:$0x3], $0x80, s6, s23, $0xb8;
	[tilespmem:$0x1E800] =	vst v63  }
0x13d: {  	s6 =	sadd.s32 $0x80, s3  }
0x13e: {  	[tilespmem:s26], [sflag:$0x2] =	stream.indirect.gather [hbm4b:s4+s23], $0x80, s6, s23, $0xb8;
	[tilespmem:$0x1E800] =	vst v63  }
0x13f: {  	_ =	swait.ge [sflag:s28], $0x4000  }
0x140: {  	[sflag:s28] =	ssyncset.done $0x0  }
0x141: {  	s6 =	sadd.s32 $0x1480, s3;
	[sflag:s28] =	ssyncadd.s32 $0xFFFFC000  }
0x142: {  	[spmem:s1] =	stream.indirect.scatter.add.f32 [tilespmem:s26], [sflag:$0x4], $0x80, s6, s23, $0xb8;
	[tilespmem:$0x1E800] =	vst v63  }
0x143: {  	_ =	swait.ge [sflag:s29], $0x4000  }
.Ltmp8:
0x144: {  	[sflag:s29] =	ssyncset.done $0x0;
	(pc) =	sbr.rel @p1 .LBB2_3-.Ltmp8, $4  }
0x145: {  	s3 =	sadd.s32 $0x100, s3;
	[sflag:s29] =	ssyncadd.s32 $0xFFFFC000  }
0x146: {  	[tilespmem:s24], [sflag:$0x1] =	stream.indirect.gather [hbm4b:s4+s23], $0x80, s3, s23, $0xb8;
	[tilespmem:$0x1E800] =	vst v63  }
0x147: {  	_ =	swait.ge [sflag:s30], $0x4000  }
0x148: {  	[sflag:s30] =	ssyncset.done $0x0  }
0x149: {  	[sflag:s30] =	ssyncadd.s32 $0xFFFFC000  }
0x14a: {  	_ =	swait.ge [sflag:s25], $0x4000  }
0x14b: {  	[sflag:s25] =	ssyncset.done $0x0  }
0x14c: {  	[sflag:s25] =	ssyncadd.s32 $0xFFFFC000  }
0x14d: {  	[spmem:s1] =	stream.indirect.scatter.add.f32 [tilespmem:s24], [sflag:$0x3], $0x80, s31, s23, $0xb8;
	[tilespmem:$0x1E800] =	vst v63  }
0x14e: {  	_ = 	snop  }
0x14f: {  	[tilespmem:s26], [sflag:$0x2] =	stream.indirect.gather [hbm4b:s4+s23], $0x80, s0, s23, $0xb8;
	[tilespmem:$0x1E800] =	vst v63  }
0x150: {  	_ =	swait.ge [sflag:s28], $0x4000  }
0x151: {  	[sflag:s28] =	ssyncset.done $0x0  }
0x152: {  	[sflag:s28] =	ssyncadd.s32 $0xFFFFC000  }
0x153: {  	[spmem:s1] =	stream.indirect.scatter.add.f32 [tilespmem:s26], [sflag:$0x4], $0x80, s9, s23, $0xb8;
	[tilespmem:$0x1E800] =	vst v63  }
0x154: {  	_ =	swait.ge [sflag:s29], $0x4000  }
0x155: {  	[sflag:s29] =	ssyncset.done $0x0  }
0x156: {  	[sflag:s29] =	ssyncadd.s32 $0xFFFFC000  }
0x157: {  	_ =	swait.ge [sflag:s30], $0x4000  }
0x158: {  	[sflag:s30] =	ssyncset.done $0x0  }
0x159: {  	s3 =	simm.s32 $0x0;
	[sflag:s30] =	ssyncadd.s32 $0xFFFFC000  }
0x15a: {  	[tilespmem:s3], [sflag:$0x5] =	stream.linear.gather [hbm4b:s12+s3], $0x1400, $0x38;
	[tilespmem:$0x1E800] =	vst v63  }
0x15b: {  	_ =	swait.ge [sflag:s21], $0x1400  }
0x15c: {  	[sflag:s21] =	ssyncset.done $0x0  }
0x15d: {  	[sflag:s21] =	ssyncadd.s32 $0xFFFFEC00  }
0x15e: {  	[tilespmem:s22], [sflag:$0x5] =	stream.linear.gather [hbm4b:s13+s3], $0x1400, $0x38;
	[tilespmem:$0x1E800] =	vst v63  }
0x15f: {  	_ =	swait.ge [sflag:s21], $0x1400  }
0x160: {  	[sflag:s21] =	ssyncset.done $0x0  }
0x161: {  	[sflag:s21] =	ssyncadd.s32 $0xFFFFEC00  }
0x162: {  	[tilespmem:s24], [sflag:$0x1] =	stream.indirect.gather [hbm4b:s4+s23], $0x80, s3, s23, $0xb8;
	[tilespmem:$0x1E800] =	vst v63  }
0x163: {  	_ =	swait.ge [sflag:s25], $0x4000  }
0x164: {  	[sflag:s25] =	ssyncset.done $0x0  }
0x165: {  	s6 =	simm.s32 $0x1400;
	[sflag:s25] =	ssyncadd.s32 $0xFFFFC000  }
0x166: {  	[spmem:s1] =	stream.indirect.scatter.add.f32 [tilespmem:s24], [sflag:$0x3], $0x80, s6, s23, $0xb8;
	[tilespmem:$0x1E800] =	vst v63  }
0x167: {  	s7 =	simm.s32 $0x80  }
0x168: {  	[tilespmem:s26], [sflag:$0x2] =	stream.indirect.gather [hbm4b:s4+s23], $0x80, s7, s23, $0xb8;
	[tilespmem:$0x1E800] =	vst v63  }
0x169: {  	_ =	swait.ge [sflag:s28], $0x4000  }
0x16a: {  	[sflag:s28] =	ssyncset.done $0x0  }
0x16b: {  	s6 =	simm.s32 $0x1480;
	[sflag:s28] =	ssyncadd.s32 $0xFFFFC000  }
0x16c: {  	[spmem:s1] =	stream.indirect.scatter.add.f32 [tilespmem:s26], [sflag:$0x4], $0x80, s6, s23, $0xb8;
	[tilespmem:$0x1E800] =	vst v63  }
0x16d: {  	_ =	swait.ge [sflag:s29], $0x4000  }
0x16e: {  	[sflag:s29] =	ssyncset.done $0x0  }
0x16f: {  	s7 =	simm.s32 $0x100;
	[sflag:s29] =	ssyncadd.s32 $0xFFFFC000  }
0x170: {  	[tilespmem:s24], [sflag:$0x1] =	stream.indirect.gather [hbm4b:s4+s23], $0x80, s7, s23, $0xb8;
	[tilespmem:$0x1E800] =	vst v63  }
0x171: {  	_ =	swait.ge [sflag:s30], $0x4000  }
0x172: {  	s7 =	simm.s32 $0x400;
	[sflag:s30] =	ssyncset.done $0x0  }
.LBB2_5:
0x173: {  	p1 =	sne.s32 s7, $0x4800  }
0x174: {  	[sflag:s30] =	ssyncadd.s32 $0xFFFFC000;
	s3 =	smov.u32 s7;
	s7 =	sadd.s32 $0x400, s7  }
0x175: {  	_ =	swait.ge [sflag:s25], $0x4000  }
0x176: {  	s3 =	sshra.s32 s3, $0x2;
	[sflag:s25] =	ssyncset.done $0x0  }
0x177: {  	s6 =	sadd.s32 $0x1400, s3;
	[sflag:s25] =	ssyncadd.s32 $0xFFFFC000  }
0x178: {  	[spmem:s1] =	stream.indirect.scatter.add.f32 [tilespmem:s24], [sflag:$0x3], $0x80, s6, s23, $0xb8;
	[tilespmem:$0x1E800] =	vst v63  }
0x179: {  	s6 =	sadd.s32 $0x80, s3  }
0x17a: {  	[tilespmem:s26], [sflag:$0x2] =	stream.indirect.gather [hbm4b:s4+s23], $0x80, s6, s23, $0xb8;
	[tilespmem:$0x1E800] =	vst v63  }
0x17b: {  	_ =	swait.ge [sflag:s28], $0x4000  }
0x17c: {  	[sflag:s28] =	ssyncset.done $0x0  }
0x17d: {  	s6 =	sadd.s32 $0x1480, s3;
	[sflag:s28] =	ssyncadd.s32 $0xFFFFC000  }
0x17e: {  	[spmem:s1] =	stream.indirect.scatter.add.f32 [tilespmem:s26], [sflag:$0x4], $0x80, s6, s23, $0xb8;
	[tilespmem:$0x1E800] =	vst v63  }
0x17f: {  	_ =	swait.ge [sflag:s29], $0x4000  }
.Ltmp9:
0x180: {  	[sflag:s29] =	ssyncset.done $0x0;
	(pc) =	sbr.rel @p1 .LBB2_5-.Ltmp9, $4  }
0x181: {  	s3 =	sadd.s32 $0x100, s3;
	[sflag:s29] =	ssyncadd.s32 $0xFFFFC000  }
0x182: {  	[tilespmem:s24], [sflag:$0x1] =	stream.indirect.gather [hbm4b:s4+s23], $0x80, s3, s23, $0xb8;
	[tilespmem:$0x1E800] =	vst v63  }
0x183: {  	_ =	swait.ge [sflag:s30], $0x4000  }
0x184: {  	[sflag:s30] =	ssyncset.done $0x0  }
0x185: {  	[sflag:s30] =	ssyncadd.s32 $0xFFFFC000  }
0x186: {  	_ =	swait.ge [sflag:s25], $0x4000  }
0x187: {  	[sflag:s25] =	ssyncset.done $0x0  }
0x188: {  	[sflag:s25] =	ssyncadd.s32 $0xFFFFC000  }
0x189: {  	[spmem:s1] =	stream.indirect.scatter.add.f32 [tilespmem:s24], [sflag:$0x3], $0x80, s31, s23, $0xb8;
	[tilespmem:$0x1E800] =	vst v63  }
0x18a: {  	_ = 	snop  }
0x18b: {  	[tilespmem:s26], [sflag:$0x2] =	stream.indirect.gather [hbm4b:s4+s23], $0x80, s0, s23, $0xb8;
	[tilespmem:$0x1E800] =	vst v63  }
0x18c: {  	_ =	swait.ge [sflag:s28], $0x4000  }
0x18d: {  	[sflag:s28] =	ssyncset.done $0x0  }
0x18e: {  	[sflag:s28] =	ssyncadd.s32 $0xFFFFC000  }
0x18f: {  	[spmem:s1] =	stream.indirect.scatter.add.f32 [tilespmem:s26], [sflag:$0x4], $0x80, s9, s23, $0xb8;
	[tilespmem:$0x1E800] =	vst v63  }
0x190: {  	_ =	swait.ge [sflag:s29], $0x4000  }
0x191: {  	[sflag:s29] =	ssyncset.done $0x0  }
0x192: {  	[sflag:s29] =	ssyncadd.s32 $0xFFFFC000  }
0x193: {  	_ =	swait.ge [sflag:s30], $0x4000  }
0x194: {  	[sflag:s30] =	ssyncset.done $0x0  }
0x195: {  	s3 =	simm.s32 $0x0;
	[sflag:s30] =	ssyncadd.s32 $0xFFFFC000  }
0x196: {  	[tilespmem:s3], [sflag:$0x5] =	stream.linear.gather [hbm4b:s14+s3], $0x1400, $0x38;
	[tilespmem:$0x1E800] =	vst v63  }
0x197: {  	_ =	swait.ge [sflag:s21], $0x1400  }
0x198: {  	[sflag:s21] =	ssyncset.done $0x0  }
0x199: {  	[sflag:s21] =	ssyncadd.s32 $0xFFFFEC00  }
0x19a: {  	[tilespmem:s22], [sflag:$0x5] =	stream.linear.gather [hbm4b:s15+s3], $0x1400, $0x38;
	[tilespmem:$0x1E800] =	vst v63  }
0x19b: {  	_ =	swait.ge [sflag:s21], $0x1400  }
0x19c: {  	[sflag:s21] =	ssyncset.done $0x0  }
0x19d: {  	[sflag:s21] =	ssyncadd.s32 $0xFFFFEC00  }
0x19e: {  	[tilespmem:s24], [sflag:$0x1] =	stream.indirect.gather [hbm4b:s4+s23], $0x80, s3, s23, $0xb8;
	[tilespmem:$0x1E800] =	vst v63  }
0x19f: {  	_ =	swait.ge [sflag:s25], $0x4000  }
0x1a0: {  	[sflag:s25] =	ssyncset.done $0x0  }
0x1a1: {  	s6 =	simm.s32 $0x1400;
	[sflag:s25] =	ssyncadd.s32 $0xFFFFC000  }
0x1a2: {  	[spmem:s1] =	stream.indirect.scatter.add.f32 [tilespmem:s24], [sflag:$0x3], $0x80, s6, s23, $0xb8;
	[tilespmem:$0x1E800] =	vst v63  }
0x1a3: {  	s7 =	simm.s32 $0x80  }
0x1a4: {  	[tilespmem:s26], [sflag:$0x2] =	stream.indirect.gather [hbm4b:s4+s23], $0x80, s7, s23, $0xb8;
	[tilespmem:$0x1E800] =	vst v63  }
0x1a5: {  	_ =	swait.ge [sflag:s28], $0x4000  }
0x1a6: {  	[sflag:s28] =	ssyncset.done $0x0  }
0x1a7: {  	s6 =	simm.s32 $0x1480;
	[sflag:s28] =	ssyncadd.s32 $0xFFFFC000  }
0x1a8: {  	[spmem:s1] =	stream.indirect.scatter.add.f32 [tilespmem:s26], [sflag:$0x4], $0x80, s6, s23, $0xb8;
	[tilespmem:$0x1E800] =	vst v63  }
0x1a9: {  	_ =	swait.ge [sflag:s29], $0x4000  }
0x1aa: {  	[sflag:s29] =	ssyncset.done $0x0  }
0x1ab: {  	s7 =	simm.s32 $0x100;
	[sflag:s29] =	ssyncadd.s32 $0xFFFFC000  }
0x1ac: {  	[tilespmem:s24], [sflag:$0x1] =	stream.indirect.gather [hbm4b:s4+s23], $0x80, s7, s23, $0xb8;
	[tilespmem:$0x1E800] =	vst v63  }
0x1ad: {  	_ =	swait.ge [sflag:s30], $0x4000  }
0x1ae: {  	s7 =	simm.s32 $0x400;
	[sflag:s30] =	ssyncset.done $0x0  }
.LBB2_7:
0x1af: {  	p1 =	sne.s32 s7, $0x4800  }
0x1b0: {  	[sflag:s30] =	ssyncadd.s32 $0xFFFFC000;
	s3 =	smov.u32 s7;
	s7 =	sadd.s32 $0x400, s7  }
0x1b1: {  	_ =	swait.ge [sflag:s25], $0x4000  }
0x1b2: {  	s3 =	sshra.s32 s3, $0x2;
	[sflag:s25] =	ssyncset.done $0x0  }
0x1b3: {  	s6 =	sadd.s32 $0x1400, s3;
	[sflag:s25] =	ssyncadd.s32 $0xFFFFC000  }
0x1b4: {  	[spmem:s1] =	stream.indirect.scatter.add.f32 [tilespmem:s24], [sflag:$0x3], $0x80, s6, s23, $0xb8;
	[tilespmem:$0x1E800] =	vst v63  }
0x1b5: {  	s6 =	sadd.s32 $0x80, s3  }
0x1b6: {  	[tilespmem:s26], [sflag:$0x2] =	stream.indirect.gather [hbm4b:s4+s23], $0x80, s6, s23, $0xb8;
	[tilespmem:$0x1E800] =	vst v63  }
0x1b7: {  	_ =	swait.ge [sflag:s28], $0x4000  }
0x1b8: {  	[sflag:s28] =	ssyncset.done $0x0  }
0x1b9: {  	s6 =	sadd.s32 $0x1480, s3;
	[sflag:s28] =	ssyncadd.s32 $0xFFFFC000  }
0x1ba: {  	[spmem:s1] =	stream.indirect.scatter.add.f32 [tilespmem:s26], [sflag:$0x4], $0x80, s6, s23, $0xb8;
	[tilespmem:$0x1E800] =	vst v63  }
0x1bb: {  	_ =	swait.ge [sflag:s29], $0x4000  }
.Ltmp10:
0x1bc: {  	[sflag:s29] =	ssyncset.done $0x0;
	(pc) =	sbr.rel @p1 .LBB2_7-.Ltmp10, $4  }
0x1bd: {  	s3 =	sadd.s32 $0x100, s3;
	[sflag:s29] =	ssyncadd.s32 $0xFFFFC000  }
0x1be: {  	[tilespmem:s24], [sflag:$0x1] =	stream.indirect.gather [hbm4b:s4+s23], $0x80, s3, s23, $0xb8;
	[tilespmem:$0x1E800] =	vst v63  }
0x1bf: {  	_ =	swait.ge [sflag:s30], $0x4000  }
0x1c0: {  	[sflag:s30] =	ssyncset.done $0x0  }
0x1c1: {  	[sflag:s30] =	ssyncadd.s32 $0xFFFFC000  }
0x1c2: {  	_ =	swait.ge [sflag:s25], $0x4000  }
0x1c3: {  	[sflag:s25] =	ssyncset.done $0x0  }
0x1c4: {  	[sflag:s25] =	ssyncadd.s32 $0xFFFFC000  }
0x1c5: {  	[spmem:s1] =	stream.indirect.scatter.add.f32 [tilespmem:s24], [sflag:$0x3], $0x80, s31, s23, $0xb8;
	[tilespmem:$0x1E800] =	vst v63  }
0x1c6: {  	_ = 	snop  }
0x1c7: {  	[tilespmem:s26], [sflag:$0x2] =	stream.indirect.gather [hbm4b:s4+s23], $0x80, s0, s23, $0xb8;
	[tilespmem:$0x1E800] =	vst v63  }
0x1c8: {  	_ =	swait.ge [sflag:s28], $0x4000  }
0x1c9: {  	[sflag:s28] =	ssyncset.done $0x0  }
0x1ca: {  	[sflag:s28] =	ssyncadd.s32 $0xFFFFC000  }
0x1cb: {  	[spmem:s1] =	stream.indirect.scatter.add.f32 [tilespmem:s26], [sflag:$0x4], $0x80, s9, s23, $0xb8;
	[tilespmem:$0x1E800] =	vst v63  }
0x1cc: {  	_ =	swait.ge [sflag:s29], $0x4000  }
0x1cd: {  	[sflag:s29] =	ssyncset.done $0x0  }
0x1ce: {  	[sflag:s29] =	ssyncadd.s32 $0xFFFFC000  }
0x1cf: {  	_ =	swait.ge [sflag:s30], $0x4000  }
0x1d0: {  	[sflag:s30] =	ssyncset.done $0x0  }
0x1d1: {  	s3 =	simm.s32 $0x0;
	[sflag:s30] =	ssyncadd.s32 $0xFFFFC000  }
0x1d2: {  	[tilespmem:s3], [sflag:$0x5] =	stream.linear.gather [hbm4b:s16+s3], $0x1400, $0x38;
	[tilespmem:$0x1E800] =	vst v63  }
0x1d3: {  	_ =	swait.ge [sflag:s21], $0x1400  }
0x1d4: {  	[sflag:s21] =	ssyncset.done $0x0  }
0x1d5: {  	[sflag:s21] =	ssyncadd.s32 $0xFFFFEC00  }
0x1d6: {  	[tilespmem:s22], [sflag:$0x5] =	stream.linear.gather [hbm4b:s17+s3], $0x1400, $0x38;
	[tilespmem:$0x1E800] =	vst v63  }
0x1d7: {  	_ =	swait.ge [sflag:s21], $0x1400  }
0x1d8: {  	[sflag:s21] =	ssyncset.done $0x0  }
0x1d9: {  	[sflag:s21] =	ssyncadd.s32 $0xFFFFEC00  }
0x1da: {  	[tilespmem:s24], [sflag:$0x1] =	stream.indirect.gather [hbm4b:s4+s23], $0x80, s3, s23, $0xb8;
	[tilespmem:$0x1E800] =	vst v63  }
0x1db: {  	_ =	swait.ge [sflag:s25], $0x4000  }
0x1dc: {  	[sflag:s25] =	ssyncset.done $0x0  }
0x1dd: {  	s6 =	simm.s32 $0x1400;
	[sflag:s25] =	ssyncadd.s32 $0xFFFFC000  }
0x1de: {  	[spmem:s1] =	stream.indirect.scatter.add.f32 [tilespmem:s24], [sflag:$0x3], $0x80, s6, s23, $0xb8;
	[tilespmem:$0x1E800] =	vst v63  }
0x1df: {  	s7 =	simm.s32 $0x80  }
0x1e0: {  	[tilespmem:s26], [sflag:$0x2] =	stream.indirect.gather [hbm4b:s4+s23], $0x80, s7, s23, $0xb8;
	[tilespmem:$0x1E800] =	vst v63  }
0x1e1: {  	_ =	swait.ge [sflag:s28], $0x4000  }
0x1e2: {  	[sflag:s28] =	ssyncset.done $0x0  }
0x1e3: {  	s6 =	simm.s32 $0x1480;
	[sflag:s28] =	ssyncadd.s32 $0xFFFFC000  }
0x1e4: {  	[spmem:s1] =	stream.indirect.scatter.add.f32 [tilespmem:s26], [sflag:$0x4], $0x80, s6, s23, $0xb8;
	[tilespmem:$0x1E800] =	vst v63  }
0x1e5: {  	_ =	swait.ge [sflag:s29], $0x4000  }
0x1e6: {  	[sflag:s29] =	ssyncset.done $0x0  }
0x1e7: {  	s7 =	simm.s32 $0x100;
	[sflag:s29] =	ssyncadd.s32 $0xFFFFC000  }
0x1e8: {  	[tilespmem:s24], [sflag:$0x1] =	stream.indirect.gather [hbm4b:s4+s23], $0x80, s7, s23, $0xb8;
	[tilespmem:$0x1E800] =	vst v63  }
0x1e9: {  	_ =	swait.ge [sflag:s30], $0x4000  }
0x1ea: {  	s7 =	simm.s32 $0x400;
	[sflag:s30] =	ssyncset.done $0x0  }
.LBB2_9:
0x1eb: {  	p1 =	sne.s32 s7, $0x4800  }
0x1ec: {  	[sflag:s30] =	ssyncadd.s32 $0xFFFFC000;
	s3 =	smov.u32 s7;
	s7 =	sadd.s32 $0x400, s7  }
0x1ed: {  	_ =	swait.ge [sflag:s25], $0x4000  }
0x1ee: {  	s3 =	sshra.s32 s3, $0x2;
	[sflag:s25] =	ssyncset.done $0x0  }
0x1ef: {  	s6 =	sadd.s32 $0x1400, s3;
	[sflag:s25] =	ssyncadd.s32 $0xFFFFC000  }
0x1f0: {  	[spmem:s1] =	stream.indirect.scatter.add.f32 [tilespmem:s24], [sflag:$0x3], $0x80, s6, s23, $0xb8;
	[tilespmem:$0x1E800] =	vst v63  }
0x1f1: {  	s6 =	sadd.s32 $0x80, s3  }
0x1f2: {  	[tilespmem:s26], [sflag:$0x2] =	stream.indirect.gather [hbm4b:s4+s23], $0x80, s6, s23, $0xb8;
	[tilespmem:$0x1E800] =	vst v63  }
0x1f3: {  	_ =	swait.ge [sflag:s28], $0x4000  }
0x1f4: {  	[sflag:s28] =	ssyncset.done $0x0  }
0x1f5: {  	s6 =	sadd.s32 $0x1480, s3;
	[sflag:s28] =	ssyncadd.s32 $0xFFFFC000  }
0x1f6: {  	[spmem:s1] =	stream.indirect.scatter.add.f32 [tilespmem:s26], [sflag:$0x4], $0x80, s6, s23, $0xb8;
	[tilespmem:$0x1E800] =	vst v63  }
0x1f7: {  	_ =	swait.ge [sflag:s29], $0x4000  }
.Ltmp11:
0x1f8: {  	[sflag:s29] =	ssyncset.done $0x0;
	(pc) =	sbr.rel @p1 .LBB2_9-.Ltmp11, $4  }
0x1f9: {  	s3 =	sadd.s32 $0x100, s3;
	[sflag:s29] =	ssyncadd.s32 $0xFFFFC000  }
0x1fa: {  	[tilespmem:s24], [sflag:$0x1] =	stream.indirect.gather [hbm4b:s4+s23], $0x80, s3, s23, $0xb8;
	[tilespmem:$0x1E800] =	vst v63  }
0x1fb: {  	_ =	swait.ge [sflag:s30], $0x4000  }
0x1fc: {  	[sflag:s30] =	ssyncset.done $0x0  }
0x1fd: {  	[sflag:s30] =	ssyncadd.s32 $0xFFFFC000  }
0x1fe: {  	_ =	swait.ge [sflag:s25], $0x4000  }
.Ltmp12:
0x1ff: {  	[sflag:s25] =	ssyncset.done $0x0;
	(pc) =	sbr.rel .LBB2_20-.Ltmp12, $4  }
0x200: {  	[sflag:s25] =	ssyncadd.s32 $0xFFFFC000  }
0x201: {  	[spmem:s1] =	stream.indirect.scatter.add.f32 [tilespmem:s24], [sflag:$0x3], $0x80, s31, s23, $0xb8;
	[tilespmem:$0x1E800] =	vst v63  }
0x202: {  	s7 =	rddreg [dreg:$0x5]  }
0x203: {  	[tilespmem:s26], [sflag:$0x2] =	stream.indirect.gather [hbm4b:s4+s23], $0x80, s0, s23, $0xb8;
	[tilespmem:$0x1E800] =	vst v63  }
.LBB2_21:
0x204: {  	_ =	sfence.sel $0x180000  }
0x205: {  	[bflag:$0x0] =	sbarrier.arrive $0xFFFF  }
0x206: {  	_ =	strace $0x9000004D  }
0x207: {  	s0 =	stileid.u32;
	[bflag:$0x2] =	sbarrier.arrive $0xFFFF  }
0x208: {  	p0 =	sne.s32 s0, $0x0;
	s0 =	rddreg [dreg:$0x3]  }
0x209: {  	s0 =	sadd.s32 @!p0 $0x100000, s0  }
0x20a: {  	[sflag:s0] =	ssyncadd.tile.s32 @!p0 $0x1;
	_ =	shalt  }
.Lfunc_end2:
_tile_overlayer_lowered:
.L_overlay_start_2:
0x20b: {  	(tag) =	ssettag $0x2  }
0x20c: {  	s0 =	rddreg [dreg:$0x0];
	s2 =	stileid.u32  }
0x20d: {  	s1 =	rddreg [dreg:$0x1];
	p0 =	sne.s32 s2, $0x0  }
0x20e: {  	s3 =	rddreg [dreg:$0x2];
	[bflag:$0x3] =	sbarrier.arrive $0xFFFF;
	s2 =	simm.s32 @!p0 $0x1C05  }
0x20f: {  	[timem:s3], [sflag:s2] =	dma.local @!p0 [hbm:s0], s1  }
0x210: {  	s0 =	simm.s32 @!p0 $0x5  }
0x211: {  	_ =	swait.ge @!p0 [sflag:s0], s1  }
0x212: {  	s1 =	ssub.s32 @!p0 $0x0, s1;
	[sflag:s0] =	ssyncset.done @!p0 $0x0  }
0x213: {  	[sflag:s0] =	ssyncadd.s32 @!p0 s1  }
0x214: {  	[bflag:$0x3] =	sbarrier.arrive $0xFFFF  }
0x215: {  	_ =	shalt  }

// kernel: kernel.19.cloned.1.call-start
scs
__scs_entry_jumppad:
0x0: {  	(pc) =	sbr.rel $0x88, $3  }
0x1: {  	(tag) =	ssettag $0x0;
	lr =	simm.s32 $0x1  }
0x2: {  	[smem:$0x3F95] =	sst lr;
	_ =	strace $0xD0000000  }
0x3: {  	_ = 	snop  }
0x4: {  	_ = 	snop  }
0x5: {  	_ = 	snop  }
0x6: {  	_ = 	snop  }
0x7: {  	_ = 	snop  }
__scs_overlays_trampoline_lowered:
0x8: {  	[smem:$0x3FA4] =	sst s0  }
0x9: {  	[smem:$0x3FA5] =	sst s1  }
0xa: {  	[smem:$0x3FA6] =	sst s2  }
0xb: {  	[smem:$0x3FA7] =	sst s3  }
0xc: {  	[smem:$0x3FA8] =	sst s4  }
0xd: {  	[smem:$0x3FA9] =	sst s5  }
0xe: {  	[smem:$0x3FAA] =	sst s6  }
0xf: {  	[smem:$0x3FAB] =	sst s7  }
0x10: {  	[smem:$0x3FAC] =	sst s8  }
0x11: {  	[smem:$0x3FAD] =	sst s9;
	s0 =	simm.s32 @!p0 $0x0  }
0x12: {  	s1 =	sld [smem:$0x3F93];
	s0 =	simm.s32 @p0 $0x1  }
0x13: {  	[smem:$0x3FAE] =	sst s0;
	s0 =	simm.s32 @!p1 $0x0  }
0x14: {  	s2 =	sld [smem:$0x3F92];
	s0 =	simm.s32 @p1 $0x1  }
0x15: {  	[smem:$0x3FAF] =	sst s0;
	s0 =	simm.s32 @!p2 $0x0  }
0x16: {  	s3 =	sld [smem:$0x3FDB];
	s0 =	simm.s32 @p2 $0x1  }
0x17: {  	s4 =	simm.s32 $0x1BF5;
	[smem:$0x3FB1] =	sst s0  }
0x18: {  	s0 =	sld [smem:$0x3F94];
	_ =	swait.ge [sflag:s4], $0x0  }
0x19: {  	s7 =	sld [smem:$0x3F95]  }
0x1a: {  	s8 =	sadd.s32 $0xFFFFE003, lr  }
0x1b: {  	s9 =	sadd.s32 $0xFFFFFEF7, lr;
	s5 =	simm.s32 $0xFFFFFFFF;
	p2 =	slt.u32 s8, $0xFFFFF086  }
0x1c: {  	p1 =	slt.u32 s9, $0xF7A;
	s5 =	simm.s32 @!p2 $0x0  }
0x1d: {  	s5 =	simm.s32 @p1 $0x1;
	p0 =	seq.s32 s7, s2  }
0x1e: {  	s7 =	smul.u32 @!p0 $0xF7A, s2;
	p2 =	seq.s32 @!p0 s5, $0x0  }
0x1f: {  	s9 =	smul.u32 $0xF7A, s1;
	s8 =	simm.s32 @!p0 $0x1BF5;
	p2 =	por !p2, p0  }
0x20: {  	[sflag:s8] =	ssyncset.s32 @!p0 $0xFFFFF086;
	s6 =	sadd.s32 @!p0 s3, s7;
	s7 =	simm.s32 @!p0 $0x108  }
0x21: {  	s3 =	sadd.s32 s3, s9;
	s6 =	sadd.s32 @!p0 $0x88, s6;
	s7 =	simm.s32 @p2 $0x1082  }
0x22: {  	[simem:s7], [sflag:s8] =	dma.local @!p0 [hbm:s6], $0xF7A  }
0x23: {  	s9 =	sor.u32 $0xD0000000, s2;
	s6 =	simm.s32 $0x108;
	_ =	swait.ge @!p0 [sflag:s8], $0x0  }
0x24: {  	s3 =	sadd.s32 $0x88, s3;
	s6 =	simm.s32 @!p1 $0x1082;
	[sflag:s4] =	ssyncset.s32 $0xFFFFF086  }
0x25: {  	[simem:s6], [sflag:s4] =	dma.local [hbm:s3], $0xF7A  }
0x26: {  	[smem:$0x3F95] =	sst s1;
	(tag) =	ssettag s2;
	_ =	strace s9  }
0x27: {  	s1 =	sld [smem:$0x3FA5]  }
0x28: {  	s2 =	sld [smem:$0x3FA6]  }
0x29: {  	s4 =	sld [smem:$0x3FA8]  }
0x2a: {  	p0 =	seq.s32 s5, $0x0;
	s5 =	sld [smem:$0x3FA9]  }
0x2b: {  	s6 =	sld [smem:$0x3FAA]  }
0x2c: {  	s7 =	sld [smem:$0x3FAB]  }
0x2d: {  	s3 =	simm.s32 $0x108;
	s8 =	sld [smem:$0x3FAC]  }
0x2e: {  	s3 =	simm.s32 @!p0 $0x1082;
	s9 =	sld [smem:$0x3FAD]  }
0x2f: {  	lr =	sadd.s32 s0, s3;
	s0 =	sld [smem:$0x3FA4]  }
0x30: {  	s3 =	sld [smem:$0x3FA7]  }
0x31: {  	[smem:$0x3FB0] =	sst s10  }
0x32: {  	s10 =	sld [smem:$0x3FAE];
	_ =	sdelay $0x3  }
0x33: {  	p0 =	seq.s32 s10, $0x1;
	s10 =	sld [smem:$0x3FB0];
	_ =	sdelay $0x3  }
0x34: {  	[smem:$0x3FB0] =	sst s10  }
0x35: {  	s10 =	sld [smem:$0x3FAF];
	_ =	sdelay $0x3  }
0x36: {  	p1 =	seq.s32 s10, $0x1;
	s10 =	sld [smem:$0x3FB0];
	_ =	sdelay $0x3  }
0x37: {  	[smem:$0x3FB0] =	sst s10  }
0x38: {  	s10 =	sld [smem:$0x3FB1]  }
0x39: {  	_ = 	snop;
	(pc) =	sbr.ind lr, $3  }
0x3a: {  	_ = 	snop  }
0x3b: {  	_ = 	snop  }
0x3c: {  	p2 =	seq.s32 s10, $0x1;
	s10 =	sld [smem:$0x3FB0]  }
0x3d: {  	_ =	shalt  }
0x3e: {  	_ =	shalt  }
0x3f: {  	_ =	shalt  }
0x40: {  	_ =	shalt  }
0x41: {  	_ =	shalt  }
0x42: {  	_ =	shalt  }
0x43: {  	_ =	shalt  }
0x44: {  	_ =	shalt  }
0x45: {  	_ =	shalt  }
0x46: {  	_ =	shalt  }
0x47: {  	_ =	shalt  }
0x48: {  	_ =	shalt  }
0x49: {  	_ =	shalt  }
0x4a: {  	_ =	shalt  }
0x4b: {  	_ =	shalt  }
0x4c: {  	_ =	shalt  }
0x4d: {  	_ =	shalt  }
0x4e: {  	_ =	shalt  }
0x4f: {  	_ =	shalt  }
0x50: {  	_ =	shalt  }
0x51: {  	_ =	shalt  }
0x52: {  	_ =	shalt  }
0x53: {  	_ =	shalt  }
0x54: {  	_ =	shalt  }
0x55: {  	_ =	shalt  }
0x56: {  	_ =	shalt  }
0x57: {  	_ =	shalt  }
0x58: {  	_ =	shalt  }
0x59: {  	_ =	shalt  }
0x5a: {  	_ =	shalt  }
0x5b: {  	_ =	shalt  }
0x5c: {  	_ =	shalt  }
0x5d: {  	_ =	shalt  }
0x5e: {  	_ =	shalt  }
0x5f: {  	_ =	shalt  }
0x60: {  	_ =	shalt  }
0x61: {  	_ =	shalt  }
0x62: {  	_ =	shalt  }
0x63: {  	_ =	shalt  }
0x64: {  	_ =	shalt  }
0x65: {  	_ =	shalt  }
0x66: {  	_ =	shalt  }
0x67: {  	_ =	shalt  }
0x68: {  	_ =	shalt  }
0x69: {  	_ =	shalt  }
0x6a: {  	_ =	shalt  }
0x6b: {  	_ =	shalt  }
0x6c: {  	_ =	shalt  }
0x6d: {  	_ =	shalt  }
0x6e: {  	_ =	shalt  }
0x6f: {  	_ =	shalt  }
0x70: {  	_ =	shalt  }
0x71: {  	_ =	shalt  }
0x72: {  	_ =	shalt  }
0x73: {  	_ =	shalt  }
0x74: {  	_ =	shalt  }
0x75: {  	_ =	shalt  }
0x76: {  	_ =	shalt  }
0x77: {  	_ =	shalt  }
0x78: {  	_ =	shalt  }
0x79: {  	_ =	shalt  }
0x7a: {  	_ =	shalt  }
0x7b: {  	_ =	shalt  }
0x7c: {  	_ =	shalt  }
0x7d: {  	_ =	shalt  }
0x7e: {  	_ =	shalt  }
0x7f: {  	_ =	shalt  }
0x80: {  	_ =	shalt  }
0x81: {  	_ =	shalt  }
0x82: {  	_ =	shalt  }
0x83: {  	_ =	shalt  }
0x84: {  	_ =	shalt  }
0x85: {  	_ =	shalt  }
0x86: {  	_ =	shalt  }
0x87: {  	_ =	shalt  }
.Lfunc_end0:
.L_simem_size_0:
called_computation.3_lowered:
.L_overlay_start_0:
0x88: {  	s2 =	sld [smem:$0x3FD9]  }
0x89: {  	s3 =	sld [smem:$0x3FFE];
	_ =	sdelay $0x1  }
0x8a: {  	s1 =	srdreg.scid  }
0x8b: {  	s0 =	sand.u32 $0x1, s1  }
0x8c: {  	s17 =	sshll.u32 s0, $0xA;
	s2 =	sadd.s32 s3, s2  }
0x8d: {  	s2 =	sadd.s32 s2, s17  }
0x8e: {  	[smem:$0x3FBC] =	sst s2  }
0x8f: {  	_ = 	snop  }
0x90: {  	s2 =	sld [smem:$0x3FD0];
	(tm) =	ssettm $0x1  }
0x91: {  	s18 =	sld [smem:$0x3FFB];
	_ =	sdelay $0x3  }
0x92: {  	_ =	strace s18  }
0x93: {  	s3 =	sld [smem:$0x3FFC];
	_ =	sdelay $0x3  }
0x94: {  	_ =	strace s3  }
0x95: {  	s3 =	sld [smem:$0x3FFD];
	_ =	sdelay $0x3  }
0x96: {  	_ =	strace s3  }
0x97: {  	_ =	strace $0x8FFFFFFF  }
0x98: {  	s19 =	sld [smem:$0x3FDB];
	_ =	sdelay $0x1  }
0x99: {  	s4 =	simm.s32 $_scs_section_size  }
0x9a: {  	s5 =	simm.s32 $_size__tile_overlayer_lowered;
	s6 =	simm.s32 $_tile_overlayer_lowered  }
0x9b: {  	s22 =	simm.s32 $0x1BFF;
	s21 =	sshll.u32 s6, $0x1;
	s3 =	sadd.s32 s4, s19  }
0x9c: {  	s7 =	simm.s32 $0x0;
	s20 =	sshll.u32 s5, $0x1;
	s5 =	sadd.s32 s21, s3  }
0x9d: {  	[timem:s7], [sflag:s22] =	dma.local [hbm:s5], s20  }
0x9e: {  	_ =	swait.ge [sflag:s22], s20  }
0x9f: {  	s4 =	ssub.s32 $0x0, s20;
	[sflag:s22] =	ssyncset.done $0x0  }
0xa0: {  	[sflag:s22] =	ssyncadd.s32 s4;
	_ =	sdelay $0x1  }
0xa1: {  	s23 =	simm.s32 $0x1B8B  }
0xa2: {  	_ =	swait.ge [sflag:s23], $0x1  }
0xa3: {  	[sflag:s23] =	ssyncset.done $0x0  }
0xa4: {  	s25 =	simm.s32 $0x1B8E;
	s24 =	sld [smem:$0x3FFE];
	[sflag:s23] =	ssyncadd.s32 $0xFFFFFFFF  }
0xa5: {  	s26 =	simm.s32 $execute0_lowered;
	[smem:$0x3FD2] =	sst s25  }
0xa6: {  	s5 =	sshll.u32 s26, $0x1;
	_ =	strace $0x8000004F;
	[dreg:$0x1] =	wrdreg $0xFFFFFFFF  }
0xa7: {  	s28 =	simm.s32 $_size_execute0_lowered;
	s3 =	sadd.s32 s3, s5;
	[dreg:$0x0] =	wrdreg $0x0  }
0xa8: {  	s5 =	sshll.u32 s28, $0x1;
	[dreg:$0x2] =	wrdreg s3  }
0xa9: {  	[dreg:$0x3] =	wrdreg s5  }
0xaa: {  	[dreg:$0x4] =	wrdreg $0xC0  }
0xab: {  	_ =	task [dreg:s7], $0x5FFFF  }
0xac: {  	[dreg:$0x1] =	wrdreg $0xFFFFFFFF  }
0xad: {  	[dreg:$0x0] =	wrdreg $0x60  }
0xae: {  	[dreg:$0x2] =	wrdreg s24  }
0xaf: {  	[dreg:$0x3] =	wrdreg s2  }
0xb0: {  	[dreg:$0x4] =	wrdreg $0xA8000  }
0xb1: {  	[dreg:$0x5] =	wrdreg $0x9  }
0xb2: {  	_ =	task.clear_ibuf [dreg:s7], $0x6FFFF;
	_ =	strace $0x9000004F  }
0xb3: {  	s29 =	simm.s32 $0x9;
	_ =	strace $0x80000051  }
0xb4: {  	_ =	swait.ge [sflag:s29], $0x1  }
0xb5: {  	[sflag:s29] =	ssyncadd.s32 $0xFFFFFFFF  }
0xb6: {  	_ =	strace $0x90000051  }
0xb7: {  	_ =	sfence  }
0xb8: {  	s30 =	sld [smem:$0x0];
	_ =	sdelay $0x2  }
0xb9: {  	s31 =	sshll.u32 s1, $0xD;
	s1 =	sshrl.u32 s1, $0x2  }
0xba: {  	s3 =	sand.u32 $0x4000, s31;
	s1 =	sadd.s32 s1, s30  }
0xbb: {  	s0 =	sor.u32 s3, s0;
	s1 =	sshll.u32 s1, $0x11  }
0xbc: {  	s0 =	sor.u32 s1, s0  }
0xbd: {  	s0 =	sadd.s32 $0x8F2B, s0  }
0xbe: {  	[sflag:s0] =	ssyncadd.remote.s32 $0x1  }
0xbf: {  	_ =	sfence.sel $0xFFFF  }
0xc0: {  	[dreg:$0x0] =	wrdreg $0xFFFFFFFF;
	(pc) =	sbr.abs _section_cstart, $3  }
0xc1: {  	[dreg:$0x1] =	wrdreg $0xFFFFFFFF  }
0xc2: {  	_ =	task.clear_ibuf [dreg:s7], $0x2FFFF;
	_ =	strace $0x9FFFFFFF  }
0xc3: {  	(tm) =	ssettm $0x7FFFFFFF  }
tec
execute0_lowered:
.L_overlay_start_1:
0x0: {  	(tag) =	ssettag $0x1  }
0x1: {  	s0 =	rddreg [dreg:$0x0]  }
0x2: {  	s8 =	rddreg [dreg:$0x1]  }
0x3: {  	s2 =	rddreg [dreg:$0x2];
	s3 =	simm.s32 $0x0  }
0x4: {  	s1 =	stileid.u32;
	s6 =	srdreg.scid;
	s28 =	simm.s32 $0x3  }
0x5: {  	s29 =	simm.s32 $0x4;
	s30 =	simm.s32 $0x2700;
	s5 =	smul.u32 $0x14000, s1  }
0x6: {  	s31 =	simm.s32 $0x1380;
	[smem:$0x7FF] =	sst s3;
	s12 =	smul.u32 $0x50000, s1  }
0x7: {  	s4 =	sadd.s32 $0x35400, s0;
	s7 =	sand.u32 $0x1, s6;
	s6 =	smul.u32 $0x2800, s1  }
0x8: {  	s9 =	sadd.s32 $0x3400, s0;
	s20 =	smul.u32 $0x500, s1;
	_ =	strace $0x80000050  }
0x9: {  	s11 =	ssub.s32 $0x2, s7;
	p0 =	seq.s32 s7, $0x1;
	s10 =	sshrl.u32 s5, $0x3  }
0xa: {  	s5 =	sadd.s32 $0x5D400, s0;
	s18 =	sshrl.u32 s11, $0x1;
	s19 =	sshrl.u32 s12, $0x2  }
0xb: {  	s14 =	sshrl.u32 s6, $0x3;
	s21 =	sadd.s32 s4, s6;
	s22 =	sadd.s32 s8, s20  }
0xc: {  	s23 =	sadd.s32 s9, s20;
	s20 =	simm.s32 $0x5;
	[dreg:$0x4] =	wrdreg s21  }
0xd: {  	s13 =	sadd.s32 s10, s0;
	s0 =	ssub.s32 s11, s18;
	[dreg:$0x5] =	wrdreg s22  }
0xe: {  	s7 =	sadd.s32 s19, s2;
	s15 =	sadd.s32 $0x280, s14;
	[dreg:$0x6] =	wrdreg s23  }
0xf: {  	s26 =	sadd.s32 $0x5000, s14;
	s17 =	sadd.s32 $0x5280, s14;
	s18 =	sadd.s32 $0x28000, s10  }
0x10: {  	s21 =	simm.s32 $0x1400;
	s22 =	simm.s32 $0x80;
	s23 =	simm.s32 $0x2800  }
.Ltmp0:
0x11: {  	s24 =	sadd.s32 s8, s15;
	s25 =	sadd.s32 s9, s15;
	(pc) =	sbr.rel .LBB2_1-.Ltmp0, $4  }
0x12: {  	s13 =	sadd.s32 $0xD400, s13;
	s14 =	sadd.s32 s8, s26;
	s15 =	sadd.s32 s9, s26  }
0x13: {  	s16 =	sadd.s32 s8, s17;
	s17 =	sadd.s32 s9, s17;
	s19 =	smax.u32 s0, $0x1  }
0x14: {  	s26 =	simm.s32 $0x2;
	s0 =	simm.s32 $0x2780;
	[dreg:$0x7] =	wrdreg s24  }
0x15: {  	[dreg:$0x8] =	wrdreg s25;
	s24 =	simm.s32 $0x1;
	s25 =	simm.s32 $0x6800  }
.LBB2_11:
0x16: {  	[sflag:s29] =	ssyncadd.s32 $0xFFFFC000;
	s10 =	smov.u32 s18  }
.LBB2_12:
0x17: {  	_ =	swait.ge [sflag:s24], $0x4000  }
0x18: {  	[sflag:s24] =	ssyncset.done $0x0  }
0x19: {  	[sflag:s24] =	ssyncadd.s32 $0xFFFFC000  }
0x1a: {  	[spmem:s2] =	stream.indirect.scatter.add.f32 [tilespmem:s23], [sflag:$0x3], $0x80, s30, s22, $0xb8;
	[tilespmem:$0x1E800] =	vst v63  }
0x1b: {  	_ = 	snop  }
0x1c: {  	[tilespmem:s25], [sflag:$0x2] =	stream.indirect.gather [hbm4b:s4+s22], $0x80, s31, s22, $0xb8;
	[tilespmem:$0x1E800] =	vst v63  }
0x1d: {  	_ =	swait.ge [sflag:s26], $0x4000  }
0x1e: {  	[sflag:s26] =	ssyncset.done $0x0  }
0x1f: {  	[sflag:s26] =	ssyncadd.s32 $0xFFFFC000  }
0x20: {  	[spmem:s2] =	stream.indirect.scatter.add.f32 [tilespmem:s25], [sflag:$0x4], $0x80, s0, s22, $0xb8;
	[tilespmem:$0x1E800] =	vst v63  }
0x21: {  	_ =	swait.ge [sflag:s28], $0x4000  }
0x22: {  	[sflag:s28] =	ssyncset.done $0x0  }
0x23: {  	[sflag:s28] =	ssyncadd.s32 $0xFFFFC000  }
0x24: {  	_ =	swait.ge [sflag:s29], $0x4000  }
0x25: {  	s3 =	sadd.s32 $0x1, s3;
	[sflag:s29] =	ssyncset.done $0x0  }
0x26: {  	p1 =	sne.s32 s3, s19;
	[sflag:s29] =	ssyncadd.s32 $0xFFFFC000  }
.Ltmp1:
0x27: {  	s10 =	sadd.s32 s5, s10;
	[bflag:$0x0] =	sbarrier.arrive $0xFFFF;
	(pc) =	sbr.rel @!p1 .LBB2_13-.Ltmp1, $4  }
0x28: {  	[hbm:s10], [sflag:s9] =	dma.local [spmem:s8], $0x2800  }
0x29: {  	_ =	swait.ge [sflag:s20], $0x2800  }
0x2a: {  	[sflag:s20] =	ssyncset.done $0x0  }
0x2b: {  	[sflag:s20] =	ssyncadd.s32 $0xFFFFD800  }
.LBB2_1:
.Ltmp2:
0x2c: {  	(pc) =	sbr.rel @!p0 .LBB2_2-.Ltmp2, $3  }
0x2d: {  	_ =	sdelay $0x1  }
0x2e: {  	s10 =	sshll.u32 s1, $0x6  }
0x2f: {  	s8 =	sshrl.u32 s7, $0x3;
	s9 =	sor.u32 $0x1C05, s10  }
0x30: {  	s9 =	sor.u32 $0x1C05, s10  }
0x31: {  	[spmem:s8], [sflag:s9] =	dma.local [hbm:s13], $0x2800  }
0x32: {  	_ =	swait.ge [sflag:s20], $0x2800  }
0x33: {  	[sflag:s20] =	ssyncset.done $0x0  }
0x34: {  	[sflag:s20] =	ssyncadd.s32 $0xFFFFD800  }
0x35: {  	s12 =	simm.s32 $0x0;
	[bflag:$0x0] =	sbarrier.arrive $0xFFFF  }
0x36: {  	[tilespmem:s12], [sflag:$0x5] =	stream.linear.gather [hbm4b:s14+s12], $0x1400, $0x38;
	[tilespmem:$0x1E800] =	vst v63  }
0x37: {  	_ =	swait.ge [sflag:s20], $0x1400  }
0x38: {  	[sflag:s20] =	ssyncset.done $0x0  }
0x39: {  	[sflag:s20] =	ssyncadd.s32 $0xFFFFEC00  }
0x3a: {  	[tilespmem:s21], [sflag:$0x5] =	stream.linear.gather [hbm4b:s15+s12], $0x1400, $0x38;
	[tilespmem:$0x1E800] =	vst v63  }
0x3b: {  	_ =	swait.ge [sflag:s20], $0x1400  }
0x3c: {  	[sflag:s20] =	ssyncset.done $0x0  }
0x3d: {  	[sflag:s20] =	ssyncadd.s32 $0xFFFFEC00  }
0x3e: {  	[tilespmem:s23], [sflag:$0x1] =	stream.indirect.gather [hbm4b:s4+s22], $0x80, s12, s22, $0xb8;
	[tilespmem:$0x1E800] =	vst v63  }
0x3f: {  	_ =	swait.ge [sflag:s24], $0x4000  }
0x40: {  	[sflag:s24] =	ssyncset.done $0x0  }
0x41: {  	s11 =	simm.s32 $0x1400;
	[sflag:s24] =	ssyncadd.s32 $0xFFFFC000  }
0x42: {  	[spmem:s2] =	stream.indirect.scatter.add.f32 [tilespmem:s23], [sflag:$0x3], $0x80, s11, s22, $0xb8;
	[tilespmem:$0x1E800] =	vst v63  }
0x43: {  	s12 =	simm.s32 $0x80  }
0x44: {  	[tilespmem:s25], [sflag:$0x2] =	stream.indirect.gather [hbm4b:s4+s22], $0x80, s12, s22, $0xb8;
	[tilespmem:$0x1E800] =	vst v63  }
0x45: {  	_ =	swait.ge [sflag:s26], $0x4000  }
0x46: {  	[sflag:s26] =	ssyncset.done $0x0  }
0x47: {  	s11 =	simm.s32 $0x1480;
	[sflag:s26] =	ssyncadd.s32 $0xFFFFC000  }
0x48: {  	[spmem:s2] =	stream.indirect.scatter.add.f32 [tilespmem:s25], [sflag:$0x4], $0x80, s11, s22, $0xb8;
	[tilespmem:$0x1E800] =	vst v63  }
0x49: {  	_ =	swait.ge [sflag:s28], $0x4000  }
0x4a: {  	[sflag:s28] =	ssyncset.done $0x0  }
0x4b: {  	s12 =	simm.s32 $0x100;
	[sflag:s28] =	ssyncadd.s32 $0xFFFFC000  }
0x4c: {  	[tilespmem:s23], [sflag:$0x1] =	stream.indirect.gather [hbm4b:s4+s22], $0x80, s12, s22, $0xb8;
	[tilespmem:$0x1E800] =	vst v63  }
0x4d: {  	_ =	swait.ge [sflag:s29], $0x4000  }
0x4e: {  	s10 =	simm.s32 $0x400;
	[sflag:s29] =	ssyncset.done $0x0  }
.LBB2_8:
0x4f: {  	p1 =	sne.s32 s10, $0x4800  }
0x50: {  	[sflag:s29] =	ssyncadd.s32 $0xFFFFC000;
	s11 =	smov.u32 s10;
	s10 =	sadd.s32 $0x400, s10  }
0x51: {  	_ =	swait.ge [sflag:s24], $0x4000  }
0x52: {  	s11 =	sshra.s32 s11, $0x2;
	[sflag:s24] =	ssyncset.done $0x0  }
0x53: {  	s12 =	sadd.s32 $0x1400, s11;
	[sflag:s24] =	ssyncadd.s32 $0xFFFFC000  }
0x54: {  	[spmem:s2] =	stream.indirect.scatter.add.f32 [tilespmem:s23], [sflag:$0x3], $0x80, s12, s22, $0xb8;
	[tilespmem:$0x1E800] =	vst v63  }
0x55: {  	s12 =	sadd.s32 $0x80, s11  }
0x56: {  	[tilespmem:s25], [sflag:$0x2] =	stream.indirect.gather [hbm4b:s4+s22], $0x80, s12, s22, $0xb8;
	[tilespmem:$0x1E800] =	vst v63  }
0x57: {  	_ =	swait.ge [sflag:s26], $0x4000  }
0x58: {  	[sflag:s26] =	ssyncset.done $0x0  }
0x59: {  	s12 =	sadd.s32 $0x1480, s11;
	[sflag:s26] =	ssyncadd.s32 $0xFFFFC000  }
0x5a: {  	[spmem:s2] =	stream.indirect.scatter.add.f32 [tilespmem:s25], [sflag:$0x4], $0x80, s12, s22, $0xb8;
	[tilespmem:$0x1E800] =	vst v63  }
0x5b: {  	_ =	swait.ge [sflag:s28], $0x4000  }
.Ltmp3:
0x5c: {  	[sflag:s28] =	ssyncset.done $0x0;
	(pc) =	sbr.rel @p1 .LBB2_8-.Ltmp3, $4  }
0x5d: {  	s11 =	sadd.s32 $0x100, s11;
	[sflag:s28] =	ssyncadd.s32 $0xFFFFC000  }
0x5e: {  	[tilespmem:s23], [sflag:$0x1] =	stream.indirect.gather [hbm4b:s4+s22], $0x80, s11, s22, $0xb8;
	[tilespmem:$0x1E800] =	vst v63  }
0x5f: {  	_ =	swait.ge [sflag:s29], $0x4000  }
0x60: {  	[sflag:s29] =	ssyncset.done $0x0  }
0x61: {  	[sflag:s29] =	ssyncadd.s32 $0xFFFFC000  }
0x62: {  	_ =	swait.ge [sflag:s24], $0x4000  }
0x63: {  	[sflag:s24] =	ssyncset.done $0x0  }
0x64: {  	[sflag:s24] =	ssyncadd.s32 $0xFFFFC000  }
0x65: {  	[spmem:s2] =	stream.indirect.scatter.add.f32 [tilespmem:s23], [sflag:$0x3], $0x80, s30, s22, $0xb8;
	[tilespmem:$0x1E800] =	vst v63  }
0x66: {  	_ = 	snop  }
0x67: {  	[tilespmem:s25], [sflag:$0x2] =	stream.indirect.gather [hbm4b:s4+s22], $0x80, s31, s22, $0xb8;
	[tilespmem:$0x1E800] =	vst v63  }
0x68: {  	_ =	swait.ge [sflag:s26], $0x4000  }
0x69: {  	[sflag:s26] =	ssyncset.done $0x0  }
0x6a: {  	[sflag:s26] =	ssyncadd.s32 $0xFFFFC000  }
0x6b: {  	[spmem:s2] =	stream.indirect.scatter.add.f32 [tilespmem:s25], [sflag:$0x4], $0x80, s0, s22, $0xb8;
	[tilespmem:$0x1E800] =	vst v63  }
0x6c: {  	_ =	swait.ge [sflag:s28], $0x4000  }
0x6d: {  	[sflag:s28] =	ssyncset.done $0x0  }
0x6e: {  	[sflag:s28] =	ssyncadd.s32 $0xFFFFC000  }
0x6f: {  	_ =	swait.ge [sflag:s29], $0x4000  }
0x70: {  	[sflag:s29] =	ssyncset.done $0x0  }
0x71: {  	s10 =	simm.s32 $0x0;
	[sflag:s29] =	ssyncadd.s32 $0xFFFFC000  }
0x72: {  	[tilespmem:s10], [sflag:$0x5] =	stream.linear.gather [hbm4b:s16+s10], $0x1400, $0x38;
	[tilespmem:$0x1E800] =	vst v63  }
0x73: {  	_ =	swait.ge [sflag:s20], $0x1400  }
0x74: {  	[sflag:s20] =	ssyncset.done $0x0  }
0x75: {  	[sflag:s20] =	ssyncadd.s32 $0xFFFFEC00  }
0x76: {  	[tilespmem:s21], [sflag:$0x5] =	stream.linear.gather [hbm4b:s17+s10], $0x1400, $0x38;
	[tilespmem:$0x1E800] =	vst v63  }
0x77: {  	_ =	swait.ge [sflag:s20], $0x1400  }
0x78: {  	[sflag:s20] =	ssyncset.done $0x0  }
0x79: {  	[sflag:s20] =	ssyncadd.s32 $0xFFFFEC00  }
0x7a: {  	[tilespmem:s23], [sflag:$0x1] =	stream.indirect.gather [hbm4b:s4+s22], $0x80, s10, s22, $0xb8;
	[tilespmem:$0x1E800] =	vst v63  }
0x7b: {  	_ =	swait.ge [sflag:s24], $0x4000  }
0x7c: {  	[sflag:s24] =	ssyncset.done $0x0  }
0x7d: {  	s11 =	simm.s32 $0x1400;
	[sflag:s24] =	ssyncadd.s32 $0xFFFFC000  }
0x7e: {  	[spmem:s2] =	stream.indirect.scatter.add.f32 [tilespmem:s23], [sflag:$0x3], $0x80, s11, s22, $0xb8;
	[tilespmem:$0x1E800] =	vst v63  }
0x7f: {  	s12 =	simm.s32 $0x80  }
0x80: {  	[tilespmem:s25], [sflag:$0x2] =	stream.indirect.gather [hbm4b:s4+s22], $0x80, s12, s22, $0xb8;
	[tilespmem:$0x1E800] =	vst v63  }
0x81: {  	_ =	swait.ge [sflag:s26], $0x4000  }
0x82: {  	[sflag:s26] =	ssyncset.done $0x0  }
0x83: {  	s11 =	simm.s32 $0x1480;
	[sflag:s26] =	ssyncadd.s32 $0xFFFFC000  }
0x84: {  	[spmem:s2] =	stream.indirect.scatter.add.f32 [tilespmem:s25], [sflag:$0x4], $0x80, s11, s22, $0xb8;
	[tilespmem:$0x1E800] =	vst v63  }
0x85: {  	_ =	swait.ge [sflag:s28], $0x4000  }
0x86: {  	[sflag:s28] =	ssyncset.done $0x0  }
0x87: {  	s12 =	simm.s32 $0x100;
	[sflag:s28] =	ssyncadd.s32 $0xFFFFC000  }
0x88: {  	[tilespmem:s23], [sflag:$0x1] =	stream.indirect.gather [hbm4b:s4+s22], $0x80, s12, s22, $0xb8;
	[tilespmem:$0x1E800] =	vst v63  }
0x89: {  	_ =	swait.ge [sflag:s29], $0x4000  }
0x8a: {  	s10 =	simm.s32 $0x400;
	[sflag:s29] =	ssyncset.done $0x0  }
.LBB2_10:
0x8b: {  	p1 =	sne.s32 s10, $0x4800  }
0x8c: {  	[sflag:s29] =	ssyncadd.s32 $0xFFFFC000;
	s11 =	smov.u32 s10;
	s10 =	sadd.s32 $0x400, s10  }
0x8d: {  	_ =	swait.ge [sflag:s24], $0x4000  }
0x8e: {  	s11 =	sshra.s32 s11, $0x2;
	[sflag:s24] =	ssyncset.done $0x0  }
0x8f: {  	s12 =	sadd.s32 $0x1400, s11;
	[sflag:s24] =	ssyncadd.s32 $0xFFFFC000  }
0x90: {  	[spmem:s2] =	stream.indirect.scatter.add.f32 [tilespmem:s23], [sflag:$0x3], $0x80, s12, s22, $0xb8;
	[tilespmem:$0x1E800] =	vst v63  }
0x91: {  	s12 =	sadd.s32 $0x80, s11  }
0x92: {  	[tilespmem:s25], [sflag:$0x2] =	stream.indirect.gather [hbm4b:s4+s22], $0x80, s12, s22, $0xb8;
	[tilespmem:$0x1E800] =	vst v63  }
0x93: {  	_ =	swait.ge [sflag:s26], $0x4000  }
0x94: {  	[sflag:s26] =	ssyncset.done $0x0  }
0x95: {  	s12 =	sadd.s32 $0x1480, s11;
	[sflag:s26] =	ssyncadd.s32 $0xFFFFC000  }
0x96: {  	[spmem:s2] =	stream.indirect.scatter.add.f32 [tilespmem:s25], [sflag:$0x4], $0x80, s12, s22, $0xb8;
	[tilespmem:$0x1E800] =	vst v63  }
0x97: {  	_ =	swait.ge [sflag:s28], $0x4000  }
.Ltmp4:
0x98: {  	[sflag:s28] =	ssyncset.done $0x0;
	(pc) =	sbr.rel @p1 .LBB2_10-.Ltmp4, $4  }
0x99: {  	s11 =	sadd.s32 $0x100, s11;
	[sflag:s28] =	ssyncadd.s32 $0xFFFFC000  }
0x9a: {  	[tilespmem:s23], [sflag:$0x1] =	stream.indirect.gather [hbm4b:s4+s22], $0x80, s11, s22, $0xb8;
	[tilespmem:$0x1E800] =	vst v63  }
0x9b: {  	_ =	swait.ge [sflag:s29], $0x4000  }
0x9c: {  	[sflag:s29] =	ssyncset.done $0x0  }
.Ltmp5:
0x9d: {  	_ = 	snop;
	(pc) =	sbr.rel .LBB2_11-.Ltmp5, $1  }
0x9e: {  	_ =	sdelay $0x3  }
.LBB2_2:
0x9f: {  	s10 =	rddreg [dreg:$0x4]  }
0xa0: {  	[spmem:s8], [sflag:s9] =	dma.local [hbm:s10], $0x2800  }
0xa1: {  	_ =	swait.ge [sflag:s20], $0x2800  }
0xa2: {  	[sflag:s20] =	ssyncset.done $0x0  }
0xa3: {  	[sflag:s20] =	ssyncadd.s32 $0xFFFFD800  }
0xa4: {  	[bflag:$0x0] =	sbarrier.arrive $0xFFFF  }
0xa5: {  	s10 =	simm.s32 $0x0;
	s11 =	rddreg [dreg:$0x5]  }
0xa6: {  	[tilespmem:s10], [sflag:$0x5] =	stream.linear.gather [hbm4b:s11+s10], $0x1400, $0x38;
	[tilespmem:$0x1E800] =	vst v63  }
0xa7: {  	_ =	swait.ge [sflag:s20], $0x1400  }
0xa8: {  	[sflag:s20] =	ssyncset.done $0x0  }
0xa9: {  	s12 =	rddreg [dreg:$0x6];
	[sflag:s20] =	ssyncadd.s32 $0xFFFFEC00  }
0xaa: {  	[tilespmem:s21], [sflag:$0x5] =	stream.linear.gather [hbm4b:s12+s10], $0x1400, $0x38;
	[tilespmem:$0x1E800] =	vst v63  }
0xab: {  	_ =	swait.ge [sflag:s20], $0x1400  }
0xac: {  	[sflag:s20] =	ssyncset.done $0x0  }
0xad: {  	[sflag:s20] =	ssyncadd.s32 $0xFFFFEC00  }
0xae: {  	[tilespmem:s23], [sflag:$0x1] =	stream.indirect.gather [hbm4b:s4+s22], $0x80, s10, s22, $0xb8;
	[tilespmem:$0x1E800] =	vst v63  }
0xaf: {  	_ =	swait.ge [sflag:s24], $0x4000  }
0xb0: {  	[sflag:s24] =	ssyncset.done $0x0  }
0xb1: {  	s11 =	simm.s32 $0x1400;
	[sflag:s24] =	ssyncadd.s32 $0xFFFFC000  }
0xb2: {  	[spmem:s2] =	stream.indirect.scatter.add.f32 [tilespmem:s23], [sflag:$0x3], $0x80, s11, s22, $0xb8;
	[tilespmem:$0x1E800] =	vst v63  }
0xb3: {  	s12 =	simm.s32 $0x80  }
0xb4: {  	[tilespmem:s25], [sflag:$0x2] =	stream.indirect.gather [hbm4b:s4+s22], $0x80, s12, s22, $0xb8;
	[tilespmem:$0x1E800] =	vst v63  }
0xb5: {  	_ =	swait.ge [sflag:s26], $0x4000  }
0xb6: {  	[sflag:s26] =	ssyncset.done $0x0  }
0xb7: {  	s11 =	simm.s32 $0x1480;
	[sflag:s26] =	ssyncadd.s32 $0xFFFFC000  }
0xb8: {  	[spmem:s2] =	stream.indirect.scatter.add.f32 [tilespmem:s25], [sflag:$0x4], $0x80, s11, s22, $0xb8;
	[tilespmem:$0x1E800] =	vst v63  }
0xb9: {  	_ =	swait.ge [sflag:s28], $0x4000  }
0xba: {  	[sflag:s28] =	ssyncset.done $0x0  }
0xbb: {  	s12 =	simm.s32 $0x100;
	[sflag:s28] =	ssyncadd.s32 $0xFFFFC000  }
0xbc: {  	[tilespmem:s23], [sflag:$0x1] =	stream.indirect.gather [hbm4b:s4+s22], $0x80, s12, s22, $0xb8;
	[tilespmem:$0x1E800] =	vst v63  }
0xbd: {  	_ =	swait.ge [sflag:s29], $0x4000  }
0xbe: {  	s10 =	simm.s32 $0x400;
	[sflag:s29] =	ssyncset.done $0x0  }
.LBB2_3:
0xbf: {  	p1 =	sne.s32 s10, $0x4800  }
0xc0: {  	[sflag:s29] =	ssyncadd.s32 $0xFFFFC000;
	s11 =	smov.u32 s10;
	s10 =	sadd.s32 $0x400, s10  }
0xc1: {  	_ =	swait.ge [sflag:s24], $0x4000  }
0xc2: {  	s11 =	sshra.s32 s11, $0x2;
	[sflag:s24] =	ssyncset.done $0x0  }
0xc3: {  	s12 =	sadd.s32 $0x1400, s11;
	[sflag:s24] =	ssyncadd.s32 $0xFFFFC000  }
0xc4: {  	[spmem:s2] =	stream.indirect.scatter.add.f32 [tilespmem:s23], [sflag:$0x3], $0x80, s12, s22, $0xb8;
	[tilespmem:$0x1E800] =	vst v63  }
0xc5: {  	s12 =	sadd.s32 $0x80, s11  }
0xc6: {  	[tilespmem:s25], [sflag:$0x2] =	stream.indirect.gather [hbm4b:s4+s22], $0x80, s12, s22, $0xb8;
	[tilespmem:$0x1E800] =	vst v63  }
0xc7: {  	_ =	swait.ge [sflag:s26], $0x4000  }
0xc8: {  	[sflag:s26] =	ssyncset.done $0x0  }
0xc9: {  	s12 =	sadd.s32 $0x1480, s11;
	[sflag:s26] =	ssyncadd.s32 $0xFFFFC000  }
0xca: {  	[spmem:s2] =	stream.indirect.scatter.add.f32 [tilespmem:s25], [sflag:$0x4], $0x80, s12, s22, $0xb8;
	[tilespmem:$0x1E800] =	vst v63  }
0xcb: {  	_ =	swait.ge [sflag:s28], $0x4000  }
.Ltmp6:
0xcc: {  	[sflag:s28] =	ssyncset.done $0x0;
	(pc) =	sbr.rel @p1 .LBB2_3-.Ltmp6, $4  }
0xcd: {  	s11 =	sadd.s32 $0x100, s11;
	[sflag:s28] =	ssyncadd.s32 $0xFFFFC000  }
0xce: {  	[tilespmem:s23], [sflag:$0x1] =	stream.indirect.gather [hbm4b:s4+s22], $0x80, s11, s22, $0xb8;
	[tilespmem:$0x1E800] =	vst v63  }
0xcf: {  	_ =	swait.ge [sflag:s29], $0x4000  }
0xd0: {  	[sflag:s29] =	ssyncset.done $0x0  }
0xd1: {  	[sflag:s29] =	ssyncadd.s32 $0xFFFFC000  }
0xd2: {  	_ =	swait.ge [sflag:s24], $0x4000  }
0xd3: {  	[sflag:s24] =	ssyncset.done $0x0  }
0xd4: {  	[sflag:s24] =	ssyncadd.s32 $0xFFFFC000  }
0xd5: {  	[spmem:s2] =	stream.indirect.scatter.add.f32 [tilespmem:s23], [sflag:$0x3], $0x80, s30, s22, $0xb8;
	[tilespmem:$0x1E800] =	vst v63  }
0xd6: {  	_ = 	snop  }
0xd7: {  	[tilespmem:s25], [sflag:$0x2] =	stream.indirect.gather [hbm4b:s4+s22], $0x80, s31, s22, $0xb8;
	[tilespmem:$0x1E800] =	vst v63  }
0xd8: {  	_ =	swait.ge [sflag:s26], $0x4000  }
0xd9: {  	[sflag:s26] =	ssyncset.done $0x0  }
0xda: {  	[sflag:s26] =	ssyncadd.s32 $0xFFFFC000  }
0xdb: {  	[spmem:s2] =	stream.indirect.scatter.add.f32 [tilespmem:s25], [sflag:$0x4], $0x80, s0, s22, $0xb8;
	[tilespmem:$0x1E800] =	vst v63  }
0xdc: {  	_ =	swait.ge [sflag:s28], $0x4000  }
0xdd: {  	[sflag:s28] =	ssyncset.done $0x0  }
0xde: {  	[sflag:s28] =	ssyncadd.s32 $0xFFFFC000  }
0xdf: {  	_ =	swait.ge [sflag:s29], $0x4000  }
0xe0: {  	[sflag:s29] =	ssyncset.done $0x0  }
0xe1: {  	s10 =	simm.s32 $0x0;
	s11 =	rddreg [dreg:$0x7];
	[sflag:s29] =	ssyncadd.s32 $0xFFFFC000  }
0xe2: {  	[tilespmem:s10], [sflag:$0x5] =	stream.linear.gather [hbm4b:s11+s10], $0x1400, $0x38;
	[tilespmem:$0x1E800] =	vst v63  }
0xe3: {  	_ =	swait.ge [sflag:s20], $0x1400  }
0xe4: {  	[sflag:s20] =	ssyncset.done $0x0  }
0xe5: {  	s12 =	rddreg [dreg:$0x8];
	[sflag:s20] =	ssyncadd.s32 $0xFFFFEC00  }
0xe6: {  	[tilespmem:s21], [sflag:$0x5] =	stream.linear.gather [hbm4b:s12+s10], $0x1400, $0x38;
	[tilespmem:$0x1E800] =	vst v63  }
0xe7: {  	_ =	swait.ge [sflag:s20], $0x1400  }
0xe8: {  	[sflag:s20] =	ssyncset.done $0x0  }
0xe9: {  	[sflag:s20] =	ssyncadd.s32 $0xFFFFEC00  }
0xea: {  	[tilespmem:s23], [sflag:$0x1] =	stream.indirect.gather [hbm4b:s4+s22], $0x80, s10, s22, $0xb8;
	[tilespmem:$0x1E800] =	vst v63  }
0xeb: {  	_ =	swait.ge [sflag:s24], $0x4000  }
0xec: {  	[sflag:s24] =	ssyncset.done $0x0  }
0xed: {  	s11 =	simm.s32 $0x1400;
	[sflag:s24] =	ssyncadd.s32 $0xFFFFC000  }
0xee: {  	[spmem:s2] =	stream.indirect.scatter.add.f32 [tilespmem:s23], [sflag:$0x3], $0x80, s11, s22, $0xb8;
	[tilespmem:$0x1E800] =	vst v63  }
0xef: {  	s12 =	simm.s32 $0x80  }
0xf0: {  	[tilespmem:s25], [sflag:$0x2] =	stream.indirect.gather [hbm4b:s4+s22], $0x80, s12, s22, $0xb8;
	[tilespmem:$0x1E800] =	vst v63  }
0xf1: {  	_ =	swait.ge [sflag:s26], $0x4000  }
0xf2: {  	[sflag:s26] =	ssyncset.done $0x0  }
0xf3: {  	s11 =	simm.s32 $0x1480;
	[sflag:s26] =	ssyncadd.s32 $0xFFFFC000  }
0xf4: {  	[spmem:s2] =	stream.indirect.scatter.add.f32 [tilespmem:s25], [sflag:$0x4], $0x80, s11, s22, $0xb8;
	[tilespmem:$0x1E800] =	vst v63  }
0xf5: {  	_ =	swait.ge [sflag:s28], $0x4000  }
0xf6: {  	[sflag:s28] =	ssyncset.done $0x0  }
0xf7: {  	s12 =	simm.s32 $0x100;
	[sflag:s28] =	ssyncadd.s32 $0xFFFFC000  }
0xf8: {  	[tilespmem:s23], [sflag:$0x1] =	stream.indirect.gather [hbm4b:s4+s22], $0x80, s12, s22, $0xb8;
	[tilespmem:$0x1E800] =	vst v63  }
0xf9: {  	_ =	swait.ge [sflag:s29], $0x4000  }
0xfa: {  	s10 =	simm.s32 $0x400;
	[sflag:s29] =	ssyncset.done $0x0  }
.LBB2_5:
0xfb: {  	p1 =	seq.s32 s10, $0x4800  }
0xfc: {  	[sflag:s29] =	ssyncadd.s32 $0xFFFFC000;
	s11 =	smov.u32 s10;
	s10 =	sadd.s32 $0x400, s10  }
0xfd: {  	_ =	swait.ge [sflag:s24], $0x4000  }
0xfe: {  	s11 =	sshra.s32 s11, $0x2;
	[sflag:s24] =	ssyncset.done $0x0  }
0xff: {  	s12 =	sadd.s32 $0x1400, s11;
	[sflag:s24] =	ssyncadd.s32 $0xFFFFC000  }
0x100: {  	[spmem:s2] =	stream.indirect.scatter.add.f32 [tilespmem:s23], [sflag:$0x3], $0x80, s12, s22, $0xb8;
	[tilespmem:$0x1E800] =	vst v63  }
0x101: {  	s12 =	sadd.s32 $0x80, s11  }
0x102: {  	[tilespmem:s25], [sflag:$0x2] =	stream.indirect.gather [hbm4b:s4+s22], $0x80, s12, s22, $0xb8;
	[tilespmem:$0x1E800] =	vst v63  }
0x103: {  	_ =	swait.ge [sflag:s26], $0x4000  }
0x104: {  	[sflag:s26] =	ssyncset.done $0x0  }
0x105: {  	s12 =	sadd.s32 $0x1480, s11;
	[sflag:s26] =	ssyncadd.s32 $0xFFFFC000  }
0x106: {  	[spmem:s2] =	stream.indirect.scatter.add.f32 [tilespmem:s25], [sflag:$0x4], $0x80, s12, s22, $0xb8;
	[tilespmem:$0x1E800] =	vst v63  }
0x107: {  	_ =	swait.ge [sflag:s28], $0x4000  }
.Ltmp7:
0x108: {  	[sflag:s28] =	ssyncset.done $0x0;
	(pc) =	sbr.rel @!p1 .LBB2_5-.Ltmp7, $4  }
0x109: {  	s11 =	sadd.s32 $0x100, s11;
	[sflag:s28] =	ssyncadd.s32 $0xFFFFC000  }
0x10a: {  	[tilespmem:s23], [sflag:$0x1] =	stream.indirect.gather [hbm4b:s4+s22], $0x80, s11, s22, $0xb8;
	[tilespmem:$0x1E800] =	vst v63  }
0x10b: {  	_ =	swait.ge [sflag:s29], $0x4000  }
0x10c: {  	[sflag:s29] =	ssyncset.done $0x0  }
.Ltmp8:
0x10d: {  	(pc) =	sbr.rel .LBB2_12-.Ltmp8, $2  }
0x10e: {  	_ =	sdelay $0x2  }
0x10f: {  	[sflag:s29] =	ssyncadd.s32 $0xFFFFC000;
	s10 =	smov.u32 s6  }
.LBB2_13:
0x110: {  	_ =	sfence.sel $0x180000  }
0x111: {  	[bflag:$0x0] =	sbarrier.arrive $0xFFFF  }
0x112: {  	_ =	strace $0x90000050  }
0x113: {  	[bflag:$0x2] =	sbarrier.arrive $0xFFFF  }
0x114: {  	p0 =	sne.s32 s1, $0x0;
	s0 =	rddreg [dreg:$0x3]  }
0x115: {  	s0 =	sadd.s32 @!p0 $0x100000, s0  }
0x116: {  	[sflag:s0] =	ssyncadd.tile.s32 @!p0 $0x1;
	_ =	shalt  }
.Lfunc_end2:
_tile_overlayer_lowered:
.L_overlay_start_2:
0x117: {  	(tag) =	ssettag $0x2  }
0x118: {  	s0 =	rddreg [dreg:$0x0];
	s2 =	stileid.u32  }
0x119: {  	s1 =	rddreg [dreg:$0x1];
	p0 =	sne.s32 s2, $0x0  }
0x11a: {  	s3 =	rddreg [dreg:$0x2];
	[bflag:$0x3] =	sbarrier.arrive $0xFFFF;
	s2 =	simm.s32 @!p0 $0x1C05  }
0x11b: {  	[timem:s3], [sflag:s2] =	dma.local @!p0 [hbm:s0], s1  }
0x11c: {  	s0 =	simm.s32 @!p0 $0x5  }
0x11d: {  	_ =	swait.ge @!p0 [sflag:s0], s1  }
0x11e: {  	s1 =	ssub.s32 @!p0 $0x0, s1;
	[sflag:s0] =	ssyncset.done @!p0 $0x0  }
0x11f: {  	[sflag:s0] =	ssyncadd.s32 @!p0 s1  }
0x120: {  	[bflag:$0x3] =	sbarrier.arrive $0xFFFF  }
0x121: {  	_ =	shalt  }

</sc_bundles>
